<compile_context>
chip_gen: v7x
topology: tpu7x:2x2x1
jax: 0.10.2.dev20260603
libtpu: 0.0.44.dev20260713+nightly
codegen_flags: <defaults>
</compile_context>

<pallas_src>
import functools
import math

import jax
import jax.numpy as jnp
from jax import lax
from jax.experimental import pallas as pl
from jax.experimental.pallas import tpu as pltpu
from jax.experimental.pallas import tpu_sc as plsc

_W_SELF = math.exp(-1e-6)


def _neg_rsqrt(d2):
    i = plsc.bitcast(d2, jnp.int32)
    i = 0x5F3759DF - (i >> 1)
    y = plsc.bitcast(i, jnp.float32)
    h = 0.5 * d2
    return y * (h * y * y - 1.5)


def _sc_graph_body(ktbl, qtbl, idx, out, idx_v, k_v, kx_v, ky_v, kp_v, kvl_v,
                   q_v, qe_v, o_v, sem):
    wid = lax.axis_index("s") * 2 + lax.axis_index("c")
    lane = lax.iota(jnp.int32, 16)
    item = wid + 32
    pltpu.sync_copy(idx.at[item], idx_v)
    pltpu.sync_copy(qtbl.at[item], qe_v)
    pltpu.sync_copy(ktbl.at[item], q_v)
    pltpu.async_copy(ktbl.at[idx_v], k_v, sem).wait()
    for s in range(8):
        for c in range(8):
            dst = pl.ds(s * 128 + c * 16, 16)
            kx_v[dst] = k_v[s, pl.ds(c * 16, 16)]
            ky_v[dst] = k_v[s, pl.ds(128 + c * 16, 16)]
            kp_v[dst] = 1.0 / (1.0 + jnp.exp(-k_v[s, pl.ds(256 + c * 16, 16)]))
            kvl_v[dst] = k_v[s, pl.ds(384 + c * 16, 16)]
    bound = jnp.max(qe_v[pl.ds(256, 16)]).astype(jnp.int32)
    num_acc = jnp.zeros((16,), jnp.float32)
    for half_q in range(2):
        qd = []
        for qq in range(4):
            qc = half_q * 4 + qq
            qd.append((q_v[pl.ds(qc * 16, 16)], q_v[pl.ds(128 + qc * 16, 16)]))

        def k_body(j0, carry, qd=qd):
            for u in range(2):
                j = j0 * 2 + u
                iv = jnp.full((16,), j, jnp.int32)
                kx = plsc.load_gather(kx_v, [iv])
                ky = plsc.load_gather(ky_v, [iv])
                kvl = plsc.load_gather(kvl_v, [iv])
                kp = plsc.load_gather(kp_v, [iv])
                new = []
                for qq in range(4):
                    qx, qy = qd[qq]
                    ws, wp = carry[2 * qq], carry[2 * qq + 1]
                    dx = qx - kx
                    dy = qy - ky
                    d2 = dx * dx + dy * dy + 1e-12
                    w = jnp.exp(d2 * _neg_rsqrt(d2)) * kvl
                    new.append(ws + w)
                    new.append(wp + w * kp)
                carry = tuple(new)
            return carry

        z = jnp.zeros((16,), jnp.float32)
        res = lax.fori_loop(0, bound >> 1, k_body, (z,) * 8)
        for qq in range(4):
            qc = half_q * 4 + qq
            ws, wp = res[2 * qq], res[2 * qq + 1]
            qp = 1.0 / (1.0 + jnp.exp(-q_v[pl.ds(256 + qc * 16, 16)]))
            selfc = qe_v[pl.ds(128 + qc * 16, 16)]
            unc = qe_v[pl.ds(qc * 16, 16)]
            ws = ws - selfc * _W_SELF
            wp = wp - selfc * _W_SELF * qp
            km = wp / (ws + 1e-8)
            dq = qp - km
            num_acc = num_acc + dq * dq * unc
    num = jnp.sum(num_acc)
    o_v[...] = jnp.where(lane == 0, num, 0.0)
    pltpu.sync_copy(o_v, out.at[wid])


def kernel(logits, targets_full, sup_mask, ignore_mask, kv_indices, kv_num_blocks, pos):
    B, N = sup_mask.shape
    NB, MAXKV = kv_indices.shape[1], kv_indices.shape[2]
    BS = N // NB
    NBLK = B * NB

    x = logits[..., 0]
    t = targets_full[..., 0]
    sup = sup_mask.astype(jnp.float32)
    ign = ignore_mask.astype(jnp.float32)
    unc = (1.0 - sup) * (1.0 - ign)

    px_b = pos[..., 0].reshape(NBLK, BS)
    py_b = pos[..., 1].reshape(NBLK, BS)
    xl_b = x.reshape(NBLK, BS)
    val_b = (1.0 - ign).reshape(NBLK, BS)
    ktbl = jnp.concatenate([px_b, py_b, xl_b, val_b], axis=1)
    ktbl = jnp.concatenate([ktbl, jnp.zeros((1, 4 * BS), jnp.float32)], axis=0)

    qb_ids = jnp.arange(NB, dtype=jnp.int32)
    slot_ok = jnp.arange(MAXKV, dtype=jnp.int32)[None, None, :] < kv_num_blocks[:, :, None]
    kv_flat = kv_indices + (jnp.arange(B, dtype=jnp.int32) * NB)[:, None, None]
    idx = jnp.where(slot_ok, kv_flat, NBLK).astype(jnp.int32).reshape(NBLK, MAXKV)
    sw = jnp.sum(slot_ok.astype(jnp.float32)
                 * (kv_indices == qb_ids[None, :, None]).astype(jnp.float32), axis=2)
    selfc = sw.reshape(NBLK, 1) * (1.0 - ign).reshape(NBLK, BS)
    bnd = jnp.broadcast_to((kv_num_blocks * BS).astype(jnp.float32).reshape(NBLK, 1),
                           (NBLK, BS))
    qtbl = jnp.concatenate([unc.reshape(NBLK, BS), selfc, bnd], axis=1)

    mesh = plsc.VectorSubcoreMesh(core_axis_name="c", subcore_axis_name="s")
    sc_out = functools.partial(
        pl.kernel,
        mesh=mesh,
        out_type=jax.ShapeDtypeStruct((32, 16), jnp.float32),
        compiler_params=pltpu.CompilerParams(needs_layout_passes=False),
        scratch_types=[
            pltpu.VMEM((MAXKV,), jnp.int32),
            pltpu.VMEM((MAXKV, 4 * BS), jnp.float32),
            pltpu.VMEM((MAXKV * BS,), jnp.float32),
            pltpu.VMEM((MAXKV * BS,), jnp.float32),
            pltpu.VMEM((MAXKV * BS,), jnp.float32),
            pltpu.VMEM((MAXKV * BS,), jnp.float32),
            pltpu.VMEM((4 * BS,), jnp.float32),
            pltpu.VMEM((3 * BS,), jnp.float32),
            pltpu.VMEM((16,), jnp.float32),
            pltpu.SemaphoreType.DMA,
        ],
    )(_sc_graph_body)(ktbl, qtbl, idx)

    xf = x.reshape(1, B * N)
    tf = t.reshape(1, B * N)
    supf = sup.reshape(1, B * N)
    ignf = ign.reshape(1, B * N)
    pxf = pos[..., 0].reshape(1, B * N)
    pyf = pos[..., 1].reshape(1, B * N)

    def _tc_body(x_ref, t_ref, sup_ref, ign_ref, px_ref, py_ref, kvi_ref,
                 kvn_ref, out_ref, acc_ref):
        qb = pl.program_id(0)

        @pl.when(qb == 0)
        def _init():
            xa = x_ref[...]
            ta = t_ref[...]
            sa = sup_ref[...]
            ia = ign_ref[...]
            bce = jnp.maximum(xa, 0.0) - xa * ta + jnp.log1p(jnp.exp(-jnp.abs(xa)))
            acc_ref[0] = jnp.sum(bce * sa)
            acc_ref[1] = jnp.sum(sa)
            ua = (1.0 - sa) * (1.0 - ia)
            acc_ref[2] = jnp.sum(ua[:, :N])
            acc_ref[3] = jnp.sum(ua[:, N:])
            acc_ref[4] = 0.0

        base = qb * BS
        xq = x_ref[:, pl.ds(base, BS)]
        supq = sup_ref[:, pl.ds(base, BS)]
        ignq = ign_ref[:, pl.ds(base, BS)]
        qx = px_ref[:, pl.ds(base, BS)]
        qy = py_ref[:, pl.ds(base, BS)]

        qx_c = jnp.broadcast_to(qx, (BS, BS)).T[:, 0:1]
        qy_c = jnp.broadcast_to(qy, (BS, BS)).T[:, 0:1]
        qp_c = jax.nn.sigmoid(jnp.broadcast_to(xq, (BS, BS)).T[:, 0:1])
        unc_c = jnp.broadcast_to((1.0 - supq) * (1.0 - ignq), (BS, BS)).T[:, 0:1]

        rowi = jax.lax.broadcasted_iota(jnp.int32, (BS, BS), 0)
        colj = jax.lax.broadcasted_iota(jnp.int32, (BS, BS), 1)
        diag = rowi == colj

        kvn = kvn_ref[0, qb]
        wsum = jnp.zeros((BS, 1), jnp.float32)
        wp = jnp.zeros((BS, 1), jnp.float32)
        for s in range(MAXKV):
            kb = kvi_ref[0, qb, s]
            kbase = kb * BS
            kx = px_ref[:, pl.ds(kbase, BS)]
            ky = py_ref[:, pl.ds(kbase, BS)]
            kxl = x_ref[:, pl.ds(kbase, BS)]
            kign = ign_ref[:, pl.ds(kbase, BS)]
            slot_okf = (s < kvn).astype(jnp.float32)
            kvalid = slot_okf * (1.0 - kign)
            dx = qx_c - kx
            dy = qy_c - ky
            d = jnp.sqrt(dx * dx + dy * dy + 1e-12)
            w = jnp.exp(-d)
            w = jnp.where(jnp.logical_and(diag, kb == qb), 0.0, w)
            w = w * kvalid
            wsum += jnp.sum(w, axis=1, keepdims=True)
            wp += jnp.sum(w * jax.nn.sigmoid(kxl), axis=1, keepdims=True)

        kmean = wp / (wsum + 1e-8)
        acc_ref[4] += jnp.sum(((qp_c - kmean) ** 2) * unc_c)

        @pl.when(qb == NB - 1)
        def _final():
            for i in range(5):
                out_ref[i] = acc_ref[i]

    full = pl.BlockSpec((1, B * N), lambda q: (0, 0))
    smem = pl.BlockSpec(memory_space=pltpu.SMEM)
    tc_out = pl.pallas_call(
        _tc_body,
        grid=(NB,),
        in_specs=[full, full, full, full, full, full, smem, smem],
        out_specs=pl.BlockSpec(memory_space=pltpu.SMEM),
        out_shape=jax.ShapeDtypeStruct((5,), jnp.float32),
        scratch_shapes=[pltpu.SMEM((5,), jnp.float32)],
    )(xf, tf, supf, ignf, pxf, pyf, kv_indices, kv_num_blocks)

    loss_sup = tc_out[0] / jnp.maximum(tc_out[1], 1.0)
    g0 = tc_out[4] / jnp.maximum(tc_out[2], 1.0)
    g1 = jnp.sum(sc_out[:, 0]) / jnp.maximum(tc_out[3], 1.0)
    return loss_sup + 10.0 * (g0 + g1) / B

# --- scband reference (transcript-rebuilt; emitter-appended) ---
"""Pipeline reference for scband-supervised-bcewith-graph-consistency-72043781423275 (READ-ONLY COPY).

The authoritative reference and input builder live on the scoring server;
editing this copy changes nothing except your own understanding.
"""

import jax, jax.numpy as jnp
import numpy as np


def setup_inputs(seed: int = 0) -> dict:
    key = jax.random.key(seed)
    B, N, NB, MAXKV = 2, 4096, 32, 8
    k1, k2, k3, k4 = jax.random.split(key, 4)
    logits = jax.random.normal(k1, (B, N, 1), dtype=jnp.float32)
    targets_full = jax.random.bernoulli(k2, 0.5, (B, N, 1)).astype(jnp.float32)
    idx = jnp.arange(N)
    sup_mask = jnp.broadcast_to((idx % 4) == 0, (B, N))
    ignore_mask = jnp.broadcast_to((idx % 37) == 1, (B, N))
    qb = jnp.arange(NB)
    base = (qb[:, None] + jnp.arange(MAXKV)[None, :] - MAXKV // 2) % NB
    kv_indices = jnp.broadcast_to(base[None], (B, NB, MAXKV)).astype(jnp.int32)
    kv_num_blocks = jax.random.randint(k3, (B, NB), 4, MAXKV + 1).astype(jnp.int32)
    pos = jax.random.uniform(k4, (B, N, 2), dtype=jnp.float32) * 8.0
    return {"logits": logits, "targets_full": targets_full, "sup_mask": sup_mask,
            "ignore_mask": ignore_mask, "kv_indices": kv_indices,
            "kv_num_blocks": kv_num_blocks, "pos": pos}


def reference(logits, targets_full, sup_mask, ignore_mask, kv_indices, kv_num_blocks, pos):
    graph_weight, sigma = 10.0, 1.0
    B, N = sup_mask.shape
    NB, MAXKV = kv_indices.shape[1], kv_indices.shape[2]
    BS = N // NB
    x = logits[..., 0]
    t = targets_full[..., 0]
    # BCEWithLogitsLoss (mean over supervised elements) in stable form;
    # masked mean == torch's bce(logits[sup_mask], targets_sup)
    bce = jnp.maximum(x, 0.0) - x * t + jnp.log1p(jnp.exp(-jnp.abs(x)))
    sup_f = sup_mask.astype(jnp.float32)
    loss_sup = (bce * sup_f).sum() / jnp.maximum(sup_f.sum(), 1.0)

    probs = jax.nn.sigmoid(x)
    uncertain = (~ignore_mask) & (~sup_mask)
    q_nodes = jnp.arange(N).reshape(NB, BS)
    offs = jnp.arange(BS)

    def per_batch(p_b, unc_b, ign_b, kvi_b, kvn_b, pos_b):
        nn = (kvi_b[:, :, None] * BS + offs[None, None, :]).reshape(NB, MAXKV * BS)
        slot_ok = jnp.arange(MAXKV)[None, :] < kvn_b[:, None]
        slot_ok = jnp.broadcast_to(slot_ok[:, :, None], (NB, MAXKV, BS)).reshape(NB, MAXKV * BS)
        k_valid = slot_ok & (~ign_b[nn])
        q_valid = unc_b[q_nodes].astype(jnp.float32)
        q_pos = pos_b[q_nodes]
        k_pos = pos_b[nn]
        diff = q_pos[:, :, None, :] - k_pos[:, None, :, :]
        d = jnp.sqrt(jnp.sum(diff * diff, axis=-1) + 1e-12)
        w = jnp.exp(-d / sigma)
        is_self = q_nodes[:, :, None] == nn[:, None, :]
        w = jnp.where(is_self | (~k_valid)[:, None, :], 0.0, w)
        w = w / (w.sum(axis=-1, keepdims=True) + 1e-8)
        k_mean = (w * p_b[nn][:, None, :]).sum(axis=-1)
        qp = p_b[q_nodes]
        loss_b = (((qp - k_mean) ** 2) * q_valid).sum()
        num_q = q_valid.sum()
        return loss_b / jnp.maximum(num_q, 1.0)

    per_b = jax.vmap(per_batch)(probs, uncertain, ignore_mask, kv_indices, kv_num_blocks, pos)
    loss_graph = per_b.sum() / B
    total_loss = loss_sup + graph_weight * loss_graph
    return total_loss

if __name__ == "__main__":
    import jax
    _d = setup_inputs()
    print(jax.jit(kernel)(*tuple(_d.values())))

</pallas_src>

<mosaic_0001>
#map = affine_map<(d0, d1) -> (0, 0)>
module attributes {stable_mosaic.version = 14 : i64} {
  func.func @_sc_graph_body(%arg0: i32, %arg1: i32, %arg2: memref<65x512xf32, #tpu.memory_space<hbm>>, %arg3: memref<64x384xf32, #tpu.memory_space<hbm>>, %arg4: memref<64x8xi32, #tpu.memory_space<hbm>>, %arg5: memref<32x16xf32, #tpu.memory_space<hbm>>, %arg6: memref<8xi32, #tpu.memory_space<vmem>>, %arg7: memref<8x512xf32, #tpu.memory_space<vmem>>, %arg8: memref<1024xf32, #tpu.memory_space<vmem>>, %arg9: memref<1024xf32, #tpu.memory_space<vmem>>, %arg10: memref<1024xf32, #tpu.memory_space<vmem>>, %arg11: memref<1024xf32, #tpu.memory_space<vmem>>, %arg12: memref<512xf32, #tpu.memory_space<vmem>>, %arg13: memref<384xf32, #tpu.memory_space<vmem>>, %arg14: memref<16xf32, #tpu.memory_space<vmem>>, %arg15: memref<!tpu.dma_semaphore, #tpu.memory_space<semaphore_mem>>) attributes {dimension_semantics = [#tpu.dimension_semantics<core_parallel>, #tpu.dimension_semantics<subcore_parallel>], iteration_bounds = array<i64: 2, 16>, scalar_prefetch = 0 : i64, scratch_operands = 10 : i64, tpu.core_type = #tpu.core_type<sc_vector_subcore>, window_params = [{transform_indices = #map}, {transform_indices = #map}, {transform_indices = #map}, {transform_indices = #map}]} {
    %mul3A = arith.constant 2 : i32
    %mul3A_0 = arith.muli %arg1, %mul3A : i32
    %add3A = arith.addi %mul3A_0, %arg0 : i32
    %iota3A = tpu.iota {dimensions = array<i32: 0>} : vector<16xi32>
    %add3A_1 = arith.constant 32 : i32
    %add3A_2 = arith.addi %add3A, %add3A_1 : i32
    "tpu.region"() ({
      %run_scoped3A = tpu.sem_alloc : memref<!tpu.dma_semaphore, #tpu.memory_space<semaphore_mem>>
      %dma_start3A_2516 = arith.constant 0 : i32
      %dma_start3A_2517 = tpu.memref_slice %arg4[%add3A_2, %dma_start3A_2516] : memref<64x8xi32, #tpu.memory_space<hbm>> -> memref<1x8xi32, #tpu.memory_space<hbm>>
      %dma_start3A_2518 = tpu.memref_squeeze %dma_start3A_2517 : memref<1x8xi32, #tpu.memory_space<hbm>> -> memref<8xi32, #tpu.memory_space<hbm>>
      %dma_start3A_2519 = arith.constant 0 : i32
      %dma_start3A_2520 = tpu.memref_slice %arg4[%add3A_2, %dma_start3A_2519] : memref<64x8xi32, #tpu.memory_space<hbm>> -> memref<1x8xi32, #tpu.memory_space<hbm>>
      %dma_start3A_2521 = tpu.memref_squeeze %dma_start3A_2520 : memref<1x8xi32, #tpu.memory_space<hbm>> -> memref<8xi32, #tpu.memory_space<hbm>>
      tpu.enqueue_dma source(%dma_start3A_2521 : memref<8xi32, #tpu.memory_space<hbm>>) target(%arg6 : memref<8xi32, #tpu.memory_space<vmem>>) target_semaphore(%run_scoped3A : memref<!tpu.dma_semaphore, #tpu.memory_space<semaphore_mem>>)
      %dma_wait3A_2522 = arith.constant 0 : i32
      %dma_wait3A_2523 = tpu.memref_slice %arg4[%add3A_2, %dma_wait3A_2522] : memref<64x8xi32, #tpu.memory_space<hbm>> -> memref<1x8xi32, #tpu.memory_space<hbm>>
      %dma_wait3A_2524 = tpu.memref_squeeze %dma_wait3A_2523 : memref<1x8xi32, #tpu.memory_space<hbm>> -> memref<8xi32, #tpu.memory_space<hbm>>
      %dma_wait3A_2525 = arith.constant 0 : i32
      %dma_wait3A_2526 = tpu.memref_slice %arg4[%add3A_2, %dma_wait3A_2525] : memref<64x8xi32, #tpu.memory_space<hbm>> -> memref<1x8xi32, #tpu.memory_space<hbm>>
      %dma_wait3A_2527 = tpu.memref_squeeze %dma_wait3A_2526 : memref<1x8xi32, #tpu.memory_space<hbm>> -> memref<8xi32, #tpu.memory_space<hbm>>
      tpu.wait_dma2 semaphore(%run_scoped3A : memref<!tpu.dma_semaphore, #tpu.memory_space<semaphore_mem>>) src(%dma_wait3A_2527 : memref<8xi32, #tpu.memory_space<hbm>>) dst(%arg6 : memref<8xi32, #tpu.memory_space<vmem>>)
      tpu.yield
    }) : () -> ()
    "tpu.region"() ({
      %run_scoped3A = tpu.sem_alloc : memref<!tpu.dma_semaphore, #tpu.memory_space<semaphore_mem>>
      %dma_start3A_2516 = arith.constant 0 : i32
      %dma_start3A_2517 = tpu.memref_slice %arg3[%add3A_2, %dma_start3A_2516] : memref<64x384xf32, #tpu.memory_space<hbm>> -> memref<1x384xf32, #tpu.memory_space<hbm>>
      %dma_start3A_2518 = tpu.memref_squeeze %dma_start3A_2517 : memref<1x384xf32, #tpu.memory_space<hbm>> -> memref<384xf32, #tpu.memory_space<hbm>>
      %dma_start3A_2519 = arith.constant 0 : i32
      %dma_start3A_2520 = tpu.memref_slice %arg3[%add3A_2, %dma_start3A_2519] : memref<64x384xf32, #tpu.memory_space<hbm>> -> memref<1x384xf32, #tpu.memory_space<hbm>>
      %dma_start3A_2521 = tpu.memref_squeeze %dma_start3A_2520 : memref<1x384xf32, #tpu.memory_space<hbm>> -> memref<384xf32, #tpu.memory_space<hbm>>
      tpu.enqueue_dma source(%dma_start3A_2521 : memref<384xf32, #tpu.memory_space<hbm>>) target(%arg13 : memref<384xf32, #tpu.memory_space<vmem>>) target_semaphore(%run_scoped3A : memref<!tpu.dma_semaphore, #tpu.memory_space<semaphore_mem>>)
      %dma_wait3A_2522 = arith.constant 0 : i32
      %dma_wait3A_2523 = tpu.memref_slice %arg3[%add3A_2, %dma_wait3A_2522] : memref<64x384xf32, #tpu.memory_space<hbm>> -> memref<1x384xf32, #tpu.memory_space<hbm>>
      %dma_wait3A_2524 = tpu.memref_squeeze %dma_wait3A_2523 : memref<1x384xf32, #tpu.memory_space<hbm>> -> memref<384xf32, #tpu.memory_space<hbm>>
      %dma_wait3A_2525 = arith.constant 0 : i32
      %dma_wait3A_2526 = tpu.memref_slice %arg3[%add3A_2, %dma_wait3A_2525] : memref<64x384xf32, #tpu.memory_space<hbm>> -> memref<1x384xf32, #tpu.memory_space<hbm>>
      %dma_wait3A_2527 = tpu.memref_squeeze %dma_wait3A_2526 : memref<1x384xf32, #tpu.memory_space<hbm>> -> memref<384xf32, #tpu.memory_space<hbm>>
      tpu.wait_dma2 semaphore(%run_scoped3A : memref<!tpu.dma_semaphore, #tpu.memory_space<semaphore_mem>>) src(%dma_wait3A_2527 : memref<384xf32, #tpu.memory_space<hbm>>) dst(%arg13 : memref<384xf32, #tpu.memory_space<vmem>>)
      tpu.yield
    }) : () -> ()
    "tpu.region"() ({
      %run_scoped3A = tpu.sem_alloc : memref<!tpu.dma_semaphore, #tpu.memory_space<semaphore_mem>>
      %dma_start3A_2516 = arith.constant 0 : i32
      %dma_start3A_2517 = tpu.memref_slice %arg2[%add3A_2, %dma_start3A_2516] : memref<65x512xf32, #tpu.memory_space<hbm>> -> memref<1x512xf32, #tpu.memory_space<hbm>>
      %dma_start3A_2518 = tpu.memref_squeeze %dma_start3A_2517 : memref<1x512xf32, #tpu.memory_space<hbm>> -> memref<512xf32, #tpu.memory_space<hbm>>
      %dma_start3A_2519 = arith.constant 0 : i32
      %dma_start3A_2520 = tpu.memref_slice %arg2[%add3A_2, %dma_start3A_2519] : memref<65x512xf32, #tpu.memory_space<hbm>> -> memref<1x512xf32, #tpu.memory_space<hbm>>
      %dma_start3A_2521 = tpu.memref_squeeze %dma_start3A_2520 : memref<1x512xf32, #tpu.memory_space<hbm>> -> memref<512xf32, #tpu.memory_space<hbm>>
      tpu.enqueue_dma source(%dma_start3A_2521 : memref<512xf32, #tpu.memory_space<hbm>>) target(%arg12 : memref<512xf32, #tpu.memory_space<vmem>>) target_semaphore(%run_scoped3A : memref<!tpu.dma_semaphore, #tpu.memory_space<semaphore_mem>>)
      %dma_wait3A_2522 = arith.constant 0 : i32
      %dma_wait3A_2523 = tpu.memref_slice %arg2[%add3A_2, %dma_wait3A_2522] : memref<65x512xf32, #tpu.memory_space<hbm>> -> memref<1x512xf32, #tpu.memory_space<hbm>>
      %dma_wait3A_2524 = tpu.memref_squeeze %dma_wait3A_2523 : memref<1x512xf32, #tpu.memory_space<hbm>> -> memref<512xf32, #tpu.memory_space<hbm>>
      %dma_wait3A_2525 = arith.constant 0 : i32
      %dma_wait3A_2526 = tpu.memref_slice %arg2[%add3A_2, %dma_wait3A_2525] : memref<65x512xf32, #tpu.memory_space<hbm>> -> memref<1x512xf32, #tpu.memory_space<hbm>>
      %dma_wait3A_2527 = tpu.memref_squeeze %dma_wait3A_2526 : memref<1x512xf32, #tpu.memory_space<hbm>> -> memref<512xf32, #tpu.memory_space<hbm>>
      tpu.wait_dma2 semaphore(%run_scoped3A : memref<!tpu.dma_semaphore, #tpu.memory_space<semaphore_mem>>) src(%dma_wait3A_2527 : memref<512xf32, #tpu.memory_space<hbm>>) dst(%arg12 : memref<512xf32, #tpu.memory_space<vmem>>)
      tpu.yield
    }) : () -> ()
    %dma_start3A = arith.constant 0 : i32
    %dma_start3A_3 = arith.constant 0 : i32
    %dma_start3A_4 = tpu.memref_slice %arg2[%dma_start3A, %dma_start3A_3] : memref<65x512xf32, #tpu.memory_space<hbm>> -> memref<65x512xf32, #tpu.memory_space<hbm>>
    tpu.enqueue_indirect_dma source(%dma_start3A_4 : memref<65x512xf32, #tpu.memory_space<hbm>>) target(%arg7 : memref<8x512xf32, #tpu.memory_space<vmem>>) offsets(%arg6 : memref<8xi32, #tpu.memory_space<vmem>>) semaphore(%arg15 : memref<!tpu.dma_semaphore, #tpu.memory_space<semaphore_mem>>)
    %dma_wait3A = arith.constant 0 : i32
    %dma_wait3A_5 = arith.constant 0 : i32
    %dma_wait3A_6 = tpu.memref_slice %arg2[%dma_wait3A, %dma_wait3A_5] : memref<65x512xf32, #tpu.memory_space<hbm>> -> memref<65x512xf32, #tpu.memory_space<hbm>>
    tpu.wait_indirect_dma semaphore(%arg15 : memref<!tpu.dma_semaphore, #tpu.memory_space<semaphore_mem>>) src(%dma_wait3A_6 : memref<65x512xf32, #tpu.memory_space<hbm>>) dst(%arg7 : memref<8x512xf32, #tpu.memory_space<vmem>>)
    %get3A = arith.constant 0 : i32
    %get3A_7 = arith.index_cast %get3A : i32 to index
    %get3A_8 = arith.constant 0 : index
    %get3A_9 = tpu.vector_load %arg7[%get3A_7, %get3A_8] {strides = array<i32>} : memref<8x512xf32, #tpu.memory_space<vmem>>, vector<16xf32>,
    %swap3A = arith.constant 0 : index
    %swap3A_10 = tpu.vector_load %arg8[%swap3A] {strides = array<i32>} : memref<1024xf32, #tpu.memory_space<vmem>>, vector<16xf32>,
    tpu.vector_store %arg8[%swap3A], %get3A_9 {strides = array<i32>} : memref<1024xf32, #tpu.memory_space<vmem>>, vector<16xf32>,
    %get3A_11 = arith.constant 0 : i32
    %get3A_12 = arith.index_cast %get3A_11 : i32 to index
    %get3A_13 = arith.constant 128 : index
    %get3A_14 = tpu.vector_load %arg7[%get3A_12, %get3A_13] {strides = array<i32>} : memref<8x512xf32, #tpu.memory_space<vmem>>, vector<16xf32>,
    %swap3A_15 = arith.constant 0 : index
    %swap3A_16 = tpu.vector_load %arg9[%swap3A_15] {strides = array<i32>} : memref<1024xf32, #tpu.memory_space<vmem>>, vector<16xf32>,
    tpu.vector_store %arg9[%swap3A_15], %get3A_14 {strides = array<i32>} : memref<1024xf32, #tpu.memory_space<vmem>>, vector<16xf32>,
    %get3A_17 = arith.constant 0 : i32
    %get3A_18 = arith.index_cast %get3A_17 : i32 to index
    %get3A_19 = arith.constant 256 : index
    %get3A_20 = tpu.vector_load %arg7[%get3A_18, %get3A_19] {strides = array<i32>} : memref<8x512xf32, #tpu.memory_space<vmem>>, vector<16xf32>,
    %neg3A = arith.constant 0.000000e+00 : f32
    %neg3A_21 = vector.broadcast %neg3A : f32 to vector<16xf32>
    %neg3A_22 = arith.subf %neg3A_21, %get3A_20 : vector<16xf32>
    %exp3A = math.exp %neg3A_22 : vector<16xf32>
    %add3A_23 = arith.constant 1.000000e+00 : f32
    %add3A_24 = vector.broadcast %add3A_23 : f32 to vector<16xf32>
    %add3A_25 = arith.addf %add3A_24, %exp3A : vector<16xf32>
    %div3A = arith.constant 1.000000e+00 : f32
    %div3A_26 = vector.broadcast %div3A : f32 to vector<16xf32>
    %div3A_27 = arith.divf %div3A_26, %add3A_25 : vector<16xf32>
    %swap3A_28 = arith.constant 0 : index
    %swap3A_29 = tpu.vector_load %arg10[%swap3A_28] {strides = array<i32>} : memref<1024xf32, #tpu.memory_space<vmem>>, vector<16xf32>,
    tpu.vector_store %arg10[%swap3A_28], %div3A_27 {strides = array<i32>} : memref<1024xf32, #tpu.memory_space<vmem>>, vector<16xf32>,
    %get3A_30 = arith.constant 0 : i32
    %get3A_31 = arith.index_cast %get3A_30 : i32 to index
    %get3A_32 = arith.constant 384 : index
    %get3A_33 = tpu.vector_load %arg7[%get3A_31, %get3A_32] {strides = array<i32>} : memref<8x512xf32, #tpu.memory_space<vmem>>, vector<16xf32>,
    %swap3A_34 = arith.constant 0 : index
    %swap3A_35 = tpu.vector_load %arg11[%swap3A_34] {strides = array<i32>} : memref<1024xf32, #tpu.memory_space<vmem>>, vector<16xf32>,
    tpu.vector_store %arg11[%swap3A_34], %get3A_33 {strides = array<i32>} : memref<1024xf32, #tpu.memory_space<vmem>>, vector<16xf32>,
    %get3A_36 = arith.constant 0 : i32
    %get3A_37 = arith.index_cast %get3A_36 : i32 to index
    %get3A_38 = arith.constant 16 : index
    %get3A_39 = tpu.vector_load %arg7[%get3A_37, %get3A_38] {strides = array<i32>} : memref<8x512xf32, #tpu.memory_space<vmem>>, vector<16xf32>,
    %swap3A_40 = arith.constant 16 : index
    %swap3A_41 = tpu.vector_load %arg8[%swap3A_40] {strides = array<i32>} : memref<1024xf32, #tpu.memory_space<vmem>>, vector<16xf32>,
    tpu.vector_store %arg8[%swap3A_40], %get3A_39 {strides = array<i32>} : memref<1024xf32, #tpu.memory_space<vmem>>, vector<16xf32>,
    %get3A_42 = arith.constant 0 : i32
    %get3A_43 = arith.index_cast %get3A_42 : i32 to index
    %get3A_44 = arith.constant 144 : index
    %get3A_45 = tpu.vector_load %arg7[%get3A_43, %get3A_44] {strides = array<i32>} : memref<8x512xf32, #tpu.memory_space<vmem>>, vector<16xf32>,
    %swap3A_46 = arith.constant 16 : index
    %swap3A_47 = tpu.vector_load %arg9[%swap3A_46] {strides = array<i32>} : memref<1024xf32, #tpu.memory_space<vmem>>, vector<16xf32>,
    tpu.vector_store %arg9[%swap3A_46], %get3A_45 {strides = array<i32>} : memref<1024xf32, #tpu.memory_space<vmem>>, vector<16xf32>,
    %get3A_48 = arith.constant 0 : i32
    %get3A_49 = arith.index_cast %get3A_48 : i32 to index
    %get3A_50 = arith.constant 272 : index
    %get3A_51 = tpu.vector_load %arg7[%get3A_49, %get3A_50] {strides = array<i32>} : memref<8x512xf32, #tpu.memory_space<vmem>>, vector<16xf32>,
    %neg3A_52 = arith.constant 0.000000e+00 : f32
    %neg3A_53 = vector.broadcast %neg3A_52 : f32 to vector<16xf32>
    %neg3A_54 = arith.subf %neg3A_53, %get3A_51 : vector<16xf32>
    %exp3A_55 = math.exp %neg3A_54 : vector<16xf32>
    %add3A_56 = arith.constant 1.000000e+00 : f32
    %add3A_57 = vector.broadcast %add3A_56 : f32 to vector<16xf32>
    %add3A_58 = arith.addf %add3A_57, %exp3A_55 : vector<16xf32>
    %div3A_59 = arith.constant 1.000000e+00 : f32
    %div3A_60 = vector.broadcast %div3A_59 : f32 to vector<16xf32>
    %div3A_61 = arith.divf %div3A_60, %add3A_58 : vector<16xf32>
    %swap3A_62 = arith.constant 16 : index
    %swap3A_63 = tpu.vector_load %arg10[%swap3A_62] {strides = array<i32>} : memref<1024xf32, #tpu.memory_space<vmem>>, vector<16xf32>,
    tpu.vector_store %arg10[%swap3A_62], %div3A_61 {strides = array<i32>} : memref<1024xf32, #tpu.memory_space<vmem>>, vector<16xf32>,
    %get3A_64 = arith.constant 0 : i32
    %get3A_65 = arith.index_cast %get3A_64 : i32 to index
    %get3A_66 = arith.constant 400 : index
    %get3A_67 = tpu.vector_load %arg7[%get3A_65, %get3A_66] {strides = array<i32>} : memref<8x512xf32, #tpu.memory_space<vmem>>, vector<16xf32>,
    %swap3A_68 = arith.constant 16 : index
    %swap3A_69 = tpu.vector_load %arg11[%swap3A_68] {strides = array<i32>} : memref<1024xf32, #tpu.memory_space<vmem>>, vector<16xf32>,
    tpu.vector_store %arg11[%swap3A_68], %get3A_67 {strides = array<i32>} : memref<1024xf32, #tpu.memory_space<vmem>>, vector<16xf32>,
    %get3A_70 = arith.constant 0 : i32
    %get3A_71 = arith.index_cast %get3A_70 : i32 to index
    %get3A_72 = arith.constant 32 : index
    %get3A_73 = tpu.vector_load %arg7[%get3A_71, %get3A_72] {strides = array<i32>} : memref<8x512xf32, #tpu.memory_space<vmem>>, vector<16xf32>,
    %swap3A_74 = arith.constant 32 : index
    %swap3A_75 = tpu.vector_load %arg8[%swap3A_74] {strides = array<i32>} : memref<1024xf32, #tpu.memory_space<vmem>>, vector<16xf32>,
    tpu.vector_store %arg8[%swap3A_74], %get3A_73 {strides = array<i32>} : memref<1024xf32, #tpu.memory_space<vmem>>, vector<16xf32>,
    %get3A_76 = arith.constant 0 : i32
    %get3A_77 = arith.index_cast %get3A_76 : i32 to index
    %get3A_78 = arith.constant 160 : index
    %get3A_79 = tpu.vector_load %arg7[%get3A_77, %get3A_78] {strides = array<i32>} : memref<8x512xf32, #tpu.memory_space<vmem>>, vector<16xf32>,
    %swap3A_80 = arith.constant 32 : index
    %swap3A_81 = tpu.vector_load %arg9[%swap3A_80] {strides = array<i32>} : memref<1024xf32, #tpu.memory_space<vmem>>, vector<16xf32>,
    tpu.vector_store %arg9[%swap3A_80], %get3A_79 {strides = array<i32>} : memref<1024xf32, #tpu.memory_space<vmem>>, vector<16xf32>,
    %get3A_82 = arith.constant 0 : i32
    %get3A_83 = arith.index_cast %get3A_82 : i32 to index
    %get3A_84 = arith.constant 288 : index
    %get3A_85 = tpu.vector_load %arg7[%get3A_83, %get3A_84] {strides = array<i32>} : memref<8x512xf32, #tpu.memory_space<vmem>>, vector<16xf32>,
    %neg3A_86 = arith.constant 0.000000e+00 : f32
    %neg3A_87 = vector.broadcast %neg3A_86 : f32 to vector<16xf32>
    %neg3A_88 = arith.subf %neg3A_87, %get3A_85 : vector<16xf32>
    %exp3A_89 = math.exp %neg3A_88 : vector<16xf32>
    %add3A_90 = arith.constant 1.000000e+00 : f32
    %add3A_91 = vector.broadcast %add3A_90 : f32 to vector<16xf32>
    %add3A_92 = arith.addf %add3A_91, %exp3A_89 : vector<16xf32>
    %div3A_93 = arith.constant 1.000000e+00 : f32
    %div3A_94 = vector.broadcast %div3A_93 : f32 to vector<16xf32>
    %div3A_95 = arith.divf %div3A_94, %add3A_92 : vector<16xf32>
    %swap3A_96 = arith.constant 32 : index
    %swap3A_97 = tpu.vector_load %arg10[%swap3A_96] {strides = array<i32>} : memref<1024xf32, #tpu.memory_space<vmem>>, vector<16xf32>,
    tpu.vector_store %arg10[%swap3A_96], %div3A_95 {strides = array<i32>} : memref<1024xf32, #tpu.memory_space<vmem>>, vector<16xf32>,
    %get3A_98 = arith.constant 0 : i32
    %get3A_99 = arith.index_cast %get3A_98 : i32 to index
    %get3A_100 = arith.constant 416 : index
    %get3A_101 = tpu.vector_load %arg7[%get3A_99, %get3A_100] {strides = array<i32>} : memref<8x512xf32, #tpu.memory_space<vmem>>, vector<16xf32>,
    %swap3A_102 = arith.constant 32 : index
    %swap3A_103 = tpu.vector_load %arg11[%swap3A_102] {strides = array<i32>} : memref<1024xf32, #tpu.memory_space<vmem>>, vector<16xf32>,
    tpu.vector_store %arg11[%swap3A_102], %get3A_101 {strides = array<i32>} : memref<1024xf32, #tpu.memory_space<vmem>>, vector<16xf32>,
    %get3A_104 = arith.constant 0 : i32
    %get3A_105 = arith.index_cast %get3A_104 : i32 to index
    %get3A_106 = arith.constant 48 : index
    %get3A_107 = tpu.vector_load %arg7[%get3A_105, %get3A_106] {strides = array<i32>} : memref<8x512xf32, #tpu.memory_space<vmem>>, vector<16xf32>,
    %swap3A_108 = arith.constant 48 : index
    %swap3A_109 = tpu.vector_load %arg8[%swap3A_108] {strides = array<i32>} : memref<1024xf32, #tpu.memory_space<vmem>>, vector<16xf32>,
    tpu.vector_store %arg8[%swap3A_108], %get3A_107 {strides = array<i32>} : memref<1024xf32, #tpu.memory_space<vmem>>, vector<16xf32>,
    %get3A_110 = arith.constant 0 : i32
    %get3A_111 = arith.index_cast %get3A_110 : i32 to index
    %get3A_112 = arith.constant 176 : index
    %get3A_113 = tpu.vector_load %arg7[%get3A_111, %get3A_112] {strides = array<i32>} : memref<8x512xf32, #tpu.memory_space<vmem>>, vector<16xf32>,
    %swap3A_114 = arith.constant 48 : index
    %swap3A_115 = tpu.vector_load %arg9[%swap3A_114] {strides = array<i32>} : memref<1024xf32, #tpu.memory_space<vmem>>, vector<16xf32>,
    tpu.vector_store %arg9[%swap3A_114], %get3A_113 {strides = array<i32>} : memref<1024xf32, #tpu.memory_space<vmem>>, vector<16xf32>,
    %get3A_116 = arith.constant 0 : i32
    %get3A_117 = arith.index_cast %get3A_116 : i32 to index
    %get3A_118 = arith.constant 304 : index
    %get3A_119 = tpu.vector_load %arg7[%get3A_117, %get3A_118] {strides = array<i32>} : memref<8x512xf32, #tpu.memory_space<vmem>>, vector<16xf32>,
    %neg3A_120 = arith.constant 0.000000e+00 : f32
    %neg3A_121 = vector.broadcast %neg3A_120 : f32 to vector<16xf32>
    %neg3A_122 = arith.subf %neg3A_121, %get3A_119 : vector<16xf32>
    %exp3A_123 = math.exp %neg3A_122 : vector<16xf32>
    %add3A_124 = arith.constant 1.000000e+00 : f32
    %add3A_125 = vector.broadcast %add3A_124 : f32 to vector<16xf32>
    %add3A_126 = arith.addf %add3A_125, %exp3A_123 : vector<16xf32>
    %div3A_127 = arith.constant 1.000000e+00 : f32
    %div3A_128 = vector.broadcast %div3A_127 : f32 to vector<16xf32>
    %div3A_129 = arith.divf %div3A_128, %add3A_126 : vector<16xf32>
    %swap3A_130 = arith.constant 48 : index
    %swap3A_131 = tpu.vector_load %arg10[%swap3A_130] {strides = array<i32>} : memref<1024xf32, #tpu.memory_space<vmem>>, vector<16xf32>,
    tpu.vector_store %arg10[%swap3A_130], %div3A_129 {strides = array<i32>} : memref<1024xf32, #tpu.memory_space<vmem>>, vector<16xf32>,
    %get3A_132 = arith.constant 0 : i32
    %get3A_133 = arith.index_cast %get3A_132 : i32 to index
    %get3A_134 = arith.constant 432 : index
    %get3A_135 = tpu.vector_load %arg7[%get3A_133, %get3A_134] {strides = array<i32>} : memref<8x512xf32, #tpu.memory_space<vmem>>, vector<16xf32>,
    %swap3A_136 = arith.constant 48 : index
    %swap3A_137 = tpu.vector_load %arg11[%swap3A_136] {strides = array<i32>} : memref<1024xf32, #tpu.memory_space<vmem>>, vector<16xf32>,
    tpu.vector_store %arg11[%swap3A_136], %get3A_135 {strides = array<i32>} : memref<1024xf32, #tpu.memory_space<vmem>>, vector<16xf32>,
    %get3A_138 = arith.constant 0 : i32
    %get3A_139 = arith.index_cast %get3A_138 : i32 to index
    %get3A_140 = arith.constant 64 : index
    %get3A_141 = tpu.vector_load %arg7[%get3A_139, %get3A_140] {strides = array<i32>} : memref<8x512xf32, #tpu.memory_space<vmem>>, vector<16xf32>,
    %swap3A_142 = arith.constant 64 : index
    %swap3A_143 = tpu.vector_load %arg8[%swap3A_142] {strides = array<i32>} : memref<1024xf32, #tpu.memory_space<vmem>>, vector<16xf32>,
    tpu.vector_store %arg8[%swap3A_142], %get3A_141 {strides = array<i32>} : memref<1024xf32, #tpu.memory_space<vmem>>, vector<16xf32>,
    %get3A_144 = arith.constant 0 : i32
    %get3A_145 = arith.index_cast %get3A_144 : i32 to index
    %get3A_146 = arith.constant 192 : index
    %get3A_147 = tpu.vector_load %arg7[%get3A_145, %get3A_146] {strides = array<i32>} : memref<8x512xf32, #tpu.memory_space<vmem>>, vector<16xf32>,
    %swap3A_148 = arith.constant 64 : index
    %swap3A_149 = tpu.vector_load %arg9[%swap3A_148] {strides = array<i32>} : memref<1024xf32, #tpu.memory_space<vmem>>, vector<16xf32>,
    tpu.vector_store %arg9[%swap3A_148], %get3A_147 {strides = array<i32>} : memref<1024xf32, #tpu.memory_space<vmem>>, vector<16xf32>,
    %get3A_150 = arith.constant 0 : i32
    %get3A_151 = arith.index_cast %get3A_150 : i32 to index
    %get3A_152 = arith.constant 320 : index
    %get3A_153 = tpu.vector_load %arg7[%get3A_151, %get3A_152] {strides = array<i32>} : memref<8x512xf32, #tpu.memory_space<vmem>>, vector<16xf32>,
    %neg3A_154 = arith.constant 0.000000e+00 : f32
    %neg3A_155 = vector.broadcast %neg3A_154 : f32 to vector<16xf32>
    %neg3A_156 = arith.subf %neg3A_155, %get3A_153 : vector<16xf32>
    %exp3A_157 = math.exp %neg3A_156 : vector<16xf32>
    %add3A_158 = arith.constant 1.000000e+00 : f32
    %add3A_159 = vector.broadcast %add3A_158 : f32 to vector<16xf32>
    %add3A_160 = arith.addf %add3A_159, %exp3A_157 : vector<16xf32>
    %div3A_161 = arith.constant 1.000000e+00 : f32
    %div3A_162 = vector.broadcast %div3A_161 : f32 to vector<16xf32>
    %div3A_163 = arith.divf %div3A_162, %add3A_160 : vector<16xf32>
    %swap3A_164 = arith.constant 64 : index
    %swap3A_165 = tpu.vector_load %arg10[%swap3A_164] {strides = array<i32>} : memref<1024xf32, #tpu.memory_space<vmem>>, vector<16xf32>,
    tpu.vector_store %arg10[%swap3A_164], %div3A_163 {strides = array<i32>} : memref<1024xf32, #tpu.memory_space<vmem>>, vector<16xf32>,
    %get3A_166 = arith.constant 0 : i32
    %get3A_167 = arith.index_cast %get3A_166 : i32 to index
    %get3A_168 = arith.constant 448 : index
    %get3A_169 = tpu.vector_load %arg7[%get3A_167, %get3A_168] {strides = array<i32>} : memref<8x512xf32, #tpu.memory_space<vmem>>, vector<16xf32>,
    %swap3A_170 = arith.constant 64 : index
    %swap3A_171 = tpu.vector_load %arg11[%swap3A_170] {strides = array<i32>} : memref<1024xf32, #tpu.memory_space<vmem>>, vector<16xf32>,
    tpu.vector_store %arg11[%swap3A_170], %get3A_169 {strides = array<i32>} : memref<1024xf32, #tpu.memory_space<vmem>>, vector<16xf32>,
    %get3A_172 = arith.constant 0 : i32
    %get3A_173 = arith.index_cast %get3A_172 : i32 to index
    %get3A_174 = arith.constant 80 : index
    %get3A_175 = tpu.vector_load %arg7[%get3A_173, %get3A_174] {strides = array<i32>} : memref<8x512xf32, #tpu.memory_space<vmem>>, vector<16xf32>,
    %swap3A_176 = arith.constant 80 : index
    %swap3A_177 = tpu.vector_load %arg8[%swap3A_176] {strides = array<i32>} : memref<1024xf32, #tpu.memory_space<vmem>>, vector<16xf32>,
    tpu.vector_store %arg8[%swap3A_176], %get3A_175 {strides = array<i32>} : memref<1024xf32, #tpu.memory_space<vmem>>, vector<16xf32>,
    %get3A_178 = arith.constant 0 : i32
    %get3A_179 = arith.index_cast %get3A_178 : i32 to index
    %get3A_180 = arith.constant 208 : index
    %get3A_181 = tpu.vector_load %arg7[%get3A_179, %get3A_180] {strides = array<i32>} : memref<8x512xf32, #tpu.memory_space<vmem>>, vector<16xf32>,
    %swap3A_182 = arith.constant 80 : index
    %swap3A_183 = tpu.vector_load %arg9[%swap3A_182] {strides = array<i32>} : memref<1024xf32, #tpu.memory_space<vmem>>, vector<16xf32>,
    tpu.vector_store %arg9[%swap3A_182], %get3A_181 {strides = array<i32>} : memref<1024xf32, #tpu.memory_space<vmem>>, vector<16xf32>,
    %get3A_184 = arith.constant 0 : i32
    %get3A_185 = arith.index_cast %get3A_184 : i32 to index
    %get3A_186 = arith.constant 336 : index
    %get3A_187 = tpu.vector_load %arg7[%get3A_185, %get3A_186] {strides = array<i32>} : memref<8x512xf32, #tpu.memory_space<vmem>>, vector<16xf32>,
    %neg3A_188 = arith.constant 0.000000e+00 : f32
    %neg3A_189 = vector.broadcast %neg3A_188 : f32 to vector<16xf32>
    %neg3A_190 = arith.subf %neg3A_189, %get3A_187 : vector<16xf32>
    %exp3A_191 = math.exp %neg3A_190 : vector<16xf32>
    %add3A_192 = arith.constant 1.000000e+00 : f32
    %add3A_193 = vector.broadcast %add3A_192 : f32 to vector<16xf32>
    %add3A_194 = arith.addf %add3A_193, %exp3A_191 : vector<16xf32>
    %div3A_195 = arith.constant 1.000000e+00 : f32
    %div3A_196 = vector.broadcast %div3A_195 : f32 to vector<16xf32>
    %div3A_197 = arith.divf %div3A_196, %add3A_194 : vector<16xf32>
    %swap3A_198 = arith.constant 80 : index
    %swap3A_199 = tpu.vector_load %arg10[%swap3A_198] {strides = array<i32>} : memref<1024xf32, #tpu.memory_space<vmem>>, vector<16xf32>,
    tpu.vector_store %arg10[%swap3A_198], %div3A_197 {strides = array<i32>} : memref<1024xf32, #tpu.memory_space<vmem>>, vector<16xf32>,
    %get3A_200 = arith.constant 0 : i32
    %get3A_201 = arith.index_cast %get3A_200 : i32 to index
    %get3A_202 = arith.constant 464 : index
    %get3A_203 = tpu.vector_load %arg7[%get3A_201, %get3A_202] {strides = array<i32>} : memref<8x512xf32, #tpu.memory_space<vmem>>, vector<16xf32>,
    %swap3A_204 = arith.constant 80 : index
    %swap3A_205 = tpu.vector_load %arg11[%swap3A_204] {strides = array<i32>} : memref<1024xf32, #tpu.memory_space<vmem>>, vector<16xf32>,
    tpu.vector_store %arg11[%swap3A_204], %get3A_203 {strides = array<i32>} : memref<1024xf32, #tpu.memory_space<vmem>>, vector<16xf32>,
    %get3A_206 = arith.constant 0 : i32
    %get3A_207 = arith.index_cast %get3A_206 : i32 to index
    %get3A_208 = arith.constant 96 : index
    %get3A_209 = tpu.vector_load %arg7[%get3A_207, %get3A_208] {strides = array<i32>} : memref<8x512xf32, #tpu.memory_space<vmem>>, vector<16xf32>,
    %swap3A_210 = arith.constant 96 : index
    %swap3A_211 = tpu.vector_load %arg8[%swap3A_210] {strides = array<i32>} : memref<1024xf32, #tpu.memory_space<vmem>>, vector<16xf32>,
    tpu.vector_store %arg8[%swap3A_210], %get3A_209 {strides = array<i32>} : memref<1024xf32, #tpu.memory_space<vmem>>, vector<16xf32>,
    %get3A_212 = arith.constant 0 : i32
    %get3A_213 = arith.index_cast %get3A_212 : i32 to index
    %get3A_214 = arith.constant 224 : index
    %get3A_215 = tpu.vector_load %arg7[%get3A_213, %get3A_214] {strides = array<i32>} : memref<8x512xf32, #tpu.memory_space<vmem>>, vector<16xf32>,
    %swap3A_216 = arith.constant 96 : index
    %swap3A_217 = tpu.vector_load %arg9[%swap3A_216] {strides = array<i32>} : memref<1024xf32, #tpu.memory_space<vmem>>, vector<16xf32>,
    tpu.vector_store %arg9[%swap3A_216], %get3A_215 {strides = array<i32>} : memref<1024xf32, #tpu.memory_space<vmem>>, vector<16xf32>,
    %get3A_218 = arith.constant 0 : i32
    %get3A_219 = arith.index_cast %get3A_218 : i32 to index
    %get3A_220 = arith.constant 352 : index
    %get3A_221 = tpu.vector_load %arg7[%get3A_219, %get3A_220] {strides = array<i32>} : memref<8x512xf32, #tpu.memory_space<vmem>>, vector<16xf32>,
    %neg3A_222 = arith.constant 0.000000e+00 : f32
    %neg3A_223 = vector.broadcast %neg3A_222 : f32 to vector<16xf32>
    %neg3A_224 = arith.subf %neg3A_223, %get3A_221 : vector<16xf32>
    %exp3A_225 = math.exp %neg3A_224 : vector<16xf32>
    %add3A_226 = arith.constant 1.000000e+00 : f32
    %add3A_227 = vector.broadcast %add3A_226 : f32 to vector<16xf32>
    %add3A_228 = arith.addf %add3A_227, %exp3A_225 : vector<16xf32>
    %div3A_229 = arith.constant 1.000000e+00 : f32
    %div3A_230 = vector.broadcast %div3A_229 : f32 to vector<16xf32>
    %div3A_231 = arith.divf %div3A_230, %add3A_228 : vector<16xf32>
    %swap3A_232 = arith.constant 96 : index
    %swap3A_233 = tpu.vector_load %arg10[%swap3A_232] {strides = array<i32>} : memref<1024xf32, #tpu.memory_space<vmem>>, vector<16xf32>,
    tpu.vector_store %arg10[%swap3A_232], %div3A_231 {strides = array<i32>} : memref<1024xf32, #tpu.memory_space<vmem>>, vector<16xf32>,
    %get3A_234 = arith.constant 0 : i32
    %get3A_235 = arith.index_cast %get3A_234 : i32 to index
    %get3A_236 = arith.constant 480 : index
    %get3A_237 = tpu.vector_load %arg7[%get3A_235, %get3A_236] {strides = array<i32>} : memref<8x512xf32, #tpu.memory_space<vmem>>, vector<16xf32>,
    %swap3A_238 = arith.constant 96 : index
    %swap3A_239 = tpu.vector_load %arg11[%swap3A_238] {strides = array<i32>} : memref<1024xf32, #tpu.memory_space<vmem>>, vector<16xf32>,
    tpu.vector_store %arg11[%swap3A_238], %get3A_237 {strides = array<i32>} : memref<1024xf32, #tpu.memory_space<vmem>>, vector<16xf32>,
    %get3A_240 = arith.constant 0 : i32
    %get3A_241 = arith.index_cast %get3A_240 : i32 to index
    %get3A_242 = arith.constant 112 : index
    %get3A_243 = tpu.vector_load %arg7[%get3A_241, %get3A_242] {strides = array<i32>} : memref<8x512xf32, #tpu.memory_space<vmem>>, vector<16xf32>,
    %swap3A_244 = arith.constant 112 : index
    %swap3A_245 = tpu.vector_load %arg8[%swap3A_244] {strides = array<i32>} : memref<1024xf32, #tpu.memory_space<vmem>>, vector<16xf32>,
    tpu.vector_store %arg8[%swap3A_244], %get3A_243 {strides = array<i32>} : memref<1024xf32, #tpu.memory_space<vmem>>, vector<16xf32>,
    %get3A_246 = arith.constant 0 : i32
    %get3A_247 = arith.index_cast %get3A_246 : i32 to index
    %get3A_248 = arith.constant 240 : index
    %get3A_249 = tpu.vector_load %arg7[%get3A_247, %get3A_248] {strides = array<i32>} : memref<8x512xf32, #tpu.memory_space<vmem>>, vector<16xf32>,
    %swap3A_250 = arith.constant 112 : index
    %swap3A_251 = tpu.vector_load %arg9[%swap3A_250] {strides = array<i32>} : memref<1024xf32, #tpu.memory_space<vmem>>, vector<16xf32>,
    tpu.vector_store %arg9[%swap3A_250], %get3A_249 {strides = array<i32>} : memref<1024xf32, #tpu.memory_space<vmem>>, vector<16xf32>,
    %get3A_252 = arith.constant 0 : i32
    %get3A_253 = arith.index_cast %get3A_252 : i32 to index
    %get3A_254 = arith.constant 368 : index
    %get3A_255 = tpu.vector_load %arg7[%get3A_253, %get3A_254] {strides = array<i32>} : memref<8x512xf32, #tpu.memory_space<vmem>>, vector<16xf32>,
    %neg3A_256 = arith.constant 0.000000e+00 : f32
    %neg3A_257 = vector.broadcast %neg3A_256 : f32 to vector<16xf32>
    %neg3A_258 = arith.subf %neg3A_257, %get3A_255 : vector<16xf32>
    %exp3A_259 = math.exp %neg3A_258 : vector<16xf32>
    %add3A_260 = arith.constant 1.000000e+00 : f32
    %add3A_261 = vector.broadcast %add3A_260 : f32 to vector<16xf32>
    %add3A_262 = arith.addf %add3A_261, %exp3A_259 : vector<16xf32>
    %div3A_263 = arith.constant 1.000000e+00 : f32
    %div3A_264 = vector.broadcast %div3A_263 : f32 to vector<16xf32>
    %div3A_265 = arith.divf %div3A_264, %add3A_262 : vector<16xf32>
    %swap3A_266 = arith.constant 112 : index
    %swap3A_267 = tpu.vector_load %arg10[%swap3A_266] {strides = array<i32>} : memref<1024xf32, #tpu.memory_space<vmem>>, vector<16xf32>,
    tpu.vector_store %arg10[%swap3A_266], %div3A_265 {strides = array<i32>} : memref<1024xf32, #tpu.memory_space<vmem>>, vector<16xf32>,
    %get3A_268 = arith.constant 0 : i32
    %get3A_269 = arith.index_cast %get3A_268 : i32 to index
    %get3A_270 = arith.constant 496 : index
    %get3A_271 = tpu.vector_load %arg7[%get3A_269, %get3A_270] {strides = array<i32>} : memref<8x512xf32, #tpu.memory_space<vmem>>, vector<16xf32>,
    %swap3A_272 = arith.constant 112 : index
    %swap3A_273 = tpu.vector_load %arg11[%swap3A_272] {strides = array<i32>} : memref<1024xf32, #tpu.memory_space<vmem>>, vector<16xf32>,
    tpu.vector_store %arg11[%swap3A_272], %get3A_271 {strides = array<i32>} : memref<1024xf32, #tpu.memory_space<vmem>>, vector<16xf32>,
    %get3A_274 = arith.constant 1 : i32
    %get3A_275 = arith.index_cast %get3A_274 : i32 to index
    %get3A_276 = arith.constant 0 : index
    %get3A_277 = tpu.vector_load %arg7[%get3A_275, %get3A_276] {strides = array<i32>} : memref<8x512xf32, #tpu.memory_space<vmem>>, vector<16xf32>,
    %swap3A_278 = arith.constant 128 : index
    %swap3A_279 = tpu.vector_load %arg8[%swap3A_278] {strides = array<i32>} : memref<1024xf32, #tpu.memory_space<vmem>>, vector<16xf32>,
    tpu.vector_store %arg8[%swap3A_278], %get3A_277 {strides = array<i32>} : memref<1024xf32, #tpu.memory_space<vmem>>, vector<16xf32>,
    %get3A_280 = arith.constant 1 : i32
    %get3A_281 = arith.index_cast %get3A_280 : i32 to index
    %get3A_282 = arith.constant 128 : index
    %get3A_283 = tpu.vector_load %arg7[%get3A_281, %get3A_282] {strides = array<i32>} : memref<8x512xf32, #tpu.memory_space<vmem>>, vector<16xf32>,
    %swap3A_284 = arith.constant 128 : index
    %swap3A_285 = tpu.vector_load %arg9[%swap3A_284] {strides = array<i32>} : memref<1024xf32, #tpu.memory_space<vmem>>, vector<16xf32>,
    tpu.vector_store %arg9[%swap3A_284], %get3A_283 {strides = array<i32>} : memref<1024xf32, #tpu.memory_space<vmem>>, vector<16xf32>,
    %get3A_286 = arith.constant 1 : i32
    %get3A_287 = arith.index_cast %get3A_286 : i32 to index
    %get3A_288 = arith.constant 256 : index
    %get3A_289 = tpu.vector_load %arg7[%get3A_287, %get3A_288] {strides = array<i32>} : memref<8x512xf32, #tpu.memory_space<vmem>>, vector<16xf32>,
    %neg3A_290 = arith.constant 0.000000e+00 : f32
    %neg3A_291 = vector.broadcast %neg3A_290 : f32 to vector<16xf32>
    %neg3A_292 = arith.subf %neg3A_291, %get3A_289 : vector<16xf32>
    %exp3A_293 = math.exp %neg3A_292 : vector<16xf32>
    %add3A_294 = arith.constant 1.000000e+00 : f32
    %add3A_295 = vector.broadcast %add3A_294 : f32 to vector<16xf32>
    %add3A_296 = arith.addf %add3A_295, %exp3A_293 : vector<16xf32>
    %div3A_297 = arith.constant 1.000000e+00 : f32
    %div3A_298 = vector.broadcast %div3A_297 : f32 to vector<16xf32>
    %div3A_299 = arith.divf %div3A_298, %add3A_296 : vector<16xf32>
    %swap3A_300 = arith.constant 128 : index
    %swap3A_301 = tpu.vector_load %arg10[%swap3A_300] {strides = array<i32>} : memref<1024xf32, #tpu.memory_space<vmem>>, vector<16xf32>,
    tpu.vector_store %arg10[%swap3A_300], %div3A_299 {strides = array<i32>} : memref<1024xf32, #tpu.memory_space<vmem>>, vector<16xf32>,
    %get3A_302 = arith.constant 1 : i32
    %get3A_303 = arith.index_cast %get3A_302 : i32 to index
    %get3A_304 = arith.constant 384 : index
    %get3A_305 = tpu.vector_load %arg7[%get3A_303, %get3A_304] {strides = array<i32>} : memref<8x512xf32, #tpu.memory_space<vmem>>, vector<16xf32>,
    %swap3A_306 = arith.constant 128 : index
    %swap3A_307 = tpu.vector_load %arg11[%swap3A_306] {strides = array<i32>} : memref<1024xf32, #tpu.memory_space<vmem>>, vector<16xf32>,
    tpu.vector_store %arg11[%swap3A_306], %get3A_305 {strides = array<i32>} : memref<1024xf32, #tpu.memory_space<vmem>>, vector<16xf32>,
    %get3A_308 = arith.constant 1 : i32
    %get3A_309 = arith.index_cast %get3A_308 : i32 to index
    %get3A_310 = arith.constant 16 : index
    %get3A_311 = tpu.vector_load %arg7[%get3A_309, %get3A_310] {strides = array<i32>} : memref<8x512xf32, #tpu.memory_space<vmem>>, vector<16xf32>,
    %swap3A_312 = arith.constant 144 : index
    %swap3A_313 = tpu.vector_load %arg8[%swap3A_312] {strides = array<i32>} : memref<1024xf32, #tpu.memory_space<vmem>>, vector<16xf32>,
    tpu.vector_store %arg8[%swap3A_312], %get3A_311 {strides = array<i32>} : memref<1024xf32, #tpu.memory_space<vmem>>, vector<16xf32>,
    %get3A_314 = arith.constant 1 : i32
    %get3A_315 = arith.index_cast %get3A_314 : i32 to index
    %get3A_316 = arith.constant 144 : index
    %get3A_317 = tpu.vector_load %arg7[%get3A_315, %get3A_316] {strides = array<i32>} : memref<8x512xf32, #tpu.memory_space<vmem>>, vector<16xf32>,
    %swap3A_318 = arith.constant 144 : index
    %swap3A_319 = tpu.vector_load %arg9[%swap3A_318] {strides = array<i32>} : memref<1024xf32, #tpu.memory_space<vmem>>, vector<16xf32>,
    tpu.vector_store %arg9[%swap3A_318], %get3A_317 {strides = array<i32>} : memref<1024xf32, #tpu.memory_space<vmem>>, vector<16xf32>,
    %get3A_320 = arith.constant 1 : i32
    %get3A_321 = arith.index_cast %get3A_320 : i32 to index
    %get3A_322 = arith.constant 272 : index
    %get3A_323 = tpu.vector_load %arg7[%get3A_321, %get3A_322] {strides = array<i32>} : memref<8x512xf32, #tpu.memory_space<vmem>>, vector<16xf32>,
    %neg3A_324 = arith.constant 0.000000e+00 : f32
    %neg3A_325 = vector.broadcast %neg3A_324 : f32 to vector<16xf32>
    %neg3A_326 = arith.subf %neg3A_325, %get3A_323 : vector<16xf32>
    %exp3A_327 = math.exp %neg3A_326 : vector<16xf32>
    %add3A_328 = arith.constant 1.000000e+00 : f32
    %add3A_329 = vector.broadcast %add3A_328 : f32 to vector<16xf32>
    %add3A_330 = arith.addf %add3A_329, %exp3A_327 : vector<16xf32>
    %div3A_331 = arith.constant 1.000000e+00 : f32
    %div3A_332 = vector.broadcast %div3A_331 : f32 to vector<16xf32>
    %div3A_333 = arith.divf %div3A_332, %add3A_330 : vector<16xf32>
    %swap3A_334 = arith.constant 144 : index
    %swap3A_335 = tpu.vector_load %arg10[%swap3A_334] {strides = array<i32>} : memref<1024xf32, #tpu.memory_space<vmem>>, vector<16xf32>,
    tpu.vector_store %arg10[%swap3A_334], %div3A_333 {strides = array<i32>} : memref<1024xf32, #tpu.memory_space<vmem>>, vector<16xf32>,
    %get3A_336 = arith.constant 1 : i32
    %get3A_337 = arith.index_cast %get3A_336 : i32 to index
    %get3A_338 = arith.constant 400 : index
    %get3A_339 = tpu.vector_load %arg7[%get3A_337, %get3A_338] {strides = array<i32>} : memref<8x512xf32, #tpu.memory_space<vmem>>, vector<16xf32>,
    %swap3A_340 = arith.constant 144 : index
    %swap3A_341 = tpu.vector_load %arg11[%swap3A_340] {strides = array<i32>} : memref<1024xf32, #tpu.memory_space<vmem>>, vector<16xf32>,
    tpu.vector_store %arg11[%swap3A_340], %get3A_339 {strides = array<i32>} : memref<1024xf32, #tpu.memory_space<vmem>>, vector<16xf32>,
    %get3A_342 = arith.constant 1 : i32
    %get3A_343 = arith.index_cast %get3A_342 : i32 to index
    %get3A_344 = arith.constant 32 : index
    %get3A_345 = tpu.vector_load %arg7[%get3A_343, %get3A_344] {strides = array<i32>} : memref<8x512xf32, #tpu.memory_space<vmem>>, vector<16xf32>,
    %swap3A_346 = arith.constant 160 : index
    %swap3A_347 = tpu.vector_load %arg8[%swap3A_346] {strides = array<i32>} : memref<1024xf32, #tpu.memory_space<vmem>>, vector<16xf32>,
    tpu.vector_store %arg8[%swap3A_346], %get3A_345 {strides = array<i32>} : memref<1024xf32, #tpu.memory_space<vmem>>, vector<16xf32>,
    %get3A_348 = arith.constant 1 : i32
    %get3A_349 = arith.index_cast %get3A_348 : i32 to index
    %get3A_350 = arith.constant 160 : index
    %get3A_351 = tpu.vector_load %arg7[%get3A_349, %get3A_350] {strides = array<i32>} : memref<8x512xf32, #tpu.memory_space<vmem>>, vector<16xf32>,
    %swap3A_352 = arith.constant 160 : index
    %swap3A_353 = tpu.vector_load %arg9[%swap3A_352] {strides = array<i32>} : memref<1024xf32, #tpu.memory_space<vmem>>, vector<16xf32>,
    tpu.vector_store %arg9[%swap3A_352], %get3A_351 {strides = array<i32>} : memref<1024xf32, #tpu.memory_space<vmem>>, vector<16xf32>,
    %get3A_354 = arith.constant 1 : i32
    %get3A_355 = arith.index_cast %get3A_354 : i32 to index
    %get3A_356 = arith.constant 288 : index
    %get3A_357 = tpu.vector_load %arg7[%get3A_355, %get3A_356] {strides = array<i32>} : memref<8x512xf32, #tpu.memory_space<vmem>>, vector<16xf32>,
    %neg3A_358 = arith.constant 0.000000e+00 : f32
    %neg3A_359 = vector.broadcast %neg3A_358 : f32 to vector<16xf32>
    %neg3A_360 = arith.subf %neg3A_359, %get3A_357 : vector<16xf32>
    %exp3A_361 = math.exp %neg3A_360 : vector<16xf32>
    %add3A_362 = arith.constant 1.000000e+00 : f32
    %add3A_363 = vector.broadcast %add3A_362 : f32 to vector<16xf32>
    %add3A_364 = arith.addf %add3A_363, %exp3A_361 : vector<16xf32>
    %div3A_365 = arith.constant 1.000000e+00 : f32
    %div3A_366 = vector.broadcast %div3A_365 : f32 to vector<16xf32>
    %div3A_367 = arith.divf %div3A_366, %add3A_364 : vector<16xf32>
    %swap3A_368 = arith.constant 160 : index
    %swap3A_369 = tpu.vector_load %arg10[%swap3A_368] {strides = array<i32>} : memref<1024xf32, #tpu.memory_space<vmem>>, vector<16xf32>,
    tpu.vector_store %arg10[%swap3A_368], %div3A_367 {strides = array<i32>} : memref<1024xf32, #tpu.memory_space<vmem>>, vector<16xf32>,
    %get3A_370 = arith.constant 1 : i32
    %get3A_371 = arith.index_cast %get3A_370 : i32 to index
    %get3A_372 = arith.constant 416 : index
    %get3A_373 = tpu.vector_load %arg7[%get3A_371, %get3A_372] {strides = array<i32>} : memref<8x512xf32, #tpu.memory_space<vmem>>, vector<16xf32>,
    %swap3A_374 = arith.constant 160 : index
    %swap3A_375 = tpu.vector_load %arg11[%swap3A_374] {strides = array<i32>} : memref<1024xf32, #tpu.memory_space<vmem>>, vector<16xf32>,
    tpu.vector_store %arg11[%swap3A_374], %get3A_373 {strides = array<i32>} : memref<1024xf32, #tpu.memory_space<vmem>>, vector<16xf32>,
    %get3A_376 = arith.constant 1 : i32
    %get3A_377 = arith.index_cast %get3A_376 : i32 to index
    %get3A_378 = arith.constant 48 : index
    %get3A_379 = tpu.vector_load %arg7[%get3A_377, %get3A_378] {strides = array<i32>} : memref<8x512xf32, #tpu.memory_space<vmem>>, vector<16xf32>,
    %swap3A_380 = arith.constant 176 : index
    %swap3A_381 = tpu.vector_load %arg8[%swap3A_380] {strides = array<i32>} : memref<1024xf32, #tpu.memory_space<vmem>>, vector<16xf32>,
    tpu.vector_store %arg8[%swap3A_380], %get3A_379 {strides = array<i32>} : memref<1024xf32, #tpu.memory_space<vmem>>, vector<16xf32>,
    %get3A_382 = arith.constant 1 : i32
    %get3A_383 = arith.index_cast %get3A_382 : i32 to index
    %get3A_384 = arith.constant 176 : index
    %get3A_385 = tpu.vector_load %arg7[%get3A_383, %get3A_384] {strides = array<i32>} : memref<8x512xf32, #tpu.memory_space<vmem>>, vector<16xf32>,
    %swap3A_386 = arith.constant 176 : index
    %swap3A_387 = tpu.vector_load %arg9[%swap3A_386] {strides = array<i32>} : memref<1024xf32, #tpu.memory_space<vmem>>, vector<16xf32>,
    tpu.vector_store %arg9[%swap3A_386], %get3A_385 {strides = array<i32>} : memref<1024xf32, #tpu.memory_space<vmem>>, vector<16xf32>,
    %get3A_388 = arith.constant 1 : i32
    %get3A_389 = arith.index_cast %get3A_388 : i32 to index
    %get3A_390 = arith.constant 304 : index
    %get3A_391 = tpu.vector_load %arg7[%get3A_389, %get3A_390] {strides = array<i32>} : memref<8x512xf32, #tpu.memory_space<vmem>>, vector<16xf32>,
    %neg3A_392 = arith.constant 0.000000e+00 : f32
    %neg3A_393 = vector.broadcast %neg3A_392 : f32 to vector<16xf32>
    %neg3A_394 = arith.subf %neg3A_393, %get3A_391 : vector<16xf32>
    %exp3A_395 = math.exp %neg3A_394 : vector<16xf32>
    %add3A_396 = arith.constant 1.000000e+00 : f32
    %add3A_397 = vector.broadcast %add3A_396 : f32 to vector<16xf32>
    %add3A_398 = arith.addf %add3A_397, %exp3A_395 : vector<16xf32>
    %div3A_399 = arith.constant 1.000000e+00 : f32
    %div3A_400 = vector.broadcast %div3A_399 : f32 to vector<16xf32>
    %div3A_401 = arith.divf %div3A_400, %add3A_398 : vector<16xf32>
    %swap3A_402 = arith.constant 176 : index
    %swap3A_403 = tpu.vector_load %arg10[%swap3A_402] {strides = array<i32>} : memref<1024xf32, #tpu.memory_space<vmem>>, vector<16xf32>,
    tpu.vector_store %arg10[%swap3A_402], %div3A_401 {strides = array<i32>} : memref<1024xf32, #tpu.memory_space<vmem>>, vector<16xf32>,
    %get3A_404 = arith.constant 1 : i32
    %get3A_405 = arith.index_cast %get3A_404 : i32 to index
    %get3A_406 = arith.constant 432 : index
    %get3A_407 = tpu.vector_load %arg7[%get3A_405, %get3A_406] {strides = array<i32>} : memref<8x512xf32, #tpu.memory_space<vmem>>, vector<16xf32>,
    %swap3A_408 = arith.constant 176 : index
    %swap3A_409 = tpu.vector_load %arg11[%swap3A_408] {strides = array<i32>} : memref<1024xf32, #tpu.memory_space<vmem>>, vector<16xf32>,
    tpu.vector_store %arg11[%swap3A_408], %get3A_407 {strides = array<i32>} : memref<1024xf32, #tpu.memory_space<vmem>>, vector<16xf32>,
    %get3A_410 = arith.constant 1 : i32
    %get3A_411 = arith.index_cast %get3A_410 : i32 to index
    %get3A_412 = arith.constant 64 : index
    %get3A_413 = tpu.vector_load %arg7[%get3A_411, %get3A_412] {strides = array<i32>} : memref<8x512xf32, #tpu.memory_space<vmem>>, vector<16xf32>,
    %swap3A_414 = arith.constant 192 : index
    %swap3A_415 = tpu.vector_load %arg8[%swap3A_414] {strides = array<i32>} : memref<1024xf32, #tpu.memory_space<vmem>>, vector<16xf32>,
    tpu.vector_store %arg8[%swap3A_414], %get3A_413 {strides = array<i32>} : memref<1024xf32, #tpu.memory_space<vmem>>, vector<16xf32>,
    %get3A_416 = arith.constant 1 : i32
    %get3A_417 = arith.index_cast %get3A_416 : i32 to index
    %get3A_418 = arith.constant 192 : index
    %get3A_419 = tpu.vector_load %arg7[%get3A_417, %get3A_418] {strides = array<i32>} : memref<8x512xf32, #tpu.memory_space<vmem>>, vector<16xf32>,
    %swap3A_420 = arith.constant 192 : index
    %swap3A_421 = tpu.vector_load %arg9[%swap3A_420] {strides = array<i32>} : memref<1024xf32, #tpu.memory_space<vmem>>, vector<16xf32>,
    tpu.vector_store %arg9[%swap3A_420], %get3A_419 {strides = array<i32>} : memref<1024xf32, #tpu.memory_space<vmem>>, vector<16xf32>,
    %get3A_422 = arith.constant 1 : i32
    %get3A_423 = arith.index_cast %get3A_422 : i32 to index
    %get3A_424 = arith.constant 320 : index
    %get3A_425 = tpu.vector_load %arg7[%get3A_423, %get3A_424] {strides = array<i32>} : memref<8x512xf32, #tpu.memory_space<vmem>>, vector<16xf32>,
    %neg3A_426 = arith.constant 0.000000e+00 : f32
    %neg3A_427 = vector.broadcast %neg3A_426 : f32 to vector<16xf32>
    %neg3A_428 = arith.subf %neg3A_427, %get3A_425 : vector<16xf32>
    %exp3A_429 = math.exp %neg3A_428 : vector<16xf32>
    %add3A_430 = arith.constant 1.000000e+00 : f32
    %add3A_431 = vector.broadcast %add3A_430 : f32 to vector<16xf32>
    %add3A_432 = arith.addf %add3A_431, %exp3A_429 : vector<16xf32>
    %div3A_433 = arith.constant 1.000000e+00 : f32
    %div3A_434 = vector.broadcast %div3A_433 : f32 to vector<16xf32>
    %div3A_435 = arith.divf %div3A_434, %add3A_432 : vector<16xf32>
    %swap3A_436 = arith.constant 192 : index
    %swap3A_437 = tpu.vector_load %arg10[%swap3A_436] {strides = array<i32>} : memref<1024xf32, #tpu.memory_space<vmem>>, vector<16xf32>,
    tpu.vector_store %arg10[%swap3A_436], %div3A_435 {strides = array<i32>} : memref<1024xf32, #tpu.memory_space<vmem>>, vector<16xf32>,
    %get3A_438 = arith.constant 1 : i32
    %get3A_439 = arith.index_cast %get3A_438 : i32 to index
    %get3A_440 = arith.constant 448 : index
    %get3A_441 = tpu.vector_load %arg7[%get3A_439, %get3A_440] {strides = array<i32>} : memref<8x512xf32, #tpu.memory_space<vmem>>, vector<16xf32>,
    %swap3A_442 = arith.constant 192 : index
    %swap3A_443 = tpu.vector_load %arg11[%swap3A_442] {strides = array<i32>} : memref<1024xf32, #tpu.memory_space<vmem>>, vector<16xf32>,
    tpu.vector_store %arg11[%swap3A_442], %get3A_441 {strides = array<i32>} : memref<1024xf32, #tpu.memory_space<vmem>>, vector<16xf32>,
    %get3A_444 = arith.constant 1 : i32
    %get3A_445 = arith.index_cast %get3A_444 : i32 to index
    %get3A_446 = arith.constant 80 : index
    %get3A_447 = tpu.vector_load %arg7[%get3A_445, %get3A_446] {strides = array<i32>} : memref<8x512xf32, #tpu.memory_space<vmem>>, vector<16xf32>,
    %swap3A_448 = arith.constant 208 : index
    %swap3A_449 = tpu.vector_load %arg8[%swap3A_448] {strides = array<i32>} : memref<1024xf32, #tpu.memory_space<vmem>>, vector<16xf32>,
    tpu.vector_store %arg8[%swap3A_448], %get3A_447 {strides = array<i32>} : memref<1024xf32, #tpu.memory_space<vmem>>, vector<16xf32>,
    %get3A_450 = arith.constant 1 : i32
    %get3A_451 = arith.index_cast %get3A_450 : i32 to index
    %get3A_452 = arith.constant 208 : index
    %get3A_453 = tpu.vector_load %arg7[%get3A_451, %get3A_452] {strides = array<i32>} : memref<8x512xf32, #tpu.memory_space<vmem>>, vector<16xf32>,
    %swap3A_454 = arith.constant 208 : index
    %swap3A_455 = tpu.vector_load %arg9[%swap3A_454] {strides = array<i32>} : memref<1024xf32, #tpu.memory_space<vmem>>, vector<16xf32>,
    tpu.vector_store %arg9[%swap3A_454], %get3A_453 {strides = array<i32>} : memref<1024xf32, #tpu.memory_space<vmem>>, vector<16xf32>,
    %get3A_456 = arith.constant 1 : i32
    %get3A_457 = arith.index_cast %get3A_456 : i32 to index
    %get3A_458 = arith.constant 336 : index
    %get3A_459 = tpu.vector_load %arg7[%get3A_457, %get3A_458] {strides = array<i32>} : memref<8x512xf32, #tpu.memory_space<vmem>>, vector<16xf32>,
    %neg3A_460 = arith.constant 0.000000e+00 : f32
    %neg3A_461 = vector.broadcast %neg3A_460 : f32 to vector<16xf32>
    %neg3A_462 = arith.subf %neg3A_461, %get3A_459 : vector<16xf32>
    %exp3A_463 = math.exp %neg3A_462 : vector<16xf32>
    %add3A_464 = arith.constant 1.000000e+00 : f32
    %add3A_465 = vector.broadcast %add3A_464 : f32 to vector<16xf32>
    %add3A_466 = arith.addf %add3A_465, %exp3A_463 : vector<16xf32>
    %div3A_467 = arith.constant 1.000000e+00 : f32
    %div3A_468 = vector.broadcast %div3A_467 : f32 to vector<16xf32>
    %div3A_469 = arith.divf %div3A_468, %add3A_466 : vector<16xf32>
    %swap3A_470 = arith.constant 208 : index
    %swap3A_471 = tpu.vector_load %arg10[%swap3A_470] {strides = array<i32>} : memref<1024xf32, #tpu.memory_space<vmem>>, vector<16xf32>,
    tpu.vector_store %arg10[%swap3A_470], %div3A_469 {strides = array<i32>} : memref<1024xf32, #tpu.memory_space<vmem>>, vector<16xf32>,
    %get3A_472 = arith.constant 1 : i32
    %get3A_473 = arith.index_cast %get3A_472 : i32 to index
    %get3A_474 = arith.constant 464 : index
    %get3A_475 = tpu.vector_load %arg7[%get3A_473, %get3A_474] {strides = array<i32>} : memref<8x512xf32, #tpu.memory_space<vmem>>, vector<16xf32>,
    %swap3A_476 = arith.constant 208 : index
    %swap3A_477 = tpu.vector_load %arg11[%swap3A_476] {strides = array<i32>} : memref<1024xf32, #tpu.memory_space<vmem>>, vector<16xf32>,
    tpu.vector_store %arg11[%swap3A_476], %get3A_475 {strides = array<i32>} : memref<1024xf32, #tpu.memory_space<vmem>>, vector<16xf32>,
    %get3A_478 = arith.constant 1 : i32
    %get3A_479 = arith.index_cast %get3A_478 : i32 to index
    %get3A_480 = arith.constant 96 : index
    %get3A_481 = tpu.vector_load %arg7[%get3A_479, %get3A_480] {strides = array<i32>} : memref<8x512xf32, #tpu.memory_space<vmem>>, vector<16xf32>,
    %swap3A_482 = arith.constant 224 : index
    %swap3A_483 = tpu.vector_load %arg8[%swap3A_482] {strides = array<i32>} : memref<1024xf32, #tpu.memory_space<vmem>>, vector<16xf32>,
    tpu.vector_store %arg8[%swap3A_482], %get3A_481 {strides = array<i32>} : memref<1024xf32, #tpu.memory_space<vmem>>, vector<16xf32>,
    %get3A_484 = arith.constant 1 : i32
    %get3A_485 = arith.index_cast %get3A_484 : i32 to index
    %get3A_486 = arith.constant 224 : index
    %get3A_487 = tpu.vector_load %arg7[%get3A_485, %get3A_486] {strides = array<i32>} : memref<8x512xf32, #tpu.memory_space<vmem>>, vector<16xf32>,
    %swap3A_488 = arith.constant 224 : index
    %swap3A_489 = tpu.vector_load %arg9[%swap3A_488] {strides = array<i32>} : memref<1024xf32, #tpu.memory_space<vmem>>, vector<16xf32>,
    tpu.vector_store %arg9[%swap3A_488], %get3A_487 {strides = array<i32>} : memref<1024xf32, #tpu.memory_space<vmem>>, vector<16xf32>,
    %get3A_490 = arith.constant 1 : i32
    %get3A_491 = arith.index_cast %get3A_490 : i32 to index
    %get3A_492 = arith.constant 352 : index
    %get3A_493 = tpu.vector_load %arg7[%get3A_491, %get3A_492] {strides = array<i32>} : memref<8x512xf32, #tpu.memory_space<vmem>>, vector<16xf32>,
    %neg3A_494 = arith.constant 0.000000e+00 : f32
    %neg3A_495 = vector.broadcast %neg3A_494 : f32 to vector<16xf32>
    %neg3A_496 = arith.subf %neg3A_495, %get3A_493 : vector<16xf32>
    %exp3A_497 = math.exp %neg3A_496 : vector<16xf32>
    %add3A_498 = arith.constant 1.000000e+00 : f32
    %add3A_499 = vector.broadcast %add3A_498 : f32 to vector<16xf32>
    %add3A_500 = arith.addf %add3A_499, %exp3A_497 : vector<16xf32>
    %div3A_501 = arith.constant 1.000000e+00 : f32
    %div3A_502 = vector.broadcast %div3A_501 : f32 to vector<16xf32>
    %div3A_503 = arith.divf %div3A_502, %add3A_500 : vector<16xf32>
    %swap3A_504 = arith.constant 224 : index
    %swap3A_505 = tpu.vector_load %arg10[%swap3A_504] {strides = array<i32>} : memref<1024xf32, #tpu.memory_space<vmem>>, vector<16xf32>,
    tpu.vector_store %arg10[%swap3A_504], %div3A_503 {strides = array<i32>} : memref<1024xf32, #tpu.memory_space<vmem>>, vector<16xf32>,
    %get3A_506 = arith.constant 1 : i32
    %get3A_507 = arith.index_cast %get3A_506 : i32 to index
    %get3A_508 = arith.constant 480 : index
    %get3A_509 = tpu.vector_load %arg7[%get3A_507, %get3A_508] {strides = array<i32>} : memref<8x512xf32, #tpu.memory_space<vmem>>, vector<16xf32>,
    %swap3A_510 = arith.constant 224 : index
    %swap3A_511 = tpu.vector_load %arg11[%swap3A_510] {strides = array<i32>} : memref<1024xf32, #tpu.memory_space<vmem>>, vector<16xf32>,
    tpu.vector_store %arg11[%swap3A_510], %get3A_509 {strides = array<i32>} : memref<1024xf32, #tpu.memory_space<vmem>>, vector<16xf32>,
    %get3A_512 = arith.constant 1 : i32
    %get3A_513 = arith.index_cast %get3A_512 : i32 to index
    %get3A_514 = arith.constant 112 : index
    %get3A_515 = tpu.vector_load %arg7[%get3A_513, %get3A_514] {strides = array<i32>} : memref<8x512xf32, #tpu.memory_space<vmem>>, vector<16xf32>,
    %swap3A_516 = arith.constant 240 : index
    %swap3A_517 = tpu.vector_load %arg8[%swap3A_516] {strides = array<i32>} : memref<1024xf32, #tpu.memory_space<vmem>>, vector<16xf32>,
    tpu.vector_store %arg8[%swap3A_516], %get3A_515 {strides = array<i32>} : memref<1024xf32, #tpu.memory_space<vmem>>, vector<16xf32>,
    %get3A_518 = arith.constant 1 : i32
    %get3A_519 = arith.index_cast %get3A_518 : i32 to index
    %get3A_520 = arith.constant 240 : index
    %get3A_521 = tpu.vector_load %arg7[%get3A_519, %get3A_520] {strides = array<i32>} : memref<8x512xf32, #tpu.memory_space<vmem>>, vector<16xf32>,
    %swap3A_522 = arith.constant 240 : index
    %swap3A_523 = tpu.vector_load %arg9[%swap3A_522] {strides = array<i32>} : memref<1024xf32, #tpu.memory_space<vmem>>, vector<16xf32>,
    tpu.vector_store %arg9[%swap3A_522], %get3A_521 {strides = array<i32>} : memref<1024xf32, #tpu.memory_space<vmem>>, vector<16xf32>,
    %get3A_524 = arith.constant 1 : i32
    %get3A_525 = arith.index_cast %get3A_524 : i32 to index
    %get3A_526 = arith.constant 368 : index
    %get3A_527 = tpu.vector_load %arg7[%get3A_525, %get3A_526] {strides = array<i32>} : memref<8x512xf32, #tpu.memory_space<vmem>>, vector<16xf32>,
    %neg3A_528 = arith.constant 0.000000e+00 : f32
    %neg3A_529 = vector.broadcast %neg3A_528 : f32 to vector<16xf32>
    %neg3A_530 = arith.subf %neg3A_529, %get3A_527 : vector<16xf32>
    %exp3A_531 = math.exp %neg3A_530 : vector<16xf32>
    %add3A_532 = arith.constant 1.000000e+00 : f32
    %add3A_533 = vector.broadcast %add3A_532 : f32 to vector<16xf32>
    %add3A_534 = arith.addf %add3A_533, %exp3A_531 : vector<16xf32>
    %div3A_535 = arith.constant 1.000000e+00 : f32
    %div3A_536 = vector.broadcast %div3A_535 : f32 to vector<16xf32>
    %div3A_537 = arith.divf %div3A_536, %add3A_534 : vector<16xf32>
    %swap3A_538 = arith.constant 240 : index
    %swap3A_539 = tpu.vector_load %arg10[%swap3A_538] {strides = array<i32>} : memref<1024xf32, #tpu.memory_space<vmem>>, vector<16xf32>,
    tpu.vector_store %arg10[%swap3A_538], %div3A_537 {strides = array<i32>} : memref<1024xf32, #tpu.memory_space<vmem>>, vector<16xf32>,
    %get3A_540 = arith.constant 1 : i32
    %get3A_541 = arith.index_cast %get3A_540 : i32 to index
    %get3A_542 = arith.constant 496 : index
    %get3A_543 = tpu.vector_load %arg7[%get3A_541, %get3A_542] {strides = array<i32>} : memref<8x512xf32, #tpu.memory_space<vmem>>, vector<16xf32>,
    %swap3A_544 = arith.constant 240 : index
    %swap3A_545 = tpu.vector_load %arg11[%swap3A_544] {strides = array<i32>} : memref<1024xf32, #tpu.memory_space<vmem>>, vector<16xf32>,
    tpu.vector_store %arg11[%swap3A_544], %get3A_543 {strides = array<i32>} : memref<1024xf32, #tpu.memory_space<vmem>>, vector<16xf32>,
    %get3A_546 = arith.constant 2 : i32
    %get3A_547 = arith.index_cast %get3A_546 : i32 to index
    %get3A_548 = arith.constant 0 : index
    %get3A_549 = tpu.vector_load %arg7[%get3A_547, %get3A_548] {strides = array<i32>} : memref<8x512xf32, #tpu.memory_space<vmem>>, vector<16xf32>,
    %swap3A_550 = arith.constant 256 : index
    %swap3A_551 = tpu.vector_load %arg8[%swap3A_550] {strides = array<i32>} : memref<1024xf32, #tpu.memory_space<vmem>>, vector<16xf32>,
    tpu.vector_store %arg8[%swap3A_550], %get3A_549 {strides = array<i32>} : memref<1024xf32, #tpu.memory_space<vmem>>, vector<16xf32>,
    %get3A_552 = arith.constant 2 : i32
    %get3A_553 = arith.index_cast %get3A_552 : i32 to index
    %get3A_554 = arith.constant 128 : index
    %get3A_555 = tpu.vector_load %arg7[%get3A_553, %get3A_554] {strides = array<i32>} : memref<8x512xf32, #tpu.memory_space<vmem>>, vector<16xf32>,
    %swap3A_556 = arith.constant 256 : index
    %swap3A_557 = tpu.vector_load %arg9[%swap3A_556] {strides = array<i32>} : memref<1024xf32, #tpu.memory_space<vmem>>, vector<16xf32>,
    tpu.vector_store %arg9[%swap3A_556], %get3A_555 {strides = array<i32>} : memref<1024xf32, #tpu.memory_space<vmem>>, vector<16xf32>,
    %get3A_558 = arith.constant 2 : i32
    %get3A_559 = arith.index_cast %get3A_558 : i32 to index
    %get3A_560 = arith.constant 256 : index
    %get3A_561 = tpu.vector_load %arg7[%get3A_559, %get3A_560] {strides = array<i32>} : memref<8x512xf32, #tpu.memory_space<vmem>>, vector<16xf32>,
    %neg3A_562 = arith.constant 0.000000e+00 : f32
    %neg3A_563 = vector.broadcast %neg3A_562 : f32 to vector<16xf32>
    %neg3A_564 = arith.subf %neg3A_563, %get3A_561 : vector<16xf32>
    %exp3A_565 = math.exp %neg3A_564 : vector<16xf32>
    %add3A_566 = arith.constant 1.000000e+00 : f32
    %add3A_567 = vector.broadcast %add3A_566 : f32 to vector<16xf32>
    %add3A_568 = arith.addf %add3A_567, %exp3A_565 : vector<16xf32>
    %div3A_569 = arith.constant 1.000000e+00 : f32
    %div3A_570 = vector.broadcast %div3A_569 : f32 to vector<16xf32>
    %div3A_571 = arith.divf %div3A_570, %add3A_568 : vector<16xf32>
    %swap3A_572 = arith.constant 256 : index
    %swap3A_573 = tpu.vector_load %arg10[%swap3A_572] {strides = array<i32>} : memref<1024xf32, #tpu.memory_space<vmem>>, vector<16xf32>,
    tpu.vector_store %arg10[%swap3A_572], %div3A_571 {strides = array<i32>} : memref<1024xf32, #tpu.memory_space<vmem>>, vector<16xf32>,
    %get3A_574 = arith.constant 2 : i32
    %get3A_575 = arith.index_cast %get3A_574 : i32 to index
    %get3A_576 = arith.constant 384 : index
    %get3A_577 = tpu.vector_load %arg7[%get3A_575, %get3A_576] {strides = array<i32>} : memref<8x512xf32, #tpu.memory_space<vmem>>, vector<16xf32>,
    %swap3A_578 = arith.constant 256 : index
    %swap3A_579 = tpu.vector_load %arg11[%swap3A_578] {strides = array<i32>} : memref<1024xf32, #tpu.memory_space<vmem>>, vector<16xf32>,
    tpu.vector_store %arg11[%swap3A_578], %get3A_577 {strides = array<i32>} : memref<1024xf32, #tpu.memory_space<vmem>>, vector<16xf32>,
    %get3A_580 = arith.constant 2 : i32
    %get3A_581 = arith.index_cast %get3A_580 : i32 to index
    %get3A_582 = arith.constant 16 : index
    %get3A_583 = tpu.vector_load %arg7[%get3A_581, %get3A_582] {strides = array<i32>} : memref<8x512xf32, #tpu.memory_space<vmem>>, vector<16xf32>,
    %swap3A_584 = arith.constant 272 : index
    %swap3A_585 = tpu.vector_load %arg8[%swap3A_584] {strides = array<i32>} : memref<1024xf32, #tpu.memory_space<vmem>>, vector<16xf32>,
    tpu.vector_store %arg8[%swap3A_584], %get3A_583 {strides = array<i32>} : memref<1024xf32, #tpu.memory_space<vmem>>, vector<16xf32>,
    %get3A_586 = arith.constant 2 : i32
    %get3A_587 = arith.index_cast %get3A_586 : i32 to index
    %get3A_588 = arith.constant 144 : index
    %get3A_589 = tpu.vector_load %arg7[%get3A_587, %get3A_588] {strides = array<i32>} : memref<8x512xf32, #tpu.memory_space<vmem>>, vector<16xf32>,
    %swap3A_590 = arith.constant 272 : index
    %swap3A_591 = tpu.vector_load %arg9[%swap3A_590] {strides = array<i32>} : memref<1024xf32, #tpu.memory_space<vmem>>, vector<16xf32>,
    tpu.vector_store %arg9[%swap3A_590], %get3A_589 {strides = array<i32>} : memref<1024xf32, #tpu.memory_space<vmem>>, vector<16xf32>,
    %get3A_592 = arith.constant 2 : i32
    %get3A_593 = arith.index_cast %get3A_592 : i32 to index
    %get3A_594 = arith.constant 272 : index
    %get3A_595 = tpu.vector_load %arg7[%get3A_593, %get3A_594] {strides = array<i32>} : memref<8x512xf32, #tpu.memory_space<vmem>>, vector<16xf32>,
    %neg3A_596 = arith.constant 0.000000e+00 : f32
    %neg3A_597 = vector.broadcast %neg3A_596 : f32 to vector<16xf32>
    %neg3A_598 = arith.subf %neg3A_597, %get3A_595 : vector<16xf32>
    %exp3A_599 = math.exp %neg3A_598 : vector<16xf32>
    %add3A_600 = arith.constant 1.000000e+00 : f32
    %add3A_601 = vector.broadcast %add3A_600 : f32 to vector<16xf32>
    %add3A_602 = arith.addf %add3A_601, %exp3A_599 : vector<16xf32>
    %div3A_603 = arith.constant 1.000000e+00 : f32
    %div3A_604 = vector.broadcast %div3A_603 : f32 to vector<16xf32>
    %div3A_605 = arith.divf %div3A_604, %add3A_602 : vector<16xf32>
    %swap3A_606 = arith.constant 272 : index
    %swap3A_607 = tpu.vector_load %arg10[%swap3A_606] {strides = array<i32>} : memref<1024xf32, #tpu.memory_space<vmem>>, vector<16xf32>,
    tpu.vector_store %arg10[%swap3A_606], %div3A_605 {strides = array<i32>} : memref<1024xf32, #tpu.memory_space<vmem>>, vector<16xf32>,
    %get3A_608 = arith.constant 2 : i32
    %get3A_609 = arith.index_cast %get3A_608 : i32 to index
    %get3A_610 = arith.constant 400 : index
    %get3A_611 = tpu.vector_load %arg7[%get3A_609, %get3A_610] {strides = array<i32>} : memref<8x512xf32, #tpu.memory_space<vmem>>, vector<16xf32>,
    %swap3A_612 = arith.constant 272 : index
    %swap3A_613 = tpu.vector_load %arg11[%swap3A_612] {strides = array<i32>} : memref<1024xf32, #tpu.memory_space<vmem>>, vector<16xf32>,
    tpu.vector_store %arg11[%swap3A_612], %get3A_611 {strides = array<i32>} : memref<1024xf32, #tpu.memory_space<vmem>>, vector<16xf32>,
    %get3A_614 = arith.constant 2 : i32
    %get3A_615 = arith.index_cast %get3A_614 : i32 to index
    %get3A_616 = arith.constant 32 : index
    %get3A_617 = tpu.vector_load %arg7[%get3A_615, %get3A_616] {strides = array<i32>} : memref<8x512xf32, #tpu.memory_space<vmem>>, vector<16xf32>,
    %swap3A_618 = arith.constant 288 : index
    %swap3A_619 = tpu.vector_load %arg8[%swap3A_618] {strides = array<i32>} : memref<1024xf32, #tpu.memory_space<vmem>>, vector<16xf32>,
    tpu.vector_store %arg8[%swap3A_618], %get3A_617 {strides = array<i32>} : memref<1024xf32, #tpu.memory_space<vmem>>, vector<16xf32>,
    %get3A_620 = arith.constant 2 : i32
    %get3A_621 = arith.index_cast %get3A_620 : i32 to index
    %get3A_622 = arith.constant 160 : index
    %get3A_623 = tpu.vector_load %arg7[%get3A_621, %get3A_622] {strides = array<i32>} : memref<8x512xf32, #tpu.memory_space<vmem>>, vector<16xf32>,
    %swap3A_624 = arith.constant 288 : index
    %swap3A_625 = tpu.vector_load %arg9[%swap3A_624] {strides = array<i32>} : memref<1024xf32, #tpu.memory_space<vmem>>, vector<16xf32>,
    tpu.vector_store %arg9[%swap3A_624], %get3A_623 {strides = array<i32>} : memref<1024xf32, #tpu.memory_space<vmem>>, vector<16xf32>,
    %get3A_626 = arith.constant 2 : i32
    %get3A_627 = arith.index_cast %get3A_626 : i32 to index
    %get3A_628 = arith.constant 288 : index
    %get3A_629 = tpu.vector_load %arg7[%get3A_627, %get3A_628] {strides = array<i32>} : memref<8x512xf32, #tpu.memory_space<vmem>>, vector<16xf32>,
    %neg3A_630 = arith.constant 0.000000e+00 : f32
    %neg3A_631 = vector.broadcast %neg3A_630 : f32 to vector<16xf32>
    %neg3A_632 = arith.subf %neg3A_631, %get3A_629 : vector<16xf32>
    %exp3A_633 = math.exp %neg3A_632 : vector<16xf32>
    %add3A_634 = arith.constant 1.000000e+00 : f32
    %add3A_635 = vector.broadcast %add3A_634 : f32 to vector<16xf32>
    %add3A_636 = arith.addf %add3A_635, %exp3A_633 : vector<16xf32>
    %div3A_637 = arith.constant 1.000000e+00 : f32
    %div3A_638 = vector.broadcast %div3A_637 : f32 to vector<16xf32>
    %div3A_639 = arith.divf %div3A_638, %add3A_636 : vector<16xf32>
    %swap3A_640 = arith.constant 288 : index
    %swap3A_641 = tpu.vector_load %arg10[%swap3A_640] {strides = array<i32>} : memref<1024xf32, #tpu.memory_space<vmem>>, vector<16xf32>,
    tpu.vector_store %arg10[%swap3A_640], %div3A_639 {strides = array<i32>} : memref<1024xf32, #tpu.memory_space<vmem>>, vector<16xf32>,
    %get3A_642 = arith.constant 2 : i32
    %get3A_643 = arith.index_cast %get3A_642 : i32 to index
    %get3A_644 = arith.constant 416 : index
    %get3A_645 = tpu.vector_load %arg7[%get3A_643, %get3A_644] {strides = array<i32>} : memref<8x512xf32, #tpu.memory_space<vmem>>, vector<16xf32>,
    %swap3A_646 = arith.constant 288 : index
    %swap3A_647 = tpu.vector_load %arg11[%swap3A_646] {strides = array<i32>} : memref<1024xf32, #tpu.memory_space<vmem>>, vector<16xf32>,
    tpu.vector_store %arg11[%swap3A_646], %get3A_645 {strides = array<i32>} : memref<1024xf32, #tpu.memory_space<vmem>>, vector<16xf32>,
    %get3A_648 = arith.constant 2 : i32
    %get3A_649 = arith.index_cast %get3A_648 : i32 to index
    %get3A_650 = arith.constant 48 : index
    %get3A_651 = tpu.vector_load %arg7[%get3A_649, %get3A_650] {strides = array<i32>} : memref<8x512xf32, #tpu.memory_space<vmem>>, vector<16xf32>,
    %swap3A_652 = arith.constant 304 : index
    %swap3A_653 = tpu.vector_load %arg8[%swap3A_652] {strides = array<i32>} : memref<1024xf32, #tpu.memory_space<vmem>>, vector<16xf32>,
    tpu.vector_store %arg8[%swap3A_652], %get3A_651 {strides = array<i32>} : memref<1024xf32, #tpu.memory_space<vmem>>, vector<16xf32>,
    %get3A_654 = arith.constant 2 : i32
    %get3A_655 = arith.index_cast %get3A_654 : i32 to index
    %get3A_656 = arith.constant 176 : index
    %get3A_657 = tpu.vector_load %arg7[%get3A_655, %get3A_656] {strides = array<i32>} : memref<8x512xf32, #tpu.memory_space<vmem>>, vector<16xf32>,
    %swap3A_658 = arith.constant 304 : index
    %swap3A_659 = tpu.vector_load %arg9[%swap3A_658] {strides = array<i32>} : memref<1024xf32, #tpu.memory_space<vmem>>, vector<16xf32>,
    tpu.vector_store %arg9[%swap3A_658], %get3A_657 {strides = array<i32>} : memref<1024xf32, #tpu.memory_space<vmem>>, vector<16xf32>,
    %get3A_660 = arith.constant 2 : i32
    %get3A_661 = arith.index_cast %get3A_660 : i32 to index
    %get3A_662 = arith.constant 304 : index
    %get3A_663 = tpu.vector_load %arg7[%get3A_661, %get3A_662] {strides = array<i32>} : memref<8x512xf32, #tpu.memory_space<vmem>>, vector<16xf32>,
    %neg3A_664 = arith.constant 0.000000e+00 : f32
    %neg3A_665 = vector.broadcast %neg3A_664 : f32 to vector<16xf32>
    %neg3A_666 = arith.subf %neg3A_665, %get3A_663 : vector<16xf32>
    %exp3A_667 = math.exp %neg3A_666 : vector<16xf32>
    %add3A_668 = arith.constant 1.000000e+00 : f32
    %add3A_669 = vector.broadcast %add3A_668 : f32 to vector<16xf32>
    %add3A_670 = arith.addf %add3A_669, %exp3A_667 : vector<16xf32>
    %div3A_671 = arith.constant 1.000000e+00 : f32
    %div3A_672 = vector.broadcast %div3A_671 : f32 to vector<16xf32>
    %div3A_673 = arith.divf %div3A_672, %add3A_670 : vector<16xf32>
    %swap3A_674 = arith.constant 304 : index
    %swap3A_675 = tpu.vector_load %arg10[%swap3A_674] {strides = array<i32>} : memref<1024xf32, #tpu.memory_space<vmem>>, vector<16xf32>,
    tpu.vector_store %arg10[%swap3A_674], %div3A_673 {strides = array<i32>} : memref<1024xf32, #tpu.memory_space<vmem>>, vector<16xf32>,
    %get3A_676 = arith.constant 2 : i32
    %get3A_677 = arith.index_cast %get3A_676 : i32 to index
    %get3A_678 = arith.constant 432 : index
    %get3A_679 = tpu.vector_load %arg7[%get3A_677, %get3A_678] {strides = array<i32>} : memref<8x512xf32, #tpu.memory_space<vmem>>, vector<16xf32>,
    %swap3A_680 = arith.constant 304 : index
    %swap3A_681 = tpu.vector_load %arg11[%swap3A_680] {strides = array<i32>} : memref<1024xf32, #tpu.memory_space<vmem>>, vector<16xf32>,
    tpu.vector_store %arg11[%swap3A_680], %get3A_679 {strides = array<i32>} : memref<1024xf32, #tpu.memory_space<vmem>>, vector<16xf32>,
    %get3A_682 = arith.constant 2 : i32
    %get3A_683 = arith.index_cast %get3A_682 : i32 to index
    %get3A_684 = arith.constant 64 : index
    %get3A_685 = tpu.vector_load %arg7[%get3A_683, %get3A_684] {strides = array<i32>} : memref<8x512xf32, #tpu.memory_space<vmem>>, vector<16xf32>,
    %swap3A_686 = arith.constant 320 : index
    %swap3A_687 = tpu.vector_load %arg8[%swap3A_686] {strides = array<i32>} : memref<1024xf32, #tpu.memory_space<vmem>>, vector<16xf32>,
    tpu.vector_store %arg8[%swap3A_686], %get3A_685 {strides = array<i32>} : memref<1024xf32, #tpu.memory_space<vmem>>, vector<16xf32>,
    %get3A_688 = arith.constant 2 : i32
    %get3A_689 = arith.index_cast %get3A_688 : i32 to index
    %get3A_690 = arith.constant 192 : index
    %get3A_691 = tpu.vector_load %arg7[%get3A_689, %get3A_690] {strides = array<i32>} : memref<8x512xf32, #tpu.memory_space<vmem>>, vector<16xf32>,
    %swap3A_692 = arith.constant 320 : index
    %swap3A_693 = tpu.vector_load %arg9[%swap3A_692] {strides = array<i32>} : memref<1024xf32, #tpu.memory_space<vmem>>, vector<16xf32>,
    tpu.vector_store %arg9[%swap3A_692], %get3A_691 {strides = array<i32>} : memref<1024xf32, #tpu.memory_space<vmem>>, vector<16xf32>,
    %get3A_694 = arith.constant 2 : i32
    %get3A_695 = arith.index_cast %get3A_694 : i32 to index
    %get3A_696 = arith.constant 320 : index
    %get3A_697 = tpu.vector_load %arg7[%get3A_695, %get3A_696] {strides = array<i32>} : memref<8x512xf32, #tpu.memory_space<vmem>>, vector<16xf32>,
    %neg3A_698 = arith.constant 0.000000e+00 : f32
    %neg3A_699 = vector.broadcast %neg3A_698 : f32 to vector<16xf32>
    %neg3A_700 = arith.subf %neg3A_699, %get3A_697 : vector<16xf32>
    %exp3A_701 = math.exp %neg3A_700 : vector<16xf32>
    %add3A_702 = arith.constant 1.000000e+00 : f32
    %add3A_703 = vector.broadcast %add3A_702 : f32 to vector<16xf32>
    %add3A_704 = arith.addf %add3A_703, %exp3A_701 : vector<16xf32>
    %div3A_705 = arith.constant 1.000000e+00 : f32
    %div3A_706 = vector.broadcast %div3A_705 : f32 to vector<16xf32>
    %div3A_707 = arith.divf %div3A_706, %add3A_704 : vector<16xf32>
    %swap3A_708 = arith.constant 320 : index
    %swap3A_709 = tpu.vector_load %arg10[%swap3A_708] {strides = array<i32>} : memref<1024xf32, #tpu.memory_space<vmem>>, vector<16xf32>,
    tpu.vector_store %arg10[%swap3A_708], %div3A_707 {strides = array<i32>} : memref<1024xf32, #tpu.memory_space<vmem>>, vector<16xf32>,
    %get3A_710 = arith.constant 2 : i32
    %get3A_711 = arith.index_cast %get3A_710 : i32 to index
    %get3A_712 = arith.constant 448 : index
    %get3A_713 = tpu.vector_load %arg7[%get3A_711, %get3A_712] {strides = array<i32>} : memref<8x512xf32, #tpu.memory_space<vmem>>, vector<16xf32>,
    %swap3A_714 = arith.constant 320 : index
    %swap3A_715 = tpu.vector_load %arg11[%swap3A_714] {strides = array<i32>} : memref<1024xf32, #tpu.memory_space<vmem>>, vector<16xf32>,
    tpu.vector_store %arg11[%swap3A_714], %get3A_713 {strides = array<i32>} : memref<1024xf32, #tpu.memory_space<vmem>>, vector<16xf32>,
    %get3A_716 = arith.constant 2 : i32
    %get3A_717 = arith.index_cast %get3A_716 : i32 to index
    %get3A_718 = arith.constant 80 : index
    %get3A_719 = tpu.vector_load %arg7[%get3A_717, %get3A_718] {strides = array<i32>} : memref<8x512xf32, #tpu.memory_space<vmem>>, vector<16xf32>,
    %swap3A_720 = arith.constant 336 : index
    %swap3A_721 = tpu.vector_load %arg8[%swap3A_720] {strides = array<i32>} : memref<1024xf32, #tpu.memory_space<vmem>>, vector<16xf32>,
    tpu.vector_store %arg8[%swap3A_720], %get3A_719 {strides = array<i32>} : memref<1024xf32, #tpu.memory_space<vmem>>, vector<16xf32>,
    %get3A_722 = arith.constant 2 : i32
    %get3A_723 = arith.index_cast %get3A_722 : i32 to index
    %get3A_724 = arith.constant 208 : index
    %get3A_725 = tpu.vector_load %arg7[%get3A_723, %get3A_724] {strides = array<i32>} : memref<8x512xf32, #tpu.memory_space<vmem>>, vector<16xf32>,
    %swap3A_726 = arith.constant 336 : index
    %swap3A_727 = tpu.vector_load %arg9[%swap3A_726] {strides = array<i32>} : memref<1024xf32, #tpu.memory_space<vmem>>, vector<16xf32>,
    tpu.vector_store %arg9[%swap3A_726], %get3A_725 {strides = array<i32>} : memref<1024xf32, #tpu.memory_space<vmem>>, vector<16xf32>,
    %get3A_728 = arith.constant 2 : i32
    %get3A_729 = arith.index_cast %get3A_728 : i32 to index
    %get3A_730 = arith.constant 336 : index
    %get3A_731 = tpu.vector_load %arg7[%get3A_729, %get3A_730] {strides = array<i32>} : memref<8x512xf32, #tpu.memory_space<vmem>>, vector<16xf32>,
    %neg3A_732 = arith.constant 0.000000e+00 : f32
    %neg3A_733 = vector.broadcast %neg3A_732 : f32 to vector<16xf32>
    %neg3A_734 = arith.subf %neg3A_733, %get3A_731 : vector<16xf32>
    %exp3A_735 = math.exp %neg3A_734 : vector<16xf32>
    %add3A_736 = arith.constant 1.000000e+00 : f32
    %add3A_737 = vector.broadcast %add3A_736 : f32 to vector<16xf32>
    %add3A_738 = arith.addf %add3A_737, %exp3A_735 : vector<16xf32>
    %div3A_739 = arith.constant 1.000000e+00 : f32
    %div3A_740 = vector.broadcast %div3A_739 : f32 to vector<16xf32>
    %div3A_741 = arith.divf %div3A_740, %add3A_738 : vector<16xf32>
    %swap3A_742 = arith.constant 336 : index
    %swap3A_743 = tpu.vector_load %arg10[%swap3A_742] {strides = array<i32>} : memref<1024xf32, #tpu.memory_space<vmem>>, vector<16xf32>,
    tpu.vector_store %arg10[%swap3A_742], %div3A_741 {strides = array<i32>} : memref<1024xf32, #tpu.memory_space<vmem>>, vector<16xf32>,
    %get3A_744 = arith.constant 2 : i32
    %get3A_745 = arith.index_cast %get3A_744 : i32 to index
    %get3A_746 = arith.constant 464 : index
    %get3A_747 = tpu.vector_load %arg7[%get3A_745, %get3A_746] {strides = array<i32>} : memref<8x512xf32, #tpu.memory_space<vmem>>, vector<16xf32>,
    %swap3A_748 = arith.constant 336 : index
    %swap3A_749 = tpu.vector_load %arg11[%swap3A_748] {strides = array<i32>} : memref<1024xf32, #tpu.memory_space<vmem>>, vector<16xf32>,
    tpu.vector_store %arg11[%swap3A_748], %get3A_747 {strides = array<i32>} : memref<1024xf32, #tpu.memory_space<vmem>>, vector<16xf32>,
    %get3A_750 = arith.constant 2 : i32
    %get3A_751 = arith.index_cast %get3A_750 : i32 to index
    %get3A_752 = arith.constant 96 : index
    %get3A_753 = tpu.vector_load %arg7[%get3A_751, %get3A_752] {strides = array<i32>} : memref<8x512xf32, #tpu.memory_space<vmem>>, vector<16xf32>,
    %swap3A_754 = arith.constant 352 : index
    %swap3A_755 = tpu.vector_load %arg8[%swap3A_754] {strides = array<i32>} : memref<1024xf32, #tpu.memory_space<vmem>>, vector<16xf32>,
    tpu.vector_store %arg8[%swap3A_754], %get3A_753 {strides = array<i32>} : memref<1024xf32, #tpu.memory_space<vmem>>, vector<16xf32>,
    %get3A_756 = arith.constant 2 : i32
    %get3A_757 = arith.index_cast %get3A_756 : i32 to index
    %get3A_758 = arith.constant 224 : index
    %get3A_759 = tpu.vector_load %arg7[%get3A_757, %get3A_758] {strides = array<i32>} : memref<8x512xf32, #tpu.memory_space<vmem>>, vector<16xf32>,
    %swap3A_760 = arith.constant 352 : index
    %swap3A_761 = tpu.vector_load %arg9[%swap3A_760] {strides = array<i32>} : memref<1024xf32, #tpu.memory_space<vmem>>, vector<16xf32>,
    tpu.vector_store %arg9[%swap3A_760], %get3A_759 {strides = array<i32>} : memref<1024xf32, #tpu.memory_space<vmem>>, vector<16xf32>,
    %get3A_762 = arith.constant 2 : i32
    %get3A_763 = arith.index_cast %get3A_762 : i32 to index
    %get3A_764 = arith.constant 352 : index
    %get3A_765 = tpu.vector_load %arg7[%get3A_763, %get3A_764] {strides = array<i32>} : memref<8x512xf32, #tpu.memory_space<vmem>>, vector<16xf32>,
    %neg3A_766 = arith.constant 0.000000e+00 : f32
    %neg3A_767 = vector.broadcast %neg3A_766 : f32 to vector<16xf32>
    %neg3A_768 = arith.subf %neg3A_767, %get3A_765 : vector<16xf32>
    %exp3A_769 = math.exp %neg3A_768 : vector<16xf32>
    %add3A_770 = arith.constant 1.000000e+00 : f32
    %add3A_771 = vector.broadcast %add3A_770 : f32 to vector<16xf32>
    %add3A_772 = arith.addf %add3A_771, %exp3A_769 : vector<16xf32>
    %div3A_773 = arith.constant 1.000000e+00 : f32
    %div3A_774 = vector.broadcast %div3A_773 : f32 to vector<16xf32>
    %div3A_775 = arith.divf %div3A_774, %add3A_772 : vector<16xf32>
    %swap3A_776 = arith.constant 352 : index
    %swap3A_777 = tpu.vector_load %arg10[%swap3A_776] {strides = array<i32>} : memref<1024xf32, #tpu.memory_space<vmem>>, vector<16xf32>,
    tpu.vector_store %arg10[%swap3A_776], %div3A_775 {strides = array<i32>} : memref<1024xf32, #tpu.memory_space<vmem>>, vector<16xf32>,
    %get3A_778 = arith.constant 2 : i32
    %get3A_779 = arith.index_cast %get3A_778 : i32 to index
    %get3A_780 = arith.constant 480 : index
    %get3A_781 = tpu.vector_load %arg7[%get3A_779, %get3A_780] {strides = array<i32>} : memref<8x512xf32, #tpu.memory_space<vmem>>, vector<16xf32>,
    %swap3A_782 = arith.constant 352 : index
    %swap3A_783 = tpu.vector_load %arg11[%swap3A_782] {strides = array<i32>} : memref<1024xf32, #tpu.memory_space<vmem>>, vector<16xf32>,
    tpu.vector_store %arg11[%swap3A_782], %get3A_781 {strides = array<i32>} : memref<1024xf32, #tpu.memory_space<vmem>>, vector<16xf32>,
    %get3A_784 = arith.constant 2 : i32
    %get3A_785 = arith.index_cast %get3A_784 : i32 to index
    %get3A_786 = arith.constant 112 : index
    %get3A_787 = tpu.vector_load %arg7[%get3A_785, %get3A_786] {strides = array<i32>} : memref<8x512xf32, #tpu.memory_space<vmem>>, vector<16xf32>,
    %swap3A_788 = arith.constant 368 : index
    %swap3A_789 = tpu.vector_load %arg8[%swap3A_788] {strides = array<i32>} : memref<1024xf32, #tpu.memory_space<vmem>>, vector<16xf32>,
    tpu.vector_store %arg8[%swap3A_788], %get3A_787 {strides = array<i32>} : memref<1024xf32, #tpu.memory_space<vmem>>, vector<16xf32>,
    %get3A_790 = arith.constant 2 : i32
    %get3A_791 = arith.index_cast %get3A_790 : i32 to index
    %get3A_792 = arith.constant 240 : index
    %get3A_793 = tpu.vector_load %arg7[%get3A_791, %get3A_792] {strides = array<i32>} : memref<8x512xf32, #tpu.memory_space<vmem>>, vector<16xf32>,
    %swap3A_794 = arith.constant 368 : index
    %swap3A_795 = tpu.vector_load %arg9[%swap3A_794] {strides = array<i32>} : memref<1024xf32, #tpu.memory_space<vmem>>, vector<16xf32>,
    tpu.vector_store %arg9[%swap3A_794], %get3A_793 {strides = array<i32>} : memref<1024xf32, #tpu.memory_space<vmem>>, vector<16xf32>,
    %get3A_796 = arith.constant 2 : i32
    %get3A_797 = arith.index_cast %get3A_796 : i32 to index
    %get3A_798 = arith.constant 368 : index
    %get3A_799 = tpu.vector_load %arg7[%get3A_797, %get3A_798] {strides = array<i32>} : memref<8x512xf32, #tpu.memory_space<vmem>>, vector<16xf32>,
    %neg3A_800 = arith.constant 0.000000e+00 : f32
    %neg3A_801 = vector.broadcast %neg3A_800 : f32 to vector<16xf32>
    %neg3A_802 = arith.subf %neg3A_801, %get3A_799 : vector<16xf32>
    %exp3A_803 = math.exp %neg3A_802 : vector<16xf32>
    %add3A_804 = arith.constant 1.000000e+00 : f32
    %add3A_805 = vector.broadcast %add3A_804 : f32 to vector<16xf32>
    %add3A_806 = arith.addf %add3A_805, %exp3A_803 : vector<16xf32>
    %div3A_807 = arith.constant 1.000000e+00 : f32
    %div3A_808 = vector.broadcast %div3A_807 : f32 to vector<16xf32>
    %div3A_809 = arith.divf %div3A_808, %add3A_806 : vector<16xf32>
    %swap3A_810 = arith.constant 368 : index
    %swap3A_811 = tpu.vector_load %arg10[%swap3A_810] {strides = array<i32>} : memref<1024xf32, #tpu.memory_space<vmem>>, vector<16xf32>,
    tpu.vector_store %arg10[%swap3A_810], %div3A_809 {strides = array<i32>} : memref<1024xf32, #tpu.memory_space<vmem>>, vector<16xf32>,
    %get3A_812 = arith.constant 2 : i32
    %get3A_813 = arith.index_cast %get3A_812 : i32 to index
    %get3A_814 = arith.constant 496 : index
    %get3A_815 = tpu.vector_load %arg7[%get3A_813, %get3A_814] {strides = array<i32>} : memref<8x512xf32, #tpu.memory_space<vmem>>, vector<16xf32>,
    %swap3A_816 = arith.constant 368 : index
    %swap3A_817 = tpu.vector_load %arg11[%swap3A_816] {strides = array<i32>} : memref<1024xf32, #tpu.memory_space<vmem>>, vector<16xf32>,
    tpu.vector_store %arg11[%swap3A_816], %get3A_815 {strides = array<i32>} : memref<1024xf32, #tpu.memory_space<vmem>>, vector<16xf32>,
    %get3A_818 = arith.constant 3 : i32
    %get3A_819 = arith.index_cast %get3A_818 : i32 to index
    %get3A_820 = arith.constant 0 : index
    %get3A_821 = tpu.vector_load %arg7[%get3A_819, %get3A_820] {strides = array<i32>} : memref<8x512xf32, #tpu.memory_space<vmem>>, vector<16xf32>,
    %swap3A_822 = arith.constant 384 : index
    %swap3A_823 = tpu.vector_load %arg8[%swap3A_822] {strides = array<i32>} : memref<1024xf32, #tpu.memory_space<vmem>>, vector<16xf32>,
    tpu.vector_store %arg8[%swap3A_822], %get3A_821 {strides = array<i32>} : memref<1024xf32, #tpu.memory_space<vmem>>, vector<16xf32>,
    %get3A_824 = arith.constant 3 : i32
    %get3A_825 = arith.index_cast %get3A_824 : i32 to index
    %get3A_826 = arith.constant 128 : index
    %get3A_827 = tpu.vector_load %arg7[%get3A_825, %get3A_826] {strides = array<i32>} : memref<8x512xf32, #tpu.memory_space<vmem>>, vector<16xf32>,
    %swap3A_828 = arith.constant 384 : index
    %swap3A_829 = tpu.vector_load %arg9[%swap3A_828] {strides = array<i32>} : memref<1024xf32, #tpu.memory_space<vmem>>, vector<16xf32>,
    tpu.vector_store %arg9[%swap3A_828], %get3A_827 {strides = array<i32>} : memref<1024xf32, #tpu.memory_space<vmem>>, vector<16xf32>,
    %get3A_830 = arith.constant 3 : i32
    %get3A_831 = arith.index_cast %get3A_830 : i32 to index
    %get3A_832 = arith.constant 256 : index
    %get3A_833 = tpu.vector_load %arg7[%get3A_831, %get3A_832] {strides = array<i32>} : memref<8x512xf32, #tpu.memory_space<vmem>>, vector<16xf32>,
    %neg3A_834 = arith.constant 0.000000e+00 : f32
    %neg3A_835 = vector.broadcast %neg3A_834 : f32 to vector<16xf32>
    %neg3A_836 = arith.subf %neg3A_835, %get3A_833 : vector<16xf32>
    %exp3A_837 = math.exp %neg3A_836 : vector<16xf32>
    %add3A_838 = arith.constant 1.000000e+00 : f32
    %add3A_839 = vector.broadcast %add3A_838 : f32 to vector<16xf32>
    %add3A_840 = arith.addf %add3A_839, %exp3A_837 : vector<16xf32>
    %div3A_841 = arith.constant 1.000000e+00 : f32
    %div3A_842 = vector.broadcast %div3A_841 : f32 to vector<16xf32>
    %div3A_843 = arith.divf %div3A_842, %add3A_840 : vector<16xf32>
    %swap3A_844 = arith.constant 384 : index
    %swap3A_845 = tpu.vector_load %arg10[%swap3A_844] {strides = array<i32>} : memref<1024xf32, #tpu.memory_space<vmem>>, vector<16xf32>,
    tpu.vector_store %arg10[%swap3A_844], %div3A_843 {strides = array<i32>} : memref<1024xf32, #tpu.memory_space<vmem>>, vector<16xf32>,
    %get3A_846 = arith.constant 3 : i32
    %get3A_847 = arith.index_cast %get3A_846 : i32 to index
    %get3A_848 = arith.constant 384 : index
    %get3A_849 = tpu.vector_load %arg7[%get3A_847, %get3A_848] {strides = array<i32>} : memref<8x512xf32, #tpu.memory_space<vmem>>, vector<16xf32>,
    %swap3A_850 = arith.constant 384 : index
    %swap3A_851 = tpu.vector_load %arg11[%swap3A_850] {strides = array<i32>} : memref<1024xf32, #tpu.memory_space<vmem>>, vector<16xf32>,
    tpu.vector_store %arg11[%swap3A_850], %get3A_849 {strides = array<i32>} : memref<1024xf32, #tpu.memory_space<vmem>>, vector<16xf32>,
    %get3A_852 = arith.constant 3 : i32
    %get3A_853 = arith.index_cast %get3A_852 : i32 to index
    %get3A_854 = arith.constant 16 : index
    %get3A_855 = tpu.vector_load %arg7[%get3A_853, %get3A_854] {strides = array<i32>} : memref<8x512xf32, #tpu.memory_space<vmem>>, vector<16xf32>,
    %swap3A_856 = arith.constant 400 : index
    %swap3A_857 = tpu.vector_load %arg8[%swap3A_856] {strides = array<i32>} : memref<1024xf32, #tpu.memory_space<vmem>>, vector<16xf32>,
    tpu.vector_store %arg8[%swap3A_856], %get3A_855 {strides = array<i32>} : memref<1024xf32, #tpu.memory_space<vmem>>, vector<16xf32>,
    %get3A_858 = arith.constant 3 : i32
    %get3A_859 = arith.index_cast %get3A_858 : i32 to index
    %get3A_860 = arith.constant 144 : index
    %get3A_861 = tpu.vector_load %arg7[%get3A_859, %get3A_860] {strides = array<i32>} : memref<8x512xf32, #tpu.memory_space<vmem>>, vector<16xf32>,
    %swap3A_862 = arith.constant 400 : index
    %swap3A_863 = tpu.vector_load %arg9[%swap3A_862] {strides = array<i32>} : memref<1024xf32, #tpu.memory_space<vmem>>, vector<16xf32>,
    tpu.vector_store %arg9[%swap3A_862], %get3A_861 {strides = array<i32>} : memref<1024xf32, #tpu.memory_space<vmem>>, vector<16xf32>,
    %get3A_864 = arith.constant 3 : i32
    %get3A_865 = arith.index_cast %get3A_864 : i32 to index
    %get3A_866 = arith.constant 272 : index
    %get3A_867 = tpu.vector_load %arg7[%get3A_865, %get3A_866] {strides = array<i32>} : memref<8x512xf32, #tpu.memory_space<vmem>>, vector<16xf32>,
    %neg3A_868 = arith.constant 0.000000e+00 : f32
    %neg3A_869 = vector.broadcast %neg3A_868 : f32 to vector<16xf32>
    %neg3A_870 = arith.subf %neg3A_869, %get3A_867 : vector<16xf32>
    %exp3A_871 = math.exp %neg3A_870 : vector<16xf32>
    %add3A_872 = arith.constant 1.000000e+00 : f32
    %add3A_873 = vector.broadcast %add3A_872 : f32 to vector<16xf32>
    %add3A_874 = arith.addf %add3A_873, %exp3A_871 : vector<16xf32>
    %div3A_875 = arith.constant 1.000000e+00 : f32
    %div3A_876 = vector.broadcast %div3A_875 : f32 to vector<16xf32>
    %div3A_877 = arith.divf %div3A_876, %add3A_874 : vector<16xf32>
    %swap3A_878 = arith.constant 400 : index
    %swap3A_879 = tpu.vector_load %arg10[%swap3A_878] {strides = array<i32>} : memref<1024xf32, #tpu.memory_space<vmem>>, vector<16xf32>,
    tpu.vector_store %arg10[%swap3A_878], %div3A_877 {strides = array<i32>} : memref<1024xf32, #tpu.memory_space<vmem>>, vector<16xf32>,
    %get3A_880 = arith.constant 3 : i32
    %get3A_881 = arith.index_cast %get3A_880 : i32 to index
    %get3A_882 = arith.constant 400 : index
    %get3A_883 = tpu.vector_load %arg7[%get3A_881, %get3A_882] {strides = array<i32>} : memref<8x512xf32, #tpu.memory_space<vmem>>, vector<16xf32>,
    %swap3A_884 = arith.constant 400 : index
    %swap3A_885 = tpu.vector_load %arg11[%swap3A_884] {strides = array<i32>} : memref<1024xf32, #tpu.memory_space<vmem>>, vector<16xf32>,
    tpu.vector_store %arg11[%swap3A_884], %get3A_883 {strides = array<i32>} : memref<1024xf32, #tpu.memory_space<vmem>>, vector<16xf32>,
    %get3A_886 = arith.constant 3 : i32
    %get3A_887 = arith.index_cast %get3A_886 : i32 to index
    %get3A_888 = arith.constant 32 : index
    %get3A_889 = tpu.vector_load %arg7[%get3A_887, %get3A_888] {strides = array<i32>} : memref<8x512xf32, #tpu.memory_space<vmem>>, vector<16xf32>,
    %swap3A_890 = arith.constant 416 : index
    %swap3A_891 = tpu.vector_load %arg8[%swap3A_890] {strides = array<i32>} : memref<1024xf32, #tpu.memory_space<vmem>>, vector<16xf32>,
    tpu.vector_store %arg8[%swap3A_890], %get3A_889 {strides = array<i32>} : memref<1024xf32, #tpu.memory_space<vmem>>, vector<16xf32>,
    %get3A_892 = arith.constant 3 : i32
    %get3A_893 = arith.index_cast %get3A_892 : i32 to index
    %get3A_894 = arith.constant 160 : index
    %get3A_895 = tpu.vector_load %arg7[%get3A_893, %get3A_894] {strides = array<i32>} : memref<8x512xf32, #tpu.memory_space<vmem>>, vector<16xf32>,
    %swap3A_896 = arith.constant 416 : index
    %swap3A_897 = tpu.vector_load %arg9[%swap3A_896] {strides = array<i32>} : memref<1024xf32, #tpu.memory_space<vmem>>, vector<16xf32>,
    tpu.vector_store %arg9[%swap3A_896], %get3A_895 {strides = array<i32>} : memref<1024xf32, #tpu.memory_space<vmem>>, vector<16xf32>,
    %get3A_898 = arith.constant 3 : i32
    %get3A_899 = arith.index_cast %get3A_898 : i32 to index
    %get3A_900 = arith.constant 288 : index
    %get3A_901 = tpu.vector_load %arg7[%get3A_899, %get3A_900] {strides = array<i32>} : memref<8x512xf32, #tpu.memory_space<vmem>>, vector<16xf32>,
    %neg3A_902 = arith.constant 0.000000e+00 : f32
    %neg3A_903 = vector.broadcast %neg3A_902 : f32 to vector<16xf32>
    %neg3A_904 = arith.subf %neg3A_903, %get3A_901 : vector<16xf32>
    %exp3A_905 = math.exp %neg3A_904 : vector<16xf32>
    %add3A_906 = arith.constant 1.000000e+00 : f32
    %add3A_907 = vector.broadcast %add3A_906 : f32 to vector<16xf32>
    %add3A_908 = arith.addf %add3A_907, %exp3A_905 : vector<16xf32>
    %div3A_909 = arith.constant 1.000000e+00 : f32
    %div3A_910 = vector.broadcast %div3A_909 : f32 to vector<16xf32>
    %div3A_911 = arith.divf %div3A_910, %add3A_908 : vector<16xf32>
    %swap3A_912 = arith.constant 416 : index
    %swap3A_913 = tpu.vector_load %arg10[%swap3A_912] {strides = array<i32>} : memref<1024xf32, #tpu.memory_space<vmem>>, vector<16xf32>,
    tpu.vector_store %arg10[%swap3A_912], %div3A_911 {strides = array<i32>} : memref<1024xf32, #tpu.memory_space<vmem>>, vector<16xf32>,
    %get3A_914 = arith.constant 3 : i32
    %get3A_915 = arith.index_cast %get3A_914 : i32 to index
    %get3A_916 = arith.constant 416 : index
    %get3A_917 = tpu.vector_load %arg7[%get3A_915, %get3A_916] {strides = array<i32>} : memref<8x512xf32, #tpu.memory_space<vmem>>, vector<16xf32>,
    %swap3A_918 = arith.constant 416 : index
    %swap3A_919 = tpu.vector_load %arg11[%swap3A_918] {strides = array<i32>} : memref<1024xf32, #tpu.memory_space<vmem>>, vector<16xf32>,
    tpu.vector_store %arg11[%swap3A_918], %get3A_917 {strides = array<i32>} : memref<1024xf32, #tpu.memory_space<vmem>>, vector<16xf32>,
    %get3A_920 = arith.constant 3 : i32
    %get3A_921 = arith.index_cast %get3A_920 : i32 to index
    %get3A_922 = arith.constant 48 : index
    %get3A_923 = tpu.vector_load %arg7[%get3A_921, %get3A_922] {strides = array<i32>} : memref<8x512xf32, #tpu.memory_space<vmem>>, vector<16xf32>,
    %swap3A_924 = arith.constant 432 : index
    %swap3A_925 = tpu.vector_load %arg8[%swap3A_924] {strides = array<i32>} : memref<1024xf32, #tpu.memory_space<vmem>>, vector<16xf32>,
    tpu.vector_store %arg8[%swap3A_924], %get3A_923 {strides = array<i32>} : memref<1024xf32, #tpu.memory_space<vmem>>, vector<16xf32>,
    %get3A_926 = arith.constant 3 : i32
    %get3A_927 = arith.index_cast %get3A_926 : i32 to index
    %get3A_928 = arith.constant 176 : index
    %get3A_929 = tpu.vector_load %arg7[%get3A_927, %get3A_928] {strides = array<i32>} : memref<8x512xf32, #tpu.memory_space<vmem>>, vector<16xf32>,
    %swap3A_930 = arith.constant 432 : index
    %swap3A_931 = tpu.vector_load %arg9[%swap3A_930] {strides = array<i32>} : memref<1024xf32, #tpu.memory_space<vmem>>, vector<16xf32>,
    tpu.vector_store %arg9[%swap3A_930], %get3A_929 {strides = array<i32>} : memref<1024xf32, #tpu.memory_space<vmem>>, vector<16xf32>,
    %get3A_932 = arith.constant 3 : i32
    %get3A_933 = arith.index_cast %get3A_932 : i32 to index
    %get3A_934 = arith.constant 304 : index
    %get3A_935 = tpu.vector_load %arg7[%get3A_933, %get3A_934] {strides = array<i32>} : memref<8x512xf32, #tpu.memory_space<vmem>>, vector<16xf32>,
    %neg3A_936 = arith.constant 0.000000e+00 : f32
    %neg3A_937 = vector.broadcast %neg3A_936 : f32 to vector<16xf32>
    %neg3A_938 = arith.subf %neg3A_937, %get3A_935 : vector<16xf32>
    %exp3A_939 = math.exp %neg3A_938 : vector<16xf32>
    %add3A_940 = arith.constant 1.000000e+00 : f32
    %add3A_941 = vector.broadcast %add3A_940 : f32 to vector<16xf32>
    %add3A_942 = arith.addf %add3A_941, %exp3A_939 : vector<16xf32>
    %div3A_943 = arith.constant 1.000000e+00 : f32
    %div3A_944 = vector.broadcast %div3A_943 : f32 to vector<16xf32>
    %div3A_945 = arith.divf %div3A_944, %add3A_942 : vector<16xf32>
    %swap3A_946 = arith.constant 432 : index
    %swap3A_947 = tpu.vector_load %arg10[%swap3A_946] {strides = array<i32>} : memref<1024xf32, #tpu.memory_space<vmem>>, vector<16xf32>,
    tpu.vector_store %arg10[%swap3A_946], %div3A_945 {strides = array<i32>} : memref<1024xf32, #tpu.memory_space<vmem>>, vector<16xf32>,
    %get3A_948 = arith.constant 3 : i32
    %get3A_949 = arith.index_cast %get3A_948 : i32 to index
    %get3A_950 = arith.constant 432 : index
    %get3A_951 = tpu.vector_load %arg7[%get3A_949, %get3A_950] {strides = array<i32>} : memref<8x512xf32, #tpu.memory_space<vmem>>, vector<16xf32>,
    %swap3A_952 = arith.constant 432 : index
    %swap3A_953 = tpu.vector_load %arg11[%swap3A_952] {strides = array<i32>} : memref<1024xf32, #tpu.memory_space<vmem>>, vector<16xf32>,
    tpu.vector_store %arg11[%swap3A_952], %get3A_951 {strides = array<i32>} : memref<1024xf32, #tpu.memory_space<vmem>>, vector<16xf32>,
    %get3A_954 = arith.constant 3 : i32
    %get3A_955 = arith.index_cast %get3A_954 : i32 to index
    %get3A_956 = arith.constant 64 : index
    %get3A_957 = tpu.vector_load %arg7[%get3A_955, %get3A_956] {strides = array<i32>} : memref<8x512xf32, #tpu.memory_space<vmem>>, vector<16xf32>,
    %swap3A_958 = arith.constant 448 : index
    %swap3A_959 = tpu.vector_load %arg8[%swap3A_958] {strides = array<i32>} : memref<1024xf32, #tpu.memory_space<vmem>>, vector<16xf32>,
    tpu.vector_store %arg8[%swap3A_958], %get3A_957 {strides = array<i32>} : memref<1024xf32, #tpu.memory_space<vmem>>, vector<16xf32>,
    %get3A_960 = arith.constant 3 : i32
    %get3A_961 = arith.index_cast %get3A_960 : i32 to index
    %get3A_962 = arith.constant 192 : index
    %get3A_963 = tpu.vector_load %arg7[%get3A_961, %get3A_962] {strides = array<i32>} : memref<8x512xf32, #tpu.memory_space<vmem>>, vector<16xf32>,
    %swap3A_964 = arith.constant 448 : index
    %swap3A_965 = tpu.vector_load %arg9[%swap3A_964] {strides = array<i32>} : memref<1024xf32, #tpu.memory_space<vmem>>, vector<16xf32>,
    tpu.vector_store %arg9[%swap3A_964], %get3A_963 {strides = array<i32>} : memref<1024xf32, #tpu.memory_space<vmem>>, vector<16xf32>,
    %get3A_966 = arith.constant 3 : i32
    %get3A_967 = arith.index_cast %get3A_966 : i32 to index
    %get3A_968 = arith.constant 320 : index
    %get3A_969 = tpu.vector_load %arg7[%get3A_967, %get3A_968] {strides = array<i32>} : memref<8x512xf32, #tpu.memory_space<vmem>>, vector<16xf32>,
    %neg3A_970 = arith.constant 0.000000e+00 : f32
    %neg3A_971 = vector.broadcast %neg3A_970 : f32 to vector<16xf32>
    %neg3A_972 = arith.subf %neg3A_971, %get3A_969 : vector<16xf32>
    %exp3A_973 = math.exp %neg3A_972 : vector<16xf32>
    %add3A_974 = arith.constant 1.000000e+00 : f32
    %add3A_975 = vector.broadcast %add3A_974 : f32 to vector<16xf32>
    %add3A_976 = arith.addf %add3A_975, %exp3A_973 : vector<16xf32>
    %div3A_977 = arith.constant 1.000000e+00 : f32
    %div3A_978 = vector.broadcast %div3A_977 : f32 to vector<16xf32>
    %div3A_979 = arith.divf %div3A_978, %add3A_976 : vector<16xf32>
    %swap3A_980 = arith.constant 448 : index
    %swap3A_981 = tpu.vector_load %arg10[%swap3A_980] {strides = array<i32>} : memref<1024xf32, #tpu.memory_space<vmem>>, vector<16xf32>,
    tpu.vector_store %arg10[%swap3A_980], %div3A_979 {strides = array<i32>} : memref<1024xf32, #tpu.memory_space<vmem>>, vector<16xf32>,
    %get3A_982 = arith.constant 3 : i32
    %get3A_983 = arith.index_cast %get3A_982 : i32 to index
    %get3A_984 = arith.constant 448 : index
    %get3A_985 = tpu.vector_load %arg7[%get3A_983, %get3A_984] {strides = array<i32>} : memref<8x512xf32, #tpu.memory_space<vmem>>, vector<16xf32>,
    %swap3A_986 = arith.constant 448 : index
    %swap3A_987 = tpu.vector_load %arg11[%swap3A_986] {strides = array<i32>} : memref<1024xf32, #tpu.memory_space<vmem>>, vector<16xf32>,
    tpu.vector_store %arg11[%swap3A_986], %get3A_985 {strides = array<i32>} : memref<1024xf32, #tpu.memory_space<vmem>>, vector<16xf32>,
    %get3A_988 = arith.constant 3 : i32
    %get3A_989 = arith.index_cast %get3A_988 : i32 to index
    %get3A_990 = arith.constant 80 : index
    %get3A_991 = tpu.vector_load %arg7[%get3A_989, %get3A_990] {strides = array<i32>} : memref<8x512xf32, #tpu.memory_space<vmem>>, vector<16xf32>,
    %swap3A_992 = arith.constant 464 : index
    %swap3A_993 = tpu.vector_load %arg8[%swap3A_992] {strides = array<i32>} : memref<1024xf32, #tpu.memory_space<vmem>>, vector<16xf32>,
    tpu.vector_store %arg8[%swap3A_992], %get3A_991 {strides = array<i32>} : memref<1024xf32, #tpu.memory_space<vmem>>, vector<16xf32>,
    %get3A_994 = arith.constant 3 : i32
    %get3A_995 = arith.index_cast %get3A_994 : i32 to index
    %get3A_996 = arith.constant 208 : index
    %get3A_997 = tpu.vector_load %arg7[%get3A_995, %get3A_996] {strides = array<i32>} : memref<8x512xf32, #tpu.memory_space<vmem>>, vector<16xf32>,
    %swap3A_998 = arith.constant 464 : index
    %swap3A_999 = tpu.vector_load %arg9[%swap3A_998] {strides = array<i32>} : memref<1024xf32, #tpu.memory_space<vmem>>, vector<16xf32>,
    tpu.vector_store %arg9[%swap3A_998], %get3A_997 {strides = array<i32>} : memref<1024xf32, #tpu.memory_space<vmem>>, vector<16xf32>,
    %get3A_1000 = arith.constant 3 : i32
    %get3A_1001 = arith.index_cast %get3A_1000 : i32 to index
    %get3A_1002 = arith.constant 336 : index
    %get3A_1003 = tpu.vector_load %arg7[%get3A_1001, %get3A_1002] {strides = array<i32>} : memref<8x512xf32, #tpu.memory_space<vmem>>, vector<16xf32>,
    %neg3A_1004 = arith.constant 0.000000e+00 : f32
    %neg3A_1005 = vector.broadcast %neg3A_1004 : f32 to vector<16xf32>
    %neg3A_1006 = arith.subf %neg3A_1005, %get3A_1003 : vector<16xf32>
    %exp3A_1007 = math.exp %neg3A_1006 : vector<16xf32>
    %add3A_1008 = arith.constant 1.000000e+00 : f32
    %add3A_1009 = vector.broadcast %add3A_1008 : f32 to vector<16xf32>
    %add3A_1010 = arith.addf %add3A_1009, %exp3A_1007 : vector<16xf32>
    %div3A_1011 = arith.constant 1.000000e+00 : f32
    %div3A_1012 = vector.broadcast %div3A_1011 : f32 to vector<16xf32>
    %div3A_1013 = arith.divf %div3A_1012, %add3A_1010 : vector<16xf32>
    %swap3A_1014 = arith.constant 464 : index
    %swap3A_1015 = tpu.vector_load %arg10[%swap3A_1014] {strides = array<i32>} : memref<1024xf32, #tpu.memory_space<vmem>>, vector<16xf32>,
    tpu.vector_store %arg10[%swap3A_1014], %div3A_1013 {strides = array<i32>} : memref<1024xf32, #tpu.memory_space<vmem>>, vector<16xf32>,
    %get3A_1016 = arith.constant 3 : i32
    %get3A_1017 = arith.index_cast %get3A_1016 : i32 to index
    %get3A_1018 = arith.constant 464 : index
    %get3A_1019 = tpu.vector_load %arg7[%get3A_1017, %get3A_1018] {strides = array<i32>} : memref<8x512xf32, #tpu.memory_space<vmem>>, vector<16xf32>,
    %swap3A_1020 = arith.constant 464 : index
    %swap3A_1021 = tpu.vector_load %arg11[%swap3A_1020] {strides = array<i32>} : memref<1024xf32, #tpu.memory_space<vmem>>, vector<16xf32>,
    tpu.vector_store %arg11[%swap3A_1020], %get3A_1019 {strides = array<i32>} : memref<1024xf32, #tpu.memory_space<vmem>>, vector<16xf32>,
    %get3A_1022 = arith.constant 3 : i32
    %get3A_1023 = arith.index_cast %get3A_1022 : i32 to index
    %get3A_1024 = arith.constant 96 : index
    %get3A_1025 = tpu.vector_load %arg7[%get3A_1023, %get3A_1024] {strides = array<i32>} : memref<8x512xf32, #tpu.memory_space<vmem>>, vector<16xf32>,
    %swap3A_1026 = arith.constant 480 : index
    %swap3A_1027 = tpu.vector_load %arg8[%swap3A_1026] {strides = array<i32>} : memref<1024xf32, #tpu.memory_space<vmem>>, vector<16xf32>,
    tpu.vector_store %arg8[%swap3A_1026], %get3A_1025 {strides = array<i32>} : memref<1024xf32, #tpu.memory_space<vmem>>, vector<16xf32>,
    %get3A_1028 = arith.constant 3 : i32
    %get3A_1029 = arith.index_cast %get3A_1028 : i32 to index
    %get3A_1030 = arith.constant 224 : index
    %get3A_1031 = tpu.vector_load %arg7[%get3A_1029, %get3A_1030] {strides = array<i32>} : memref<8x512xf32, #tpu.memory_space<vmem>>, vector<16xf32>,
    %swap3A_1032 = arith.constant 480 : index
    %swap3A_1033 = tpu.vector_load %arg9[%swap3A_1032] {strides = array<i32>} : memref<1024xf32, #tpu.memory_space<vmem>>, vector<16xf32>,
    tpu.vector_store %arg9[%swap3A_1032], %get3A_1031 {strides = array<i32>} : memref<1024xf32, #tpu.memory_space<vmem>>, vector<16xf32>,
    %get3A_1034 = arith.constant 3 : i32
    %get3A_1035 = arith.index_cast %get3A_1034 : i32 to index
    %get3A_1036 = arith.constant 352 : index
    %get3A_1037 = tpu.vector_load %arg7[%get3A_1035, %get3A_1036] {strides = array<i32>} : memref<8x512xf32, #tpu.memory_space<vmem>>, vector<16xf32>,
    %neg3A_1038 = arith.constant 0.000000e+00 : f32
    %neg3A_1039 = vector.broadcast %neg3A_1038 : f32 to vector<16xf32>
    %neg3A_1040 = arith.subf %neg3A_1039, %get3A_1037 : vector<16xf32>
    %exp3A_1041 = math.exp %neg3A_1040 : vector<16xf32>
    %add3A_1042 = arith.constant 1.000000e+00 : f32
    %add3A_1043 = vector.broadcast %add3A_1042 : f32 to vector<16xf32>
    %add3A_1044 = arith.addf %add3A_1043, %exp3A_1041 : vector<16xf32>
    %div3A_1045 = arith.constant 1.000000e+00 : f32
    %div3A_1046 = vector.broadcast %div3A_1045 : f32 to vector<16xf32>
    %div3A_1047 = arith.divf %div3A_1046, %add3A_1044 : vector<16xf32>
    %swap3A_1048 = arith.constant 480 : index
    %swap3A_1049 = tpu.vector_load %arg10[%swap3A_1048] {strides = array<i32>} : memref<1024xf32, #tpu.memory_space<vmem>>, vector<16xf32>,
    tpu.vector_store %arg10[%swap3A_1048], %div3A_1047 {strides = array<i32>} : memref<1024xf32, #tpu.memory_space<vmem>>, vector<16xf32>,
    %get3A_1050 = arith.constant 3 : i32
    %get3A_1051 = arith.index_cast %get3A_1050 : i32 to index
    %get3A_1052 = arith.constant 480 : index
    %get3A_1053 = tpu.vector_load %arg7[%get3A_1051, %get3A_1052] {strides = array<i32>} : memref<8x512xf32, #tpu.memory_space<vmem>>, vector<16xf32>,
    %swap3A_1054 = arith.constant 480 : index
    %swap3A_1055 = tpu.vector_load %arg11[%swap3A_1054] {strides = array<i32>} : memref<1024xf32, #tpu.memory_space<vmem>>, vector<16xf32>,
    tpu.vector_store %arg11[%swap3A_1054], %get3A_1053 {strides = array<i32>} : memref<1024xf32, #tpu.memory_space<vmem>>, vector<16xf32>,
    %get3A_1056 = arith.constant 3 : i32
    %get3A_1057 = arith.index_cast %get3A_1056 : i32 to index
    %get3A_1058 = arith.constant 112 : index
    %get3A_1059 = tpu.vector_load %arg7[%get3A_1057, %get3A_1058] {strides = array<i32>} : memref<8x512xf32, #tpu.memory_space<vmem>>, vector<16xf32>,
    %swap3A_1060 = arith.constant 496 : index
    %swap3A_1061 = tpu.vector_load %arg8[%swap3A_1060] {strides = array<i32>} : memref<1024xf32, #tpu.memory_space<vmem>>, vector<16xf32>,
    tpu.vector_store %arg8[%swap3A_1060], %get3A_1059 {strides = array<i32>} : memref<1024xf32, #tpu.memory_space<vmem>>, vector<16xf32>,
    %get3A_1062 = arith.constant 3 : i32
    %get3A_1063 = arith.index_cast %get3A_1062 : i32 to index
    %get3A_1064 = arith.constant 240 : index
    %get3A_1065 = tpu.vector_load %arg7[%get3A_1063, %get3A_1064] {strides = array<i32>} : memref<8x512xf32, #tpu.memory_space<vmem>>, vector<16xf32>,
    %swap3A_1066 = arith.constant 496 : index
    %swap3A_1067 = tpu.vector_load %arg9[%swap3A_1066] {strides = array<i32>} : memref<1024xf32, #tpu.memory_space<vmem>>, vector<16xf32>,
    tpu.vector_store %arg9[%swap3A_1066], %get3A_1065 {strides = array<i32>} : memref<1024xf32, #tpu.memory_space<vmem>>, vector<16xf32>,
    %get3A_1068 = arith.constant 3 : i32
    %get3A_1069 = arith.index_cast %get3A_1068 : i32 to index
    %get3A_1070 = arith.constant 368 : index
    %get3A_1071 = tpu.vector_load %arg7[%get3A_1069, %get3A_1070] {strides = array<i32>} : memref<8x512xf32, #tpu.memory_space<vmem>>, vector<16xf32>,
    %neg3A_1072 = arith.constant 0.000000e+00 : f32
    %neg3A_1073 = vector.broadcast %neg3A_1072 : f32 to vector<16xf32>
    %neg3A_1074 = arith.subf %neg3A_1073, %get3A_1071 : vector<16xf32>
    %exp3A_1075 = math.exp %neg3A_1074 : vector<16xf32>
    %add3A_1076 = arith.constant 1.000000e+00 : f32
    %add3A_1077 = vector.broadcast %add3A_1076 : f32 to vector<16xf32>
    %add3A_1078 = arith.addf %add3A_1077, %exp3A_1075 : vector<16xf32>
    %div3A_1079 = arith.constant 1.000000e+00 : f32
    %div3A_1080 = vector.broadcast %div3A_1079 : f32 to vector<16xf32>
    %div3A_1081 = arith.divf %div3A_1080, %add3A_1078 : vector<16xf32>
    %swap3A_1082 = arith.constant 496 : index
    %swap3A_1083 = tpu.vector_load %arg10[%swap3A_1082] {strides = array<i32>} : memref<1024xf32, #tpu.memory_space<vmem>>, vector<16xf32>,
    tpu.vector_store %arg10[%swap3A_1082], %div3A_1081 {strides = array<i32>} : memref<1024xf32, #tpu.memory_space<vmem>>, vector<16xf32>,
    %get3A_1084 = arith.constant 3 : i32
    %get3A_1085 = arith.index_cast %get3A_1084 : i32 to index
    %get3A_1086 = arith.constant 496 : index
    %get3A_1087 = tpu.vector_load %arg7[%get3A_1085, %get3A_1086] {strides = array<i32>} : memref<8x512xf32, #tpu.memory_space<vmem>>, vector<16xf32>,
    %swap3A_1088 = arith.constant 496 : index
    %swap3A_1089 = tpu.vector_load %arg11[%swap3A_1088] {strides = array<i32>} : memref<1024xf32, #tpu.memory_space<vmem>>, vector<16xf32>,
    tpu.vector_store %arg11[%swap3A_1088], %get3A_1087 {strides = array<i32>} : memref<1024xf32, #tpu.memory_space<vmem>>, vector<16xf32>,
    %get3A_1090 = arith.constant 4 : i32
    %get3A_1091 = arith.index_cast %get3A_1090 : i32 to index
    %get3A_1092 = arith.constant 0 : index
    %get3A_1093 = tpu.vector_load %arg7[%get3A_1091, %get3A_1092] {strides = array<i32>} : memref<8x512xf32, #tpu.memory_space<vmem>>, vector<16xf32>,
    %swap3A_1094 = arith.constant 512 : index
    %swap3A_1095 = tpu.vector_load %arg8[%swap3A_1094] {strides = array<i32>} : memref<1024xf32, #tpu.memory_space<vmem>>, vector<16xf32>,
    tpu.vector_store %arg8[%swap3A_1094], %get3A_1093 {strides = array<i32>} : memref<1024xf32, #tpu.memory_space<vmem>>, vector<16xf32>,
    %get3A_1096 = arith.constant 4 : i32
    %get3A_1097 = arith.index_cast %get3A_1096 : i32 to index
    %get3A_1098 = arith.constant 128 : index
    %get3A_1099 = tpu.vector_load %arg7[%get3A_1097, %get3A_1098] {strides = array<i32>} : memref<8x512xf32, #tpu.memory_space<vmem>>, vector<16xf32>,
    %swap3A_1100 = arith.constant 512 : index
    %swap3A_1101 = tpu.vector_load %arg9[%swap3A_1100] {strides = array<i32>} : memref<1024xf32, #tpu.memory_space<vmem>>, vector<16xf32>,
    tpu.vector_store %arg9[%swap3A_1100], %get3A_1099 {strides = array<i32>} : memref<1024xf32, #tpu.memory_space<vmem>>, vector<16xf32>,
    %get3A_1102 = arith.constant 4 : i32
    %get3A_1103 = arith.index_cast %get3A_1102 : i32 to index
    %get3A_1104 = arith.constant 256 : index
    %get3A_1105 = tpu.vector_load %arg7[%get3A_1103, %get3A_1104] {strides = array<i32>} : memref<8x512xf32, #tpu.memory_space<vmem>>, vector<16xf32>,
    %neg3A_1106 = arith.constant 0.000000e+00 : f32
    %neg3A_1107 = vector.broadcast %neg3A_1106 : f32 to vector<16xf32>
    %neg3A_1108 = arith.subf %neg3A_1107, %get3A_1105 : vector<16xf32>
    %exp3A_1109 = math.exp %neg3A_1108 : vector<16xf32>
    %add3A_1110 = arith.constant 1.000000e+00 : f32
    %add3A_1111 = vector.broadcast %add3A_1110 : f32 to vector<16xf32>
    %add3A_1112 = arith.addf %add3A_1111, %exp3A_1109 : vector<16xf32>
    %div3A_1113 = arith.constant 1.000000e+00 : f32
    %div3A_1114 = vector.broadcast %div3A_1113 : f32 to vector<16xf32>
    %div3A_1115 = arith.divf %div3A_1114, %add3A_1112 : vector<16xf32>
    %swap3A_1116 = arith.constant 512 : index
    %swap3A_1117 = tpu.vector_load %arg10[%swap3A_1116] {strides = array<i32>} : memref<1024xf32, #tpu.memory_space<vmem>>, vector<16xf32>,
    tpu.vector_store %arg10[%swap3A_1116], %div3A_1115 {strides = array<i32>} : memref<1024xf32, #tpu.memory_space<vmem>>, vector<16xf32>,
    %get3A_1118 = arith.constant 4 : i32
    %get3A_1119 = arith.index_cast %get3A_1118 : i32 to index
    %get3A_1120 = arith.constant 384 : index
    %get3A_1121 = tpu.vector_load %arg7[%get3A_1119, %get3A_1120] {strides = array<i32>} : memref<8x512xf32, #tpu.memory_space<vmem>>, vector<16xf32>,
    %swap3A_1122 = arith.constant 512 : index
    %swap3A_1123 = tpu.vector_load %arg11[%swap3A_1122] {strides = array<i32>} : memref<1024xf32, #tpu.memory_space<vmem>>, vector<16xf32>,
    tpu.vector_store %arg11[%swap3A_1122], %get3A_1121 {strides = array<i32>} : memref<1024xf32, #tpu.memory_space<vmem>>, vector<16xf32>,
    %get3A_1124 = arith.constant 4 : i32
    %get3A_1125 = arith.index_cast %get3A_1124 : i32 to index
    %get3A_1126 = arith.constant 16 : index
    %get3A_1127 = tpu.vector_load %arg7[%get3A_1125, %get3A_1126] {strides = array<i32>} : memref<8x512xf32, #tpu.memory_space<vmem>>, vector<16xf32>,
    %swap3A_1128 = arith.constant 528 : index
    %swap3A_1129 = tpu.vector_load %arg8[%swap3A_1128] {strides = array<i32>} : memref<1024xf32, #tpu.memory_space<vmem>>, vector<16xf32>,
    tpu.vector_store %arg8[%swap3A_1128], %get3A_1127 {strides = array<i32>} : memref<1024xf32, #tpu.memory_space<vmem>>, vector<16xf32>,
    %get3A_1130 = arith.constant 4 : i32
    %get3A_1131 = arith.index_cast %get3A_1130 : i32 to index
    %get3A_1132 = arith.constant 144 : index
    %get3A_1133 = tpu.vector_load %arg7[%get3A_1131, %get3A_1132] {strides = array<i32>} : memref<8x512xf32, #tpu.memory_space<vmem>>, vector<16xf32>,
    %swap3A_1134 = arith.constant 528 : index
    %swap3A_1135 = tpu.vector_load %arg9[%swap3A_1134] {strides = array<i32>} : memref<1024xf32, #tpu.memory_space<vmem>>, vector<16xf32>,
    tpu.vector_store %arg9[%swap3A_1134], %get3A_1133 {strides = array<i32>} : memref<1024xf32, #tpu.memory_space<vmem>>, vector<16xf32>,
    %get3A_1136 = arith.constant 4 : i32
    %get3A_1137 = arith.index_cast %get3A_1136 : i32 to index
    %get3A_1138 = arith.constant 272 : index
    %get3A_1139 = tpu.vector_load %arg7[%get3A_1137, %get3A_1138] {strides = array<i32>} : memref<8x512xf32, #tpu.memory_space<vmem>>, vector<16xf32>,
    %neg3A_1140 = arith.constant 0.000000e+00 : f32
    %neg3A_1141 = vector.broadcast %neg3A_1140 : f32 to vector<16xf32>
    %neg3A_1142 = arith.subf %neg3A_1141, %get3A_1139 : vector<16xf32>
    %exp3A_1143 = math.exp %neg3A_1142 : vector<16xf32>
    %add3A_1144 = arith.constant 1.000000e+00 : f32
    %add3A_1145 = vector.broadcast %add3A_1144 : f32 to vector<16xf32>
    %add3A_1146 = arith.addf %add3A_1145, %exp3A_1143 : vector<16xf32>
    %div3A_1147 = arith.constant 1.000000e+00 : f32
    %div3A_1148 = vector.broadcast %div3A_1147 : f32 to vector<16xf32>
    %div3A_1149 = arith.divf %div3A_1148, %add3A_1146 : vector<16xf32>
    %swap3A_1150 = arith.constant 528 : index
    %swap3A_1151 = tpu.vector_load %arg10[%swap3A_1150] {strides = array<i32>} : memref<1024xf32, #tpu.memory_space<vmem>>, vector<16xf32>,
    tpu.vector_store %arg10[%swap3A_1150], %div3A_1149 {strides = array<i32>} : memref<1024xf32, #tpu.memory_space<vmem>>, vector<16xf32>,
    %get3A_1152 = arith.constant 4 : i32
    %get3A_1153 = arith.index_cast %get3A_1152 : i32 to index
    %get3A_1154 = arith.constant 400 : index
    %get3A_1155 = tpu.vector_load %arg7[%get3A_1153, %get3A_1154] {strides = array<i32>} : memref<8x512xf32, #tpu.memory_space<vmem>>, vector<16xf32>,
    %swap3A_1156 = arith.constant 528 : index
    %swap3A_1157 = tpu.vector_load %arg11[%swap3A_1156] {strides = array<i32>} : memref<1024xf32, #tpu.memory_space<vmem>>, vector<16xf32>,
    tpu.vector_store %arg11[%swap3A_1156], %get3A_1155 {strides = array<i32>} : memref<1024xf32, #tpu.memory_space<vmem>>, vector<16xf32>,
    %get3A_1158 = arith.constant 4 : i32
    %get3A_1159 = arith.index_cast %get3A_1158 : i32 to index
    %get3A_1160 = arith.constant 32 : index
    %get3A_1161 = tpu.vector_load %arg7[%get3A_1159, %get3A_1160] {strides = array<i32>} : memref<8x512xf32, #tpu.memory_space<vmem>>, vector<16xf32>,
    %swap3A_1162 = arith.constant 544 : index
    %swap3A_1163 = tpu.vector_load %arg8[%swap3A_1162] {strides = array<i32>} : memref<1024xf32, #tpu.memory_space<vmem>>, vector<16xf32>,
    tpu.vector_store %arg8[%swap3A_1162], %get3A_1161 {strides = array<i32>} : memref<1024xf32, #tpu.memory_space<vmem>>, vector<16xf32>,
    %get3A_1164 = arith.constant 4 : i32
    %get3A_1165 = arith.index_cast %get3A_1164 : i32 to index
    %get3A_1166 = arith.constant 160 : index
    %get3A_1167 = tpu.vector_load %arg7[%get3A_1165, %get3A_1166] {strides = array<i32>} : memref<8x512xf32, #tpu.memory_space<vmem>>, vector<16xf32>,
    %swap3A_1168 = arith.constant 544 : index
    %swap3A_1169 = tpu.vector_load %arg9[%swap3A_1168] {strides = array<i32>} : memref<1024xf32, #tpu.memory_space<vmem>>, vector<16xf32>,
    tpu.vector_store %arg9[%swap3A_1168], %get3A_1167 {strides = array<i32>} : memref<1024xf32, #tpu.memory_space<vmem>>, vector<16xf32>,
    %get3A_1170 = arith.constant 4 : i32
    %get3A_1171 = arith.index_cast %get3A_1170 : i32 to index
    %get3A_1172 = arith.constant 288 : index
    %get3A_1173 = tpu.vector_load %arg7[%get3A_1171, %get3A_1172] {strides = array<i32>} : memref<8x512xf32, #tpu.memory_space<vmem>>, vector<16xf32>,
    %neg3A_1174 = arith.constant 0.000000e+00 : f32
    %neg3A_1175 = vector.broadcast %neg3A_1174 : f32 to vector<16xf32>
    %neg3A_1176 = arith.subf %neg3A_1175, %get3A_1173 : vector<16xf32>
    %exp3A_1177 = math.exp %neg3A_1176 : vector<16xf32>
    %add3A_1178 = arith.constant 1.000000e+00 : f32
    %add3A_1179 = vector.broadcast %add3A_1178 : f32 to vector<16xf32>
    %add3A_1180 = arith.addf %add3A_1179, %exp3A_1177 : vector<16xf32>
    %div3A_1181 = arith.constant 1.000000e+00 : f32
    %div3A_1182 = vector.broadcast %div3A_1181 : f32 to vector<16xf32>
    %div3A_1183 = arith.divf %div3A_1182, %add3A_1180 : vector<16xf32>
    %swap3A_1184 = arith.constant 544 : index
    %swap3A_1185 = tpu.vector_load %arg10[%swap3A_1184] {strides = array<i32>} : memref<1024xf32, #tpu.memory_space<vmem>>, vector<16xf32>,
    tpu.vector_store %arg10[%swap3A_1184], %div3A_1183 {strides = array<i32>} : memref<1024xf32, #tpu.memory_space<vmem>>, vector<16xf32>,
    %get3A_1186 = arith.constant 4 : i32
    %get3A_1187 = arith.index_cast %get3A_1186 : i32 to index
    %get3A_1188 = arith.constant 416 : index
    %get3A_1189 = tpu.vector_load %arg7[%get3A_1187, %get3A_1188] {strides = array<i32>} : memref<8x512xf32, #tpu.memory_space<vmem>>, vector<16xf32>,
    %swap3A_1190 = arith.constant 544 : index
    %swap3A_1191 = tpu.vector_load %arg11[%swap3A_1190] {strides = array<i32>} : memref<1024xf32, #tpu.memory_space<vmem>>, vector<16xf32>,
    tpu.vector_store %arg11[%swap3A_1190], %get3A_1189 {strides = array<i32>} : memref<1024xf32, #tpu.memory_space<vmem>>, vector<16xf32>,
    %get3A_1192 = arith.constant 4 : i32
    %get3A_1193 = arith.index_cast %get3A_1192 : i32 to index
    %get3A_1194 = arith.constant 48 : index
    %get3A_1195 = tpu.vector_load %arg7[%get3A_1193, %get3A_1194] {strides = array<i32>} : memref<8x512xf32, #tpu.memory_space<vmem>>, vector<16xf32>,
    %swap3A_1196 = arith.constant 560 : index
    %swap3A_1197 = tpu.vector_load %arg8[%swap3A_1196] {strides = array<i32>} : memref<1024xf32, #tpu.memory_space<vmem>>, vector<16xf32>,
    tpu.vector_store %arg8[%swap3A_1196], %get3A_1195 {strides = array<i32>} : memref<1024xf32, #tpu.memory_space<vmem>>, vector<16xf32>,
    %get3A_1198 = arith.constant 4 : i32
    %get3A_1199 = arith.index_cast %get3A_1198 : i32 to index
    %get3A_1200 = arith.constant 176 : index
    %get3A_1201 = tpu.vector_load %arg7[%get3A_1199, %get3A_1200] {strides = array<i32>} : memref<8x512xf32, #tpu.memory_space<vmem>>, vector<16xf32>,
    %swap3A_1202 = arith.constant 560 : index
    %swap3A_1203 = tpu.vector_load %arg9[%swap3A_1202] {strides = array<i32>} : memref<1024xf32, #tpu.memory_space<vmem>>, vector<16xf32>,
    tpu.vector_store %arg9[%swap3A_1202], %get3A_1201 {strides = array<i32>} : memref<1024xf32, #tpu.memory_space<vmem>>, vector<16xf32>,
    %get3A_1204 = arith.constant 4 : i32
    %get3A_1205 = arith.index_cast %get3A_1204 : i32 to index
    %get3A_1206 = arith.constant 304 : index
    %get3A_1207 = tpu.vector_load %arg7[%get3A_1205, %get3A_1206] {strides = array<i32>} : memref<8x512xf32, #tpu.memory_space<vmem>>, vector<16xf32>,
    %neg3A_1208 = arith.constant 0.000000e+00 : f32
    %neg3A_1209 = vector.broadcast %neg3A_1208 : f32 to vector<16xf32>
    %neg3A_1210 = arith.subf %neg3A_1209, %get3A_1207 : vector<16xf32>
    %exp3A_1211 = math.exp %neg3A_1210 : vector<16xf32>
    %add3A_1212 = arith.constant 1.000000e+00 : f32
    %add3A_1213 = vector.broadcast %add3A_1212 : f32 to vector<16xf32>
    %add3A_1214 = arith.addf %add3A_1213, %exp3A_1211 : vector<16xf32>
    %div3A_1215 = arith.constant 1.000000e+00 : f32
    %div3A_1216 = vector.broadcast %div3A_1215 : f32 to vector<16xf32>
    %div3A_1217 = arith.divf %div3A_1216, %add3A_1214 : vector<16xf32>
    %swap3A_1218 = arith.constant 560 : index
    %swap3A_1219 = tpu.vector_load %arg10[%swap3A_1218] {strides = array<i32>} : memref<1024xf32, #tpu.memory_space<vmem>>, vector<16xf32>,
    tpu.vector_store %arg10[%swap3A_1218], %div3A_1217 {strides = array<i32>} : memref<1024xf32, #tpu.memory_space<vmem>>, vector<16xf32>,
    %get3A_1220 = arith.constant 4 : i32
    %get3A_1221 = arith.index_cast %get3A_1220 : i32 to index
    %get3A_1222 = arith.constant 432 : index
    %get3A_1223 = tpu.vector_load %arg7[%get3A_1221, %get3A_1222] {strides = array<i32>} : memref<8x512xf32, #tpu.memory_space<vmem>>, vector<16xf32>,
    %swap3A_1224 = arith.constant 560 : index
    %swap3A_1225 = tpu.vector_load %arg11[%swap3A_1224] {strides = array<i32>} : memref<1024xf32, #tpu.memory_space<vmem>>, vector<16xf32>,
    tpu.vector_store %arg11[%swap3A_1224], %get3A_1223 {strides = array<i32>} : memref<1024xf32, #tpu.memory_space<vmem>>, vector<16xf32>,
    %get3A_1226 = arith.constant 4 : i32
    %get3A_1227 = arith.index_cast %get3A_1226 : i32 to index
    %get3A_1228 = arith.constant 64 : index
    %get3A_1229 = tpu.vector_load %arg7[%get3A_1227, %get3A_1228] {strides = array<i32>} : memref<8x512xf32, #tpu.memory_space<vmem>>, vector<16xf32>,
    %swap3A_1230 = arith.constant 576 : index
    %swap3A_1231 = tpu.vector_load %arg8[%swap3A_1230] {strides = array<i32>} : memref<1024xf32, #tpu.memory_space<vmem>>, vector<16xf32>,
    tpu.vector_store %arg8[%swap3A_1230], %get3A_1229 {strides = array<i32>} : memref<1024xf32, #tpu.memory_space<vmem>>, vector<16xf32>,
    %get3A_1232 = arith.constant 4 : i32
    %get3A_1233 = arith.index_cast %get3A_1232 : i32 to index
    %get3A_1234 = arith.constant 192 : index
    %get3A_1235 = tpu.vector_load %arg7[%get3A_1233, %get3A_1234] {strides = array<i32>} : memref<8x512xf32, #tpu.memory_space<vmem>>, vector<16xf32>,
    %swap3A_1236 = arith.constant 576 : index
    %swap3A_1237 = tpu.vector_load %arg9[%swap3A_1236] {strides = array<i32>} : memref<1024xf32, #tpu.memory_space<vmem>>, vector<16xf32>,
    tpu.vector_store %arg9[%swap3A_1236], %get3A_1235 {strides = array<i32>} : memref<1024xf32, #tpu.memory_space<vmem>>, vector<16xf32>,
    %get3A_1238 = arith.constant 4 : i32
    %get3A_1239 = arith.index_cast %get3A_1238 : i32 to index
    %get3A_1240 = arith.constant 320 : index
    %get3A_1241 = tpu.vector_load %arg7[%get3A_1239, %get3A_1240] {strides = array<i32>} : memref<8x512xf32, #tpu.memory_space<vmem>>, vector<16xf32>,
    %neg3A_1242 = arith.constant 0.000000e+00 : f32
    %neg3A_1243 = vector.broadcast %neg3A_1242 : f32 to vector<16xf32>
    %neg3A_1244 = arith.subf %neg3A_1243, %get3A_1241 : vector<16xf32>
    %exp3A_1245 = math.exp %neg3A_1244 : vector<16xf32>
    %add3A_1246 = arith.constant 1.000000e+00 : f32
    %add3A_1247 = vector.broadcast %add3A_1246 : f32 to vector<16xf32>
    %add3A_1248 = arith.addf %add3A_1247, %exp3A_1245 : vector<16xf32>
    %div3A_1249 = arith.constant 1.000000e+00 : f32
    %div3A_1250 = vector.broadcast %div3A_1249 : f32 to vector<16xf32>
    %div3A_1251 = arith.divf %div3A_1250, %add3A_1248 : vector<16xf32>
    %swap3A_1252 = arith.constant 576 : index
    %swap3A_1253 = tpu.vector_load %arg10[%swap3A_1252] {strides = array<i32>} : memref<1024xf32, #tpu.memory_space<vmem>>, vector<16xf32>,
    tpu.vector_store %arg10[%swap3A_1252], %div3A_1251 {strides = array<i32>} : memref<1024xf32, #tpu.memory_space<vmem>>, vector<16xf32>,
    %get3A_1254 = arith.constant 4 : i32
    %get3A_1255 = arith.index_cast %get3A_1254 : i32 to index
    %get3A_1256 = arith.constant 448 : index
    %get3A_1257 = tpu.vector_load %arg7[%get3A_1255, %get3A_1256] {strides = array<i32>} : memref<8x512xf32, #tpu.memory_space<vmem>>, vector<16xf32>,
    %swap3A_1258 = arith.constant 576 : index
    %swap3A_1259 = tpu.vector_load %arg11[%swap3A_1258] {strides = array<i32>} : memref<1024xf32, #tpu.memory_space<vmem>>, vector<16xf32>,
    tpu.vector_store %arg11[%swap3A_1258], %get3A_1257 {strides = array<i32>} : memref<1024xf32, #tpu.memory_space<vmem>>, vector<16xf32>,
    %get3A_1260 = arith.constant 4 : i32
    %get3A_1261 = arith.index_cast %get3A_1260 : i32 to index
    %get3A_1262 = arith.constant 80 : index
    %get3A_1263 = tpu.vector_load %arg7[%get3A_1261, %get3A_1262] {strides = array<i32>} : memref<8x512xf32, #tpu.memory_space<vmem>>, vector<16xf32>,
    %swap3A_1264 = arith.constant 592 : index
    %swap3A_1265 = tpu.vector_load %arg8[%swap3A_1264] {strides = array<i32>} : memref<1024xf32, #tpu.memory_space<vmem>>, vector<16xf32>,
    tpu.vector_store %arg8[%swap3A_1264], %get3A_1263 {strides = array<i32>} : memref<1024xf32, #tpu.memory_space<vmem>>, vector<16xf32>,
    %get3A_1266 = arith.constant 4 : i32
    %get3A_1267 = arith.index_cast %get3A_1266 : i32 to index
    %get3A_1268 = arith.constant 208 : index
    %get3A_1269 = tpu.vector_load %arg7[%get3A_1267, %get3A_1268] {strides = array<i32>} : memref<8x512xf32, #tpu.memory_space<vmem>>, vector<16xf32>,
    %swap3A_1270 = arith.constant 592 : index
    %swap3A_1271 = tpu.vector_load %arg9[%swap3A_1270] {strides = array<i32>} : memref<1024xf32, #tpu.memory_space<vmem>>, vector<16xf32>,
    tpu.vector_store %arg9[%swap3A_1270], %get3A_1269 {strides = array<i32>} : memref<1024xf32, #tpu.memory_space<vmem>>, vector<16xf32>,
    %get3A_1272 = arith.constant 4 : i32
    %get3A_1273 = arith.index_cast %get3A_1272 : i32 to index
    %get3A_1274 = arith.constant 336 : index
    %get3A_1275 = tpu.vector_load %arg7[%get3A_1273, %get3A_1274] {strides = array<i32>} : memref<8x512xf32, #tpu.memory_space<vmem>>, vector<16xf32>,
    %neg3A_1276 = arith.constant 0.000000e+00 : f32
    %neg3A_1277 = vector.broadcast %neg3A_1276 : f32 to vector<16xf32>
    %neg3A_1278 = arith.subf %neg3A_1277, %get3A_1275 : vector<16xf32>
    %exp3A_1279 = math.exp %neg3A_1278 : vector<16xf32>
    %add3A_1280 = arith.constant 1.000000e+00 : f32
    %add3A_1281 = vector.broadcast %add3A_1280 : f32 to vector<16xf32>
    %add3A_1282 = arith.addf %add3A_1281, %exp3A_1279 : vector<16xf32>
    %div3A_1283 = arith.constant 1.000000e+00 : f32
    %div3A_1284 = vector.broadcast %div3A_1283 : f32 to vector<16xf32>
    %div3A_1285 = arith.divf %div3A_1284, %add3A_1282 : vector<16xf32>
    %swap3A_1286 = arith.constant 592 : index
    %swap3A_1287 = tpu.vector_load %arg10[%swap3A_1286] {strides = array<i32>} : memref<1024xf32, #tpu.memory_space<vmem>>, vector<16xf32>,
    tpu.vector_store %arg10[%swap3A_1286], %div3A_1285 {strides = array<i32>} : memref<1024xf32, #tpu.memory_space<vmem>>, vector<16xf32>,
    %get3A_1288 = arith.constant 4 : i32
    %get3A_1289 = arith.index_cast %get3A_1288 : i32 to index
    %get3A_1290 = arith.constant 464 : index
    %get3A_1291 = tpu.vector_load %arg7[%get3A_1289, %get3A_1290] {strides = array<i32>} : memref<8x512xf32, #tpu.memory_space<vmem>>, vector<16xf32>,
    %swap3A_1292 = arith.constant 592 : index
    %swap3A_1293 = tpu.vector_load %arg11[%swap3A_1292] {strides = array<i32>} : memref<1024xf32, #tpu.memory_space<vmem>>, vector<16xf32>,
    tpu.vector_store %arg11[%swap3A_1292], %get3A_1291 {strides = array<i32>} : memref<1024xf32, #tpu.memory_space<vmem>>, vector<16xf32>,
    %get3A_1294 = arith.constant 4 : i32
    %get3A_1295 = arith.index_cast %get3A_1294 : i32 to index
    %get3A_1296 = arith.constant 96 : index
    %get3A_1297 = tpu.vector_load %arg7[%get3A_1295, %get3A_1296] {strides = array<i32>} : memref<8x512xf32, #tpu.memory_space<vmem>>, vector<16xf32>,
    %swap3A_1298 = arith.constant 608 : index
    %swap3A_1299 = tpu.vector_load %arg8[%swap3A_1298] {strides = array<i32>} : memref<1024xf32, #tpu.memory_space<vmem>>, vector<16xf32>,
    tpu.vector_store %arg8[%swap3A_1298], %get3A_1297 {strides = array<i32>} : memref<1024xf32, #tpu.memory_space<vmem>>, vector<16xf32>,
    %get3A_1300 = arith.constant 4 : i32
    %get3A_1301 = arith.index_cast %get3A_1300 : i32 to index
    %get3A_1302 = arith.constant 224 : index
    %get3A_1303 = tpu.vector_load %arg7[%get3A_1301, %get3A_1302] {strides = array<i32>} : memref<8x512xf32, #tpu.memory_space<vmem>>, vector<16xf32>,
    %swap3A_1304 = arith.constant 608 : index
    %swap3A_1305 = tpu.vector_load %arg9[%swap3A_1304] {strides = array<i32>} : memref<1024xf32, #tpu.memory_space<vmem>>, vector<16xf32>,
    tpu.vector_store %arg9[%swap3A_1304], %get3A_1303 {strides = array<i32>} : memref<1024xf32, #tpu.memory_space<vmem>>, vector<16xf32>,
    %get3A_1306 = arith.constant 4 : i32
    %get3A_1307 = arith.index_cast %get3A_1306 : i32 to index
    %get3A_1308 = arith.constant 352 : index
    %get3A_1309 = tpu.vector_load %arg7[%get3A_1307, %get3A_1308] {strides = array<i32>} : memref<8x512xf32, #tpu.memory_space<vmem>>, vector<16xf32>,
    %neg3A_1310 = arith.constant 0.000000e+00 : f32
    %neg3A_1311 = vector.broadcast %neg3A_1310 : f32 to vector<16xf32>
    %neg3A_1312 = arith.subf %neg3A_1311, %get3A_1309 : vector<16xf32>
    %exp3A_1313 = math.exp %neg3A_1312 : vector<16xf32>
    %add3A_1314 = arith.constant 1.000000e+00 : f32
    %add3A_1315 = vector.broadcast %add3A_1314 : f32 to vector<16xf32>
    %add3A_1316 = arith.addf %add3A_1315, %exp3A_1313 : vector<16xf32>
    %div3A_1317 = arith.constant 1.000000e+00 : f32
    %div3A_1318 = vector.broadcast %div3A_1317 : f32 to vector<16xf32>
    %div3A_1319 = arith.divf %div3A_1318, %add3A_1316 : vector<16xf32>
    %swap3A_1320 = arith.constant 608 : index
    %swap3A_1321 = tpu.vector_load %arg10[%swap3A_1320] {strides = array<i32>} : memref<1024xf32, #tpu.memory_space<vmem>>, vector<16xf32>,
    tpu.vector_store %arg10[%swap3A_1320], %div3A_1319 {strides = array<i32>} : memref<1024xf32, #tpu.memory_space<vmem>>, vector<16xf32>,
    %get3A_1322 = arith.constant 4 : i32
    %get3A_1323 = arith.index_cast %get3A_1322 : i32 to index
    %get3A_1324 = arith.constant 480 : index
    %get3A_1325 = tpu.vector_load %arg7[%get3A_1323, %get3A_1324] {strides = array<i32>} : memref<8x512xf32, #tpu.memory_space<vmem>>, vector<16xf32>,
    %swap3A_1326 = arith.constant 608 : index
    %swap3A_1327 = tpu.vector_load %arg11[%swap3A_1326] {strides = array<i32>} : memref<1024xf32, #tpu.memory_space<vmem>>, vector<16xf32>,
    tpu.vector_store %arg11[%swap3A_1326], %get3A_1325 {strides = array<i32>} : memref<1024xf32, #tpu.memory_space<vmem>>, vector<16xf32>,
    %get3A_1328 = arith.constant 4 : i32
    %get3A_1329 = arith.index_cast %get3A_1328 : i32 to index
    %get3A_1330 = arith.constant 112 : index
    %get3A_1331 = tpu.vector_load %arg7[%get3A_1329, %get3A_1330] {strides = array<i32>} : memref<8x512xf32, #tpu.memory_space<vmem>>, vector<16xf32>,
    %swap3A_1332 = arith.constant 624 : index
    %swap3A_1333 = tpu.vector_load %arg8[%swap3A_1332] {strides = array<i32>} : memref<1024xf32, #tpu.memory_space<vmem>>, vector<16xf32>,
    tpu.vector_store %arg8[%swap3A_1332], %get3A_1331 {strides = array<i32>} : memref<1024xf32, #tpu.memory_space<vmem>>, vector<16xf32>,
    %get3A_1334 = arith.constant 4 : i32
    %get3A_1335 = arith.index_cast %get3A_1334 : i32 to index
    %get3A_1336 = arith.constant 240 : index
    %get3A_1337 = tpu.vector_load %arg7[%get3A_1335, %get3A_1336] {strides = array<i32>} : memref<8x512xf32, #tpu.memory_space<vmem>>, vector<16xf32>,
    %swap3A_1338 = arith.constant 624 : index
    %swap3A_1339 = tpu.vector_load %arg9[%swap3A_1338] {strides = array<i32>} : memref<1024xf32, #tpu.memory_space<vmem>>, vector<16xf32>,
    tpu.vector_store %arg9[%swap3A_1338], %get3A_1337 {strides = array<i32>} : memref<1024xf32, #tpu.memory_space<vmem>>, vector<16xf32>,
    %get3A_1340 = arith.constant 4 : i32
    %get3A_1341 = arith.index_cast %get3A_1340 : i32 to index
    %get3A_1342 = arith.constant 368 : index
    %get3A_1343 = tpu.vector_load %arg7[%get3A_1341, %get3A_1342] {strides = array<i32>} : memref<8x512xf32, #tpu.memory_space<vmem>>, vector<16xf32>,
    %neg3A_1344 = arith.constant 0.000000e+00 : f32
    %neg3A_1345 = vector.broadcast %neg3A_1344 : f32 to vector<16xf32>
    %neg3A_1346 = arith.subf %neg3A_1345, %get3A_1343 : vector<16xf32>
    %exp3A_1347 = math.exp %neg3A_1346 : vector<16xf32>
    %add3A_1348 = arith.constant 1.000000e+00 : f32
    %add3A_1349 = vector.broadcast %add3A_1348 : f32 to vector<16xf32>
    %add3A_1350 = arith.addf %add3A_1349, %exp3A_1347 : vector<16xf32>
    %div3A_1351 = arith.constant 1.000000e+00 : f32
    %div3A_1352 = vector.broadcast %div3A_1351 : f32 to vector<16xf32>
    %div3A_1353 = arith.divf %div3A_1352, %add3A_1350 : vector<16xf32>
    %swap3A_1354 = arith.constant 624 : index
    %swap3A_1355 = tpu.vector_load %arg10[%swap3A_1354] {strides = array<i32>} : memref<1024xf32, #tpu.memory_space<vmem>>, vector<16xf32>,
    tpu.vector_store %arg10[%swap3A_1354], %div3A_1353 {strides = array<i32>} : memref<1024xf32, #tpu.memory_space<vmem>>, vector<16xf32>,
    %get3A_1356 = arith.constant 4 : i32
    %get3A_1357 = arith.index_cast %get3A_1356 : i32 to index
    %get3A_1358 = arith.constant 496 : index
    %get3A_1359 = tpu.vector_load %arg7[%get3A_1357, %get3A_1358] {strides = array<i32>} : memref<8x512xf32, #tpu.memory_space<vmem>>, vector<16xf32>,
    %swap3A_1360 = arith.constant 624 : index
    %swap3A_1361 = tpu.vector_load %arg11[%swap3A_1360] {strides = array<i32>} : memref<1024xf32, #tpu.memory_space<vmem>>, vector<16xf32>,
    tpu.vector_store %arg11[%swap3A_1360], %get3A_1359 {strides = array<i32>} : memref<1024xf32, #tpu.memory_space<vmem>>, vector<16xf32>,
    %get3A_1362 = arith.constant 5 : i32
    %get3A_1363 = arith.index_cast %get3A_1362 : i32 to index
    %get3A_1364 = arith.constant 0 : index
    %get3A_1365 = tpu.vector_load %arg7[%get3A_1363, %get3A_1364] {strides = array<i32>} : memref<8x512xf32, #tpu.memory_space<vmem>>, vector<16xf32>,
    %swap3A_1366 = arith.constant 640 : index
    %swap3A_1367 = tpu.vector_load %arg8[%swap3A_1366] {strides = array<i32>} : memref<1024xf32, #tpu.memory_space<vmem>>, vector<16xf32>,
    tpu.vector_store %arg8[%swap3A_1366], %get3A_1365 {strides = array<i32>} : memref<1024xf32, #tpu.memory_space<vmem>>, vector<16xf32>,
    %get3A_1368 = arith.constant 5 : i32
    %get3A_1369 = arith.index_cast %get3A_1368 : i32 to index
    %get3A_1370 = arith.constant 128 : index
    %get3A_1371 = tpu.vector_load %arg7[%get3A_1369, %get3A_1370] {strides = array<i32>} : memref<8x512xf32, #tpu.memory_space<vmem>>, vector<16xf32>,
    %swap3A_1372 = arith.constant 640 : index
    %swap3A_1373 = tpu.vector_load %arg9[%swap3A_1372] {strides = array<i32>} : memref<1024xf32, #tpu.memory_space<vmem>>, vector<16xf32>,
    tpu.vector_store %arg9[%swap3A_1372], %get3A_1371 {strides = array<i32>} : memref<1024xf32, #tpu.memory_space<vmem>>, vector<16xf32>,
    %get3A_1374 = arith.constant 5 : i32
    %get3A_1375 = arith.index_cast %get3A_1374 : i32 to index
    %get3A_1376 = arith.constant 256 : index
    %get3A_1377 = tpu.vector_load %arg7[%get3A_1375, %get3A_1376] {strides = array<i32>} : memref<8x512xf32, #tpu.memory_space<vmem>>, vector<16xf32>,
    %neg3A_1378 = arith.constant 0.000000e+00 : f32
    %neg3A_1379 = vector.broadcast %neg3A_1378 : f32 to vector<16xf32>
    %neg3A_1380 = arith.subf %neg3A_1379, %get3A_1377 : vector<16xf32>
    %exp3A_1381 = math.exp %neg3A_1380 : vector<16xf32>
    %add3A_1382 = arith.constant 1.000000e+00 : f32
    %add3A_1383 = vector.broadcast %add3A_1382 : f32 to vector<16xf32>
    %add3A_1384 = arith.addf %add3A_1383, %exp3A_1381 : vector<16xf32>
    %div3A_1385 = arith.constant 1.000000e+00 : f32
    %div3A_1386 = vector.broadcast %div3A_1385 : f32 to vector<16xf32>
    %div3A_1387 = arith.divf %div3A_1386, %add3A_1384 : vector<16xf32>
    %swap3A_1388 = arith.constant 640 : index
    %swap3A_1389 = tpu.vector_load %arg10[%swap3A_1388] {strides = array<i32>} : memref<1024xf32, #tpu.memory_space<vmem>>, vector<16xf32>,
    tpu.vector_store %arg10[%swap3A_1388], %div3A_1387 {strides = array<i32>} : memref<1024xf32, #tpu.memory_space<vmem>>, vector<16xf32>,
    %get3A_1390 = arith.constant 5 : i32
    %get3A_1391 = arith.index_cast %get3A_1390 : i32 to index
    %get3A_1392 = arith.constant 384 : index
    %get3A_1393 = tpu.vector_load %arg7[%get3A_1391, %get3A_1392] {strides = array<i32>} : memref<8x512xf32, #tpu.memory_space<vmem>>, vector<16xf32>,
    %swap3A_1394 = arith.constant 640 : index
    %swap3A_1395 = tpu.vector_load %arg11[%swap3A_1394] {strides = array<i32>} : memref<1024xf32, #tpu.memory_space<vmem>>, vector<16xf32>,
    tpu.vector_store %arg11[%swap3A_1394], %get3A_1393 {strides = array<i32>} : memref<1024xf32, #tpu.memory_space<vmem>>, vector<16xf32>,
    %get3A_1396 = arith.constant 5 : i32
    %get3A_1397 = arith.index_cast %get3A_1396 : i32 to index
    %get3A_1398 = arith.constant 16 : index
    %get3A_1399 = tpu.vector_load %arg7[%get3A_1397, %get3A_1398] {strides = array<i32>} : memref<8x512xf32, #tpu.memory_space<vmem>>, vector<16xf32>,
    %swap3A_1400 = arith.constant 656 : index
    %swap3A_1401 = tpu.vector_load %arg8[%swap3A_1400] {strides = array<i32>} : memref<1024xf32, #tpu.memory_space<vmem>>, vector<16xf32>,
    tpu.vector_store %arg8[%swap3A_1400], %get3A_1399 {strides = array<i32>} : memref<1024xf32, #tpu.memory_space<vmem>>, vector<16xf32>,
    %get3A_1402 = arith.constant 5 : i32
    %get3A_1403 = arith.index_cast %get3A_1402 : i32 to index
    %get3A_1404 = arith.constant 144 : index
    %get3A_1405 = tpu.vector_load %arg7[%get3A_1403, %get3A_1404] {strides = array<i32>} : memref<8x512xf32, #tpu.memory_space<vmem>>, vector<16xf32>,
    %swap3A_1406 = arith.constant 656 : index
    %swap3A_1407 = tpu.vector_load %arg9[%swap3A_1406] {strides = array<i32>} : memref<1024xf32, #tpu.memory_space<vmem>>, vector<16xf32>,
    tpu.vector_store %arg9[%swap3A_1406], %get3A_1405 {strides = array<i32>} : memref<1024xf32, #tpu.memory_space<vmem>>, vector<16xf32>,
    %get3A_1408 = arith.constant 5 : i32
    %get3A_1409 = arith.index_cast %get3A_1408 : i32 to index
    %get3A_1410 = arith.constant 272 : index
    %get3A_1411 = tpu.vector_load %arg7[%get3A_1409, %get3A_1410] {strides = array<i32>} : memref<8x512xf32, #tpu.memory_space<vmem>>, vector<16xf32>,
    %neg3A_1412 = arith.constant 0.000000e+00 : f32
    %neg3A_1413 = vector.broadcast %neg3A_1412 : f32 to vector<16xf32>
    %neg3A_1414 = arith.subf %neg3A_1413, %get3A_1411 : vector<16xf32>
    %exp3A_1415 = math.exp %neg3A_1414 : vector<16xf32>
    %add3A_1416 = arith.constant 1.000000e+00 : f32
    %add3A_1417 = vector.broadcast %add3A_1416 : f32 to vector<16xf32>
    %add3A_1418 = arith.addf %add3A_1417, %exp3A_1415 : vector<16xf32>
    %div3A_1419 = arith.constant 1.000000e+00 : f32
    %div3A_1420 = vector.broadcast %div3A_1419 : f32 to vector<16xf32>
    %div3A_1421 = arith.divf %div3A_1420, %add3A_1418 : vector<16xf32>
    %swap3A_1422 = arith.constant 656 : index
    %swap3A_1423 = tpu.vector_load %arg10[%swap3A_1422] {strides = array<i32>} : memref<1024xf32, #tpu.memory_space<vmem>>, vector<16xf32>,
    tpu.vector_store %arg10[%swap3A_1422], %div3A_1421 {strides = array<i32>} : memref<1024xf32, #tpu.memory_space<vmem>>, vector<16xf32>,
    %get3A_1424 = arith.constant 5 : i32
    %get3A_1425 = arith.index_cast %get3A_1424 : i32 to index
    %get3A_1426 = arith.constant 400 : index
    %get3A_1427 = tpu.vector_load %arg7[%get3A_1425, %get3A_1426] {strides = array<i32>} : memref<8x512xf32, #tpu.memory_space<vmem>>, vector<16xf32>,
    %swap3A_1428 = arith.constant 656 : index
    %swap3A_1429 = tpu.vector_load %arg11[%swap3A_1428] {strides = array<i32>} : memref<1024xf32, #tpu.memory_space<vmem>>, vector<16xf32>,
    tpu.vector_store %arg11[%swap3A_1428], %get3A_1427 {strides = array<i32>} : memref<1024xf32, #tpu.memory_space<vmem>>, vector<16xf32>,
    %get3A_1430 = arith.constant 5 : i32
    %get3A_1431 = arith.index_cast %get3A_1430 : i32 to index
    %get3A_1432 = arith.constant 32 : index
    %get3A_1433 = tpu.vector_load %arg7[%get3A_1431, %get3A_1432] {strides = array<i32>} : memref<8x512xf32, #tpu.memory_space<vmem>>, vector<16xf32>,
    %swap3A_1434 = arith.constant 672 : index
    %swap3A_1435 = tpu.vector_load %arg8[%swap3A_1434] {strides = array<i32>} : memref<1024xf32, #tpu.memory_space<vmem>>, vector<16xf32>,
    tpu.vector_store %arg8[%swap3A_1434], %get3A_1433 {strides = array<i32>} : memref<1024xf32, #tpu.memory_space<vmem>>, vector<16xf32>,
    %get3A_1436 = arith.constant 5 : i32
    %get3A_1437 = arith.index_cast %get3A_1436 : i32 to index
    %get3A_1438 = arith.constant 160 : index
    %get3A_1439 = tpu.vector_load %arg7[%get3A_1437, %get3A_1438] {strides = array<i32>} : memref<8x512xf32, #tpu.memory_space<vmem>>, vector<16xf32>,
    %swap3A_1440 = arith.constant 672 : index
    %swap3A_1441 = tpu.vector_load %arg9[%swap3A_1440] {strides = array<i32>} : memref<1024xf32, #tpu.memory_space<vmem>>, vector<16xf32>,
    tpu.vector_store %arg9[%swap3A_1440], %get3A_1439 {strides = array<i32>} : memref<1024xf32, #tpu.memory_space<vmem>>, vector<16xf32>,
    %get3A_1442 = arith.constant 5 : i32
    %get3A_1443 = arith.index_cast %get3A_1442 : i32 to index
    %get3A_1444 = arith.constant 288 : index
    %get3A_1445 = tpu.vector_load %arg7[%get3A_1443, %get3A_1444] {strides = array<i32>} : memref<8x512xf32, #tpu.memory_space<vmem>>, vector<16xf32>,
    %neg3A_1446 = arith.constant 0.000000e+00 : f32
    %neg3A_1447 = vector.broadcast %neg3A_1446 : f32 to vector<16xf32>
    %neg3A_1448 = arith.subf %neg3A_1447, %get3A_1445 : vector<16xf32>
    %exp3A_1449 = math.exp %neg3A_1448 : vector<16xf32>
    %add3A_1450 = arith.constant 1.000000e+00 : f32
    %add3A_1451 = vector.broadcast %add3A_1450 : f32 to vector<16xf32>
    %add3A_1452 = arith.addf %add3A_1451, %exp3A_1449 : vector<16xf32>
    %div3A_1453 = arith.constant 1.000000e+00 : f32
    %div3A_1454 = vector.broadcast %div3A_1453 : f32 to vector<16xf32>
    %div3A_1455 = arith.divf %div3A_1454, %add3A_1452 : vector<16xf32>
    %swap3A_1456 = arith.constant 672 : index
    %swap3A_1457 = tpu.vector_load %arg10[%swap3A_1456] {strides = array<i32>} : memref<1024xf32, #tpu.memory_space<vmem>>, vector<16xf32>,
    tpu.vector_store %arg10[%swap3A_1456], %div3A_1455 {strides = array<i32>} : memref<1024xf32, #tpu.memory_space<vmem>>, vector<16xf32>,
    %get3A_1458 = arith.constant 5 : i32
    %get3A_1459 = arith.index_cast %get3A_1458 : i32 to index
    %get3A_1460 = arith.constant 416 : index
    %get3A_1461 = tpu.vector_load %arg7[%get3A_1459, %get3A_1460] {strides = array<i32>} : memref<8x512xf32, #tpu.memory_space<vmem>>, vector<16xf32>,
    %swap3A_1462 = arith.constant 672 : index
    %swap3A_1463 = tpu.vector_load %arg11[%swap3A_1462] {strides = array<i32>} : memref<1024xf32, #tpu.memory_space<vmem>>, vector<16xf32>,
    tpu.vector_store %arg11[%swap3A_1462], %get3A_1461 {strides = array<i32>} : memref<1024xf32, #tpu.memory_space<vmem>>, vector<16xf32>,
    %get3A_1464 = arith.constant 5 : i32
    %get3A_1465 = arith.index_cast %get3A_1464 : i32 to index
    %get3A_1466 = arith.constant 48 : index
    %get3A_1467 = tpu.vector_load %arg7[%get3A_1465, %get3A_1466] {strides = array<i32>} : memref<8x512xf32, #tpu.memory_space<vmem>>, vector<16xf32>,
    %swap3A_1468 = arith.constant 688 : index
    %swap3A_1469 = tpu.vector_load %arg8[%swap3A_1468] {strides = array<i32>} : memref<1024xf32, #tpu.memory_space<vmem>>, vector<16xf32>,
    tpu.vector_store %arg8[%swap3A_1468], %get3A_1467 {strides = array<i32>} : memref<1024xf32, #tpu.memory_space<vmem>>, vector<16xf32>,
    %get3A_1470 = arith.constant 5 : i32
    %get3A_1471 = arith.index_cast %get3A_1470 : i32 to index
    %get3A_1472 = arith.constant 176 : index
    %get3A_1473 = tpu.vector_load %arg7[%get3A_1471, %get3A_1472] {strides = array<i32>} : memref<8x512xf32, #tpu.memory_space<vmem>>, vector<16xf32>,
    %swap3A_1474 = arith.constant 688 : index
    %swap3A_1475 = tpu.vector_load %arg9[%swap3A_1474] {strides = array<i32>} : memref<1024xf32, #tpu.memory_space<vmem>>, vector<16xf32>,
    tpu.vector_store %arg9[%swap3A_1474], %get3A_1473 {strides = array<i32>} : memref<1024xf32, #tpu.memory_space<vmem>>, vector<16xf32>,
    %get3A_1476 = arith.constant 5 : i32
    %get3A_1477 = arith.index_cast %get3A_1476 : i32 to index
    %get3A_1478 = arith.constant 304 : index
    %get3A_1479 = tpu.vector_load %arg7[%get3A_1477, %get3A_1478] {strides = array<i32>} : memref<8x512xf32, #tpu.memory_space<vmem>>, vector<16xf32>,
    %neg3A_1480 = arith.constant 0.000000e+00 : f32
    %neg3A_1481 = vector.broadcast %neg3A_1480 : f32 to vector<16xf32>
    %neg3A_1482 = arith.subf %neg3A_1481, %get3A_1479 : vector<16xf32>
    %exp3A_1483 = math.exp %neg3A_1482 : vector<16xf32>
    %add3A_1484 = arith.constant 1.000000e+00 : f32
    %add3A_1485 = vector.broadcast %add3A_1484 : f32 to vector<16xf32>
    %add3A_1486 = arith.addf %add3A_1485, %exp3A_1483 : vector<16xf32>
    %div3A_1487 = arith.constant 1.000000e+00 : f32
    %div3A_1488 = vector.broadcast %div3A_1487 : f32 to vector<16xf32>
    %div3A_1489 = arith.divf %div3A_1488, %add3A_1486 : vector<16xf32>
    %swap3A_1490 = arith.constant 688 : index
    %swap3A_1491 = tpu.vector_load %arg10[%swap3A_1490] {strides = array<i32>} : memref<1024xf32, #tpu.memory_space<vmem>>, vector<16xf32>,
    tpu.vector_store %arg10[%swap3A_1490], %div3A_1489 {strides = array<i32>} : memref<1024xf32, #tpu.memory_space<vmem>>, vector<16xf32>,
    %get3A_1492 = arith.constant 5 : i32
    %get3A_1493 = arith.index_cast %get3A_1492 : i32 to index
    %get3A_1494 = arith.constant 432 : index
    %get3A_1495 = tpu.vector_load %arg7[%get3A_1493, %get3A_1494] {strides = array<i32>} : memref<8x512xf32, #tpu.memory_space<vmem>>, vector<16xf32>,
    %swap3A_1496 = arith.constant 688 : index
    %swap3A_1497 = tpu.vector_load %arg11[%swap3A_1496] {strides = array<i32>} : memref<1024xf32, #tpu.memory_space<vmem>>, vector<16xf32>,
    tpu.vector_store %arg11[%swap3A_1496], %get3A_1495 {strides = array<i32>} : memref<1024xf32, #tpu.memory_space<vmem>>, vector<16xf32>,
    %get3A_1498 = arith.constant 5 : i32
    %get3A_1499 = arith.index_cast %get3A_1498 : i32 to index
    %get3A_1500 = arith.constant 64 : index
    %get3A_1501 = tpu.vector_load %arg7[%get3A_1499, %get3A_1500] {strides = array<i32>} : memref<8x512xf32, #tpu.memory_space<vmem>>, vector<16xf32>,
    %swap3A_1502 = arith.constant 704 : index
    %swap3A_1503 = tpu.vector_load %arg8[%swap3A_1502] {strides = array<i32>} : memref<1024xf32, #tpu.memory_space<vmem>>, vector<16xf32>,
    tpu.vector_store %arg8[%swap3A_1502], %get3A_1501 {strides = array<i32>} : memref<1024xf32, #tpu.memory_space<vmem>>, vector<16xf32>,
    %get3A_1504 = arith.constant 5 : i32
    %get3A_1505 = arith.index_cast %get3A_1504 : i32 to index
    %get3A_1506 = arith.constant 192 : index
    %get3A_1507 = tpu.vector_load %arg7[%get3A_1505, %get3A_1506] {strides = array<i32>} : memref<8x512xf32, #tpu.memory_space<vmem>>, vector<16xf32>,
    %swap3A_1508 = arith.constant 704 : index
    %swap3A_1509 = tpu.vector_load %arg9[%swap3A_1508] {strides = array<i32>} : memref<1024xf32, #tpu.memory_space<vmem>>, vector<16xf32>,
    tpu.vector_store %arg9[%swap3A_1508], %get3A_1507 {strides = array<i32>} : memref<1024xf32, #tpu.memory_space<vmem>>, vector<16xf32>,
    %get3A_1510 = arith.constant 5 : i32
    %get3A_1511 = arith.index_cast %get3A_1510 : i32 to index
    %get3A_1512 = arith.constant 320 : index
    %get3A_1513 = tpu.vector_load %arg7[%get3A_1511, %get3A_1512] {strides = array<i32>} : memref<8x512xf32, #tpu.memory_space<vmem>>, vector<16xf32>,
    %neg3A_1514 = arith.constant 0.000000e+00 : f32
    %neg3A_1515 = vector.broadcast %neg3A_1514 : f32 to vector<16xf32>
    %neg3A_1516 = arith.subf %neg3A_1515, %get3A_1513 : vector<16xf32>
    %exp3A_1517 = math.exp %neg3A_1516 : vector<16xf32>
    %add3A_1518 = arith.constant 1.000000e+00 : f32
    %add3A_1519 = vector.broadcast %add3A_1518 : f32 to vector<16xf32>
    %add3A_1520 = arith.addf %add3A_1519, %exp3A_1517 : vector<16xf32>
    %div3A_1521 = arith.constant 1.000000e+00 : f32
    %div3A_1522 = vector.broadcast %div3A_1521 : f32 to vector<16xf32>
    %div3A_1523 = arith.divf %div3A_1522, %add3A_1520 : vector<16xf32>
    %swap3A_1524 = arith.constant 704 : index
    %swap3A_1525 = tpu.vector_load %arg10[%swap3A_1524] {strides = array<i32>} : memref<1024xf32, #tpu.memory_space<vmem>>, vector<16xf32>,
    tpu.vector_store %arg10[%swap3A_1524], %div3A_1523 {strides = array<i32>} : memref<1024xf32, #tpu.memory_space<vmem>>, vector<16xf32>,
    %get3A_1526 = arith.constant 5 : i32
    %get3A_1527 = arith.index_cast %get3A_1526 : i32 to index
    %get3A_1528 = arith.constant 448 : index
    %get3A_1529 = tpu.vector_load %arg7[%get3A_1527, %get3A_1528] {strides = array<i32>} : memref<8x512xf32, #tpu.memory_space<vmem>>, vector<16xf32>,
    %swap3A_1530 = arith.constant 704 : index
    %swap3A_1531 = tpu.vector_load %arg11[%swap3A_1530] {strides = array<i32>} : memref<1024xf32, #tpu.memory_space<vmem>>, vector<16xf32>,
    tpu.vector_store %arg11[%swap3A_1530], %get3A_1529 {strides = array<i32>} : memref<1024xf32, #tpu.memory_space<vmem>>, vector<16xf32>,
    %get3A_1532 = arith.constant 5 : i32
    %get3A_1533 = arith.index_cast %get3A_1532 : i32 to index
    %get3A_1534 = arith.constant 80 : index
    %get3A_1535 = tpu.vector_load %arg7[%get3A_1533, %get3A_1534] {strides = array<i32>} : memref<8x512xf32, #tpu.memory_space<vmem>>, vector<16xf32>,
    %swap3A_1536 = arith.constant 720 : index
    %swap3A_1537 = tpu.vector_load %arg8[%swap3A_1536] {strides = array<i32>} : memref<1024xf32, #tpu.memory_space<vmem>>, vector<16xf32>,
    tpu.vector_store %arg8[%swap3A_1536], %get3A_1535 {strides = array<i32>} : memref<1024xf32, #tpu.memory_space<vmem>>, vector<16xf32>,
    %get3A_1538 = arith.constant 5 : i32
    %get3A_1539 = arith.index_cast %get3A_1538 : i32 to index
    %get3A_1540 = arith.constant 208 : index
    %get3A_1541 = tpu.vector_load %arg7[%get3A_1539, %get3A_1540] {strides = array<i32>} : memref<8x512xf32, #tpu.memory_space<vmem>>, vector<16xf32>,
    %swap3A_1542 = arith.constant 720 : index
    %swap3A_1543 = tpu.vector_load %arg9[%swap3A_1542] {strides = array<i32>} : memref<1024xf32, #tpu.memory_space<vmem>>, vector<16xf32>,
    tpu.vector_store %arg9[%swap3A_1542], %get3A_1541 {strides = array<i32>} : memref<1024xf32, #tpu.memory_space<vmem>>, vector<16xf32>,
    %get3A_1544 = arith.constant 5 : i32
    %get3A_1545 = arith.index_cast %get3A_1544 : i32 to index
    %get3A_1546 = arith.constant 336 : index
    %get3A_1547 = tpu.vector_load %arg7[%get3A_1545, %get3A_1546] {strides = array<i32>} : memref<8x512xf32, #tpu.memory_space<vmem>>, vector<16xf32>,
    %neg3A_1548 = arith.constant 0.000000e+00 : f32
    %neg3A_1549 = vector.broadcast %neg3A_1548 : f32 to vector<16xf32>
    %neg3A_1550 = arith.subf %neg3A_1549, %get3A_1547 : vector<16xf32>
    %exp3A_1551 = math.exp %neg3A_1550 : vector<16xf32>
    %add3A_1552 = arith.constant 1.000000e+00 : f32
    %add3A_1553 = vector.broadcast %add3A_1552 : f32 to vector<16xf32>
    %add3A_1554 = arith.addf %add3A_1553, %exp3A_1551 : vector<16xf32>
    %div3A_1555 = arith.constant 1.000000e+00 : f32
    %div3A_1556 = vector.broadcast %div3A_1555 : f32 to vector<16xf32>
    %div3A_1557 = arith.divf %div3A_1556, %add3A_1554 : vector<16xf32>
    %swap3A_1558 = arith.constant 720 : index
    %swap3A_1559 = tpu.vector_load %arg10[%swap3A_1558] {strides = array<i32>} : memref<1024xf32, #tpu.memory_space<vmem>>, vector<16xf32>,
    tpu.vector_store %arg10[%swap3A_1558], %div3A_1557 {strides = array<i32>} : memref<1024xf32, #tpu.memory_space<vmem>>, vector<16xf32>,
    %get3A_1560 = arith.constant 5 : i32
    %get3A_1561 = arith.index_cast %get3A_1560 : i32 to index
    %get3A_1562 = arith.constant 464 : index
    %get3A_1563 = tpu.vector_load %arg7[%get3A_1561, %get3A_1562] {strides = array<i32>} : memref<8x512xf32, #tpu.memory_space<vmem>>, vector<16xf32>,
    %swap3A_1564 = arith.constant 720 : index
    %swap3A_1565 = tpu.vector_load %arg11[%swap3A_1564] {strides = array<i32>} : memref<1024xf32, #tpu.memory_space<vmem>>, vector<16xf32>,
    tpu.vector_store %arg11[%swap3A_1564], %get3A_1563 {strides = array<i32>} : memref<1024xf32, #tpu.memory_space<vmem>>, vector<16xf32>,
    %get3A_1566 = arith.constant 5 : i32
    %get3A_1567 = arith.index_cast %get3A_1566 : i32 to index
    %get3A_1568 = arith.constant 96 : index
    %get3A_1569 = tpu.vector_load %arg7[%get3A_1567, %get3A_1568] {strides = array<i32>} : memref<8x512xf32, #tpu.memory_space<vmem>>, vector<16xf32>,
    %swap3A_1570 = arith.constant 736 : index
    %swap3A_1571 = tpu.vector_load %arg8[%swap3A_1570] {strides = array<i32>} : memref<1024xf32, #tpu.memory_space<vmem>>, vector<16xf32>,
    tpu.vector_store %arg8[%swap3A_1570], %get3A_1569 {strides = array<i32>} : memref<1024xf32, #tpu.memory_space<vmem>>, vector<16xf32>,
    %get3A_1572 = arith.constant 5 : i32
    %get3A_1573 = arith.index_cast %get3A_1572 : i32 to index
    %get3A_1574 = arith.constant 224 : index
    %get3A_1575 = tpu.vector_load %arg7[%get3A_1573, %get3A_1574] {strides = array<i32>} : memref<8x512xf32, #tpu.memory_space<vmem>>, vector<16xf32>,
    %swap3A_1576 = arith.constant 736 : index
    %swap3A_1577 = tpu.vector_load %arg9[%swap3A_1576] {strides = array<i32>} : memref<1024xf32, #tpu.memory_space<vmem>>, vector<16xf32>,
    tpu.vector_store %arg9[%swap3A_1576], %get3A_1575 {strides = array<i32>} : memref<1024xf32, #tpu.memory_space<vmem>>, vector<16xf32>,
    %get3A_1578 = arith.constant 5 : i32
    %get3A_1579 = arith.index_cast %get3A_1578 : i32 to index
    %get3A_1580 = arith.constant 352 : index
    %get3A_1581 = tpu.vector_load %arg7[%get3A_1579, %get3A_1580] {strides = array<i32>} : memref<8x512xf32, #tpu.memory_space<vmem>>, vector<16xf32>,
    %neg3A_1582 = arith.constant 0.000000e+00 : f32
    %neg3A_1583 = vector.broadcast %neg3A_1582 : f32 to vector<16xf32>
    %neg3A_1584 = arith.subf %neg3A_1583, %get3A_1581 : vector<16xf32>
    %exp3A_1585 = math.exp %neg3A_1584 : vector<16xf32>
    %add3A_1586 = arith.constant 1.000000e+00 : f32
    %add3A_1587 = vector.broadcast %add3A_1586 : f32 to vector<16xf32>
    %add3A_1588 = arith.addf %add3A_1587, %exp3A_1585 : vector<16xf32>
    %div3A_1589 = arith.constant 1.000000e+00 : f32
    %div3A_1590 = vector.broadcast %div3A_1589 : f32 to vector<16xf32>
    %div3A_1591 = arith.divf %div3A_1590, %add3A_1588 : vector<16xf32>
    %swap3A_1592 = arith.constant 736 : index
    %swap3A_1593 = tpu.vector_load %arg10[%swap3A_1592] {strides = array<i32>} : memref<1024xf32, #tpu.memory_space<vmem>>, vector<16xf32>,
    tpu.vector_store %arg10[%swap3A_1592], %div3A_1591 {strides = array<i32>} : memref<1024xf32, #tpu.memory_space<vmem>>, vector<16xf32>,
    %get3A_1594 = arith.constant 5 : i32
    %get3A_1595 = arith.index_cast %get3A_1594 : i32 to index
    %get3A_1596 = arith.constant 480 : index
    %get3A_1597 = tpu.vector_load %arg7[%get3A_1595, %get3A_1596] {strides = array<i32>} : memref<8x512xf32, #tpu.memory_space<vmem>>, vector<16xf32>,
    %swap3A_1598 = arith.constant 736 : index
    %swap3A_1599 = tpu.vector_load %arg11[%swap3A_1598] {strides = array<i32>} : memref<1024xf32, #tpu.memory_space<vmem>>, vector<16xf32>,
    tpu.vector_store %arg11[%swap3A_1598], %get3A_1597 {strides = array<i32>} : memref<1024xf32, #tpu.memory_space<vmem>>, vector<16xf32>,
    %get3A_1600 = arith.constant 5 : i32
    %get3A_1601 = arith.index_cast %get3A_1600 : i32 to index
    %get3A_1602 = arith.constant 112 : index
    %get3A_1603 = tpu.vector_load %arg7[%get3A_1601, %get3A_1602] {strides = array<i32>} : memref<8x512xf32, #tpu.memory_space<vmem>>, vector<16xf32>,
    %swap3A_1604 = arith.constant 752 : index
    %swap3A_1605 = tpu.vector_load %arg8[%swap3A_1604] {strides = array<i32>} : memref<1024xf32, #tpu.memory_space<vmem>>, vector<16xf32>,
    tpu.vector_store %arg8[%swap3A_1604], %get3A_1603 {strides = array<i32>} : memref<1024xf32, #tpu.memory_space<vmem>>, vector<16xf32>,
    %get3A_1606 = arith.constant 5 : i32
    %get3A_1607 = arith.index_cast %get3A_1606 : i32 to index
    %get3A_1608 = arith.constant 240 : index
    %get3A_1609 = tpu.vector_load %arg7[%get3A_1607, %get3A_1608] {strides = array<i32>} : memref<8x512xf32, #tpu.memory_space<vmem>>, vector<16xf32>,
    %swap3A_1610 = arith.constant 752 : index
    %swap3A_1611 = tpu.vector_load %arg9[%swap3A_1610] {strides = array<i32>} : memref<1024xf32, #tpu.memory_space<vmem>>, vector<16xf32>,
    tpu.vector_store %arg9[%swap3A_1610], %get3A_1609 {strides = array<i32>} : memref<1024xf32, #tpu.memory_space<vmem>>, vector<16xf32>,
    %get3A_1612 = arith.constant 5 : i32
    %get3A_1613 = arith.index_cast %get3A_1612 : i32 to index
    %get3A_1614 = arith.constant 368 : index
    %get3A_1615 = tpu.vector_load %arg7[%get3A_1613, %get3A_1614] {strides = array<i32>} : memref<8x512xf32, #tpu.memory_space<vmem>>, vector<16xf32>,
    %neg3A_1616 = arith.constant 0.000000e+00 : f32
    %neg3A_1617 = vector.broadcast %neg3A_1616 : f32 to vector<16xf32>
    %neg3A_1618 = arith.subf %neg3A_1617, %get3A_1615 : vector<16xf32>
    %exp3A_1619 = math.exp %neg3A_1618 : vector<16xf32>
    %add3A_1620 = arith.constant 1.000000e+00 : f32
    %add3A_1621 = vector.broadcast %add3A_1620 : f32 to vector<16xf32>
    %add3A_1622 = arith.addf %add3A_1621, %exp3A_1619 : vector<16xf32>
    %div3A_1623 = arith.constant 1.000000e+00 : f32
    %div3A_1624 = vector.broadcast %div3A_1623 : f32 to vector<16xf32>
    %div3A_1625 = arith.divf %div3A_1624, %add3A_1622 : vector<16xf32>
    %swap3A_1626 = arith.constant 752 : index
    %swap3A_1627 = tpu.vector_load %arg10[%swap3A_1626] {strides = array<i32>} : memref<1024xf32, #tpu.memory_space<vmem>>, vector<16xf32>,
    tpu.vector_store %arg10[%swap3A_1626], %div3A_1625 {strides = array<i32>} : memref<1024xf32, #tpu.memory_space<vmem>>, vector<16xf32>,
    %get3A_1628 = arith.constant 5 : i32
    %get3A_1629 = arith.index_cast %get3A_1628 : i32 to index
    %get3A_1630 = arith.constant 496 : index
    %get3A_1631 = tpu.vector_load %arg7[%get3A_1629, %get3A_1630] {strides = array<i32>} : memref<8x512xf32, #tpu.memory_space<vmem>>, vector<16xf32>,
    %swap3A_1632 = arith.constant 752 : index
    %swap3A_1633 = tpu.vector_load %arg11[%swap3A_1632] {strides = array<i32>} : memref<1024xf32, #tpu.memory_space<vmem>>, vector<16xf32>,
    tpu.vector_store %arg11[%swap3A_1632], %get3A_1631 {strides = array<i32>} : memref<1024xf32, #tpu.memory_space<vmem>>, vector<16xf32>,
    %get3A_1634 = arith.constant 6 : i32
    %get3A_1635 = arith.index_cast %get3A_1634 : i32 to index
    %get3A_1636 = arith.constant 0 : index
    %get3A_1637 = tpu.vector_load %arg7[%get3A_1635, %get3A_1636] {strides = array<i32>} : memref<8x512xf32, #tpu.memory_space<vmem>>, vector<16xf32>,
    %swap3A_1638 = arith.constant 768 : index
    %swap3A_1639 = tpu.vector_load %arg8[%swap3A_1638] {strides = array<i32>} : memref<1024xf32, #tpu.memory_space<vmem>>, vector<16xf32>,
    tpu.vector_store %arg8[%swap3A_1638], %get3A_1637 {strides = array<i32>} : memref<1024xf32, #tpu.memory_space<vmem>>, vector<16xf32>,
    %get3A_1640 = arith.constant 6 : i32
    %get3A_1641 = arith.index_cast %get3A_1640 : i32 to index
    %get3A_1642 = arith.constant 128 : index
    %get3A_1643 = tpu.vector_load %arg7[%get3A_1641, %get3A_1642] {strides = array<i32>} : memref<8x512xf32, #tpu.memory_space<vmem>>, vector<16xf32>,
    %swap3A_1644 = arith.constant 768 : index
    %swap3A_1645 = tpu.vector_load %arg9[%swap3A_1644] {strides = array<i32>} : memref<1024xf32, #tpu.memory_space<vmem>>, vector<16xf32>,
    tpu.vector_store %arg9[%swap3A_1644], %get3A_1643 {strides = array<i32>} : memref<1024xf32, #tpu.memory_space<vmem>>, vector<16xf32>,
    %get3A_1646 = arith.constant 6 : i32
    %get3A_1647 = arith.index_cast %get3A_1646 : i32 to index
    %get3A_1648 = arith.constant 256 : index
    %get3A_1649 = tpu.vector_load %arg7[%get3A_1647, %get3A_1648] {strides = array<i32>} : memref<8x512xf32, #tpu.memory_space<vmem>>, vector<16xf32>,
    %neg3A_1650 = arith.constant 0.000000e+00 : f32
    %neg3A_1651 = vector.broadcast %neg3A_1650 : f32 to vector<16xf32>
    %neg3A_1652 = arith.subf %neg3A_1651, %get3A_1649 : vector<16xf32>
    %exp3A_1653 = math.exp %neg3A_1652 : vector<16xf32>
    %add3A_1654 = arith.constant 1.000000e+00 : f32
    %add3A_1655 = vector.broadcast %add3A_1654 : f32 to vector<16xf32>
    %add3A_1656 = arith.addf %add3A_1655, %exp3A_1653 : vector<16xf32>
    %div3A_1657 = arith.constant 1.000000e+00 : f32
    %div3A_1658 = vector.broadcast %div3A_1657 : f32 to vector<16xf32>
    %div3A_1659 = arith.divf %div3A_1658, %add3A_1656 : vector<16xf32>
    %swap3A_1660 = arith.constant 768 : index
    %swap3A_1661 = tpu.vector_load %arg10[%swap3A_1660] {strides = array<i32>} : memref<1024xf32, #tpu.memory_space<vmem>>, vector<16xf32>,
    tpu.vector_store %arg10[%swap3A_1660], %div3A_1659 {strides = array<i32>} : memref<1024xf32, #tpu.memory_space<vmem>>, vector<16xf32>,
    %get3A_1662 = arith.constant 6 : i32
    %get3A_1663 = arith.index_cast %get3A_1662 : i32 to index
    %get3A_1664 = arith.constant 384 : index
    %get3A_1665 = tpu.vector_load %arg7[%get3A_1663, %get3A_1664] {strides = array<i32>} : memref<8x512xf32, #tpu.memory_space<vmem>>, vector<16xf32>,
    %swap3A_1666 = arith.constant 768 : index
    %swap3A_1667 = tpu.vector_load %arg11[%swap3A_1666] {strides = array<i32>} : memref<1024xf32, #tpu.memory_space<vmem>>, vector<16xf32>,
    tpu.vector_store %arg11[%swap3A_1666], %get3A_1665 {strides = array<i32>} : memref<1024xf32, #tpu.memory_space<vmem>>, vector<16xf32>,
    %get3A_1668 = arith.constant 6 : i32
    %get3A_1669 = arith.index_cast %get3A_1668 : i32 to index
    %get3A_1670 = arith.constant 16 : index
    %get3A_1671 = tpu.vector_load %arg7[%get3A_1669, %get3A_1670] {strides = array<i32>} : memref<8x512xf32, #tpu.memory_space<vmem>>, vector<16xf32>,
    %swap3A_1672 = arith.constant 784 : index
    %swap3A_1673 = tpu.vector_load %arg8[%swap3A_1672] {strides = array<i32>} : memref<1024xf32, #tpu.memory_space<vmem>>, vector<16xf32>,
    tpu.vector_store %arg8[%swap3A_1672], %get3A_1671 {strides = array<i32>} : memref<1024xf32, #tpu.memory_space<vmem>>, vector<16xf32>,
    %get3A_1674 = arith.constant 6 : i32
    %get3A_1675 = arith.index_cast %get3A_1674 : i32 to index
    %get3A_1676 = arith.constant 144 : index
    %get3A_1677 = tpu.vector_load %arg7[%get3A_1675, %get3A_1676] {strides = array<i32>} : memref<8x512xf32, #tpu.memory_space<vmem>>, vector<16xf32>,
    %swap3A_1678 = arith.constant 784 : index
    %swap3A_1679 = tpu.vector_load %arg9[%swap3A_1678] {strides = array<i32>} : memref<1024xf32, #tpu.memory_space<vmem>>, vector<16xf32>,
    tpu.vector_store %arg9[%swap3A_1678], %get3A_1677 {strides = array<i32>} : memref<1024xf32, #tpu.memory_space<vmem>>, vector<16xf32>,
    %get3A_1680 = arith.constant 6 : i32
    %get3A_1681 = arith.index_cast %get3A_1680 : i32 to index
    %get3A_1682 = arith.constant 272 : index
    %get3A_1683 = tpu.vector_load %arg7[%get3A_1681, %get3A_1682] {strides = array<i32>} : memref<8x512xf32, #tpu.memory_space<vmem>>, vector<16xf32>,
    %neg3A_1684 = arith.constant 0.000000e+00 : f32
    %neg3A_1685 = vector.broadcast %neg3A_1684 : f32 to vector<16xf32>
    %neg3A_1686 = arith.subf %neg3A_1685, %get3A_1683 : vector<16xf32>
    %exp3A_1687 = math.exp %neg3A_1686 : vector<16xf32>
    %add3A_1688 = arith.constant 1.000000e+00 : f32
    %add3A_1689 = vector.broadcast %add3A_1688 : f32 to vector<16xf32>
    %add3A_1690 = arith.addf %add3A_1689, %exp3A_1687 : vector<16xf32>
    %div3A_1691 = arith.constant 1.000000e+00 : f32
    %div3A_1692 = vector.broadcast %div3A_1691 : f32 to vector<16xf32>
    %div3A_1693 = arith.divf %div3A_1692, %add3A_1690 : vector<16xf32>
    %swap3A_1694 = arith.constant 784 : index
    %swap3A_1695 = tpu.vector_load %arg10[%swap3A_1694] {strides = array<i32>} : memref<1024xf32, #tpu.memory_space<vmem>>, vector<16xf32>,
    tpu.vector_store %arg10[%swap3A_1694], %div3A_1693 {strides = array<i32>} : memref<1024xf32, #tpu.memory_space<vmem>>, vector<16xf32>,
    %get3A_1696 = arith.constant 6 : i32
    %get3A_1697 = arith.index_cast %get3A_1696 : i32 to index
    %get3A_1698 = arith.constant 400 : index
    %get3A_1699 = tpu.vector_load %arg7[%get3A_1697, %get3A_1698] {strides = array<i32>} : memref<8x512xf32, #tpu.memory_space<vmem>>, vector<16xf32>,
    %swap3A_1700 = arith.constant 784 : index
    %swap3A_1701 = tpu.vector_load %arg11[%swap3A_1700] {strides = array<i32>} : memref<1024xf32, #tpu.memory_space<vmem>>, vector<16xf32>,
    tpu.vector_store %arg11[%swap3A_1700], %get3A_1699 {strides = array<i32>} : memref<1024xf32, #tpu.memory_space<vmem>>, vector<16xf32>,
    %get3A_1702 = arith.constant 6 : i32
    %get3A_1703 = arith.index_cast %get3A_1702 : i32 to index
    %get3A_1704 = arith.constant 32 : index
    %get3A_1705 = tpu.vector_load %arg7[%get3A_1703, %get3A_1704] {strides = array<i32>} : memref<8x512xf32, #tpu.memory_space<vmem>>, vector<16xf32>,
    %swap3A_1706 = arith.constant 800 : index
    %swap3A_1707 = tpu.vector_load %arg8[%swap3A_1706] {strides = array<i32>} : memref<1024xf32, #tpu.memory_space<vmem>>, vector<16xf32>,
    tpu.vector_store %arg8[%swap3A_1706], %get3A_1705 {strides = array<i32>} : memref<1024xf32, #tpu.memory_space<vmem>>, vector<16xf32>,
    %get3A_1708 = arith.constant 6 : i32
    %get3A_1709 = arith.index_cast %get3A_1708 : i32 to index
    %get3A_1710 = arith.constant 160 : index
    %get3A_1711 = tpu.vector_load %arg7[%get3A_1709, %get3A_1710] {strides = array<i32>} : memref<8x512xf32, #tpu.memory_space<vmem>>, vector<16xf32>,
    %swap3A_1712 = arith.constant 800 : index
    %swap3A_1713 = tpu.vector_load %arg9[%swap3A_1712] {strides = array<i32>} : memref<1024xf32, #tpu.memory_space<vmem>>, vector<16xf32>,
    tpu.vector_store %arg9[%swap3A_1712], %get3A_1711 {strides = array<i32>} : memref<1024xf32, #tpu.memory_space<vmem>>, vector<16xf32>,
    %get3A_1714 = arith.constant 6 : i32
    %get3A_1715 = arith.index_cast %get3A_1714 : i32 to index
    %get3A_1716 = arith.constant 288 : index
    %get3A_1717 = tpu.vector_load %arg7[%get3A_1715, %get3A_1716] {strides = array<i32>} : memref<8x512xf32, #tpu.memory_space<vmem>>, vector<16xf32>,
    %neg3A_1718 = arith.constant 0.000000e+00 : f32
    %neg3A_1719 = vector.broadcast %neg3A_1718 : f32 to vector<16xf32>
    %neg3A_1720 = arith.subf %neg3A_1719, %get3A_1717 : vector<16xf32>
    %exp3A_1721 = math.exp %neg3A_1720 : vector<16xf32>
    %add3A_1722 = arith.constant 1.000000e+00 : f32
    %add3A_1723 = vector.broadcast %add3A_1722 : f32 to vector<16xf32>
    %add3A_1724 = arith.addf %add3A_1723, %exp3A_1721 : vector<16xf32>
    %div3A_1725 = arith.constant 1.000000e+00 : f32
    %div3A_1726 = vector.broadcast %div3A_1725 : f32 to vector<16xf32>
    %div3A_1727 = arith.divf %div3A_1726, %add3A_1724 : vector<16xf32>
    %swap3A_1728 = arith.constant 800 : index
    %swap3A_1729 = tpu.vector_load %arg10[%swap3A_1728] {strides = array<i32>} : memref<1024xf32, #tpu.memory_space<vmem>>, vector<16xf32>,
    tpu.vector_store %arg10[%swap3A_1728], %div3A_1727 {strides = array<i32>} : memref<1024xf32, #tpu.memory_space<vmem>>, vector<16xf32>,
    %get3A_1730 = arith.constant 6 : i32
    %get3A_1731 = arith.index_cast %get3A_1730 : i32 to index
    %get3A_1732 = arith.constant 416 : index
    %get3A_1733 = tpu.vector_load %arg7[%get3A_1731, %get3A_1732] {strides = array<i32>} : memref<8x512xf32, #tpu.memory_space<vmem>>, vector<16xf32>,
    %swap3A_1734 = arith.constant 800 : index
    %swap3A_1735 = tpu.vector_load %arg11[%swap3A_1734] {strides = array<i32>} : memref<1024xf32, #tpu.memory_space<vmem>>, vector<16xf32>,
    tpu.vector_store %arg11[%swap3A_1734], %get3A_1733 {strides = array<i32>} : memref<1024xf32, #tpu.memory_space<vmem>>, vector<16xf32>,
    %get3A_1736 = arith.constant 6 : i32
    %get3A_1737 = arith.index_cast %get3A_1736 : i32 to index
    %get3A_1738 = arith.constant 48 : index
    %get3A_1739 = tpu.vector_load %arg7[%get3A_1737, %get3A_1738] {strides = array<i32>} : memref<8x512xf32, #tpu.memory_space<vmem>>, vector<16xf32>,
    %swap3A_1740 = arith.constant 816 : index
    %swap3A_1741 = tpu.vector_load %arg8[%swap3A_1740] {strides = array<i32>} : memref<1024xf32, #tpu.memory_space<vmem>>, vector<16xf32>,
    tpu.vector_store %arg8[%swap3A_1740], %get3A_1739 {strides = array<i32>} : memref<1024xf32, #tpu.memory_space<vmem>>, vector<16xf32>,
    %get3A_1742 = arith.constant 6 : i32
    %get3A_1743 = arith.index_cast %get3A_1742 : i32 to index
    %get3A_1744 = arith.constant 176 : index
    %get3A_1745 = tpu.vector_load %arg7[%get3A_1743, %get3A_1744] {strides = array<i32>} : memref<8x512xf32, #tpu.memory_space<vmem>>, vector<16xf32>,
    %swap3A_1746 = arith.constant 816 : index
    %swap3A_1747 = tpu.vector_load %arg9[%swap3A_1746] {strides = array<i32>} : memref<1024xf32, #tpu.memory_space<vmem>>, vector<16xf32>,
    tpu.vector_store %arg9[%swap3A_1746], %get3A_1745 {strides = array<i32>} : memref<1024xf32, #tpu.memory_space<vmem>>, vector<16xf32>,
    %get3A_1748 = arith.constant 6 : i32
    %get3A_1749 = arith.index_cast %get3A_1748 : i32 to index
    %get3A_1750 = arith.constant 304 : index
    %get3A_1751 = tpu.vector_load %arg7[%get3A_1749, %get3A_1750] {strides = array<i32>} : memref<8x512xf32, #tpu.memory_space<vmem>>, vector<16xf32>,
    %neg3A_1752 = arith.constant 0.000000e+00 : f32
    %neg3A_1753 = vector.broadcast %neg3A_1752 : f32 to vector<16xf32>
    %neg3A_1754 = arith.subf %neg3A_1753, %get3A_1751 : vector<16xf32>
    %exp3A_1755 = math.exp %neg3A_1754 : vector<16xf32>
    %add3A_1756 = arith.constant 1.000000e+00 : f32
    %add3A_1757 = vector.broadcast %add3A_1756 : f32 to vector<16xf32>
    %add3A_1758 = arith.addf %add3A_1757, %exp3A_1755 : vector<16xf32>
    %div3A_1759 = arith.constant 1.000000e+00 : f32
    %div3A_1760 = vector.broadcast %div3A_1759 : f32 to vector<16xf32>
    %div3A_1761 = arith.divf %div3A_1760, %add3A_1758 : vector<16xf32>
    %swap3A_1762 = arith.constant 816 : index
    %swap3A_1763 = tpu.vector_load %arg10[%swap3A_1762] {strides = array<i32>} : memref<1024xf32, #tpu.memory_space<vmem>>, vector<16xf32>,
    tpu.vector_store %arg10[%swap3A_1762], %div3A_1761 {strides = array<i32>} : memref<1024xf32, #tpu.memory_space<vmem>>, vector<16xf32>,
    %get3A_1764 = arith.constant 6 : i32
    %get3A_1765 = arith.index_cast %get3A_1764 : i32 to index
    %get3A_1766 = arith.constant 432 : index
    %get3A_1767 = tpu.vector_load %arg7[%get3A_1765, %get3A_1766] {strides = array<i32>} : memref<8x512xf32, #tpu.memory_space<vmem>>, vector<16xf32>,
    %swap3A_1768 = arith.constant 816 : index
    %swap3A_1769 = tpu.vector_load %arg11[%swap3A_1768] {strides = array<i32>} : memref<1024xf32, #tpu.memory_space<vmem>>, vector<16xf32>,
    tpu.vector_store %arg11[%swap3A_1768], %get3A_1767 {strides = array<i32>} : memref<1024xf32, #tpu.memory_space<vmem>>, vector<16xf32>,
    %get3A_1770 = arith.constant 6 : i32
    %get3A_1771 = arith.index_cast %get3A_1770 : i32 to index
    %get3A_1772 = arith.constant 64 : index
    %get3A_1773 = tpu.vector_load %arg7[%get3A_1771, %get3A_1772] {strides = array<i32>} : memref<8x512xf32, #tpu.memory_space<vmem>>, vector<16xf32>,
    %swap3A_1774 = arith.constant 832 : index
    %swap3A_1775 = tpu.vector_load %arg8[%swap3A_1774] {strides = array<i32>} : memref<1024xf32, #tpu.memory_space<vmem>>, vector<16xf32>,
    tpu.vector_store %arg8[%swap3A_1774], %get3A_1773 {strides = array<i32>} : memref<1024xf32, #tpu.memory_space<vmem>>, vector<16xf32>,
    %get3A_1776 = arith.constant 6 : i32
    %get3A_1777 = arith.index_cast %get3A_1776 : i32 to index
    %get3A_1778 = arith.constant 192 : index
    %get3A_1779 = tpu.vector_load %arg7[%get3A_1777, %get3A_1778] {strides = array<i32>} : memref<8x512xf32, #tpu.memory_space<vmem>>, vector<16xf32>,
    %swap3A_1780 = arith.constant 832 : index
    %swap3A_1781 = tpu.vector_load %arg9[%swap3A_1780] {strides = array<i32>} : memref<1024xf32, #tpu.memory_space<vmem>>, vector<16xf32>,
    tpu.vector_store %arg9[%swap3A_1780], %get3A_1779 {strides = array<i32>} : memref<1024xf32, #tpu.memory_space<vmem>>, vector<16xf32>,
    %get3A_1782 = arith.constant 6 : i32
    %get3A_1783 = arith.index_cast %get3A_1782 : i32 to index
    %get3A_1784 = arith.constant 320 : index
    %get3A_1785 = tpu.vector_load %arg7[%get3A_1783, %get3A_1784] {strides = array<i32>} : memref<8x512xf32, #tpu.memory_space<vmem>>, vector<16xf32>,
    %neg3A_1786 = arith.constant 0.000000e+00 : f32
    %neg3A_1787 = vector.broadcast %neg3A_1786 : f32 to vector<16xf32>
    %neg3A_1788 = arith.subf %neg3A_1787, %get3A_1785 : vector<16xf32>
    %exp3A_1789 = math.exp %neg3A_1788 : vector<16xf32>
    %add3A_1790 = arith.constant 1.000000e+00 : f32
    %add3A_1791 = vector.broadcast %add3A_1790 : f32 to vector<16xf32>
    %add3A_1792 = arith.addf %add3A_1791, %exp3A_1789 : vector<16xf32>
    %div3A_1793 = arith.constant 1.000000e+00 : f32
    %div3A_1794 = vector.broadcast %div3A_1793 : f32 to vector<16xf32>
    %div3A_1795 = arith.divf %div3A_1794, %add3A_1792 : vector<16xf32>
    %swap3A_1796 = arith.constant 832 : index
    %swap3A_1797 = tpu.vector_load %arg10[%swap3A_1796] {strides = array<i32>} : memref<1024xf32, #tpu.memory_space<vmem>>, vector<16xf32>,
    tpu.vector_store %arg10[%swap3A_1796], %div3A_1795 {strides = array<i32>} : memref<1024xf32, #tpu.memory_space<vmem>>, vector<16xf32>,
    %get3A_1798 = arith.constant 6 : i32
    %get3A_1799 = arith.index_cast %get3A_1798 : i32 to index
    %get3A_1800 = arith.constant 448 : index
    %get3A_1801 = tpu.vector_load %arg7[%get3A_1799, %get3A_1800] {strides = array<i32>} : memref<8x512xf32, #tpu.memory_space<vmem>>, vector<16xf32>,
    %swap3A_1802 = arith.constant 832 : index
    %swap3A_1803 = tpu.vector_load %arg11[%swap3A_1802] {strides = array<i32>} : memref<1024xf32, #tpu.memory_space<vmem>>, vector<16xf32>,
    tpu.vector_store %arg11[%swap3A_1802], %get3A_1801 {strides = array<i32>} : memref<1024xf32, #tpu.memory_space<vmem>>, vector<16xf32>,
    %get3A_1804 = arith.constant 6 : i32
    %get3A_1805 = arith.index_cast %get3A_1804 : i32 to index
    %get3A_1806 = arith.constant 80 : index
    %get3A_1807 = tpu.vector_load %arg7[%get3A_1805, %get3A_1806] {strides = array<i32>} : memref<8x512xf32, #tpu.memory_space<vmem>>, vector<16xf32>,
    %swap3A_1808 = arith.constant 848 : index
    %swap3A_1809 = tpu.vector_load %arg8[%swap3A_1808] {strides = array<i32>} : memref<1024xf32, #tpu.memory_space<vmem>>, vector<16xf32>,
    tpu.vector_store %arg8[%swap3A_1808], %get3A_1807 {strides = array<i32>} : memref<1024xf32, #tpu.memory_space<vmem>>, vector<16xf32>,
    %get3A_1810 = arith.constant 6 : i32
    %get3A_1811 = arith.index_cast %get3A_1810 : i32 to index
    %get3A_1812 = arith.constant 208 : index
    %get3A_1813 = tpu.vector_load %arg7[%get3A_1811, %get3A_1812] {strides = array<i32>} : memref<8x512xf32, #tpu.memory_space<vmem>>, vector<16xf32>,
    %swap3A_1814 = arith.constant 848 : index
    %swap3A_1815 = tpu.vector_load %arg9[%swap3A_1814] {strides = array<i32>} : memref<1024xf32, #tpu.memory_space<vmem>>, vector<16xf32>,
    tpu.vector_store %arg9[%swap3A_1814], %get3A_1813 {strides = array<i32>} : memref<1024xf32, #tpu.memory_space<vmem>>, vector<16xf32>,
    %get3A_1816 = arith.constant 6 : i32
    %get3A_1817 = arith.index_cast %get3A_1816 : i32 to index
    %get3A_1818 = arith.constant 336 : index
    %get3A_1819 = tpu.vector_load %arg7[%get3A_1817, %get3A_1818] {strides = array<i32>} : memref<8x512xf32, #tpu.memory_space<vmem>>, vector<16xf32>,
    %neg3A_1820 = arith.constant 0.000000e+00 : f32
    %neg3A_1821 = vector.broadcast %neg3A_1820 : f32 to vector<16xf32>
    %neg3A_1822 = arith.subf %neg3A_1821, %get3A_1819 : vector<16xf32>
    %exp3A_1823 = math.exp %neg3A_1822 : vector<16xf32>
    %add3A_1824 = arith.constant 1.000000e+00 : f32
    %add3A_1825 = vector.broadcast %add3A_1824 : f32 to vector<16xf32>
    %add3A_1826 = arith.addf %add3A_1825, %exp3A_1823 : vector<16xf32>
    %div3A_1827 = arith.constant 1.000000e+00 : f32
    %div3A_1828 = vector.broadcast %div3A_1827 : f32 to vector<16xf32>
    %div3A_1829 = arith.divf %div3A_1828, %add3A_1826 : vector<16xf32>
    %swap3A_1830 = arith.constant 848 : index
    %swap3A_1831 = tpu.vector_load %arg10[%swap3A_1830] {strides = array<i32>} : memref<1024xf32, #tpu.memory_space<vmem>>, vector<16xf32>,
    tpu.vector_store %arg10[%swap3A_1830], %div3A_1829 {strides = array<i32>} : memref<1024xf32, #tpu.memory_space<vmem>>, vector<16xf32>,
    %get3A_1832 = arith.constant 6 : i32
    %get3A_1833 = arith.index_cast %get3A_1832 : i32 to index
    %get3A_1834 = arith.constant 464 : index
    %get3A_1835 = tpu.vector_load %arg7[%get3A_1833, %get3A_1834] {strides = array<i32>} : memref<8x512xf32, #tpu.memory_space<vmem>>, vector<16xf32>,
    %swap3A_1836 = arith.constant 848 : index
    %swap3A_1837 = tpu.vector_load %arg11[%swap3A_1836] {strides = array<i32>} : memref<1024xf32, #tpu.memory_space<vmem>>, vector<16xf32>,
    tpu.vector_store %arg11[%swap3A_1836], %get3A_1835 {strides = array<i32>} : memref<1024xf32, #tpu.memory_space<vmem>>, vector<16xf32>,
    %get3A_1838 = arith.constant 6 : i32
    %get3A_1839 = arith.index_cast %get3A_1838 : i32 to index
    %get3A_1840 = arith.constant 96 : index
    %get3A_1841 = tpu.vector_load %arg7[%get3A_1839, %get3A_1840] {strides = array<i32>} : memref<8x512xf32, #tpu.memory_space<vmem>>, vector<16xf32>,
    %swap3A_1842 = arith.constant 864 : index
    %swap3A_1843 = tpu.vector_load %arg8[%swap3A_1842] {strides = array<i32>} : memref<1024xf32, #tpu.memory_space<vmem>>, vector<16xf32>,
    tpu.vector_store %arg8[%swap3A_1842], %get3A_1841 {strides = array<i32>} : memref<1024xf32, #tpu.memory_space<vmem>>, vector<16xf32>,
    %get3A_1844 = arith.constant 6 : i32
    %get3A_1845 = arith.index_cast %get3A_1844 : i32 to index
    %get3A_1846 = arith.constant 224 : index
    %get3A_1847 = tpu.vector_load %arg7[%get3A_1845, %get3A_1846] {strides = array<i32>} : memref<8x512xf32, #tpu.memory_space<vmem>>, vector<16xf32>,
    %swap3A_1848 = arith.constant 864 : index
    %swap3A_1849 = tpu.vector_load %arg9[%swap3A_1848] {strides = array<i32>} : memref<1024xf32, #tpu.memory_space<vmem>>, vector<16xf32>,
    tpu.vector_store %arg9[%swap3A_1848], %get3A_1847 {strides = array<i32>} : memref<1024xf32, #tpu.memory_space<vmem>>, vector<16xf32>,
    %get3A_1850 = arith.constant 6 : i32
    %get3A_1851 = arith.index_cast %get3A_1850 : i32 to index
    %get3A_1852 = arith.constant 352 : index
    %get3A_1853 = tpu.vector_load %arg7[%get3A_1851, %get3A_1852] {strides = array<i32>} : memref<8x512xf32, #tpu.memory_space<vmem>>, vector<16xf32>,
    %neg3A_1854 = arith.constant 0.000000e+00 : f32
    %neg3A_1855 = vector.broadcast %neg3A_1854 : f32 to vector<16xf32>
    %neg3A_1856 = arith.subf %neg3A_1855, %get3A_1853 : vector<16xf32>
    %exp3A_1857 = math.exp %neg3A_1856 : vector<16xf32>
    %add3A_1858 = arith.constant 1.000000e+00 : f32
    %add3A_1859 = vector.broadcast %add3A_1858 : f32 to vector<16xf32>
    %add3A_1860 = arith.addf %add3A_1859, %exp3A_1857 : vector<16xf32>
    %div3A_1861 = arith.constant 1.000000e+00 : f32
    %div3A_1862 = vector.broadcast %div3A_1861 : f32 to vector<16xf32>
    %div3A_1863 = arith.divf %div3A_1862, %add3A_1860 : vector<16xf32>
    %swap3A_1864 = arith.constant 864 : index
    %swap3A_1865 = tpu.vector_load %arg10[%swap3A_1864] {strides = array<i32>} : memref<1024xf32, #tpu.memory_space<vmem>>, vector<16xf32>,
    tpu.vector_store %arg10[%swap3A_1864], %div3A_1863 {strides = array<i32>} : memref<1024xf32, #tpu.memory_space<vmem>>, vector<16xf32>,
    %get3A_1866 = arith.constant 6 : i32
    %get3A_1867 = arith.index_cast %get3A_1866 : i32 to index
    %get3A_1868 = arith.constant 480 : index
    %get3A_1869 = tpu.vector_load %arg7[%get3A_1867, %get3A_1868] {strides = array<i32>} : memref<8x512xf32, #tpu.memory_space<vmem>>, vector<16xf32>,
    %swap3A_1870 = arith.constant 864 : index
    %swap3A_1871 = tpu.vector_load %arg11[%swap3A_1870] {strides = array<i32>} : memref<1024xf32, #tpu.memory_space<vmem>>, vector<16xf32>,
    tpu.vector_store %arg11[%swap3A_1870], %get3A_1869 {strides = array<i32>} : memref<1024xf32, #tpu.memory_space<vmem>>, vector<16xf32>,
    %get3A_1872 = arith.constant 6 : i32
    %get3A_1873 = arith.index_cast %get3A_1872 : i32 to index
    %get3A_1874 = arith.constant 112 : index
    %get3A_1875 = tpu.vector_load %arg7[%get3A_1873, %get3A_1874] {strides = array<i32>} : memref<8x512xf32, #tpu.memory_space<vmem>>, vector<16xf32>,
    %swap3A_1876 = arith.constant 880 : index
    %swap3A_1877 = tpu.vector_load %arg8[%swap3A_1876] {strides = array<i32>} : memref<1024xf32, #tpu.memory_space<vmem>>, vector<16xf32>,
    tpu.vector_store %arg8[%swap3A_1876], %get3A_1875 {strides = array<i32>} : memref<1024xf32, #tpu.memory_space<vmem>>, vector<16xf32>,
    %get3A_1878 = arith.constant 6 : i32
    %get3A_1879 = arith.index_cast %get3A_1878 : i32 to index
    %get3A_1880 = arith.constant 240 : index
    %get3A_1881 = tpu.vector_load %arg7[%get3A_1879, %get3A_1880] {strides = array<i32>} : memref<8x512xf32, #tpu.memory_space<vmem>>, vector<16xf32>,
    %swap3A_1882 = arith.constant 880 : index
    %swap3A_1883 = tpu.vector_load %arg9[%swap3A_1882] {strides = array<i32>} : memref<1024xf32, #tpu.memory_space<vmem>>, vector<16xf32>,
    tpu.vector_store %arg9[%swap3A_1882], %get3A_1881 {strides = array<i32>} : memref<1024xf32, #tpu.memory_space<vmem>>, vector<16xf32>,
    %get3A_1884 = arith.constant 6 : i32
    %get3A_1885 = arith.index_cast %get3A_1884 : i32 to index
    %get3A_1886 = arith.constant 368 : index
    %get3A_1887 = tpu.vector_load %arg7[%get3A_1885, %get3A_1886] {strides = array<i32>} : memref<8x512xf32, #tpu.memory_space<vmem>>, vector<16xf32>,
    %neg3A_1888 = arith.constant 0.000000e+00 : f32
    %neg3A_1889 = vector.broadcast %neg3A_1888 : f32 to vector<16xf32>
    %neg3A_1890 = arith.subf %neg3A_1889, %get3A_1887 : vector<16xf32>
    %exp3A_1891 = math.exp %neg3A_1890 : vector<16xf32>
    %add3A_1892 = arith.constant 1.000000e+00 : f32
    %add3A_1893 = vector.broadcast %add3A_1892 : f32 to vector<16xf32>
    %add3A_1894 = arith.addf %add3A_1893, %exp3A_1891 : vector<16xf32>
    %div3A_1895 = arith.constant 1.000000e+00 : f32
    %div3A_1896 = vector.broadcast %div3A_1895 : f32 to vector<16xf32>
    %div3A_1897 = arith.divf %div3A_1896, %add3A_1894 : vector<16xf32>
    %swap3A_1898 = arith.constant 880 : index
    %swap3A_1899 = tpu.vector_load %arg10[%swap3A_1898] {strides = array<i32>} : memref<1024xf32, #tpu.memory_space<vmem>>, vector<16xf32>,
    tpu.vector_store %arg10[%swap3A_1898], %div3A_1897 {strides = array<i32>} : memref<1024xf32, #tpu.memory_space<vmem>>, vector<16xf32>,
    %get3A_1900 = arith.constant 6 : i32
    %get3A_1901 = arith.index_cast %get3A_1900 : i32 to index
    %get3A_1902 = arith.constant 496 : index
    %get3A_1903 = tpu.vector_load %arg7[%get3A_1901, %get3A_1902] {strides = array<i32>} : memref<8x512xf32, #tpu.memory_space<vmem>>, vector<16xf32>,
    %swap3A_1904 = arith.constant 880 : index
    %swap3A_1905 = tpu.vector_load %arg11[%swap3A_1904] {strides = array<i32>} : memref<1024xf32, #tpu.memory_space<vmem>>, vector<16xf32>,
    tpu.vector_store %arg11[%swap3A_1904], %get3A_1903 {strides = array<i32>} : memref<1024xf32, #tpu.memory_space<vmem>>, vector<16xf32>,
    %get3A_1906 = arith.constant 7 : i32
    %get3A_1907 = arith.index_cast %get3A_1906 : i32 to index
    %get3A_1908 = arith.constant 0 : index
    %get3A_1909 = tpu.vector_load %arg7[%get3A_1907, %get3A_1908] {strides = array<i32>} : memref<8x512xf32, #tpu.memory_space<vmem>>, vector<16xf32>,
    %swap3A_1910 = arith.constant 896 : index
    %swap3A_1911 = tpu.vector_load %arg8[%swap3A_1910] {strides = array<i32>} : memref<1024xf32, #tpu.memory_space<vmem>>, vector<16xf32>,
    tpu.vector_store %arg8[%swap3A_1910], %get3A_1909 {strides = array<i32>} : memref<1024xf32, #tpu.memory_space<vmem>>, vector<16xf32>,
    %get3A_1912 = arith.constant 7 : i32
    %get3A_1913 = arith.index_cast %get3A_1912 : i32 to index
    %get3A_1914 = arith.constant 128 : index
    %get3A_1915 = tpu.vector_load %arg7[%get3A_1913, %get3A_1914] {strides = array<i32>} : memref<8x512xf32, #tpu.memory_space<vmem>>, vector<16xf32>,
    %swap3A_1916 = arith.constant 896 : index
    %swap3A_1917 = tpu.vector_load %arg9[%swap3A_1916] {strides = array<i32>} : memref<1024xf32, #tpu.memory_space<vmem>>, vector<16xf32>,
    tpu.vector_store %arg9[%swap3A_1916], %get3A_1915 {strides = array<i32>} : memref<1024xf32, #tpu.memory_space<vmem>>, vector<16xf32>,
    %get3A_1918 = arith.constant 7 : i32
    %get3A_1919 = arith.index_cast %get3A_1918 : i32 to index
    %get3A_1920 = arith.constant 256 : index
    %get3A_1921 = tpu.vector_load %arg7[%get3A_1919, %get3A_1920] {strides = array<i32>} : memref<8x512xf32, #tpu.memory_space<vmem>>, vector<16xf32>,
    %neg3A_1922 = arith.constant 0.000000e+00 : f32
    %neg3A_1923 = vector.broadcast %neg3A_1922 : f32 to vector<16xf32>
    %neg3A_1924 = arith.subf %neg3A_1923, %get3A_1921 : vector<16xf32>
    %exp3A_1925 = math.exp %neg3A_1924 : vector<16xf32>
    %add3A_1926 = arith.constant 1.000000e+00 : f32
    %add3A_1927 = vector.broadcast %add3A_1926 : f32 to vector<16xf32>
    %add3A_1928 = arith.addf %add3A_1927, %exp3A_1925 : vector<16xf32>
    %div3A_1929 = arith.constant 1.000000e+00 : f32
    %div3A_1930 = vector.broadcast %div3A_1929 : f32 to vector<16xf32>
    %div3A_1931 = arith.divf %div3A_1930, %add3A_1928 : vector<16xf32>
    %swap3A_1932 = arith.constant 896 : index
    %swap3A_1933 = tpu.vector_load %arg10[%swap3A_1932] {strides = array<i32>} : memref<1024xf32, #tpu.memory_space<vmem>>, vector<16xf32>,
    tpu.vector_store %arg10[%swap3A_1932], %div3A_1931 {strides = array<i32>} : memref<1024xf32, #tpu.memory_space<vmem>>, vector<16xf32>,
    %get3A_1934 = arith.constant 7 : i32
    %get3A_1935 = arith.index_cast %get3A_1934 : i32 to index
    %get3A_1936 = arith.constant 384 : index
    %get3A_1937 = tpu.vector_load %arg7[%get3A_1935, %get3A_1936] {strides = array<i32>} : memref<8x512xf32, #tpu.memory_space<vmem>>, vector<16xf32>,
    %swap3A_1938 = arith.constant 896 : index
    %swap3A_1939 = tpu.vector_load %arg11[%swap3A_1938] {strides = array<i32>} : memref<1024xf32, #tpu.memory_space<vmem>>, vector<16xf32>,
    tpu.vector_store %arg11[%swap3A_1938], %get3A_1937 {strides = array<i32>} : memref<1024xf32, #tpu.memory_space<vmem>>, vector<16xf32>,
    %get3A_1940 = arith.constant 7 : i32
    %get3A_1941 = arith.index_cast %get3A_1940 : i32 to index
    %get3A_1942 = arith.constant 16 : index
    %get3A_1943 = tpu.vector_load %arg7[%get3A_1941, %get3A_1942] {strides = array<i32>} : memref<8x512xf32, #tpu.memory_space<vmem>>, vector<16xf32>,
    %swap3A_1944 = arith.constant 912 : index
    %swap3A_1945 = tpu.vector_load %arg8[%swap3A_1944] {strides = array<i32>} : memref<1024xf32, #tpu.memory_space<vmem>>, vector<16xf32>,
    tpu.vector_store %arg8[%swap3A_1944], %get3A_1943 {strides = array<i32>} : memref<1024xf32, #tpu.memory_space<vmem>>, vector<16xf32>,
    %get3A_1946 = arith.constant 7 : i32
    %get3A_1947 = arith.index_cast %get3A_1946 : i32 to index
    %get3A_1948 = arith.constant 144 : index
    %get3A_1949 = tpu.vector_load %arg7[%get3A_1947, %get3A_1948] {strides = array<i32>} : memref<8x512xf32, #tpu.memory_space<vmem>>, vector<16xf32>,
    %swap3A_1950 = arith.constant 912 : index
    %swap3A_1951 = tpu.vector_load %arg9[%swap3A_1950] {strides = array<i32>} : memref<1024xf32, #tpu.memory_space<vmem>>, vector<16xf32>,
    tpu.vector_store %arg9[%swap3A_1950], %get3A_1949 {strides = array<i32>} : memref<1024xf32, #tpu.memory_space<vmem>>, vector<16xf32>,
    %get3A_1952 = arith.constant 7 : i32
    %get3A_1953 = arith.index_cast %get3A_1952 : i32 to index
    %get3A_1954 = arith.constant 272 : index
    %get3A_1955 = tpu.vector_load %arg7[%get3A_1953, %get3A_1954] {strides = array<i32>} : memref<8x512xf32, #tpu.memory_space<vmem>>, vector<16xf32>,
    %neg3A_1956 = arith.constant 0.000000e+00 : f32
    %neg3A_1957 = vector.broadcast %neg3A_1956 : f32 to vector<16xf32>
    %neg3A_1958 = arith.subf %neg3A_1957, %get3A_1955 : vector<16xf32>
    %exp3A_1959 = math.exp %neg3A_1958 : vector<16xf32>
    %add3A_1960 = arith.constant 1.000000e+00 : f32
    %add3A_1961 = vector.broadcast %add3A_1960 : f32 to vector<16xf32>
    %add3A_1962 = arith.addf %add3A_1961, %exp3A_1959 : vector<16xf32>
    %div3A_1963 = arith.constant 1.000000e+00 : f32
    %div3A_1964 = vector.broadcast %div3A_1963 : f32 to vector<16xf32>
    %div3A_1965 = arith.divf %div3A_1964, %add3A_1962 : vector<16xf32>
    %swap3A_1966 = arith.constant 912 : index
    %swap3A_1967 = tpu.vector_load %arg10[%swap3A_1966] {strides = array<i32>} : memref<1024xf32, #tpu.memory_space<vmem>>, vector<16xf32>,
    tpu.vector_store %arg10[%swap3A_1966], %div3A_1965 {strides = array<i32>} : memref<1024xf32, #tpu.memory_space<vmem>>, vector<16xf32>,
    %get3A_1968 = arith.constant 7 : i32
    %get3A_1969 = arith.index_cast %get3A_1968 : i32 to index
    %get3A_1970 = arith.constant 400 : index
    %get3A_1971 = tpu.vector_load %arg7[%get3A_1969, %get3A_1970] {strides = array<i32>} : memref<8x512xf32, #tpu.memory_space<vmem>>, vector<16xf32>,
    %swap3A_1972 = arith.constant 912 : index
    %swap3A_1973 = tpu.vector_load %arg11[%swap3A_1972] {strides = array<i32>} : memref<1024xf32, #tpu.memory_space<vmem>>, vector<16xf32>,
    tpu.vector_store %arg11[%swap3A_1972], %get3A_1971 {strides = array<i32>} : memref<1024xf32, #tpu.memory_space<vmem>>, vector<16xf32>,
    %get3A_1974 = arith.constant 7 : i32
    %get3A_1975 = arith.index_cast %get3A_1974 : i32 to index
    %get3A_1976 = arith.constant 32 : index
    %get3A_1977 = tpu.vector_load %arg7[%get3A_1975, %get3A_1976] {strides = array<i32>} : memref<8x512xf32, #tpu.memory_space<vmem>>, vector<16xf32>,
    %swap3A_1978 = arith.constant 928 : index
    %swap3A_1979 = tpu.vector_load %arg8[%swap3A_1978] {strides = array<i32>} : memref<1024xf32, #tpu.memory_space<vmem>>, vector<16xf32>,
    tpu.vector_store %arg8[%swap3A_1978], %get3A_1977 {strides = array<i32>} : memref<1024xf32, #tpu.memory_space<vmem>>, vector<16xf32>,
    %get3A_1980 = arith.constant 7 : i32
    %get3A_1981 = arith.index_cast %get3A_1980 : i32 to index
    %get3A_1982 = arith.constant 160 : index
    %get3A_1983 = tpu.vector_load %arg7[%get3A_1981, %get3A_1982] {strides = array<i32>} : memref<8x512xf32, #tpu.memory_space<vmem>>, vector<16xf32>,
    %swap3A_1984 = arith.constant 928 : index
    %swap3A_1985 = tpu.vector_load %arg9[%swap3A_1984] {strides = array<i32>} : memref<1024xf32, #tpu.memory_space<vmem>>, vector<16xf32>,
    tpu.vector_store %arg9[%swap3A_1984], %get3A_1983 {strides = array<i32>} : memref<1024xf32, #tpu.memory_space<vmem>>, vector<16xf32>,
    %get3A_1986 = arith.constant 7 : i32
    %get3A_1987 = arith.index_cast %get3A_1986 : i32 to index
    %get3A_1988 = arith.constant 288 : index
    %get3A_1989 = tpu.vector_load %arg7[%get3A_1987, %get3A_1988] {strides = array<i32>} : memref<8x512xf32, #tpu.memory_space<vmem>>, vector<16xf32>,
    %neg3A_1990 = arith.constant 0.000000e+00 : f32
    %neg3A_1991 = vector.broadcast %neg3A_1990 : f32 to vector<16xf32>
    %neg3A_1992 = arith.subf %neg3A_1991, %get3A_1989 : vector<16xf32>
    %exp3A_1993 = math.exp %neg3A_1992 : vector<16xf32>
    %add3A_1994 = arith.constant 1.000000e+00 : f32
    %add3A_1995 = vector.broadcast %add3A_1994 : f32 to vector<16xf32>
    %add3A_1996 = arith.addf %add3A_1995, %exp3A_1993 : vector<16xf32>
    %div3A_1997 = arith.constant 1.000000e+00 : f32
    %div3A_1998 = vector.broadcast %div3A_1997 : f32 to vector<16xf32>
    %div3A_1999 = arith.divf %div3A_1998, %add3A_1996 : vector<16xf32>
    %swap3A_2000 = arith.constant 928 : index
    %swap3A_2001 = tpu.vector_load %arg10[%swap3A_2000] {strides = array<i32>} : memref<1024xf32, #tpu.memory_space<vmem>>, vector<16xf32>,
    tpu.vector_store %arg10[%swap3A_2000], %div3A_1999 {strides = array<i32>} : memref<1024xf32, #tpu.memory_space<vmem>>, vector<16xf32>,
    %get3A_2002 = arith.constant 7 : i32
    %get3A_2003 = arith.index_cast %get3A_2002 : i32 to index
    %get3A_2004 = arith.constant 416 : index
    %get3A_2005 = tpu.vector_load %arg7[%get3A_2003, %get3A_2004] {strides = array<i32>} : memref<8x512xf32, #tpu.memory_space<vmem>>, vector<16xf32>,
    %swap3A_2006 = arith.constant 928 : index
    %swap3A_2007 = tpu.vector_load %arg11[%swap3A_2006] {strides = array<i32>} : memref<1024xf32, #tpu.memory_space<vmem>>, vector<16xf32>,
    tpu.vector_store %arg11[%swap3A_2006], %get3A_2005 {strides = array<i32>} : memref<1024xf32, #tpu.memory_space<vmem>>, vector<16xf32>,
    %get3A_2008 = arith.constant 7 : i32
    %get3A_2009 = arith.index_cast %get3A_2008 : i32 to index
    %get3A_2010 = arith.constant 48 : index
    %get3A_2011 = tpu.vector_load %arg7[%get3A_2009, %get3A_2010] {strides = array<i32>} : memref<8x512xf32, #tpu.memory_space<vmem>>, vector<16xf32>,
    %swap3A_2012 = arith.constant 944 : index
    %swap3A_2013 = tpu.vector_load %arg8[%swap3A_2012] {strides = array<i32>} : memref<1024xf32, #tpu.memory_space<vmem>>, vector<16xf32>,
    tpu.vector_store %arg8[%swap3A_2012], %get3A_2011 {strides = array<i32>} : memref<1024xf32, #tpu.memory_space<vmem>>, vector<16xf32>,
    %get3A_2014 = arith.constant 7 : i32
    %get3A_2015 = arith.index_cast %get3A_2014 : i32 to index
    %get3A_2016 = arith.constant 176 : index
    %get3A_2017 = tpu.vector_load %arg7[%get3A_2015, %get3A_2016] {strides = array<i32>} : memref<8x512xf32, #tpu.memory_space<vmem>>, vector<16xf32>,
    %swap3A_2018 = arith.constant 944 : index
    %swap3A_2019 = tpu.vector_load %arg9[%swap3A_2018] {strides = array<i32>} : memref<1024xf32, #tpu.memory_space<vmem>>, vector<16xf32>,
    tpu.vector_store %arg9[%swap3A_2018], %get3A_2017 {strides = array<i32>} : memref<1024xf32, #tpu.memory_space<vmem>>, vector<16xf32>,
    %get3A_2020 = arith.constant 7 : i32
    %get3A_2021 = arith.index_cast %get3A_2020 : i32 to index
    %get3A_2022 = arith.constant 304 : index
    %get3A_2023 = tpu.vector_load %arg7[%get3A_2021, %get3A_2022] {strides = array<i32>} : memref<8x512xf32, #tpu.memory_space<vmem>>, vector<16xf32>,
    %neg3A_2024 = arith.constant 0.000000e+00 : f32
    %neg3A_2025 = vector.broadcast %neg3A_2024 : f32 to vector<16xf32>
    %neg3A_2026 = arith.subf %neg3A_2025, %get3A_2023 : vector<16xf32>
    %exp3A_2027 = math.exp %neg3A_2026 : vector<16xf32>
    %add3A_2028 = arith.constant 1.000000e+00 : f32
    %add3A_2029 = vector.broadcast %add3A_2028 : f32 to vector<16xf32>
    %add3A_2030 = arith.addf %add3A_2029, %exp3A_2027 : vector<16xf32>
    %div3A_2031 = arith.constant 1.000000e+00 : f32
    %div3A_2032 = vector.broadcast %div3A_2031 : f32 to vector<16xf32>
    %div3A_2033 = arith.divf %div3A_2032, %add3A_2030 : vector<16xf32>
    %swap3A_2034 = arith.constant 944 : index
    %swap3A_2035 = tpu.vector_load %arg10[%swap3A_2034] {strides = array<i32>} : memref<1024xf32, #tpu.memory_space<vmem>>, vector<16xf32>,
    tpu.vector_store %arg10[%swap3A_2034], %div3A_2033 {strides = array<i32>} : memref<1024xf32, #tpu.memory_space<vmem>>, vector<16xf32>,
    %get3A_2036 = arith.constant 7 : i32
    %get3A_2037 = arith.index_cast %get3A_2036 : i32 to index
    %get3A_2038 = arith.constant 432 : index
    %get3A_2039 = tpu.vector_load %arg7[%get3A_2037, %get3A_2038] {strides = array<i32>} : memref<8x512xf32, #tpu.memory_space<vmem>>, vector<16xf32>,
    %swap3A_2040 = arith.constant 944 : index
    %swap3A_2041 = tpu.vector_load %arg11[%swap3A_2040] {strides = array<i32>} : memref<1024xf32, #tpu.memory_space<vmem>>, vector<16xf32>,
    tpu.vector_store %arg11[%swap3A_2040], %get3A_2039 {strides = array<i32>} : memref<1024xf32, #tpu.memory_space<vmem>>, vector<16xf32>,
    %get3A_2042 = arith.constant 7 : i32
    %get3A_2043 = arith.index_cast %get3A_2042 : i32 to index
    %get3A_2044 = arith.constant 64 : index
    %get3A_2045 = tpu.vector_load %arg7[%get3A_2043, %get3A_2044] {strides = array<i32>} : memref<8x512xf32, #tpu.memory_space<vmem>>, vector<16xf32>,
    %swap3A_2046 = arith.constant 960 : index
    %swap3A_2047 = tpu.vector_load %arg8[%swap3A_2046] {strides = array<i32>} : memref<1024xf32, #tpu.memory_space<vmem>>, vector<16xf32>,
    tpu.vector_store %arg8[%swap3A_2046], %get3A_2045 {strides = array<i32>} : memref<1024xf32, #tpu.memory_space<vmem>>, vector<16xf32>,
    %get3A_2048 = arith.constant 7 : i32
    %get3A_2049 = arith.index_cast %get3A_2048 : i32 to index
    %get3A_2050 = arith.constant 192 : index
    %get3A_2051 = tpu.vector_load %arg7[%get3A_2049, %get3A_2050] {strides = array<i32>} : memref<8x512xf32, #tpu.memory_space<vmem>>, vector<16xf32>,
    %swap3A_2052 = arith.constant 960 : index
    %swap3A_2053 = tpu.vector_load %arg9[%swap3A_2052] {strides = array<i32>} : memref<1024xf32, #tpu.memory_space<vmem>>, vector<16xf32>,
    tpu.vector_store %arg9[%swap3A_2052], %get3A_2051 {strides = array<i32>} : memref<1024xf32, #tpu.memory_space<vmem>>, vector<16xf32>,
    %get3A_2054 = arith.constant 7 : i32
    %get3A_2055 = arith.index_cast %get3A_2054 : i32 to index
    %get3A_2056 = arith.constant 320 : index
    %get3A_2057 = tpu.vector_load %arg7[%get3A_2055, %get3A_2056] {strides = array<i32>} : memref<8x512xf32, #tpu.memory_space<vmem>>, vector<16xf32>,
    %neg3A_2058 = arith.constant 0.000000e+00 : f32
    %neg3A_2059 = vector.broadcast %neg3A_2058 : f32 to vector<16xf32>
    %neg3A_2060 = arith.subf %neg3A_2059, %get3A_2057 : vector<16xf32>
    %exp3A_2061 = math.exp %neg3A_2060 : vector<16xf32>
    %add3A_2062 = arith.constant 1.000000e+00 : f32
    %add3A_2063 = vector.broadcast %add3A_2062 : f32 to vector<16xf32>
    %add3A_2064 = arith.addf %add3A_2063, %exp3A_2061 : vector<16xf32>
    %div3A_2065 = arith.constant 1.000000e+00 : f32
    %div3A_2066 = vector.broadcast %div3A_2065 : f32 to vector<16xf32>
    %div3A_2067 = arith.divf %div3A_2066, %add3A_2064 : vector<16xf32>
    %swap3A_2068 = arith.constant 960 : index
    %swap3A_2069 = tpu.vector_load %arg10[%swap3A_2068] {strides = array<i32>} : memref<1024xf32, #tpu.memory_space<vmem>>, vector<16xf32>,
    tpu.vector_store %arg10[%swap3A_2068], %div3A_2067 {strides = array<i32>} : memref<1024xf32, #tpu.memory_space<vmem>>, vector<16xf32>,
    %get3A_2070 = arith.constant 7 : i32
    %get3A_2071 = arith.index_cast %get3A_2070 : i32 to index
    %get3A_2072 = arith.constant 448 : index
    %get3A_2073 = tpu.vector_load %arg7[%get3A_2071, %get3A_2072] {strides = array<i32>} : memref<8x512xf32, #tpu.memory_space<vmem>>, vector<16xf32>,
    %swap3A_2074 = arith.constant 960 : index
    %swap3A_2075 = tpu.vector_load %arg11[%swap3A_2074] {strides = array<i32>} : memref<1024xf32, #tpu.memory_space<vmem>>, vector<16xf32>,
    tpu.vector_store %arg11[%swap3A_2074], %get3A_2073 {strides = array<i32>} : memref<1024xf32, #tpu.memory_space<vmem>>, vector<16xf32>,
    %get3A_2076 = arith.constant 7 : i32
    %get3A_2077 = arith.index_cast %get3A_2076 : i32 to index
    %get3A_2078 = arith.constant 80 : index
    %get3A_2079 = tpu.vector_load %arg7[%get3A_2077, %get3A_2078] {strides = array<i32>} : memref<8x512xf32, #tpu.memory_space<vmem>>, vector<16xf32>,
    %swap3A_2080 = arith.constant 976 : index
    %swap3A_2081 = tpu.vector_load %arg8[%swap3A_2080] {strides = array<i32>} : memref<1024xf32, #tpu.memory_space<vmem>>, vector<16xf32>,
    tpu.vector_store %arg8[%swap3A_2080], %get3A_2079 {strides = array<i32>} : memref<1024xf32, #tpu.memory_space<vmem>>, vector<16xf32>,
    %get3A_2082 = arith.constant 7 : i32
    %get3A_2083 = arith.index_cast %get3A_2082 : i32 to index
    %get3A_2084 = arith.constant 208 : index
    %get3A_2085 = tpu.vector_load %arg7[%get3A_2083, %get3A_2084] {strides = array<i32>} : memref<8x512xf32, #tpu.memory_space<vmem>>, vector<16xf32>,
    %swap3A_2086 = arith.constant 976 : index
    %swap3A_2087 = tpu.vector_load %arg9[%swap3A_2086] {strides = array<i32>} : memref<1024xf32, #tpu.memory_space<vmem>>, vector<16xf32>,
    tpu.vector_store %arg9[%swap3A_2086], %get3A_2085 {strides = array<i32>} : memref<1024xf32, #tpu.memory_space<vmem>>, vector<16xf32>,
    %get3A_2088 = arith.constant 7 : i32
    %get3A_2089 = arith.index_cast %get3A_2088 : i32 to index
    %get3A_2090 = arith.constant 336 : index
    %get3A_2091 = tpu.vector_load %arg7[%get3A_2089, %get3A_2090] {strides = array<i32>} : memref<8x512xf32, #tpu.memory_space<vmem>>, vector<16xf32>,
    %neg3A_2092 = arith.constant 0.000000e+00 : f32
    %neg3A_2093 = vector.broadcast %neg3A_2092 : f32 to vector<16xf32>
    %neg3A_2094 = arith.subf %neg3A_2093, %get3A_2091 : vector<16xf32>
    %exp3A_2095 = math.exp %neg3A_2094 : vector<16xf32>
    %add3A_2096 = arith.constant 1.000000e+00 : f32
    %add3A_2097 = vector.broadcast %add3A_2096 : f32 to vector<16xf32>
    %add3A_2098 = arith.addf %add3A_2097, %exp3A_2095 : vector<16xf32>
    %div3A_2099 = arith.constant 1.000000e+00 : f32
    %div3A_2100 = vector.broadcast %div3A_2099 : f32 to vector<16xf32>
    %div3A_2101 = arith.divf %div3A_2100, %add3A_2098 : vector<16xf32>
    %swap3A_2102 = arith.constant 976 : index
    %swap3A_2103 = tpu.vector_load %arg10[%swap3A_2102] {strides = array<i32>} : memref<1024xf32, #tpu.memory_space<vmem>>, vector<16xf32>,
    tpu.vector_store %arg10[%swap3A_2102], %div3A_2101 {strides = array<i32>} : memref<1024xf32, #tpu.memory_space<vmem>>, vector<16xf32>,
    %get3A_2104 = arith.constant 7 : i32
    %get3A_2105 = arith.index_cast %get3A_2104 : i32 to index
    %get3A_2106 = arith.constant 464 : index
    %get3A_2107 = tpu.vector_load %arg7[%get3A_2105, %get3A_2106] {strides = array<i32>} : memref<8x512xf32, #tpu.memory_space<vmem>>, vector<16xf32>,
    %swap3A_2108 = arith.constant 976 : index
    %swap3A_2109 = tpu.vector_load %arg11[%swap3A_2108] {strides = array<i32>} : memref<1024xf32, #tpu.memory_space<vmem>>, vector<16xf32>,
    tpu.vector_store %arg11[%swap3A_2108], %get3A_2107 {strides = array<i32>} : memref<1024xf32, #tpu.memory_space<vmem>>, vector<16xf32>,
    %get3A_2110 = arith.constant 7 : i32
    %get3A_2111 = arith.index_cast %get3A_2110 : i32 to index
    %get3A_2112 = arith.constant 96 : index
    %get3A_2113 = tpu.vector_load %arg7[%get3A_2111, %get3A_2112] {strides = array<i32>} : memref<8x512xf32, #tpu.memory_space<vmem>>, vector<16xf32>,
    %swap3A_2114 = arith.constant 992 : index
    %swap3A_2115 = tpu.vector_load %arg8[%swap3A_2114] {strides = array<i32>} : memref<1024xf32, #tpu.memory_space<vmem>>, vector<16xf32>,
    tpu.vector_store %arg8[%swap3A_2114], %get3A_2113 {strides = array<i32>} : memref<1024xf32, #tpu.memory_space<vmem>>, vector<16xf32>,
    %get3A_2116 = arith.constant 7 : i32
    %get3A_2117 = arith.index_cast %get3A_2116 : i32 to index
    %get3A_2118 = arith.constant 224 : index
    %get3A_2119 = tpu.vector_load %arg7[%get3A_2117, %get3A_2118] {strides = array<i32>} : memref<8x512xf32, #tpu.memory_space<vmem>>, vector<16xf32>,
    %swap3A_2120 = arith.constant 992 : index
    %swap3A_2121 = tpu.vector_load %arg9[%swap3A_2120] {strides = array<i32>} : memref<1024xf32, #tpu.memory_space<vmem>>, vector<16xf32>,
    tpu.vector_store %arg9[%swap3A_2120], %get3A_2119 {strides = array<i32>} : memref<1024xf32, #tpu.memory_space<vmem>>, vector<16xf32>,
    %get3A_2122 = arith.constant 7 : i32
    %get3A_2123 = arith.index_cast %get3A_2122 : i32 to index
    %get3A_2124 = arith.constant 352 : index
    %get3A_2125 = tpu.vector_load %arg7[%get3A_2123, %get3A_2124] {strides = array<i32>} : memref<8x512xf32, #tpu.memory_space<vmem>>, vector<16xf32>,
    %neg3A_2126 = arith.constant 0.000000e+00 : f32
    %neg3A_2127 = vector.broadcast %neg3A_2126 : f32 to vector<16xf32>
    %neg3A_2128 = arith.subf %neg3A_2127, %get3A_2125 : vector<16xf32>
    %exp3A_2129 = math.exp %neg3A_2128 : vector<16xf32>
    %add3A_2130 = arith.constant 1.000000e+00 : f32
    %add3A_2131 = vector.broadcast %add3A_2130 : f32 to vector<16xf32>
    %add3A_2132 = arith.addf %add3A_2131, %exp3A_2129 : vector<16xf32>
    %div3A_2133 = arith.constant 1.000000e+00 : f32
    %div3A_2134 = vector.broadcast %div3A_2133 : f32 to vector<16xf32>
    %div3A_2135 = arith.divf %div3A_2134, %add3A_2132 : vector<16xf32>
    %swap3A_2136 = arith.constant 992 : index
    %swap3A_2137 = tpu.vector_load %arg10[%swap3A_2136] {strides = array<i32>} : memref<1024xf32, #tpu.memory_space<vmem>>, vector<16xf32>,
    tpu.vector_store %arg10[%swap3A_2136], %div3A_2135 {strides = array<i32>} : memref<1024xf32, #tpu.memory_space<vmem>>, vector<16xf32>,
    %get3A_2138 = arith.constant 7 : i32
    %get3A_2139 = arith.index_cast %get3A_2138 : i32 to index
    %get3A_2140 = arith.constant 480 : index
    %get3A_2141 = tpu.vector_load %arg7[%get3A_2139, %get3A_2140] {strides = array<i32>} : memref<8x512xf32, #tpu.memory_space<vmem>>, vector<16xf32>,
    %swap3A_2142 = arith.constant 992 : index
    %swap3A_2143 = tpu.vector_load %arg11[%swap3A_2142] {strides = array<i32>} : memref<1024xf32, #tpu.memory_space<vmem>>, vector<16xf32>,
    tpu.vector_store %arg11[%swap3A_2142], %get3A_2141 {strides = array<i32>} : memref<1024xf32, #tpu.memory_space<vmem>>, vector<16xf32>,
    %get3A_2144 = arith.constant 7 : i32
    %get3A_2145 = arith.index_cast %get3A_2144 : i32 to index
    %get3A_2146 = arith.constant 112 : index
    %get3A_2147 = tpu.vector_load %arg7[%get3A_2145, %get3A_2146] {strides = array<i32>} : memref<8x512xf32, #tpu.memory_space<vmem>>, vector<16xf32>,
    %swap3A_2148 = arith.constant 1008 : index
    %swap3A_2149 = tpu.vector_load %arg8[%swap3A_2148] {strides = array<i32>} : memref<1024xf32, #tpu.memory_space<vmem>>, vector<16xf32>,
    tpu.vector_store %arg8[%swap3A_2148], %get3A_2147 {strides = array<i32>} : memref<1024xf32, #tpu.memory_space<vmem>>, vector<16xf32>,
    %get3A_2150 = arith.constant 7 : i32
    %get3A_2151 = arith.index_cast %get3A_2150 : i32 to index
    %get3A_2152 = arith.constant 240 : index
    %get3A_2153 = tpu.vector_load %arg7[%get3A_2151, %get3A_2152] {strides = array<i32>} : memref<8x512xf32, #tpu.memory_space<vmem>>, vector<16xf32>,
    %swap3A_2154 = arith.constant 1008 : index
    %swap3A_2155 = tpu.vector_load %arg9[%swap3A_2154] {strides = array<i32>} : memref<1024xf32, #tpu.memory_space<vmem>>, vector<16xf32>,
    tpu.vector_store %arg9[%swap3A_2154], %get3A_2153 {strides = array<i32>} : memref<1024xf32, #tpu.memory_space<vmem>>, vector<16xf32>,
    %get3A_2156 = arith.constant 7 : i32
    %get3A_2157 = arith.index_cast %get3A_2156 : i32 to index
    %get3A_2158 = arith.constant 368 : index
    %get3A_2159 = tpu.vector_load %arg7[%get3A_2157, %get3A_2158] {strides = array<i32>} : memref<8x512xf32, #tpu.memory_space<vmem>>, vector<16xf32>,
    %neg3A_2160 = arith.constant 0.000000e+00 : f32
    %neg3A_2161 = vector.broadcast %neg3A_2160 : f32 to vector<16xf32>
    %neg3A_2162 = arith.subf %neg3A_2161, %get3A_2159 : vector<16xf32>
    %exp3A_2163 = math.exp %neg3A_2162 : vector<16xf32>
    %add3A_2164 = arith.constant 1.000000e+00 : f32
    %add3A_2165 = vector.broadcast %add3A_2164 : f32 to vector<16xf32>
    %add3A_2166 = arith.addf %add3A_2165, %exp3A_2163 : vector<16xf32>
    %div3A_2167 = arith.constant 1.000000e+00 : f32
    %div3A_2168 = vector.broadcast %div3A_2167 : f32 to vector<16xf32>
    %div3A_2169 = arith.divf %div3A_2168, %add3A_2166 : vector<16xf32>
    %swap3A_2170 = arith.constant 1008 : index
    %swap3A_2171 = tpu.vector_load %arg10[%swap3A_2170] {strides = array<i32>} : memref<1024xf32, #tpu.memory_space<vmem>>, vector<16xf32>,
    tpu.vector_store %arg10[%swap3A_2170], %div3A_2169 {strides = array<i32>} : memref<1024xf32, #tpu.memory_space<vmem>>, vector<16xf32>,
    %get3A_2172 = arith.constant 7 : i32
    %get3A_2173 = arith.index_cast %get3A_2172 : i32 to index
    %get3A_2174 = arith.constant 496 : index
    %get3A_2175 = tpu.vector_load %arg7[%get3A_2173, %get3A_2174] {strides = array<i32>} : memref<8x512xf32, #tpu.memory_space<vmem>>, vector<16xf32>,
    %swap3A_2176 = arith.constant 1008 : index
    %swap3A_2177 = tpu.vector_load %arg11[%swap3A_2176] {strides = array<i32>} : memref<1024xf32, #tpu.memory_space<vmem>>, vector<16xf32>,
    tpu.vector_store %arg11[%swap3A_2176], %get3A_2175 {strides = array<i32>} : memref<1024xf32, #tpu.memory_space<vmem>>, vector<16xf32>,
    %get3A_2178 = arith.constant 256 : index
    %get3A_2179 = tpu.vector_load %arg13[%get3A_2178] {strides = array<i32>} : memref<384xf32, #tpu.memory_space<vmem>>, vector<16xf32>,
    %reduce_max3A = arith.constant true
    %reduce_max3A_2180 = vector.broadcast %reduce_max3A : i1 to vector<16xi1>
    %reduce_max3A_2181 = tpu.scan <max>, %get3A_2179 masked %reduce_max3A_2180 : vector<16xf32>, vector<16xi1> -> vector<16xf32>
    %reduce_max3A_2182 = vector.extract %reduce_max3A_2181[15] : f32 from vector<16xf32>
    %convert_element_type3A = arith.fptosi %reduce_max3A_2182 : f32 to i32
    %broadcast_in_dim3A = arith.constant 0.000000e+00 : f32
    %broadcast_in_dim3A_2183 = vector.broadcast %broadcast_in_dim3A : f32 to vector<16xf32>
    %get3A_2184 = arith.constant 0 : index
    %get3A_2185 = tpu.vector_load %arg12[%get3A_2184] {strides = array<i32>} : memref<512xf32, #tpu.memory_space<vmem>>, vector<16xf32>,
    %get3A_2186 = arith.constant 128 : index
    %get3A_2187 = tpu.vector_load %arg12[%get3A_2186] {strides = array<i32>} : memref<512xf32, #tpu.memory_space<vmem>>, vector<16xf32>,
    %get3A_2188 = arith.constant 16 : index
    %get3A_2189 = tpu.vector_load %arg12[%get3A_2188] {strides = array<i32>} : memref<512xf32, #tpu.memory_space<vmem>>, vector<16xf32>,
    %get3A_2190 = arith.constant 144 : index
    %get3A_2191 = tpu.vector_load %arg12[%get3A_2190] {strides = array<i32>} : memref<512xf32, #tpu.memory_space<vmem>>, vector<16xf32>,
    %get3A_2192 = arith.constant 32 : index
    %get3A_2193 = tpu.vector_load %arg12[%get3A_2192] {strides = array<i32>} : memref<512xf32, #tpu.memory_space<vmem>>, vector<16xf32>,
    %get3A_2194 = arith.constant 160 : index
    %get3A_2195 = tpu.vector_load %arg12[%get3A_2194] {strides = array<i32>} : memref<512xf32, #tpu.memory_space<vmem>>, vector<16xf32>,
    %get3A_2196 = arith.constant 48 : index
    %get3A_2197 = tpu.vector_load %arg12[%get3A_2196] {strides = array<i32>} : memref<512xf32, #tpu.memory_space<vmem>>, vector<16xf32>,
    %get3A_2198 = arith.constant 176 : index
    %get3A_2199 = tpu.vector_load %arg12[%get3A_2198] {strides = array<i32>} : memref<512xf32, #tpu.memory_space<vmem>>, vector<16xf32>,
    %broadcast_in_dim3A_2200 = arith.constant 0.000000e+00 : f32
    %broadcast_in_dim3A_2201 = vector.broadcast %broadcast_in_dim3A_2200 : f32 to vector<16xf32>
    %shift_right_arithmetic3A = arith.constant 1 : i32
    %shift_right_arithmetic3A_2202 = arith.shrsi %convert_element_type3A, %shift_right_arithmetic3A : i32
    %while3A = arith.constant 0 : i32
    %while3A_2203 = arith.subi %shift_right_arithmetic3A_2202, %while3A : i32
    %while3A_2204 = arith.addi %while3A, %while3A_2203 : i32
    %while3A_2205 = arith.constant 1 : i32
    %while3A_2206 = arith.divsi %while3A_2203, %while3A_2205 : i32
    %while3A_2207 = arith.muli %while3A_2206, %while3A_2205 : i32
    %while3A_2208 = arith.addi %while3A, %while3A_2207 : i32
    %while3A_2209 = arith.constant 1 : i32
    %while3A_2210:8 = scf.for %while3A_2516 = %while3A to %while3A_2208 step %while3A_2209 iter_args(%while3A_2517 = %broadcast_in_dim3A_2201, %while3A_2518 = %broadcast_in_dim3A_2201, %while3A_2519 = %broadcast_in_dim3A_2201, %while3A_2520 = %broadcast_in_dim3A_2201, %while3A_2521 = %broadcast_in_dim3A_2201, %while3A_2522 = %broadcast_in_dim3A_2201, %while3A_2523 = %broadcast_in_dim3A_2201, %while3A_2524 = %broadcast_in_dim3A_2201) -> (vector<16xf32>, vector<16xf32>, vector<16xf32>, vector<16xf32>, vector<16xf32>, vector<16xf32>, vector<16xf32>, vector<16xf32>)  : i32 {
      %mul3A_2525 = arith.constant 2 : i32
      %mul3A_2526 = arith.muli %while3A_2516, %mul3A_2525 : i32
      %add3A_2527 = arith.constant 0 : i32
      %add3A_2528 = arith.addi %mul3A_2526, %add3A_2527 : i32
      %broadcast_in_dim3A_2529 = vector.broadcast %add3A_2528 : i32 to vector<16xi32>
      %gather3A = tpu.vector_load_idx %arg8[%broadcast_in_dim3A_2529] : memref<1024xf32, #tpu.memory_space<vmem>>[vector<16xi32>], vector<16xf32>,
      %gather3A_2530 = tpu.vector_load_idx %arg9[%broadcast_in_dim3A_2529] : memref<1024xf32, #tpu.memory_space<vmem>>[vector<16xi32>], vector<16xf32>,
      %gather3A_2531 = tpu.vector_load_idx %arg11[%broadcast_in_dim3A_2529] : memref<1024xf32, #tpu.memory_space<vmem>>[vector<16xi32>], vector<16xf32>,
      %gather3A_2532 = tpu.vector_load_idx %arg10[%broadcast_in_dim3A_2529] : memref<1024xf32, #tpu.memory_space<vmem>>[vector<16xi32>], vector<16xf32>,
      %sub3A_2533 = arith.subf %get3A_2185, %gather3A : vector<16xf32>
      %sub3A_2534 = arith.subf %get3A_2187, %gather3A_2530 : vector<16xf32>
      %mul3A_2535 = arith.mulf %sub3A_2533, %sub3A_2533 : vector<16xf32>
      %mul3A_2536 = arith.mulf %sub3A_2534, %sub3A_2534 : vector<16xf32>
      %add3A_2537 = arith.addf %mul3A_2535, %mul3A_2536 : vector<16xf32>
      %add3A_2538 = arith.constant 9.99999996E-13 : f32
      %add3A_2539 = vector.broadcast %add3A_2538 : f32 to vector<16xf32>
      %add3A_2540 = arith.addf %add3A_2537, %add3A_2539 : vector<16xf32>
      %bitcast3A = vector.bitcast %add3A_2540 : vector<16xf32> to vector<16xi32>
      %shift_right_arithmetic3A_2541 = arith.constant 1 : i32
      %shift_right_arithmetic3A_2542 = vector.broadcast %shift_right_arithmetic3A_2541 : i32 to vector<16xi32>
      %shift_right_arithmetic3A_2543 = arith.shrsi %bitcast3A, %shift_right_arithmetic3A_2542 : vector<16xi32>
      %sub3A_2544 = arith.constant 1597463007 : i32
      %sub3A_2545 = vector.broadcast %sub3A_2544 : i32 to vector<16xi32>
      %sub3A_2546 = arith.subi %sub3A_2545, %shift_right_arithmetic3A_2543 : vector<16xi32>
      %bitcast3A_2547 = vector.bitcast %sub3A_2546 : vector<16xi32> to vector<16xf32>
      %mul3A_2548 = arith.constant 5.000000e-01 : f32
      %mul3A_2549 = vector.broadcast %mul3A_2548 : f32 to vector<16xf32>
      %mul3A_2550 = arith.mulf %mul3A_2549, %add3A_2540 : vector<16xf32>
      %mul3A_2551 = arith.mulf %mul3A_2550, %bitcast3A_2547 : vector<16xf32>
      %mul3A_2552 = arith.mulf %mul3A_2551, %bitcast3A_2547 : vector<16xf32>
      %sub3A_2553 = arith.constant 1.500000e+00 : f32
      %sub3A_2554 = vector.broadcast %sub3A_2553 : f32 to vector<16xf32>
      %sub3A_2555 = arith.subf %mul3A_2552, %sub3A_2554 : vector<16xf32>
      %mul3A_2556 = arith.mulf %bitcast3A_2547, %sub3A_2555 : vector<16xf32>
      %mul3A_2557 = arith.mulf %add3A_2540, %mul3A_2556 : vector<16xf32>
      %exp3A_2558 = math.exp %mul3A_2557 : vector<16xf32>
      %mul3A_2559 = arith.mulf %exp3A_2558, %gather3A_2531 : vector<16xf32>
      %add3A_2560 = arith.addf %while3A_2517, %mul3A_2559 : vector<16xf32>
      %mul3A_2561 = arith.mulf %mul3A_2559, %gather3A_2532 : vector<16xf32>
      %add3A_2562 = arith.addf %while3A_2518, %mul3A_2561 : vector<16xf32>
      %sub3A_2563 = arith.subf %get3A_2189, %gather3A : vector<16xf32>
      %sub3A_2564 = arith.subf %get3A_2191, %gather3A_2530 : vector<16xf32>
      %mul3A_2565 = arith.mulf %sub3A_2563, %sub3A_2563 : vector<16xf32>
      %mul3A_2566 = arith.mulf %sub3A_2564, %sub3A_2564 : vector<16xf32>
      %add3A_2567 = arith.addf %mul3A_2565, %mul3A_2566 : vector<16xf32>
      %add3A_2568 = arith.constant 9.99999996E-13 : f32
      %add3A_2569 = vector.broadcast %add3A_2568 : f32 to vector<16xf32>
      %add3A_2570 = arith.addf %add3A_2567, %add3A_2569 : vector<16xf32>
      %bitcast3A_2571 = vector.bitcast %add3A_2570 : vector<16xf32> to vector<16xi32>
      %shift_right_arithmetic3A_2572 = arith.constant 1 : i32
      %shift_right_arithmetic3A_2573 = vector.broadcast %shift_right_arithmetic3A_2572 : i32 to vector<16xi32>
      %shift_right_arithmetic3A_2574 = arith.shrsi %bitcast3A_2571, %shift_right_arithmetic3A_2573 : vector<16xi32>
      %sub3A_2575 = arith.constant 1597463007 : i32
      %sub3A_2576 = vector.broadcast %sub3A_2575 : i32 to vector<16xi32>
      %sub3A_2577 = arith.subi %sub3A_2576, %shift_right_arithmetic3A_2574 : vector<16xi32>
      %bitcast3A_2578 = vector.bitcast %sub3A_2577 : vector<16xi32> to vector<16xf32>
      %mul3A_2579 = arith.constant 5.000000e-01 : f32
      %mul3A_2580 = vector.broadcast %mul3A_2579 : f32 to vector<16xf32>
      %mul3A_2581 = arith.mulf %mul3A_2580, %add3A_2570 : vector<16xf32>
      %mul3A_2582 = arith.mulf %mul3A_2581, %bitcast3A_2578 : vector<16xf32>
      %mul3A_2583 = arith.mulf %mul3A_2582, %bitcast3A_2578 : vector<16xf32>
      %sub3A_2584 = arith.constant 1.500000e+00 : f32
      %sub3A_2585 = vector.broadcast %sub3A_2584 : f32 to vector<16xf32>
      %sub3A_2586 = arith.subf %mul3A_2583, %sub3A_2585 : vector<16xf32>
      %mul3A_2587 = arith.mulf %bitcast3A_2578, %sub3A_2586 : vector<16xf32>
      %mul3A_2588 = arith.mulf %add3A_2570, %mul3A_2587 : vector<16xf32>
      %exp3A_2589 = math.exp %mul3A_2588 : vector<16xf32>
      %mul3A_2590 = arith.mulf %exp3A_2589, %gather3A_2531 : vector<16xf32>
      %add3A_2591 = arith.addf %while3A_2519, %mul3A_2590 : vector<16xf32>
      %mul3A_2592 = arith.mulf %mul3A_2590, %gather3A_2532 : vector<16xf32>
      %add3A_2593 = arith.addf %while3A_2520, %mul3A_2592 : vector<16xf32>
      %sub3A_2594 = arith.subf %get3A_2193, %gather3A : vector<16xf32>
      %sub3A_2595 = arith.subf %get3A_2195, %gather3A_2530 : vector<16xf32>
      %mul3A_2596 = arith.mulf %sub3A_2594, %sub3A_2594 : vector<16xf32>
      %mul3A_2597 = arith.mulf %sub3A_2595, %sub3A_2595 : vector<16xf32>
      %add3A_2598 = arith.addf %mul3A_2596, %mul3A_2597 : vector<16xf32>
      %add3A_2599 = arith.constant 9.99999996E-13 : f32
      %add3A_2600 = vector.broadcast %add3A_2599 : f32 to vector<16xf32>
      %add3A_2601 = arith.addf %add3A_2598, %add3A_2600 : vector<16xf32>
      %bitcast3A_2602 = vector.bitcast %add3A_2601 : vector<16xf32> to vector<16xi32>
      %shift_right_arithmetic3A_2603 = arith.constant 1 : i32
      %shift_right_arithmetic3A_2604 = vector.broadcast %shift_right_arithmetic3A_2603 : i32 to vector<16xi32>
      %shift_right_arithmetic3A_2605 = arith.shrsi %bitcast3A_2602, %shift_right_arithmetic3A_2604 : vector<16xi32>
      %sub3A_2606 = arith.constant 1597463007 : i32
      %sub3A_2607 = vector.broadcast %sub3A_2606 : i32 to vector<16xi32>
      %sub3A_2608 = arith.subi %sub3A_2607, %shift_right_arithmetic3A_2605 : vector<16xi32>
      %bitcast3A_2609 = vector.bitcast %sub3A_2608 : vector<16xi32> to vector<16xf32>
      %mul3A_2610 = arith.constant 5.000000e-01 : f32
      %mul3A_2611 = vector.broadcast %mul3A_2610 : f32 to vector<16xf32>
      %mul3A_2612 = arith.mulf %mul3A_2611, %add3A_2601 : vector<16xf32>
      %mul3A_2613 = arith.mulf %mul3A_2612, %bitcast3A_2609 : vector<16xf32>
      %mul3A_2614 = arith.mulf %mul3A_2613, %bitcast3A_2609 : vector<16xf32>
      %sub3A_2615 = arith.constant 1.500000e+00 : f32
      %sub3A_2616 = vector.broadcast %sub3A_2615 : f32 to vector<16xf32>
      %sub3A_2617 = arith.subf %mul3A_2614, %sub3A_2616 : vector<16xf32>
      %mul3A_2618 = arith.mulf %bitcast3A_2609, %sub3A_2617 : vector<16xf32>
      %mul3A_2619 = arith.mulf %add3A_2601, %mul3A_2618 : vector<16xf32>
      %exp3A_2620 = math.exp %mul3A_2619 : vector<16xf32>
      %mul3A_2621 = arith.mulf %exp3A_2620, %gather3A_2531 : vector<16xf32>
      %add3A_2622 = arith.addf %while3A_2521, %mul3A_2621 : vector<16xf32>
      %mul3A_2623 = arith.mulf %mul3A_2621, %gather3A_2532 : vector<16xf32>
      %add3A_2624 = arith.addf %while3A_2522, %mul3A_2623 : vector<16xf32>
      %sub3A_2625 = arith.subf %get3A_2197, %gather3A : vector<16xf32>
      %sub3A_2626 = arith.subf %get3A_2199, %gather3A_2530 : vector<16xf32>
      %mul3A_2627 = arith.mulf %sub3A_2625, %sub3A_2625 : vector<16xf32>
      %mul3A_2628 = arith.mulf %sub3A_2626, %sub3A_2626 : vector<16xf32>
      %add3A_2629 = arith.addf %mul3A_2627, %mul3A_2628 : vector<16xf32>
      %add3A_2630 = arith.constant 9.99999996E-13 : f32
      %add3A_2631 = vector.broadcast %add3A_2630 : f32 to vector<16xf32>
      %add3A_2632 = arith.addf %add3A_2629, %add3A_2631 : vector<16xf32>
      %bitcast3A_2633 = vector.bitcast %add3A_2632 : vector<16xf32> to vector<16xi32>
      %shift_right_arithmetic3A_2634 = arith.constant 1 : i32
      %shift_right_arithmetic3A_2635 = vector.broadcast %shift_right_arithmetic3A_2634 : i32 to vector<16xi32>
      %shift_right_arithmetic3A_2636 = arith.shrsi %bitcast3A_2633, %shift_right_arithmetic3A_2635 : vector<16xi32>
      %sub3A_2637 = arith.constant 1597463007 : i32
      %sub3A_2638 = vector.broadcast %sub3A_2637 : i32 to vector<16xi32>
      %sub3A_2639 = arith.subi %sub3A_2638, %shift_right_arithmetic3A_2636 : vector<16xi32>
      %bitcast3A_2640 = vector.bitcast %sub3A_2639 : vector<16xi32> to vector<16xf32>
      %mul3A_2641 = arith.constant 5.000000e-01 : f32
      %mul3A_2642 = vector.broadcast %mul3A_2641 : f32 to vector<16xf32>
      %mul3A_2643 = arith.mulf %mul3A_2642, %add3A_2632 : vector<16xf32>
      %mul3A_2644 = arith.mulf %mul3A_2643, %bitcast3A_2640 : vector<16xf32>
      %mul3A_2645 = arith.mulf %mul3A_2644, %bitcast3A_2640 : vector<16xf32>
      %sub3A_2646 = arith.constant 1.500000e+00 : f32
      %sub3A_2647 = vector.broadcast %sub3A_2646 : f32 to vector<16xf32>
      %sub3A_2648 = arith.subf %mul3A_2645, %sub3A_2647 : vector<16xf32>
      %mul3A_2649 = arith.mulf %bitcast3A_2640, %sub3A_2648 : vector<16xf32>
      %mul3A_2650 = arith.mulf %add3A_2632, %mul3A_2649 : vector<16xf32>
      %exp3A_2651 = math.exp %mul3A_2650 : vector<16xf32>
      %mul3A_2652 = arith.mulf %exp3A_2651, %gather3A_2531 : vector<16xf32>
      %add3A_2653 = arith.addf %while3A_2523, %mul3A_2652 : vector<16xf32>
      %mul3A_2654 = arith.mulf %mul3A_2652, %gather3A_2532 : vector<16xf32>
      %add3A_2655 = arith.addf %while3A_2524, %mul3A_2654 : vector<16xf32>
      %mul3A_2656 = arith.constant 2 : i32
      %mul3A_2657 = arith.muli %while3A_2516, %mul3A_2656 : i32
      %add3A_2658 = arith.constant 1 : i32
      %add3A_2659 = arith.addi %mul3A_2657, %add3A_2658 : i32
      %broadcast_in_dim3A_2660 = vector.broadcast %add3A_2659 : i32 to vector<16xi32>
      %gather3A_2661 = tpu.vector_load_idx %arg8[%broadcast_in_dim3A_2660] : memref<1024xf32, #tpu.memory_space<vmem>>[vector<16xi32>], vector<16xf32>,
      %gather3A_2662 = tpu.vector_load_idx %arg9[%broadcast_in_dim3A_2660] : memref<1024xf32, #tpu.memory_space<vmem>>[vector<16xi32>], vector<16xf32>,
      %gather3A_2663 = tpu.vector_load_idx %arg11[%broadcast_in_dim3A_2660] : memref<1024xf32, #tpu.memory_space<vmem>>[vector<16xi32>], vector<16xf32>,
      %gather3A_2664 = tpu.vector_load_idx %arg10[%broadcast_in_dim3A_2660] : memref<1024xf32, #tpu.memory_space<vmem>>[vector<16xi32>], vector<16xf32>,
      %sub3A_2665 = arith.subf %get3A_2185, %gather3A_2661 : vector<16xf32>
      %sub3A_2666 = arith.subf %get3A_2187, %gather3A_2662 : vector<16xf32>
      %mul3A_2667 = arith.mulf %sub3A_2665, %sub3A_2665 : vector<16xf32>
      %mul3A_2668 = arith.mulf %sub3A_2666, %sub3A_2666 : vector<16xf32>
      %add3A_2669 = arith.addf %mul3A_2667, %mul3A_2668 : vector<16xf32>
      %add3A_2670 = arith.constant 9.99999996E-13 : f32
      %add3A_2671 = vector.broadcast %add3A_2670 : f32 to vector<16xf32>
      %add3A_2672 = arith.addf %add3A_2669, %add3A_2671 : vector<16xf32>
      %bitcast3A_2673 = vector.bitcast %add3A_2672 : vector<16xf32> to vector<16xi32>
      %shift_right_arithmetic3A_2674 = arith.constant 1 : i32
      %shift_right_arithmetic3A_2675 = vector.broadcast %shift_right_arithmetic3A_2674 : i32 to vector<16xi32>
      %shift_right_arithmetic3A_2676 = arith.shrsi %bitcast3A_2673, %shift_right_arithmetic3A_2675 : vector<16xi32>
      %sub3A_2677 = arith.constant 1597463007 : i32
      %sub3A_2678 = vector.broadcast %sub3A_2677 : i32 to vector<16xi32>
      %sub3A_2679 = arith.subi %sub3A_2678, %shift_right_arithmetic3A_2676 : vector<16xi32>
      %bitcast3A_2680 = vector.bitcast %sub3A_2679 : vector<16xi32> to vector<16xf32>
      %mul3A_2681 = arith.constant 5.000000e-01 : f32
      %mul3A_2682 = vector.broadcast %mul3A_2681 : f32 to vector<16xf32>
      %mul3A_2683 = arith.mulf %mul3A_2682, %add3A_2672 : vector<16xf32>
      %mul3A_2684 = arith.mulf %mul3A_2683, %bitcast3A_2680 : vector<16xf32>
      %mul3A_2685 = arith.mulf %mul3A_2684, %bitcast3A_2680 : vector<16xf32>
      %sub3A_2686 = arith.constant 1.500000e+00 : f32
      %sub3A_2687 = vector.broadcast %sub3A_2686 : f32 to vector<16xf32>
      %sub3A_2688 = arith.subf %mul3A_2685, %sub3A_2687 : vector<16xf32>
      %mul3A_2689 = arith.mulf %bitcast3A_2680, %sub3A_2688 : vector<16xf32>
      %mul3A_2690 = arith.mulf %add3A_2672, %mul3A_2689 : vector<16xf32>
      %exp3A_2691 = math.exp %mul3A_2690 : vector<16xf32>
      %mul3A_2692 = arith.mulf %exp3A_2691, %gather3A_2663 : vector<16xf32>
      %add3A_2693 = arith.addf %add3A_2560, %mul3A_2692 : vector<16xf32>
      %mul3A_2694 = arith.mulf %mul3A_2692, %gather3A_2664 : vector<16xf32>
      %add3A_2695 = arith.addf %add3A_2562, %mul3A_2694 : vector<16xf32>
      %sub3A_2696 = arith.subf %get3A_2189, %gather3A_2661 : vector<16xf32>
      %sub3A_2697 = arith.subf %get3A_2191, %gather3A_2662 : vector<16xf32>
      %mul3A_2698 = arith.mulf %sub3A_2696, %sub3A_2696 : vector<16xf32>
      %mul3A_2699 = arith.mulf %sub3A_2697, %sub3A_2697 : vector<16xf32>
      %add3A_2700 = arith.addf %mul3A_2698, %mul3A_2699 : vector<16xf32>
      %add3A_2701 = arith.constant 9.99999996E-13 : f32
      %add3A_2702 = vector.broadcast %add3A_2701 : f32 to vector<16xf32>
      %add3A_2703 = arith.addf %add3A_2700, %add3A_2702 : vector<16xf32>
      %bitcast3A_2704 = vector.bitcast %add3A_2703 : vector<16xf32> to vector<16xi32>
      %shift_right_arithmetic3A_2705 = arith.constant 1 : i32
      %shift_right_arithmetic3A_2706 = vector.broadcast %shift_right_arithmetic3A_2705 : i32 to vector<16xi32>
      %shift_right_arithmetic3A_2707 = arith.shrsi %bitcast3A_2704, %shift_right_arithmetic3A_2706 : vector<16xi32>
      %sub3A_2708 = arith.constant 1597463007 : i32
      %sub3A_2709 = vector.broadcast %sub3A_2708 : i32 to vector<16xi32>
      %sub3A_2710 = arith.subi %sub3A_2709, %shift_right_arithmetic3A_2707 : vector<16xi32>
      %bitcast3A_2711 = vector.bitcast %sub3A_2710 : vector<16xi32> to vector<16xf32>
      %mul3A_2712 = arith.constant 5.000000e-01 : f32
      %mul3A_2713 = vector.broadcast %mul3A_2712 : f32 to vector<16xf32>
      %mul3A_2714 = arith.mulf %mul3A_2713, %add3A_2703 : vector<16xf32>
      %mul3A_2715 = arith.mulf %mul3A_2714, %bitcast3A_2711 : vector<16xf32>
      %mul3A_2716 = arith.mulf %mul3A_2715, %bitcast3A_2711 : vector<16xf32>
      %sub3A_2717 = arith.constant 1.500000e+00 : f32
      %sub3A_2718 = vector.broadcast %sub3A_2717 : f32 to vector<16xf32>
      %sub3A_2719 = arith.subf %mul3A_2716, %sub3A_2718 : vector<16xf32>
      %mul3A_2720 = arith.mulf %bitcast3A_2711, %sub3A_2719 : vector<16xf32>
      %mul3A_2721 = arith.mulf %add3A_2703, %mul3A_2720 : vector<16xf32>
      %exp3A_2722 = math.exp %mul3A_2721 : vector<16xf32>
      %mul3A_2723 = arith.mulf %exp3A_2722, %gather3A_2663 : vector<16xf32>
      %add3A_2724 = arith.addf %add3A_2591, %mul3A_2723 : vector<16xf32>
      %mul3A_2725 = arith.mulf %mul3A_2723, %gather3A_2664 : vector<16xf32>
      %add3A_2726 = arith.addf %add3A_2593, %mul3A_2725 : vector<16xf32>
      %sub3A_2727 = arith.subf %get3A_2193, %gather3A_2661 : vector<16xf32>
      %sub3A_2728 = arith.subf %get3A_2195, %gather3A_2662 : vector<16xf32>
      %mul3A_2729 = arith.mulf %sub3A_2727, %sub3A_2727 : vector<16xf32>
      %mul3A_2730 = arith.mulf %sub3A_2728, %sub3A_2728 : vector<16xf32>
      %add3A_2731 = arith.addf %mul3A_2729, %mul3A_2730 : vector<16xf32>
      %add3A_2732 = arith.constant 9.99999996E-13 : f32
      %add3A_2733 = vector.broadcast %add3A_2732 : f32 to vector<16xf32>
      %add3A_2734 = arith.addf %add3A_2731, %add3A_2733 : vector<16xf32>
      %bitcast3A_2735 = vector.bitcast %add3A_2734 : vector<16xf32> to vector<16xi32>
      %shift_right_arithmetic3A_2736 = arith.constant 1 : i32
      %shift_right_arithmetic3A_2737 = vector.broadcast %shift_right_arithmetic3A_2736 : i32 to vector<16xi32>
      %shift_right_arithmetic3A_2738 = arith.shrsi %bitcast3A_2735, %shift_right_arithmetic3A_2737 : vector<16xi32>
      %sub3A_2739 = arith.constant 1597463007 : i32
      %sub3A_2740 = vector.broadcast %sub3A_2739 : i32 to vector<16xi32>
      %sub3A_2741 = arith.subi %sub3A_2740, %shift_right_arithmetic3A_2738 : vector<16xi32>
      %bitcast3A_2742 = vector.bitcast %sub3A_2741 : vector<16xi32> to vector<16xf32>
      %mul3A_2743 = arith.constant 5.000000e-01 : f32
      %mul3A_2744 = vector.broadcast %mul3A_2743 : f32 to vector<16xf32>
      %mul3A_2745 = arith.mulf %mul3A_2744, %add3A_2734 : vector<16xf32>
      %mul3A_2746 = arith.mulf %mul3A_2745, %bitcast3A_2742 : vector<16xf32>
      %mul3A_2747 = arith.mulf %mul3A_2746, %bitcast3A_2742 : vector<16xf32>
      %sub3A_2748 = arith.constant 1.500000e+00 : f32
      %sub3A_2749 = vector.broadcast %sub3A_2748 : f32 to vector<16xf32>
      %sub3A_2750 = arith.subf %mul3A_2747, %sub3A_2749 : vector<16xf32>
      %mul3A_2751 = arith.mulf %bitcast3A_2742, %sub3A_2750 : vector<16xf32>
      %mul3A_2752 = arith.mulf %add3A_2734, %mul3A_2751 : vector<16xf32>
      %exp3A_2753 = math.exp %mul3A_2752 : vector<16xf32>
      %mul3A_2754 = arith.mulf %exp3A_2753, %gather3A_2663 : vector<16xf32>
      %add3A_2755 = arith.addf %add3A_2622, %mul3A_2754 : vector<16xf32>
      %mul3A_2756 = arith.mulf %mul3A_2754, %gather3A_2664 : vector<16xf32>
      %add3A_2757 = arith.addf %add3A_2624, %mul3A_2756 : vector<16xf32>
      %sub3A_2758 = arith.subf %get3A_2197, %gather3A_2661 : vector<16xf32>
      %sub3A_2759 = arith.subf %get3A_2199, %gather3A_2662 : vector<16xf32>
      %mul3A_2760 = arith.mulf %sub3A_2758, %sub3A_2758 : vector<16xf32>
      %mul3A_2761 = arith.mulf %sub3A_2759, %sub3A_2759 : vector<16xf32>
      %add3A_2762 = arith.addf %mul3A_2760, %mul3A_2761 : vector<16xf32>
      %add3A_2763 = arith.constant 9.99999996E-13 : f32
      %add3A_2764 = vector.broadcast %add3A_2763 : f32 to vector<16xf32>
      %add3A_2765 = arith.addf %add3A_2762, %add3A_2764 : vector<16xf32>
      %bitcast3A_2766 = vector.bitcast %add3A_2765 : vector<16xf32> to vector<16xi32>
      %shift_right_arithmetic3A_2767 = arith.constant 1 : i32
      %shift_right_arithmetic3A_2768 = vector.broadcast %shift_right_arithmetic3A_2767 : i32 to vector<16xi32>
      %shift_right_arithmetic3A_2769 = arith.shrsi %bitcast3A_2766, %shift_right_arithmetic3A_2768 : vector<16xi32>
      %sub3A_2770 = arith.constant 1597463007 : i32
      %sub3A_2771 = vector.broadcast %sub3A_2770 : i32 to vector<16xi32>
      %sub3A_2772 = arith.subi %sub3A_2771, %shift_right_arithmetic3A_2769 : vector<16xi32>
      %bitcast3A_2773 = vector.bitcast %sub3A_2772 : vector<16xi32> to vector<16xf32>
      %mul3A_2774 = arith.constant 5.000000e-01 : f32
      %mul3A_2775 = vector.broadcast %mul3A_2774 : f32 to vector<16xf32>
      %mul3A_2776 = arith.mulf %mul3A_2775, %add3A_2765 : vector<16xf32>
      %mul3A_2777 = arith.mulf %mul3A_2776, %bitcast3A_2773 : vector<16xf32>
      %mul3A_2778 = arith.mulf %mul3A_2777, %bitcast3A_2773 : vector<16xf32>
      %sub3A_2779 = arith.constant 1.500000e+00 : f32
      %sub3A_2780 = vector.broadcast %sub3A_2779 : f32 to vector<16xf32>
      %sub3A_2781 = arith.subf %mul3A_2778, %sub3A_2780 : vector<16xf32>
      %mul3A_2782 = arith.mulf %bitcast3A_2773, %sub3A_2781 : vector<16xf32>
      %mul3A_2783 = arith.mulf %add3A_2765, %mul3A_2782 : vector<16xf32>
      %exp3A_2784 = math.exp %mul3A_2783 : vector<16xf32>
      %mul3A_2785 = arith.mulf %exp3A_2784, %gather3A_2663 : vector<16xf32>
      %add3A_2786 = arith.addf %add3A_2653, %mul3A_2785 : vector<16xf32>
      %mul3A_2787 = arith.mulf %mul3A_2785, %gather3A_2664 : vector<16xf32>
      %add3A_2788 = arith.addf %add3A_2655, %mul3A_2787 : vector<16xf32>
      scf.yield %add3A_2693, %add3A_2695, %add3A_2724, %add3A_2726, %add3A_2755, %add3A_2757, %add3A_2786, %add3A_2788 : vector<16xf32>, vector<16xf32>, vector<16xf32>, vector<16xf32>, vector<16xf32>, vector<16xf32>, vector<16xf32>, vector<16xf32>
    }
    %while3A_2211 = arith.constant 1 : i32
    %while3A_2212:8 = scf.for %while3A_2516 = %while3A_2208 to %while3A_2204 step %while3A_2211 iter_args(%while3A_2517 = %while3A_2210#0, %while3A_2518 = %while3A_2210#1, %while3A_2519 = %while3A_2210#2, %while3A_2520 = %while3A_2210#3, %while3A_2521 = %while3A_2210#4, %while3A_2522 = %while3A_2210#5, %while3A_2523 = %while3A_2210#6, %while3A_2524 = %while3A_2210#7) -> (vector<16xf32>, vector<16xf32>, vector<16xf32>, vector<16xf32>, vector<16xf32>, vector<16xf32>, vector<16xf32>, vector<16xf32>)  : i32 {
      %mul3A_2525 = arith.constant 2 : i32
      %mul3A_2526 = arith.muli %while3A_2516, %mul3A_2525 : i32
      %add3A_2527 = arith.constant 0 : i32
      %add3A_2528 = arith.addi %mul3A_2526, %add3A_2527 : i32
      %broadcast_in_dim3A_2529 = vector.broadcast %add3A_2528 : i32 to vector<16xi32>
      %gather3A = tpu.vector_load_idx %arg8[%broadcast_in_dim3A_2529] : memref<1024xf32, #tpu.memory_space<vmem>>[vector<16xi32>], vector<16xf32>,
      %gather3A_2530 = tpu.vector_load_idx %arg9[%broadcast_in_dim3A_2529] : memref<1024xf32, #tpu.memory_space<vmem>>[vector<16xi32>], vector<16xf32>,
      %gather3A_2531 = tpu.vector_load_idx %arg11[%broadcast_in_dim3A_2529] : memref<1024xf32, #tpu.memory_space<vmem>>[vector<16xi32>], vector<16xf32>,
      %gather3A_2532 = tpu.vector_load_idx %arg10[%broadcast_in_dim3A_2529] : memref<1024xf32, #tpu.memory_space<vmem>>[vector<16xi32>], vector<16xf32>,
      %sub3A_2533 = arith.subf %get3A_2185, %gather3A : vector<16xf32>
      %sub3A_2534 = arith.subf %get3A_2187, %gather3A_2530 : vector<16xf32>
      %mul3A_2535 = arith.mulf %sub3A_2533, %sub3A_2533 : vector<16xf32>
      %mul3A_2536 = arith.mulf %sub3A_2534, %sub3A_2534 : vector<16xf32>
      %add3A_2537 = arith.addf %mul3A_2535, %mul3A_2536 : vector<16xf32>
      %add3A_2538 = arith.constant 9.99999996E-13 : f32
      %add3A_2539 = vector.broadcast %add3A_2538 : f32 to vector<16xf32>
      %add3A_2540 = arith.addf %add3A_2537, %add3A_2539 : vector<16xf32>
      %bitcast3A = vector.bitcast %add3A_2540 : vector<16xf32> to vector<16xi32>
      %shift_right_arithmetic3A_2541 = arith.constant 1 : i32
      %shift_right_arithmetic3A_2542 = vector.broadcast %shift_right_arithmetic3A_2541 : i32 to vector<16xi32>
      %shift_right_arithmetic3A_2543 = arith.shrsi %bitcast3A, %shift_right_arithmetic3A_2542 : vector<16xi32>
      %sub3A_2544 = arith.constant 1597463007 : i32
      %sub3A_2545 = vector.broadcast %sub3A_2544 : i32 to vector<16xi32>
      %sub3A_2546 = arith.subi %sub3A_2545, %shift_right_arithmetic3A_2543 : vector<16xi32>
      %bitcast3A_2547 = vector.bitcast %sub3A_2546 : vector<16xi32> to vector<16xf32>
      %mul3A_2548 = arith.constant 5.000000e-01 : f32
      %mul3A_2549 = vector.broadcast %mul3A_2548 : f32 to vector<16xf32>
      %mul3A_2550 = arith.mulf %mul3A_2549, %add3A_2540 : vector<16xf32>
      %mul3A_2551 = arith.mulf %mul3A_2550, %bitcast3A_2547 : vector<16xf32>
      %mul3A_2552 = arith.mulf %mul3A_2551, %bitcast3A_2547 : vector<16xf32>
      %sub3A_2553 = arith.constant 1.500000e+00 : f32
      %sub3A_2554 = vector.broadcast %sub3A_2553 : f32 to vector<16xf32>
      %sub3A_2555 = arith.subf %mul3A_2552, %sub3A_2554 : vector<16xf32>
      %mul3A_2556 = arith.mulf %bitcast3A_2547, %sub3A_2555 : vector<16xf32>
      %mul3A_2557 = arith.mulf %add3A_2540, %mul3A_2556 : vector<16xf32>
      %exp3A_2558 = math.exp %mul3A_2557 : vector<16xf32>
      %mul3A_2559 = arith.mulf %exp3A_2558, %gather3A_2531 : vector<16xf32>
      %add3A_2560 = arith.addf %while3A_2517, %mul3A_2559 : vector<16xf32>
      %mul3A_2561 = arith.mulf %mul3A_2559, %gather3A_2532 : vector<16xf32>
      %add3A_2562 = arith.addf %while3A_2518, %mul3A_2561 : vector<16xf32>
      %sub3A_2563 = arith.subf %get3A_2189, %gather3A : vector<16xf32>
      %sub3A_2564 = arith.subf %get3A_2191, %gather3A_2530 : vector<16xf32>
      %mul3A_2565 = arith.mulf %sub3A_2563, %sub3A_2563 : vector<16xf32>
      %mul3A_2566 = arith.mulf %sub3A_2564, %sub3A_2564 : vector<16xf32>
      %add3A_2567 = arith.addf %mul3A_2565, %mul3A_2566 : vector<16xf32>
      %add3A_2568 = arith.constant 9.99999996E-13 : f32
      %add3A_2569 = vector.broadcast %add3A_2568 : f32 to vector<16xf32>
      %add3A_2570 = arith.addf %add3A_2567, %add3A_2569 : vector<16xf32>
      %bitcast3A_2571 = vector.bitcast %add3A_2570 : vector<16xf32> to vector<16xi32>
      %shift_right_arithmetic3A_2572 = arith.constant 1 : i32
      %shift_right_arithmetic3A_2573 = vector.broadcast %shift_right_arithmetic3A_2572 : i32 to vector<16xi32>
      %shift_right_arithmetic3A_2574 = arith.shrsi %bitcast3A_2571, %shift_right_arithmetic3A_2573 : vector<16xi32>
      %sub3A_2575 = arith.constant 1597463007 : i32
      %sub3A_2576 = vector.broadcast %sub3A_2575 : i32 to vector<16xi32>
      %sub3A_2577 = arith.subi %sub3A_2576, %shift_right_arithmetic3A_2574 : vector<16xi32>
      %bitcast3A_2578 = vector.bitcast %sub3A_2577 : vector<16xi32> to vector<16xf32>
      %mul3A_2579 = arith.constant 5.000000e-01 : f32
      %mul3A_2580 = vector.broadcast %mul3A_2579 : f32 to vector<16xf32>
      %mul3A_2581 = arith.mulf %mul3A_2580, %add3A_2570 : vector<16xf32>
      %mul3A_2582 = arith.mulf %mul3A_2581, %bitcast3A_2578 : vector<16xf32>
      %mul3A_2583 = arith.mulf %mul3A_2582, %bitcast3A_2578 : vector<16xf32>
      %sub3A_2584 = arith.constant 1.500000e+00 : f32
      %sub3A_2585 = vector.broadcast %sub3A_2584 : f32 to vector<16xf32>
      %sub3A_2586 = arith.subf %mul3A_2583, %sub3A_2585 : vector<16xf32>
      %mul3A_2587 = arith.mulf %bitcast3A_2578, %sub3A_2586 : vector<16xf32>
      %mul3A_2588 = arith.mulf %add3A_2570, %mul3A_2587 : vector<16xf32>
      %exp3A_2589 = math.exp %mul3A_2588 : vector<16xf32>
      %mul3A_2590 = arith.mulf %exp3A_2589, %gather3A_2531 : vector<16xf32>
      %add3A_2591 = arith.addf %while3A_2519, %mul3A_2590 : vector<16xf32>
      %mul3A_2592 = arith.mulf %mul3A_2590, %gather3A_2532 : vector<16xf32>
      %add3A_2593 = arith.addf %while3A_2520, %mul3A_2592 : vector<16xf32>
      %sub3A_2594 = arith.subf %get3A_2193, %gather3A : vector<16xf32>
      %sub3A_2595 = arith.subf %get3A_2195, %gather3A_2530 : vector<16xf32>
      %mul3A_2596 = arith.mulf %sub3A_2594, %sub3A_2594 : vector<16xf32>
      %mul3A_2597 = arith.mulf %sub3A_2595, %sub3A_2595 : vector<16xf32>
      %add3A_2598 = arith.addf %mul3A_2596, %mul3A_2597 : vector<16xf32>
      %add3A_2599 = arith.constant 9.99999996E-13 : f32
      %add3A_2600 = vector.broadcast %add3A_2599 : f32 to vector<16xf32>
      %add3A_2601 = arith.addf %add3A_2598, %add3A_2600 : vector<16xf32>
      %bitcast3A_2602 = vector.bitcast %add3A_2601 : vector<16xf32> to vector<16xi32>
      %shift_right_arithmetic3A_2603 = arith.constant 1 : i32
      %shift_right_arithmetic3A_2604 = vector.broadcast %shift_right_arithmetic3A_2603 : i32 to vector<16xi32>
      %shift_right_arithmetic3A_2605 = arith.shrsi %bitcast3A_2602, %shift_right_arithmetic3A_2604 : vector<16xi32>
      %sub3A_2606 = arith.constant 1597463007 : i32
      %sub3A_2607 = vector.broadcast %sub3A_2606 : i32 to vector<16xi32>
      %sub3A_2608 = arith.subi %sub3A_2607, %shift_right_arithmetic3A_2605 : vector<16xi32>
      %bitcast3A_2609 = vector.bitcast %sub3A_2608 : vector<16xi32> to vector<16xf32>
      %mul3A_2610 = arith.constant 5.000000e-01 : f32
      %mul3A_2611 = vector.broadcast %mul3A_2610 : f32 to vector<16xf32>
      %mul3A_2612 = arith.mulf %mul3A_2611, %add3A_2601 : vector<16xf32>
      %mul3A_2613 = arith.mulf %mul3A_2612, %bitcast3A_2609 : vector<16xf32>
      %mul3A_2614 = arith.mulf %mul3A_2613, %bitcast3A_2609 : vector<16xf32>
      %sub3A_2615 = arith.constant 1.500000e+00 : f32
      %sub3A_2616 = vector.broadcast %sub3A_2615 : f32 to vector<16xf32>
      %sub3A_2617 = arith.subf %mul3A_2614, %sub3A_2616 : vector<16xf32>
      %mul3A_2618 = arith.mulf %bitcast3A_2609, %sub3A_2617 : vector<16xf32>
      %mul3A_2619 = arith.mulf %add3A_2601, %mul3A_2618 : vector<16xf32>
      %exp3A_2620 = math.exp %mul3A_2619 : vector<16xf32>
      %mul3A_2621 = arith.mulf %exp3A_2620, %gather3A_2531 : vector<16xf32>
      %add3A_2622 = arith.addf %while3A_2521, %mul3A_2621 : vector<16xf32>
      %mul3A_2623 = arith.mulf %mul3A_2621, %gather3A_2532 : vector<16xf32>
      %add3A_2624 = arith.addf %while3A_2522, %mul3A_2623 : vector<16xf32>
      %sub3A_2625 = arith.subf %get3A_2197, %gather3A : vector<16xf32>
      %sub3A_2626 = arith.subf %get3A_2199, %gather3A_2530 : vector<16xf32>
      %mul3A_2627 = arith.mulf %sub3A_2625, %sub3A_2625 : vector<16xf32>
      %mul3A_2628 = arith.mulf %sub3A_2626, %sub3A_2626 : vector<16xf32>
      %add3A_2629 = arith.addf %mul3A_2627, %mul3A_2628 : vector<16xf32>
      %add3A_2630 = arith.constant 9.99999996E-13 : f32
      %add3A_2631 = vector.broadcast %add3A_2630 : f32 to vector<16xf32>
      %add3A_2632 = arith.addf %add3A_2629, %add3A_2631 : vector<16xf32>
      %bitcast3A_2633 = vector.bitcast %add3A_2632 : vector<16xf32> to vector<16xi32>
      %shift_right_arithmetic3A_2634 = arith.constant 1 : i32
      %shift_right_arithmetic3A_2635 = vector.broadcast %shift_right_arithmetic3A_2634 : i32 to vector<16xi32>
      %shift_right_arithmetic3A_2636 = arith.shrsi %bitcast3A_2633, %shift_right_arithmetic3A_2635 : vector<16xi32>
      %sub3A_2637 = arith.constant 1597463007 : i32
      %sub3A_2638 = vector.broadcast %sub3A_2637 : i32 to vector<16xi32>
      %sub3A_2639 = arith.subi %sub3A_2638, %shift_right_arithmetic3A_2636 : vector<16xi32>
      %bitcast3A_2640 = vector.bitcast %sub3A_2639 : vector<16xi32> to vector<16xf32>
      %mul3A_2641 = arith.constant 5.000000e-01 : f32
      %mul3A_2642 = vector.broadcast %mul3A_2641 : f32 to vector<16xf32>
      %mul3A_2643 = arith.mulf %mul3A_2642, %add3A_2632 : vector<16xf32>
      %mul3A_2644 = arith.mulf %mul3A_2643, %bitcast3A_2640 : vector<16xf32>
      %mul3A_2645 = arith.mulf %mul3A_2644, %bitcast3A_2640 : vector<16xf32>
      %sub3A_2646 = arith.constant 1.500000e+00 : f32
      %sub3A_2647 = vector.broadcast %sub3A_2646 : f32 to vector<16xf32>
      %sub3A_2648 = arith.subf %mul3A_2645, %sub3A_2647 : vector<16xf32>
      %mul3A_2649 = arith.mulf %bitcast3A_2640, %sub3A_2648 : vector<16xf32>
      %mul3A_2650 = arith.mulf %add3A_2632, %mul3A_2649 : vector<16xf32>
      %exp3A_2651 = math.exp %mul3A_2650 : vector<16xf32>
      %mul3A_2652 = arith.mulf %exp3A_2651, %gather3A_2531 : vector<16xf32>
      %add3A_2653 = arith.addf %while3A_2523, %mul3A_2652 : vector<16xf32>
      %mul3A_2654 = arith.mulf %mul3A_2652, %gather3A_2532 : vector<16xf32>
      %add3A_2655 = arith.addf %while3A_2524, %mul3A_2654 : vector<16xf32>
      %mul3A_2656 = arith.constant 2 : i32
      %mul3A_2657 = arith.muli %while3A_2516, %mul3A_2656 : i32
      %add3A_2658 = arith.constant 1 : i32
      %add3A_2659 = arith.addi %mul3A_2657, %add3A_2658 : i32
      %broadcast_in_dim3A_2660 = vector.broadcast %add3A_2659 : i32 to vector<16xi32>
      %gather3A_2661 = tpu.vector_load_idx %arg8[%broadcast_in_dim3A_2660] : memref<1024xf32, #tpu.memory_space<vmem>>[vector<16xi32>], vector<16xf32>,
      %gather3A_2662 = tpu.vector_load_idx %arg9[%broadcast_in_dim3A_2660] : memref<1024xf32, #tpu.memory_space<vmem>>[vector<16xi32>], vector<16xf32>,
      %gather3A_2663 = tpu.vector_load_idx %arg11[%broadcast_in_dim3A_2660] : memref<1024xf32, #tpu.memory_space<vmem>>[vector<16xi32>], vector<16xf32>,
      %gather3A_2664 = tpu.vector_load_idx %arg10[%broadcast_in_dim3A_2660] : memref<1024xf32, #tpu.memory_space<vmem>>[vector<16xi32>], vector<16xf32>,
      %sub3A_2665 = arith.subf %get3A_2185, %gather3A_2661 : vector<16xf32>
      %sub3A_2666 = arith.subf %get3A_2187, %gather3A_2662 : vector<16xf32>
      %mul3A_2667 = arith.mulf %sub3A_2665, %sub3A_2665 : vector<16xf32>
      %mul3A_2668 = arith.mulf %sub3A_2666, %sub3A_2666 : vector<16xf32>
      %add3A_2669 = arith.addf %mul3A_2667, %mul3A_2668 : vector<16xf32>
      %add3A_2670 = arith.constant 9.99999996E-13 : f32
      %add3A_2671 = vector.broadcast %add3A_2670 : f32 to vector<16xf32>
      %add3A_2672 = arith.addf %add3A_2669, %add3A_2671 : vector<16xf32>
      %bitcast3A_2673 = vector.bitcast %add3A_2672 : vector<16xf32> to vector<16xi32>
      %shift_right_arithmetic3A_2674 = arith.constant 1 : i32
      %shift_right_arithmetic3A_2675 = vector.broadcast %shift_right_arithmetic3A_2674 : i32 to vector<16xi32>
      %shift_right_arithmetic3A_2676 = arith.shrsi %bitcast3A_2673, %shift_right_arithmetic3A_2675 : vector<16xi32>
      %sub3A_2677 = arith.constant 1597463007 : i32
      %sub3A_2678 = vector.broadcast %sub3A_2677 : i32 to vector<16xi32>
      %sub3A_2679 = arith.subi %sub3A_2678, %shift_right_arithmetic3A_2676 : vector<16xi32>
      %bitcast3A_2680 = vector.bitcast %sub3A_2679 : vector<16xi32> to vector<16xf32>
      %mul3A_2681 = arith.constant 5.000000e-01 : f32
      %mul3A_2682 = vector.broadcast %mul3A_2681 : f32 to vector<16xf32>
      %mul3A_2683 = arith.mulf %mul3A_2682, %add3A_2672 : vector<16xf32>
      %mul3A_2684 = arith.mulf %mul3A_2683, %bitcast3A_2680 : vector<16xf32>
      %mul3A_2685 = arith.mulf %mul3A_2684, %bitcast3A_2680 : vector<16xf32>
      %sub3A_2686 = arith.constant 1.500000e+00 : f32
      %sub3A_2687 = vector.broadcast %sub3A_2686 : f32 to vector<16xf32>
      %sub3A_2688 = arith.subf %mul3A_2685, %sub3A_2687 : vector<16xf32>
      %mul3A_2689 = arith.mulf %bitcast3A_2680, %sub3A_2688 : vector<16xf32>
      %mul3A_2690 = arith.mulf %add3A_2672, %mul3A_2689 : vector<16xf32>
      %exp3A_2691 = math.exp %mul3A_2690 : vector<16xf32>
      %mul3A_2692 = arith.mulf %exp3A_2691, %gather3A_2663 : vector<16xf32>
      %add3A_2693 = arith.addf %add3A_2560, %mul3A_2692 : vector<16xf32>
      %mul3A_2694 = arith.mulf %mul3A_2692, %gather3A_2664 : vector<16xf32>
      %add3A_2695 = arith.addf %add3A_2562, %mul3A_2694 : vector<16xf32>
      %sub3A_2696 = arith.subf %get3A_2189, %gather3A_2661 : vector<16xf32>
      %sub3A_2697 = arith.subf %get3A_2191, %gather3A_2662 : vector<16xf32>
      %mul3A_2698 = arith.mulf %sub3A_2696, %sub3A_2696 : vector<16xf32>
      %mul3A_2699 = arith.mulf %sub3A_2697, %sub3A_2697 : vector<16xf32>
      %add3A_2700 = arith.addf %mul3A_2698, %mul3A_2699 : vector<16xf32>
      %add3A_2701 = arith.constant 9.99999996E-13 : f32
      %add3A_2702 = vector.broadcast %add3A_2701 : f32 to vector<16xf32>
      %add3A_2703 = arith.addf %add3A_2700, %add3A_2702 : vector<16xf32>
      %bitcast3A_2704 = vector.bitcast %add3A_2703 : vector<16xf32> to vector<16xi32>
      %shift_right_arithmetic3A_2705 = arith.constant 1 : i32
      %shift_right_arithmetic3A_2706 = vector.broadcast %shift_right_arithmetic3A_2705 : i32 to vector<16xi32>
      %shift_right_arithmetic3A_2707 = arith.shrsi %bitcast3A_2704, %shift_right_arithmetic3A_2706 : vector<16xi32>
      %sub3A_2708 = arith.constant 1597463007 : i32
      %sub3A_2709 = vector.broadcast %sub3A_2708 : i32 to vector<16xi32>
      %sub3A_2710 = arith.subi %sub3A_2709, %shift_right_arithmetic3A_2707 : vector<16xi32>
      %bitcast3A_2711 = vector.bitcast %sub3A_2710 : vector<16xi32> to vector<16xf32>
      %mul3A_2712 = arith.constant 5.000000e-01 : f32
      %mul3A_2713 = vector.broadcast %mul3A_2712 : f32 to vector<16xf32>
      %mul3A_2714 = arith.mulf %mul3A_2713, %add3A_2703 : vector<16xf32>
      %mul3A_2715 = arith.mulf %mul3A_2714, %bitcast3A_2711 : vector<16xf32>
      %mul3A_2716 = arith.mulf %mul3A_2715, %bitcast3A_2711 : vector<16xf32>
      %sub3A_2717 = arith.constant 1.500000e+00 : f32
      %sub3A_2718 = vector.broadcast %sub3A_2717 : f32 to vector<16xf32>
      %sub3A_2719 = arith.subf %mul3A_2716, %sub3A_2718 : vector<16xf32>
      %mul3A_2720 = arith.mulf %bitcast3A_2711, %sub3A_2719 : vector<16xf32>
      %mul3A_2721 = arith.mulf %add3A_2703, %mul3A_2720 : vector<16xf32>
      %exp3A_2722 = math.exp %mul3A_2721 : vector<16xf32>
      %mul3A_2723 = arith.mulf %exp3A_2722, %gather3A_2663 : vector<16xf32>
      %add3A_2724 = arith.addf %add3A_2591, %mul3A_2723 : vector<16xf32>
      %mul3A_2725 = arith.mulf %mul3A_2723, %gather3A_2664 : vector<16xf32>
      %add3A_2726 = arith.addf %add3A_2593, %mul3A_2725 : vector<16xf32>
      %sub3A_2727 = arith.subf %get3A_2193, %gather3A_2661 : vector<16xf32>
      %sub3A_2728 = arith.subf %get3A_2195, %gather3A_2662 : vector<16xf32>
      %mul3A_2729 = arith.mulf %sub3A_2727, %sub3A_2727 : vector<16xf32>
      %mul3A_2730 = arith.mulf %sub3A_2728, %sub3A_2728 : vector<16xf32>
      %add3A_2731 = arith.addf %mul3A_2729, %mul3A_2730 : vector<16xf32>
      %add3A_2732 = arith.constant 9.99999996E-13 : f32
      %add3A_2733 = vector.broadcast %add3A_2732 : f32 to vector<16xf32>
      %add3A_2734 = arith.addf %add3A_2731, %add3A_2733 : vector<16xf32>
      %bitcast3A_2735 = vector.bitcast %add3A_2734 : vector<16xf32> to vector<16xi32>
      %shift_right_arithmetic3A_2736 = arith.constant 1 : i32
      %shift_right_arithmetic3A_2737 = vector.broadcast %shift_right_arithmetic3A_2736 : i32 to vector<16xi32>
      %shift_right_arithmetic3A_2738 = arith.shrsi %bitcast3A_2735, %shift_right_arithmetic3A_2737 : vector<16xi32>
      %sub3A_2739 = arith.constant 1597463007 : i32
      %sub3A_2740 = vector.broadcast %sub3A_2739 : i32 to vector<16xi32>
      %sub3A_2741 = arith.subi %sub3A_2740, %shift_right_arithmetic3A_2738 : vector<16xi32>
      %bitcast3A_2742 = vector.bitcast %sub3A_2741 : vector<16xi32> to vector<16xf32>
      %mul3A_2743 = arith.constant 5.000000e-01 : f32
      %mul3A_2744 = vector.broadcast %mul3A_2743 : f32 to vector<16xf32>
      %mul3A_2745 = arith.mulf %mul3A_2744, %add3A_2734 : vector<16xf32>
      %mul3A_2746 = arith.mulf %mul3A_2745, %bitcast3A_2742 : vector<16xf32>
      %mul3A_2747 = arith.mulf %mul3A_2746, %bitcast3A_2742 : vector<16xf32>
      %sub3A_2748 = arith.constant 1.500000e+00 : f32
      %sub3A_2749 = vector.broadcast %sub3A_2748 : f32 to vector<16xf32>
      %sub3A_2750 = arith.subf %mul3A_2747, %sub3A_2749 : vector<16xf32>
      %mul3A_2751 = arith.mulf %bitcast3A_2742, %sub3A_2750 : vector<16xf32>
      %mul3A_2752 = arith.mulf %add3A_2734, %mul3A_2751 : vector<16xf32>
      %exp3A_2753 = math.exp %mul3A_2752 : vector<16xf32>
      %mul3A_2754 = arith.mulf %exp3A_2753, %gather3A_2663 : vector<16xf32>
      %add3A_2755 = arith.addf %add3A_2622, %mul3A_2754 : vector<16xf32>
      %mul3A_2756 = arith.mulf %mul3A_2754, %gather3A_2664 : vector<16xf32>
      %add3A_2757 = arith.addf %add3A_2624, %mul3A_2756 : vector<16xf32>
      %sub3A_2758 = arith.subf %get3A_2197, %gather3A_2661 : vector<16xf32>
      %sub3A_2759 = arith.subf %get3A_2199, %gather3A_2662 : vector<16xf32>
      %mul3A_2760 = arith.mulf %sub3A_2758, %sub3A_2758 : vector<16xf32>
      %mul3A_2761 = arith.mulf %sub3A_2759, %sub3A_2759 : vector<16xf32>
      %add3A_2762 = arith.addf %mul3A_2760, %mul3A_2761 : vector<16xf32>
      %add3A_2763 = arith.constant 9.99999996E-13 : f32
      %add3A_2764 = vector.broadcast %add3A_2763 : f32 to vector<16xf32>
      %add3A_2765 = arith.addf %add3A_2762, %add3A_2764 : vector<16xf32>
      %bitcast3A_2766 = vector.bitcast %add3A_2765 : vector<16xf32> to vector<16xi32>
      %shift_right_arithmetic3A_2767 = arith.constant 1 : i32
      %shift_right_arithmetic3A_2768 = vector.broadcast %shift_right_arithmetic3A_2767 : i32 to vector<16xi32>
      %shift_right_arithmetic3A_2769 = arith.shrsi %bitcast3A_2766, %shift_right_arithmetic3A_2768 : vector<16xi32>
      %sub3A_2770 = arith.constant 1597463007 : i32
      %sub3A_2771 = vector.broadcast %sub3A_2770 : i32 to vector<16xi32>
      %sub3A_2772 = arith.subi %sub3A_2771, %shift_right_arithmetic3A_2769 : vector<16xi32>
      %bitcast3A_2773 = vector.bitcast %sub3A_2772 : vector<16xi32> to vector<16xf32>
      %mul3A_2774 = arith.constant 5.000000e-01 : f32
      %mul3A_2775 = vector.broadcast %mul3A_2774 : f32 to vector<16xf32>
      %mul3A_2776 = arith.mulf %mul3A_2775, %add3A_2765 : vector<16xf32>
      %mul3A_2777 = arith.mulf %mul3A_2776, %bitcast3A_2773 : vector<16xf32>
      %mul3A_2778 = arith.mulf %mul3A_2777, %bitcast3A_2773 : vector<16xf32>
      %sub3A_2779 = arith.constant 1.500000e+00 : f32
      %sub3A_2780 = vector.broadcast %sub3A_2779 : f32 to vector<16xf32>
      %sub3A_2781 = arith.subf %mul3A_2778, %sub3A_2780 : vector<16xf32>
      %mul3A_2782 = arith.mulf %bitcast3A_2773, %sub3A_2781 : vector<16xf32>
      %mul3A_2783 = arith.mulf %add3A_2765, %mul3A_2782 : vector<16xf32>
      %exp3A_2784 = math.exp %mul3A_2783 : vector<16xf32>
      %mul3A_2785 = arith.mulf %exp3A_2784, %gather3A_2663 : vector<16xf32>
      %add3A_2786 = arith.addf %add3A_2653, %mul3A_2785 : vector<16xf32>
      %mul3A_2787 = arith.mulf %mul3A_2785, %gather3A_2664 : vector<16xf32>
      %add3A_2788 = arith.addf %add3A_2655, %mul3A_2787 : vector<16xf32>
      scf.yield %add3A_2693, %add3A_2695, %add3A_2724, %add3A_2726, %add3A_2755, %add3A_2757, %add3A_2786, %add3A_2788 : vector<16xf32>, vector<16xf32>, vector<16xf32>, vector<16xf32>, vector<16xf32>, vector<16xf32>, vector<16xf32>, vector<16xf32>
    }
    %get3A_2213 = arith.constant 256 : index
    %get3A_2214 = tpu.vector_load %arg12[%get3A_2213] {strides = array<i32>} : memref<512xf32, #tpu.memory_space<vmem>>, vector<16xf32>,
    %neg3A_2215 = arith.constant 0.000000e+00 : f32
    %neg3A_2216 = vector.broadcast %neg3A_2215 : f32 to vector<16xf32>
    %neg3A_2217 = arith.subf %neg3A_2216, %get3A_2214 : vector<16xf32>
    %exp3A_2218 = math.exp %neg3A_2217 : vector<16xf32>
    %add3A_2219 = arith.constant 1.000000e+00 : f32
    %add3A_2220 = vector.broadcast %add3A_2219 : f32 to vector<16xf32>
    %add3A_2221 = arith.addf %add3A_2220, %exp3A_2218 : vector<16xf32>
    %div3A_2222 = arith.constant 1.000000e+00 : f32
    %div3A_2223 = vector.broadcast %div3A_2222 : f32 to vector<16xf32>
    %div3A_2224 = arith.divf %div3A_2223, %add3A_2221 : vector<16xf32>
    %get3A_2225 = arith.constant 128 : index
    %get3A_2226 = tpu.vector_load %arg13[%get3A_2225] {strides = array<i32>} : memref<384xf32, #tpu.memory_space<vmem>>, vector<16xf32>,
    %get3A_2227 = arith.constant 0 : index
    %get3A_2228 = tpu.vector_load %arg13[%get3A_2227] {strides = array<i32>} : memref<384xf32, #tpu.memory_space<vmem>>, vector<16xf32>,
    %mul3A_2229 = arith.constant 0.999998986 : f32
    %mul3A_2230 = vector.broadcast %mul3A_2229 : f32 to vector<16xf32>
    %mul3A_2231 = arith.mulf %get3A_2226, %mul3A_2230 : vector<16xf32>
    %sub3A = arith.subf %while3A_2212#0, %mul3A_2231 : vector<16xf32>
    %mul3A_2232 = arith.constant 0.999998986 : f32
    %mul3A_2233 = vector.broadcast %mul3A_2232 : f32 to vector<16xf32>
    %mul3A_2234 = arith.mulf %get3A_2226, %mul3A_2233 : vector<16xf32>
    %mul3A_2235 = arith.mulf %mul3A_2234, %div3A_2224 : vector<16xf32>
    %sub3A_2236 = arith.subf %while3A_2212#1, %mul3A_2235 : vector<16xf32>
    %add3A_2237 = arith.constant 9.99999993E-9 : f32
    %add3A_2238 = vector.broadcast %add3A_2237 : f32 to vector<16xf32>
    %add3A_2239 = arith.addf %sub3A, %add3A_2238 : vector<16xf32>
    %div3A_2240 = arith.divf %sub3A_2236, %add3A_2239 : vector<16xf32>
    %sub3A_2241 = arith.subf %div3A_2224, %div3A_2240 : vector<16xf32>
    %mul3A_2242 = arith.mulf %sub3A_2241, %sub3A_2241 : vector<16xf32>
    %mul3A_2243 = arith.mulf %mul3A_2242, %get3A_2228 : vector<16xf32>
    %add3A_2244 = arith.addf %broadcast_in_dim3A_2183, %mul3A_2243 : vector<16xf32>
    %get3A_2245 = arith.constant 272 : index
    %get3A_2246 = tpu.vector_load %arg12[%get3A_2245] {strides = array<i32>} : memref<512xf32, #tpu.memory_space<vmem>>, vector<16xf32>,
    %neg3A_2247 = arith.constant 0.000000e+00 : f32
    %neg3A_2248 = vector.broadcast %neg3A_2247 : f32 to vector<16xf32>
    %neg3A_2249 = arith.subf %neg3A_2248, %get3A_2246 : vector<16xf32>
    %exp3A_2250 = math.exp %neg3A_2249 : vector<16xf32>
    %add3A_2251 = arith.constant 1.000000e+00 : f32
    %add3A_2252 = vector.broadcast %add3A_2251 : f32 to vector<16xf32>
    %add3A_2253 = arith.addf %add3A_2252, %exp3A_2250 : vector<16xf32>
    %div3A_2254 = arith.constant 1.000000e+00 : f32
    %div3A_2255 = vector.broadcast %div3A_2254 : f32 to vector<16xf32>
    %div3A_2256 = arith.divf %div3A_2255, %add3A_2253 : vector<16xf32>
    %get3A_2257 = arith.constant 144 : index
    %get3A_2258 = tpu.vector_load %arg13[%get3A_2257] {strides = array<i32>} : memref<384xf32, #tpu.memory_space<vmem>>, vector<16xf32>,
    %get3A_2259 = arith.constant 16 : index
    %get3A_2260 = tpu.vector_load %arg13[%get3A_2259] {strides = array<i32>} : memref<384xf32, #tpu.memory_space<vmem>>, vector<16xf32>,
    %mul3A_2261 = arith.constant 0.999998986 : f32
    %mul3A_2262 = vector.broadcast %mul3A_2261 : f32 to vector<16xf32>
    %mul3A_2263 = arith.mulf %get3A_2258, %mul3A_2262 : vector<16xf32>
    %sub3A_2264 = arith.subf %while3A_2212#2, %mul3A_2263 : vector<16xf32>
    %mul3A_2265 = arith.constant 0.999998986 : f32
    %mul3A_2266 = vector.broadcast %mul3A_2265 : f32 to vector<16xf32>
    %mul3A_2267 = arith.mulf %get3A_2258, %mul3A_2266 : vector<16xf32>
    %mul3A_2268 = arith.mulf %mul3A_2267, %div3A_2256 : vector<16xf32>
    %sub3A_2269 = arith.subf %while3A_2212#3, %mul3A_2268 : vector<16xf32>
    %add3A_2270 = arith.constant 9.99999993E-9 : f32
    %add3A_2271 = vector.broadcast %add3A_2270 : f32 to vector<16xf32>
    %add3A_2272 = arith.addf %sub3A_2264, %add3A_2271 : vector<16xf32>
    %div3A_2273 = arith.divf %sub3A_2269, %add3A_2272 : vector<16xf32>
    %sub3A_2274 = arith.subf %div3A_2256, %div3A_2273 : vector<16xf32>
    %mul3A_2275 = arith.mulf %sub3A_2274, %sub3A_2274 : vector<16xf32>
    %mul3A_2276 = arith.mulf %mul3A_2275, %get3A_2260 : vector<16xf32>
    %add3A_2277 = arith.addf %add3A_2244, %mul3A_2276 : vector<16xf32>
    %get3A_2278 = arith.constant 288 : index
    %get3A_2279 = tpu.vector_load %arg12[%get3A_2278] {strides = array<i32>} : memref<512xf32, #tpu.memory_space<vmem>>, vector<16xf32>,
    %neg3A_2280 = arith.constant 0.000000e+00 : f32
    %neg3A_2281 = vector.broadcast %neg3A_2280 : f32 to vector<16xf32>
    %neg3A_2282 = arith.subf %neg3A_2281, %get3A_2279 : vector<16xf32>
    %exp3A_2283 = math.exp %neg3A_2282 : vector<16xf32>
    %add3A_2284 = arith.constant 1.000000e+00 : f32
    %add3A_2285 = vector.broadcast %add3A_2284 : f32 to vector<16xf32>
    %add3A_2286 = arith.addf %add3A_2285, %exp3A_2283 : vector<16xf32>
    %div3A_2287 = arith.constant 1.000000e+00 : f32
    %div3A_2288 = vector.broadcast %div3A_2287 : f32 to vector<16xf32>
    %div3A_2289 = arith.divf %div3A_2288, %add3A_2286 : vector<16xf32>
    %get3A_2290 = arith.constant 160 : index
    %get3A_2291 = tpu.vector_load %arg13[%get3A_2290] {strides = array<i32>} : memref<384xf32, #tpu.memory_space<vmem>>, vector<16xf32>,
    %get3A_2292 = arith.constant 32 : index
    %get3A_2293 = tpu.vector_load %arg13[%get3A_2292] {strides = array<i32>} : memref<384xf32, #tpu.memory_space<vmem>>, vector<16xf32>,
    %mul3A_2294 = arith.constant 0.999998986 : f32
    %mul3A_2295 = vector.broadcast %mul3A_2294 : f32 to vector<16xf32>
    %mul3A_2296 = arith.mulf %get3A_2291, %mul3A_2295 : vector<16xf32>
    %sub3A_2297 = arith.subf %while3A_2212#4, %mul3A_2296 : vector<16xf32>
    %mul3A_2298 = arith.constant 0.999998986 : f32
    %mul3A_2299 = vector.broadcast %mul3A_2298 : f32 to vector<16xf32>
    %mul3A_2300 = arith.mulf %get3A_2291, %mul3A_2299 : vector<16xf32>
    %mul3A_2301 = arith.mulf %mul3A_2300, %div3A_2289 : vector<16xf32>
    %sub3A_2302 = arith.subf %while3A_2212#5, %mul3A_2301 : vector<16xf32>
    %add3A_2303 = arith.constant 9.99999993E-9 : f32
    %add3A_2304 = vector.broadcast %add3A_2303 : f32 to vector<16xf32>
    %add3A_2305 = arith.addf %sub3A_2297, %add3A_2304 : vector<16xf32>
    %div3A_2306 = arith.divf %sub3A_2302, %add3A_2305 : vector<16xf32>
    %sub3A_2307 = arith.subf %div3A_2289, %div3A_2306 : vector<16xf32>
    %mul3A_2308 = arith.mulf %sub3A_2307, %sub3A_2307 : vector<16xf32>
    %mul3A_2309 = arith.mulf %mul3A_2308, %get3A_2293 : vector<16xf32>
    %add3A_2310 = arith.addf %add3A_2277, %mul3A_2309 : vector<16xf32>
    %get3A_2311 = arith.constant 304 : index
    %get3A_2312 = tpu.vector_load %arg12[%get3A_2311] {strides = array<i32>} : memref<512xf32, #tpu.memory_space<vmem>>, vector<16xf32>,
    %neg3A_2313 = arith.constant 0.000000e+00 : f32
    %neg3A_2314 = vector.broadcast %neg3A_2313 : f32 to vector<16xf32>
    %neg3A_2315 = arith.subf %neg3A_2314, %get3A_2312 : vector<16xf32>
    %exp3A_2316 = math.exp %neg3A_2315 : vector<16xf32>
    %add3A_2317 = arith.constant 1.000000e+00 : f32
    %add3A_2318 = vector.broadcast %add3A_2317 : f32 to vector<16xf32>
    %add3A_2319 = arith.addf %add3A_2318, %exp3A_2316 : vector<16xf32>
    %div3A_2320 = arith.constant 1.000000e+00 : f32
    %div3A_2321 = vector.broadcast %div3A_2320 : f32 to vector<16xf32>
    %div3A_2322 = arith.divf %div3A_2321, %add3A_2319 : vector<16xf32>
    %get3A_2323 = arith.constant 176 : index
    %get3A_2324 = tpu.vector_load %arg13[%get3A_2323] {strides = array<i32>} : memref<384xf32, #tpu.memory_space<vmem>>, vector<16xf32>,
    %get3A_2325 = arith.constant 48 : index
    %get3A_2326 = tpu.vector_load %arg13[%get3A_2325] {strides = array<i32>} : memref<384xf32, #tpu.memory_space<vmem>>, vector<16xf32>,
    %mul3A_2327 = arith.constant 0.999998986 : f32
    %mul3A_2328 = vector.broadcast %mul3A_2327 : f32 to vector<16xf32>
    %mul3A_2329 = arith.mulf %get3A_2324, %mul3A_2328 : vector<16xf32>
    %sub3A_2330 = arith.subf %while3A_2212#6, %mul3A_2329 : vector<16xf32>
    %mul3A_2331 = arith.constant 0.999998986 : f32
    %mul3A_2332 = vector.broadcast %mul3A_2331 : f32 to vector<16xf32>
    %mul3A_2333 = arith.mulf %get3A_2324, %mul3A_2332 : vector<16xf32>
    %mul3A_2334 = arith.mulf %mul3A_2333, %div3A_2322 : vector<16xf32>
    %sub3A_2335 = arith.subf %while3A_2212#7, %mul3A_2334 : vector<16xf32>
    %add3A_2336 = arith.constant 9.99999993E-9 : f32
    %add3A_2337 = vector.broadcast %add3A_2336 : f32 to vector<16xf32>
    %add3A_2338 = arith.addf %sub3A_2330, %add3A_2337 : vector<16xf32>
    %div3A_2339 = arith.divf %sub3A_2335, %add3A_2338 : vector<16xf32>
    %sub3A_2340 = arith.subf %div3A_2322, %div3A_2339 : vector<16xf32>
    %mul3A_2341 = arith.mulf %sub3A_2340, %sub3A_2340 : vector<16xf32>
    %mul3A_2342 = arith.mulf %mul3A_2341, %get3A_2326 : vector<16xf32>
    %add3A_2343 = arith.addf %add3A_2310, %mul3A_2342 : vector<16xf32>
    %get3A_2344 = arith.constant 64 : index
    %get3A_2345 = tpu.vector_load %arg12[%get3A_2344] {strides = array<i32>} : memref<512xf32, #tpu.memory_space<vmem>>, vector<16xf32>,
    %get3A_2346 = arith.constant 192 : index
    %get3A_2347 = tpu.vector_load %arg12[%get3A_2346] {strides = array<i32>} : memref<512xf32, #tpu.memory_space<vmem>>, vector<16xf32>,
    %get3A_2348 = arith.constant 80 : index
    %get3A_2349 = tpu.vector_load %arg12[%get3A_2348] {strides = array<i32>} : memref<512xf32, #tpu.memory_space<vmem>>, vector<16xf32>,
    %get3A_2350 = arith.constant 208 : index
    %get3A_2351 = tpu.vector_load %arg12[%get3A_2350] {strides = array<i32>} : memref<512xf32, #tpu.memory_space<vmem>>, vector<16xf32>,
    %get3A_2352 = arith.constant 96 : index
    %get3A_2353 = tpu.vector_load %arg12[%get3A_2352] {strides = array<i32>} : memref<512xf32, #tpu.memory_space<vmem>>, vector<16xf32>,
    %get3A_2354 = arith.constant 224 : index
    %get3A_2355 = tpu.vector_load %arg12[%get3A_2354] {strides = array<i32>} : memref<512xf32, #tpu.memory_space<vmem>>, vector<16xf32>,
    %get3A_2356 = arith.constant 112 : index
    %get3A_2357 = tpu.vector_load %arg12[%get3A_2356] {strides = array<i32>} : memref<512xf32, #tpu.memory_space<vmem>>, vector<16xf32>,
    %get3A_2358 = arith.constant 240 : index
    %get3A_2359 = tpu.vector_load %arg12[%get3A_2358] {strides = array<i32>} : memref<512xf32, #tpu.memory_space<vmem>>, vector<16xf32>,
    %broadcast_in_dim3A_2360 = arith.constant 0.000000e+00 : f32
    %broadcast_in_dim3A_2361 = vector.broadcast %broadcast_in_dim3A_2360 : f32 to vector<16xf32>
    %shift_right_arithmetic3A_2362 = arith.constant 1 : i32
    %shift_right_arithmetic3A_2363 = arith.shrsi %convert_element_type3A, %shift_right_arithmetic3A_2362 : i32
    %while3A_2364 = arith.constant 0 : i32
    %while3A_2365 = arith.subi %shift_right_arithmetic3A_2363, %while3A_2364 : i32
    %while3A_2366 = arith.addi %while3A_2364, %while3A_2365 : i32
    %while3A_2367 = arith.constant 1 : i32
    %while3A_2368 = arith.divsi %while3A_2365, %while3A_2367 : i32
    %while3A_2369 = arith.muli %while3A_2368, %while3A_2367 : i32
    %while3A_2370 = arith.addi %while3A_2364, %while3A_2369 : i32
    %while3A_2371 = arith.constant 1 : i32
    %while3A_2372:8 = scf.for %while3A_2516 = %while3A_2364 to %while3A_2370 step %while3A_2371 iter_args(%while3A_2517 = %broadcast_in_dim3A_2361, %while3A_2518 = %broadcast_in_dim3A_2361, %while3A_2519 = %broadcast_in_dim3A_2361, %while3A_2520 = %broadcast_in_dim3A_2361, %while3A_2521 = %broadcast_in_dim3A_2361, %while3A_2522 = %broadcast_in_dim3A_2361, %while3A_2523 = %broadcast_in_dim3A_2361, %while3A_2524 = %broadcast_in_dim3A_2361) -> (vector<16xf32>, vector<16xf32>, vector<16xf32>, vector<16xf32>, vector<16xf32>, vector<16xf32>, vector<16xf32>, vector<16xf32>)  : i32 {
      %mul3A_2525 = arith.constant 2 : i32
      %mul3A_2526 = arith.muli %while3A_2516, %mul3A_2525 : i32
      %add3A_2527 = arith.constant 0 : i32
      %add3A_2528 = arith.addi %mul3A_2526, %add3A_2527 : i32
      %broadcast_in_dim3A_2529 = vector.broadcast %add3A_2528 : i32 to vector<16xi32>
      %gather3A = tpu.vector_load_idx %arg8[%broadcast_in_dim3A_2529] : memref<1024xf32, #tpu.memory_space<vmem>>[vector<16xi32>], vector<16xf32>,
      %gather3A_2530 = tpu.vector_load_idx %arg9[%broadcast_in_dim3A_2529] : memref<1024xf32, #tpu.memory_space<vmem>>[vector<16xi32>], vector<16xf32>,
      %gather3A_2531 = tpu.vector_load_idx %arg11[%broadcast_in_dim3A_2529] : memref<1024xf32, #tpu.memory_space<vmem>>[vector<16xi32>], vector<16xf32>,
      %gather3A_2532 = tpu.vector_load_idx %arg10[%broadcast_in_dim3A_2529] : memref<1024xf32, #tpu.memory_space<vmem>>[vector<16xi32>], vector<16xf32>,
      %sub3A_2533 = arith.subf %get3A_2345, %gather3A : vector<16xf32>
      %sub3A_2534 = arith.subf %get3A_2347, %gather3A_2530 : vector<16xf32>
      %mul3A_2535 = arith.mulf %sub3A_2533, %sub3A_2533 : vector<16xf32>
      %mul3A_2536 = arith.mulf %sub3A_2534, %sub3A_2534 : vector<16xf32>
      %add3A_2537 = arith.addf %mul3A_2535, %mul3A_2536 : vector<16xf32>
      %add3A_2538 = arith.constant 9.99999996E-13 : f32
      %add3A_2539 = vector.broadcast %add3A_2538 : f32 to vector<16xf32>
      %add3A_2540 = arith.addf %add3A_2537, %add3A_2539 : vector<16xf32>
      %bitcast3A = vector.bitcast %add3A_2540 : vector<16xf32> to vector<16xi32>
      %shift_right_arithmetic3A_2541 = arith.constant 1 : i32
      %shift_right_arithmetic3A_2542 = vector.broadcast %shift_right_arithmetic3A_2541 : i32 to vector<16xi32>
      %shift_right_arithmetic3A_2543 = arith.shrsi %bitcast3A, %shift_right_arithmetic3A_2542 : vector<16xi32>
      %sub3A_2544 = arith.constant 1597463007 : i32
      %sub3A_2545 = vector.broadcast %sub3A_2544 : i32 to vector<16xi32>
      %sub3A_2546 = arith.subi %sub3A_2545, %shift_right_arithmetic3A_2543 : vector<16xi32>
      %bitcast3A_2547 = vector.bitcast %sub3A_2546 : vector<16xi32> to vector<16xf32>
      %mul3A_2548 = arith.constant 5.000000e-01 : f32
      %mul3A_2549 = vector.broadcast %mul3A_2548 : f32 to vector<16xf32>
      %mul3A_2550 = arith.mulf %mul3A_2549, %add3A_2540 : vector<16xf32>
      %mul3A_2551 = arith.mulf %mul3A_2550, %bitcast3A_2547 : vector<16xf32>
      %mul3A_2552 = arith.mulf %mul3A_2551, %bitcast3A_2547 : vector<16xf32>
      %sub3A_2553 = arith.constant 1.500000e+00 : f32
      %sub3A_2554 = vector.broadcast %sub3A_2553 : f32 to vector<16xf32>
      %sub3A_2555 = arith.subf %mul3A_2552, %sub3A_2554 : vector<16xf32>
      %mul3A_2556 = arith.mulf %bitcast3A_2547, %sub3A_2555 : vector<16xf32>
      %mul3A_2557 = arith.mulf %add3A_2540, %mul3A_2556 : vector<16xf32>
      %exp3A_2558 = math.exp %mul3A_2557 : vector<16xf32>
      %mul3A_2559 = arith.mulf %exp3A_2558, %gather3A_2531 : vector<16xf32>
      %add3A_2560 = arith.addf %while3A_2517, %mul3A_2559 : vector<16xf32>
      %mul3A_2561 = arith.mulf %mul3A_2559, %gather3A_2532 : vector<16xf32>
      %add3A_2562 = arith.addf %while3A_2518, %mul3A_2561 : vector<16xf32>
      %sub3A_2563 = arith.subf %get3A_2349, %gather3A : vector<16xf32>
      %sub3A_2564 = arith.subf %get3A_2351, %gather3A_2530 : vector<16xf32>
      %mul3A_2565 = arith.mulf %sub3A_2563, %sub3A_2563 : vector<16xf32>
      %mul3A_2566 = arith.mulf %sub3A_2564, %sub3A_2564 : vector<16xf32>
      %add3A_2567 = arith.addf %mul3A_2565, %mul3A_2566 : vector<16xf32>
      %add3A_2568 = arith.constant 9.99999996E-13 : f32
      %add3A_2569 = vector.broadcast %add3A_2568 : f32 to vector<16xf32>
      %add3A_2570 = arith.addf %add3A_2567, %add3A_2569 : vector<16xf32>
      %bitcast3A_2571 = vector.bitcast %add3A_2570 : vector<16xf32> to vector<16xi32>
      %shift_right_arithmetic3A_2572 = arith.constant 1 : i32
      %shift_right_arithmetic3A_2573 = vector.broadcast %shift_right_arithmetic3A_2572 : i32 to vector<16xi32>
      %shift_right_arithmetic3A_2574 = arith.shrsi %bitcast3A_2571, %shift_right_arithmetic3A_2573 : vector<16xi32>
      %sub3A_2575 = arith.constant 1597463007 : i32
      %sub3A_2576 = vector.broadcast %sub3A_2575 : i32 to vector<16xi32>
      %sub3A_2577 = arith.subi %sub3A_2576, %shift_right_arithmetic3A_2574 : vector<16xi32>
      %bitcast3A_2578 = vector.bitcast %sub3A_2577 : vector<16xi32> to vector<16xf32>
      %mul3A_2579 = arith.constant 5.000000e-01 : f32
      %mul3A_2580 = vector.broadcast %mul3A_2579 : f32 to vector<16xf32>
      %mul3A_2581 = arith.mulf %mul3A_2580, %add3A_2570 : vector<16xf32>
      %mul3A_2582 = arith.mulf %mul3A_2581, %bitcast3A_2578 : vector<16xf32>
      %mul3A_2583 = arith.mulf %mul3A_2582, %bitcast3A_2578 : vector<16xf32>
      %sub3A_2584 = arith.constant 1.500000e+00 : f32
      %sub3A_2585 = vector.broadcast %sub3A_2584 : f32 to vector<16xf32>
      %sub3A_2586 = arith.subf %mul3A_2583, %sub3A_2585 : vector<16xf32>
      %mul3A_2587 = arith.mulf %bitcast3A_2578, %sub3A_2586 : vector<16xf32>
      %mul3A_2588 = arith.mulf %add3A_2570, %mul3A_2587 : vector<16xf32>
      %exp3A_2589 = math.exp %mul3A_2588 : vector<16xf32>
      %mul3A_2590 = arith.mulf %exp3A_2589, %gather3A_2531 : vector<16xf32>
      %add3A_2591 = arith.addf %while3A_2519, %mul3A_2590 : vector<16xf32>
      %mul3A_2592 = arith.mulf %mul3A_2590, %gather3A_2532 : vector<16xf32>
      %add3A_2593 = arith.addf %while3A_2520, %mul3A_2592 : vector<16xf32>
      %sub3A_2594 = arith.subf %get3A_2353, %gather3A : vector<16xf32>
      %sub3A_2595 = arith.subf %get3A_2355, %gather3A_2530 : vector<16xf32>
      %mul3A_2596 = arith.mulf %sub3A_2594, %sub3A_2594 : vector<16xf32>
      %mul3A_2597 = arith.mulf %sub3A_2595, %sub3A_2595 : vector<16xf32>
      %add3A_2598 = arith.addf %mul3A_2596, %mul3A_2597 : vector<16xf32>
      %add3A_2599 = arith.constant 9.99999996E-13 : f32
      %add3A_2600 = vector.broadcast %add3A_2599 : f32 to vector<16xf32>
      %add3A_2601 = arith.addf %add3A_2598, %add3A_2600 : vector<16xf32>
      %bitcast3A_2602 = vector.bitcast %add3A_2601 : vector<16xf32> to vector<16xi32>
      %shift_right_arithmetic3A_2603 = arith.constant 1 : i32
      %shift_right_arithmetic3A_2604 = vector.broadcast %shift_right_arithmetic3A_2603 : i32 to vector<16xi32>
      %shift_right_arithmetic3A_2605 = arith.shrsi %bitcast3A_2602, %shift_right_arithmetic3A_2604 : vector<16xi32>
      %sub3A_2606 = arith.constant 1597463007 : i32
      %sub3A_2607 = vector.broadcast %sub3A_2606 : i32 to vector<16xi32>
      %sub3A_2608 = arith.subi %sub3A_2607, %shift_right_arithmetic3A_2605 : vector<16xi32>
      %bitcast3A_2609 = vector.bitcast %sub3A_2608 : vector<16xi32> to vector<16xf32>
      %mul3A_2610 = arith.constant 5.000000e-01 : f32
      %mul3A_2611 = vector.broadcast %mul3A_2610 : f32 to vector<16xf32>
      %mul3A_2612 = arith.mulf %mul3A_2611, %add3A_2601 : vector<16xf32>
      %mul3A_2613 = arith.mulf %mul3A_2612, %bitcast3A_2609 : vector<16xf32>
      %mul3A_2614 = arith.mulf %mul3A_2613, %bitcast3A_2609 : vector<16xf32>
      %sub3A_2615 = arith.constant 1.500000e+00 : f32
      %sub3A_2616 = vector.broadcast %sub3A_2615 : f32 to vector<16xf32>
      %sub3A_2617 = arith.subf %mul3A_2614, %sub3A_2616 : vector<16xf32>
      %mul3A_2618 = arith.mulf %bitcast3A_2609, %sub3A_2617 : vector<16xf32>
      %mul3A_2619 = arith.mulf %add3A_2601, %mul3A_2618 : vector<16xf32>
      %exp3A_2620 = math.exp %mul3A_2619 : vector<16xf32>
      %mul3A_2621 = arith.mulf %exp3A_2620, %gather3A_2531 : vector<16xf32>
      %add3A_2622 = arith.addf %while3A_2521, %mul3A_2621 : vector<16xf32>
      %mul3A_2623 = arith.mulf %mul3A_2621, %gather3A_2532 : vector<16xf32>
      %add3A_2624 = arith.addf %while3A_2522, %mul3A_2623 : vector<16xf32>
      %sub3A_2625 = arith.subf %get3A_2357, %gather3A : vector<16xf32>
      %sub3A_2626 = arith.subf %get3A_2359, %gather3A_2530 : vector<16xf32>
      %mul3A_2627 = arith.mulf %sub3A_2625, %sub3A_2625 : vector<16xf32>
      %mul3A_2628 = arith.mulf %sub3A_2626, %sub3A_2626 : vector<16xf32>
      %add3A_2629 = arith.addf %mul3A_2627, %mul3A_2628 : vector<16xf32>
      %add3A_2630 = arith.constant 9.99999996E-13 : f32
      %add3A_2631 = vector.broadcast %add3A_2630 : f32 to vector<16xf32>
      %add3A_2632 = arith.addf %add3A_2629, %add3A_2631 : vector<16xf32>
      %bitcast3A_2633 = vector.bitcast %add3A_2632 : vector<16xf32> to vector<16xi32>
      %shift_right_arithmetic3A_2634 = arith.constant 1 : i32
      %shift_right_arithmetic3A_2635 = vector.broadcast %shift_right_arithmetic3A_2634 : i32 to vector<16xi32>
      %shift_right_arithmetic3A_2636 = arith.shrsi %bitcast3A_2633, %shift_right_arithmetic3A_2635 : vector<16xi32>
      %sub3A_2637 = arith.constant 1597463007 : i32
      %sub3A_2638 = vector.broadcast %sub3A_2637 : i32 to vector<16xi32>
      %sub3A_2639 = arith.subi %sub3A_2638, %shift_right_arithmetic3A_2636 : vector<16xi32>
      %bitcast3A_2640 = vector.bitcast %sub3A_2639 : vector<16xi32> to vector<16xf32>
      %mul3A_2641 = arith.constant 5.000000e-01 : f32
      %mul3A_2642 = vector.broadcast %mul3A_2641 : f32 to vector<16xf32>
      %mul3A_2643 = arith.mulf %mul3A_2642, %add3A_2632 : vector<16xf32>
      %mul3A_2644 = arith.mulf %mul3A_2643, %bitcast3A_2640 : vector<16xf32>
      %mul3A_2645 = arith.mulf %mul3A_2644, %bitcast3A_2640 : vector<16xf32>
      %sub3A_2646 = arith.constant 1.500000e+00 : f32
      %sub3A_2647 = vector.broadcast %sub3A_2646 : f32 to vector<16xf32>
      %sub3A_2648 = arith.subf %mul3A_2645, %sub3A_2647 : vector<16xf32>
      %mul3A_2649 = arith.mulf %bitcast3A_2640, %sub3A_2648 : vector<16xf32>
      %mul3A_2650 = arith.mulf %add3A_2632, %mul3A_2649 : vector<16xf32>
      %exp3A_2651 = math.exp %mul3A_2650 : vector<16xf32>
      %mul3A_2652 = arith.mulf %exp3A_2651, %gather3A_2531 : vector<16xf32>
      %add3A_2653 = arith.addf %while3A_2523, %mul3A_2652 : vector<16xf32>
      %mul3A_2654 = arith.mulf %mul3A_2652, %gather3A_2532 : vector<16xf32>
      %add3A_2655 = arith.addf %while3A_2524, %mul3A_2654 : vector<16xf32>
      %mul3A_2656 = arith.constant 2 : i32
      %mul3A_2657 = arith.muli %while3A_2516, %mul3A_2656 : i32
      %add3A_2658 = arith.constant 1 : i32
      %add3A_2659 = arith.addi %mul3A_2657, %add3A_2658 : i32
      %broadcast_in_dim3A_2660 = vector.broadcast %add3A_2659 : i32 to vector<16xi32>
      %gather3A_2661 = tpu.vector_load_idx %arg8[%broadcast_in_dim3A_2660] : memref<1024xf32, #tpu.memory_space<vmem>>[vector<16xi32>], vector<16xf32>,
      %gather3A_2662 = tpu.vector_load_idx %arg9[%broadcast_in_dim3A_2660] : memref<1024xf32, #tpu.memory_space<vmem>>[vector<16xi32>], vector<16xf32>,
      %gather3A_2663 = tpu.vector_load_idx %arg11[%broadcast_in_dim3A_2660] : memref<1024xf32, #tpu.memory_space<vmem>>[vector<16xi32>], vector<16xf32>,
      %gather3A_2664 = tpu.vector_load_idx %arg10[%broadcast_in_dim3A_2660] : memref<1024xf32, #tpu.memory_space<vmem>>[vector<16xi32>], vector<16xf32>,
      %sub3A_2665 = arith.subf %get3A_2345, %gather3A_2661 : vector<16xf32>
      %sub3A_2666 = arith.subf %get3A_2347, %gather3A_2662 : vector<16xf32>
      %mul3A_2667 = arith.mulf %sub3A_2665, %sub3A_2665 : vector<16xf32>
      %mul3A_2668 = arith.mulf %sub3A_2666, %sub3A_2666 : vector<16xf32>
      %add3A_2669 = arith.addf %mul3A_2667, %mul3A_2668 : vector<16xf32>
      %add3A_2670 = arith.constant 9.99999996E-13 : f32
      %add3A_2671 = vector.broadcast %add3A_2670 : f32 to vector<16xf32>
      %add3A_2672 = arith.addf %add3A_2669, %add3A_2671 : vector<16xf32>
      %bitcast3A_2673 = vector.bitcast %add3A_2672 : vector<16xf32> to vector<16xi32>
      %shift_right_arithmetic3A_2674 = arith.constant 1 : i32
      %shift_right_arithmetic3A_2675 = vector.broadcast %shift_right_arithmetic3A_2674 : i32 to vector<16xi32>
      %shift_right_arithmetic3A_2676 = arith.shrsi %bitcast3A_2673, %shift_right_arithmetic3A_2675 : vector<16xi32>
      %sub3A_2677 = arith.constant 1597463007 : i32
      %sub3A_2678 = vector.broadcast %sub3A_2677 : i32 to vector<16xi32>
      %sub3A_2679 = arith.subi %sub3A_2678, %shift_right_arithmetic3A_2676 : vector<16xi32>
      %bitcast3A_2680 = vector.bitcast %sub3A_2679 : vector<16xi32> to vector<16xf32>
      %mul3A_2681 = arith.constant 5.000000e-01 : f32
      %mul3A_2682 = vector.broadcast %mul3A_2681 : f32 to vector<16xf32>
      %mul3A_2683 = arith.mulf %mul3A_2682, %add3A_2672 : vector<16xf32>
      %mul3A_2684 = arith.mulf %mul3A_2683, %bitcast3A_2680 : vector<16xf32>
      %mul3A_2685 = arith.mulf %mul3A_2684, %bitcast3A_2680 : vector<16xf32>
      %sub3A_2686 = arith.constant 1.500000e+00 : f32
      %sub3A_2687 = vector.broadcast %sub3A_2686 : f32 to vector<16xf32>
      %sub3A_2688 = arith.subf %mul3A_2685, %sub3A_2687 : vector<16xf32>
      %mul3A_2689 = arith.mulf %bitcast3A_2680, %sub3A_2688 : vector<16xf32>
      %mul3A_2690 = arith.mulf %add3A_2672, %mul3A_2689 : vector<16xf32>
      %exp3A_2691 = math.exp %mul3A_2690 : vector<16xf32>
      %mul3A_2692 = arith.mulf %exp3A_2691, %gather3A_2663 : vector<16xf32>
      %add3A_2693 = arith.addf %add3A_2560, %mul3A_2692 : vector<16xf32>
      %mul3A_2694 = arith.mulf %mul3A_2692, %gather3A_2664 : vector<16xf32>
      %add3A_2695 = arith.addf %add3A_2562, %mul3A_2694 : vector<16xf32>
      %sub3A_2696 = arith.subf %get3A_2349, %gather3A_2661 : vector<16xf32>
      %sub3A_2697 = arith.subf %get3A_2351, %gather3A_2662 : vector<16xf32>
      %mul3A_2698 = arith.mulf %sub3A_2696, %sub3A_2696 : vector<16xf32>
      %mul3A_2699 = arith.mulf %sub3A_2697, %sub3A_2697 : vector<16xf32>
      %add3A_2700 = arith.addf %mul3A_2698, %mul3A_2699 : vector<16xf32>
      %add3A_2701 = arith.constant 9.99999996E-13 : f32
      %add3A_2702 = vector.broadcast %add3A_2701 : f32 to vector<16xf32>
      %add3A_2703 = arith.addf %add3A_2700, %add3A_2702 : vector<16xf32>
      %bitcast3A_2704 = vector.bitcast %add3A_2703 : vector<16xf32> to vector<16xi32>
      %shift_right_arithmetic3A_2705 = arith.constant 1 : i32
      %shift_right_arithmetic3A_2706 = vector.broadcast %shift_right_arithmetic3A_2705 : i32 to vector<16xi32>
      %shift_right_arithmetic3A_2707 = arith.shrsi %bitcast3A_2704, %shift_right_arithmetic3A_2706 : vector<16xi32>
      %sub3A_2708 = arith.constant 1597463007 : i32
      %sub3A_2709 = vector.broadcast %sub3A_2708 : i32 to vector<16xi32>
      %sub3A_2710 = arith.subi %sub3A_2709, %shift_right_arithmetic3A_2707 : vector<16xi32>
      %bitcast3A_2711 = vector.bitcast %sub3A_2710 : vector<16xi32> to vector<16xf32>
      %mul3A_2712 = arith.constant 5.000000e-01 : f32
      %mul3A_2713 = vector.broadcast %mul3A_2712 : f32 to vector<16xf32>
      %mul3A_2714 = arith.mulf %mul3A_2713, %add3A_2703 : vector<16xf32>
      %mul3A_2715 = arith.mulf %mul3A_2714, %bitcast3A_2711 : vector<16xf32>
      %mul3A_2716 = arith.mulf %mul3A_2715, %bitcast3A_2711 : vector<16xf32>
      %sub3A_2717 = arith.constant 1.500000e+00 : f32
      %sub3A_2718 = vector.broadcast %sub3A_2717 : f32 to vector<16xf32>
      %sub3A_2719 = arith.subf %mul3A_2716, %sub3A_2718 : vector<16xf32>
      %mul3A_2720 = arith.mulf %bitcast3A_2711, %sub3A_2719 : vector<16xf32>
      %mul3A_2721 = arith.mulf %add3A_2703, %mul3A_2720 : vector<16xf32>
      %exp3A_2722 = math.exp %mul3A_2721 : vector<16xf32>
      %mul3A_2723 = arith.mulf %exp3A_2722, %gather3A_2663 : vector<16xf32>
      %add3A_2724 = arith.addf %add3A_2591, %mul3A_2723 : vector<16xf32>
      %mul3A_2725 = arith.mulf %mul3A_2723, %gather3A_2664 : vector<16xf32>
      %add3A_2726 = arith.addf %add3A_2593, %mul3A_2725 : vector<16xf32>
      %sub3A_2727 = arith.subf %get3A_2353, %gather3A_2661 : vector<16xf32>
      %sub3A_2728 = arith.subf %get3A_2355, %gather3A_2662 : vector<16xf32>
      %mul3A_2729 = arith.mulf %sub3A_2727, %sub3A_2727 : vector<16xf32>
      %mul3A_2730 = arith.mulf %sub3A_2728, %sub3A_2728 : vector<16xf32>
      %add3A_2731 = arith.addf %mul3A_2729, %mul3A_2730 : vector<16xf32>
      %add3A_2732 = arith.constant 9.99999996E-13 : f32
      %add3A_2733 = vector.broadcast %add3A_2732 : f32 to vector<16xf32>
      %add3A_2734 = arith.addf %add3A_2731, %add3A_2733 : vector<16xf32>
      %bitcast3A_2735 = vector.bitcast %add3A_2734 : vector<16xf32> to vector<16xi32>
      %shift_right_arithmetic3A_2736 = arith.constant 1 : i32
      %shift_right_arithmetic3A_2737 = vector.broadcast %shift_right_arithmetic3A_2736 : i32 to vector<16xi32>
      %shift_right_arithmetic3A_2738 = arith.shrsi %bitcast3A_2735, %shift_right_arithmetic3A_2737 : vector<16xi32>
      %sub3A_2739 = arith.constant 1597463007 : i32
      %sub3A_2740 = vector.broadcast %sub3A_2739 : i32 to vector<16xi32>
      %sub3A_2741 = arith.subi %sub3A_2740, %shift_right_arithmetic3A_2738 : vector<16xi32>
      %bitcast3A_2742 = vector.bitcast %sub3A_2741 : vector<16xi32> to vector<16xf32>
      %mul3A_2743 = arith.constant 5.000000e-01 : f32
      %mul3A_2744 = vector.broadcast %mul3A_2743 : f32 to vector<16xf32>
      %mul3A_2745 = arith.mulf %mul3A_2744, %add3A_2734 : vector<16xf32>
      %mul3A_2746 = arith.mulf %mul3A_2745, %bitcast3A_2742 : vector<16xf32>
      %mul3A_2747 = arith.mulf %mul3A_2746, %bitcast3A_2742 : vector<16xf32>
      %sub3A_2748 = arith.constant 1.500000e+00 : f32
      %sub3A_2749 = vector.broadcast %sub3A_2748 : f32 to vector<16xf32>
      %sub3A_2750 = arith.subf %mul3A_2747, %sub3A_2749 : vector<16xf32>
      %mul3A_2751 = arith.mulf %bitcast3A_2742, %sub3A_2750 : vector<16xf32>
      %mul3A_2752 = arith.mulf %add3A_2734, %mul3A_2751 : vector<16xf32>
      %exp3A_2753 = math.exp %mul3A_2752 : vector<16xf32>
      %mul3A_2754 = arith.mulf %exp3A_2753, %gather3A_2663 : vector<16xf32>
      %add3A_2755 = arith.addf %add3A_2622, %mul3A_2754 : vector<16xf32>
      %mul3A_2756 = arith.mulf %mul3A_2754, %gather3A_2664 : vector<16xf32>
      %add3A_2757 = arith.addf %add3A_2624, %mul3A_2756 : vector<16xf32>
      %sub3A_2758 = arith.subf %get3A_2357, %gather3A_2661 : vector<16xf32>
      %sub3A_2759 = arith.subf %get3A_2359, %gather3A_2662 : vector<16xf32>
      %mul3A_2760 = arith.mulf %sub3A_2758, %sub3A_2758 : vector<16xf32>
      %mul3A_2761 = arith.mulf %sub3A_2759, %sub3A_2759 : vector<16xf32>
      %add3A_2762 = arith.addf %mul3A_2760, %mul3A_2761 : vector<16xf32>
      %add3A_2763 = arith.constant 9.99999996E-13 : f32
      %add3A_2764 = vector.broadcast %add3A_2763 : f32 to vector<16xf32>
      %add3A_2765 = arith.addf %add3A_2762, %add3A_2764 : vector<16xf32>
      %bitcast3A_2766 = vector.bitcast %add3A_2765 : vector<16xf32> to vector<16xi32>
      %shift_right_arithmetic3A_2767 = arith.constant 1 : i32
      %shift_right_arithmetic3A_2768 = vector.broadcast %shift_right_arithmetic3A_2767 : i32 to vector<16xi32>
      %shift_right_arithmetic3A_2769 = arith.shrsi %bitcast3A_2766, %shift_right_arithmetic3A_2768 : vector<16xi32>
      %sub3A_2770 = arith.constant 1597463007 : i32
      %sub3A_2771 = vector.broadcast %sub3A_2770 : i32 to vector<16xi32>
      %sub3A_2772 = arith.subi %sub3A_2771, %shift_right_arithmetic3A_2769 : vector<16xi32>
      %bitcast3A_2773 = vector.bitcast %sub3A_2772 : vector<16xi32> to vector<16xf32>
      %mul3A_2774 = arith.constant 5.000000e-01 : f32
      %mul3A_2775 = vector.broadcast %mul3A_2774 : f32 to vector<16xf32>
      %mul3A_2776 = arith.mulf %mul3A_2775, %add3A_2765 : vector<16xf32>
      %mul3A_2777 = arith.mulf %mul3A_2776, %bitcast3A_2773 : vector<16xf32>
      %mul3A_2778 = arith.mulf %mul3A_2777, %bitcast3A_2773 : vector<16xf32>
      %sub3A_2779 = arith.constant 1.500000e+00 : f32
      %sub3A_2780 = vector.broadcast %sub3A_2779 : f32 to vector<16xf32>
      %sub3A_2781 = arith.subf %mul3A_2778, %sub3A_2780 : vector<16xf32>
      %mul3A_2782 = arith.mulf %bitcast3A_2773, %sub3A_2781 : vector<16xf32>
      %mul3A_2783 = arith.mulf %add3A_2765, %mul3A_2782 : vector<16xf32>
      %exp3A_2784 = math.exp %mul3A_2783 : vector<16xf32>
      %mul3A_2785 = arith.mulf %exp3A_2784, %gather3A_2663 : vector<16xf32>
      %add3A_2786 = arith.addf %add3A_2653, %mul3A_2785 : vector<16xf32>
      %mul3A_2787 = arith.mulf %mul3A_2785, %gather3A_2664 : vector<16xf32>
      %add3A_2788 = arith.addf %add3A_2655, %mul3A_2787 : vector<16xf32>
      scf.yield %add3A_2693, %add3A_2695, %add3A_2724, %add3A_2726, %add3A_2755, %add3A_2757, %add3A_2786, %add3A_2788 : vector<16xf32>, vector<16xf32>, vector<16xf32>, vector<16xf32>, vector<16xf32>, vector<16xf32>, vector<16xf32>, vector<16xf32>
    }
    %while3A_2373 = arith.constant 1 : i32
    %while3A_2374:8 = scf.for %while3A_2516 = %while3A_2370 to %while3A_2366 step %while3A_2373 iter_args(%while3A_2517 = %while3A_2372#0, %while3A_2518 = %while3A_2372#1, %while3A_2519 = %while3A_2372#2, %while3A_2520 = %while3A_2372#3, %while3A_2521 = %while3A_2372#4, %while3A_2522 = %while3A_2372#5, %while3A_2523 = %while3A_2372#6, %while3A_2524 = %while3A_2372#7) -> (vector<16xf32>, vector<16xf32>, vector<16xf32>, vector<16xf32>, vector<16xf32>, vector<16xf32>, vector<16xf32>, vector<16xf32>)  : i32 {
      %mul3A_2525 = arith.constant 2 : i32
      %mul3A_2526 = arith.muli %while3A_2516, %mul3A_2525 : i32
      %add3A_2527 = arith.constant 0 : i32
      %add3A_2528 = arith.addi %mul3A_2526, %add3A_2527 : i32
      %broadcast_in_dim3A_2529 = vector.broadcast %add3A_2528 : i32 to vector<16xi32>
      %gather3A = tpu.vector_load_idx %arg8[%broadcast_in_dim3A_2529] : memref<1024xf32, #tpu.memory_space<vmem>>[vector<16xi32>], vector<16xf32>,
      %gather3A_2530 = tpu.vector_load_idx %arg9[%broadcast_in_dim3A_2529] : memref<1024xf32, #tpu.memory_space<vmem>>[vector<16xi32>], vector<16xf32>,
      %gather3A_2531 = tpu.vector_load_idx %arg11[%broadcast_in_dim3A_2529] : memref<1024xf32, #tpu.memory_space<vmem>>[vector<16xi32>], vector<16xf32>,
      %gather3A_2532 = tpu.vector_load_idx %arg10[%broadcast_in_dim3A_2529] : memref<1024xf32, #tpu.memory_space<vmem>>[vector<16xi32>], vector<16xf32>,
      %sub3A_2533 = arith.subf %get3A_2345, %gather3A : vector<16xf32>
      %sub3A_2534 = arith.subf %get3A_2347, %gather3A_2530 : vector<16xf32>
      %mul3A_2535 = arith.mulf %sub3A_2533, %sub3A_2533 : vector<16xf32>
      %mul3A_2536 = arith.mulf %sub3A_2534, %sub3A_2534 : vector<16xf32>
      %add3A_2537 = arith.addf %mul3A_2535, %mul3A_2536 : vector<16xf32>
      %add3A_2538 = arith.constant 9.99999996E-13 : f32
      %add3A_2539 = vector.broadcast %add3A_2538 : f32 to vector<16xf32>
      %add3A_2540 = arith.addf %add3A_2537, %add3A_2539 : vector<16xf32>
      %bitcast3A = vector.bitcast %add3A_2540 : vector<16xf32> to vector<16xi32>
      %shift_right_arithmetic3A_2541 = arith.constant 1 : i32
      %shift_right_arithmetic3A_2542 = vector.broadcast %shift_right_arithmetic3A_2541 : i32 to vector<16xi32>
      %shift_right_arithmetic3A_2543 = arith.shrsi %bitcast3A, %shift_right_arithmetic3A_2542 : vector<16xi32>
      %sub3A_2544 = arith.constant 1597463007 : i32
      %sub3A_2545 = vector.broadcast %sub3A_2544 : i32 to vector<16xi32>
      %sub3A_2546 = arith.subi %sub3A_2545, %shift_right_arithmetic3A_2543 : vector<16xi32>
      %bitcast3A_2547 = vector.bitcast %sub3A_2546 : vector<16xi32> to vector<16xf32>
      %mul3A_2548 = arith.constant 5.000000e-01 : f32
      %mul3A_2549 = vector.broadcast %mul3A_2548 : f32 to vector<16xf32>
      %mul3A_2550 = arith.mulf %mul3A_2549, %add3A_2540 : vector<16xf32>
      %mul3A_2551 = arith.mulf %mul3A_2550, %bitcast3A_2547 : vector<16xf32>
      %mul3A_2552 = arith.mulf %mul3A_2551, %bitcast3A_2547 : vector<16xf32>
      %sub3A_2553 = arith.constant 1.500000e+00 : f32
      %sub3A_2554 = vector.broadcast %sub3A_2553 : f32 to vector<16xf32>
      %sub3A_2555 = arith.subf %mul3A_2552, %sub3A_2554 : vector<16xf32>
      %mul3A_2556 = arith.mulf %bitcast3A_2547, %sub3A_2555 : vector<16xf32>
      %mul3A_2557 = arith.mulf %add3A_2540, %mul3A_2556 : vector<16xf32>
      %exp3A_2558 = math.exp %mul3A_2557 : vector<16xf32>
      %mul3A_2559 = arith.mulf %exp3A_2558, %gather3A_2531 : vector<16xf32>
      %add3A_2560 = arith.addf %while3A_2517, %mul3A_2559 : vector<16xf32>
      %mul3A_2561 = arith.mulf %mul3A_2559, %gather3A_2532 : vector<16xf32>
      %add3A_2562 = arith.addf %while3A_2518, %mul3A_2561 : vector<16xf32>
      %sub3A_2563 = arith.subf %get3A_2349, %gather3A : vector<16xf32>
      %sub3A_2564 = arith.subf %get3A_2351, %gather3A_2530 : vector<16xf32>
      %mul3A_2565 = arith.mulf %sub3A_2563, %sub3A_2563 : vector<16xf32>
      %mul3A_2566 = arith.mulf %sub3A_2564, %sub3A_2564 : vector<16xf32>
      %add3A_2567 = arith.addf %mul3A_2565, %mul3A_2566 : vector<16xf32>
      %add3A_2568 = arith.constant 9.99999996E-13 : f32
      %add3A_2569 = vector.broadcast %add3A_2568 : f32 to vector<16xf32>
      %add3A_2570 = arith.addf %add3A_2567, %add3A_2569 : vector<16xf32>
      %bitcast3A_2571 = vector.bitcast %add3A_2570 : vector<16xf32> to vector<16xi32>
      %shift_right_arithmetic3A_2572 = arith.constant 1 : i32
      %shift_right_arithmetic3A_2573 = vector.broadcast %shift_right_arithmetic3A_2572 : i32 to vector<16xi32>
      %shift_right_arithmetic3A_2574 = arith.shrsi %bitcast3A_2571, %shift_right_arithmetic3A_2573 : vector<16xi32>
      %sub3A_2575 = arith.constant 1597463007 : i32
      %sub3A_2576 = vector.broadcast %sub3A_2575 : i32 to vector<16xi32>
      %sub3A_2577 = arith.subi %sub3A_2576, %shift_right_arithmetic3A_2574 : vector<16xi32>
      %bitcast3A_2578 = vector.bitcast %sub3A_2577 : vector<16xi32> to vector<16xf32>
      %mul3A_2579 = arith.constant 5.000000e-01 : f32
      %mul3A_2580 = vector.broadcast %mul3A_2579 : f32 to vector<16xf32>
      %mul3A_2581 = arith.mulf %mul3A_2580, %add3A_2570 : vector<16xf32>
      %mul3A_2582 = arith.mulf %mul3A_2581, %bitcast3A_2578 : vector<16xf32>
      %mul3A_2583 = arith.mulf %mul3A_2582, %bitcast3A_2578 : vector<16xf32>
      %sub3A_2584 = arith.constant 1.500000e+00 : f32
      %sub3A_2585 = vector.broadcast %sub3A_2584 : f32 to vector<16xf32>
      %sub3A_2586 = arith.subf %mul3A_2583, %sub3A_2585 : vector<16xf32>
      %mul3A_2587 = arith.mulf %bitcast3A_2578, %sub3A_2586 : vector<16xf32>
      %mul3A_2588 = arith.mulf %add3A_2570, %mul3A_2587 : vector<16xf32>
      %exp3A_2589 = math.exp %mul3A_2588 : vector<16xf32>
      %mul3A_2590 = arith.mulf %exp3A_2589, %gather3A_2531 : vector<16xf32>
      %add3A_2591 = arith.addf %while3A_2519, %mul3A_2590 : vector<16xf32>
      %mul3A_2592 = arith.mulf %mul3A_2590, %gather3A_2532 : vector<16xf32>
      %add3A_2593 = arith.addf %while3A_2520, %mul3A_2592 : vector<16xf32>
      %sub3A_2594 = arith.subf %get3A_2353, %gather3A : vector<16xf32>
      %sub3A_2595 = arith.subf %get3A_2355, %gather3A_2530 : vector<16xf32>
      %mul3A_2596 = arith.mulf %sub3A_2594, %sub3A_2594 : vector<16xf32>
      %mul3A_2597 = arith.mulf %sub3A_2595, %sub3A_2595 : vector<16xf32>
      %add3A_2598 = arith.addf %mul3A_2596, %mul3A_2597 : vector<16xf32>
      %add3A_2599 = arith.constant 9.99999996E-13 : f32
      %add3A_2600 = vector.broadcast %add3A_2599 : f32 to vector<16xf32>
      %add3A_2601 = arith.addf %add3A_2598, %add3A_2600 : vector<16xf32>
      %bitcast3A_2602 = vector.bitcast %add3A_2601 : vector<16xf32> to vector<16xi32>
      %shift_right_arithmetic3A_2603 = arith.constant 1 : i32
      %shift_right_arithmetic3A_2604 = vector.broadcast %shift_right_arithmetic3A_2603 : i32 to vector<16xi32>
      %shift_right_arithmetic3A_2605 = arith.shrsi %bitcast3A_2602, %shift_right_arithmetic3A_2604 : vector<16xi32>
      %sub3A_2606 = arith.constant 1597463007 : i32
      %sub3A_2607 = vector.broadcast %sub3A_2606 : i32 to vector<16xi32>
      %sub3A_2608 = arith.subi %sub3A_2607, %shift_right_arithmetic3A_2605 : vector<16xi32>
      %bitcast3A_2609 = vector.bitcast %sub3A_2608 : vector<16xi32> to vector<16xf32>
      %mul3A_2610 = arith.constant 5.000000e-01 : f32
      %mul3A_2611 = vector.broadcast %mul3A_2610 : f32 to vector<16xf32>
      %mul3A_2612 = arith.mulf %mul3A_2611, %add3A_2601 : vector<16xf32>
      %mul3A_2613 = arith.mulf %mul3A_2612, %bitcast3A_2609 : vector<16xf32>
      %mul3A_2614 = arith.mulf %mul3A_2613, %bitcast3A_2609 : vector<16xf32>
      %sub3A_2615 = arith.constant 1.500000e+00 : f32
      %sub3A_2616 = vector.broadcast %sub3A_2615 : f32 to vector<16xf32>
      %sub3A_2617 = arith.subf %mul3A_2614, %sub3A_2616 : vector<16xf32>
      %mul3A_2618 = arith.mulf %bitcast3A_2609, %sub3A_2617 : vector<16xf32>
      %mul3A_2619 = arith.mulf %add3A_2601, %mul3A_2618 : vector<16xf32>
      %exp3A_2620 = math.exp %mul3A_2619 : vector<16xf32>
      %mul3A_2621 = arith.mulf %exp3A_2620, %gather3A_2531 : vector<16xf32>
      %add3A_2622 = arith.addf %while3A_2521, %mul3A_2621 : vector<16xf32>
      %mul3A_2623 = arith.mulf %mul3A_2621, %gather3A_2532 : vector<16xf32>
      %add3A_2624 = arith.addf %while3A_2522, %mul3A_2623 : vector<16xf32>
      %sub3A_2625 = arith.subf %get3A_2357, %gather3A : vector<16xf32>
      %sub3A_2626 = arith.subf %get3A_2359, %gather3A_2530 : vector<16xf32>
      %mul3A_2627 = arith.mulf %sub3A_2625, %sub3A_2625 : vector<16xf32>
      %mul3A_2628 = arith.mulf %sub3A_2626, %sub3A_2626 : vector<16xf32>
      %add3A_2629 = arith.addf %mul3A_2627, %mul3A_2628 : vector<16xf32>
      %add3A_2630 = arith.constant 9.99999996E-13 : f32
      %add3A_2631 = vector.broadcast %add3A_2630 : f32 to vector<16xf32>
      %add3A_2632 = arith.addf %add3A_2629, %add3A_2631 : vector<16xf32>
      %bitcast3A_2633 = vector.bitcast %add3A_2632 : vector<16xf32> to vector<16xi32>
      %shift_right_arithmetic3A_2634 = arith.constant 1 : i32
      %shift_right_arithmetic3A_2635 = vector.broadcast %shift_right_arithmetic3A_2634 : i32 to vector<16xi32>
      %shift_right_arithmetic3A_2636 = arith.shrsi %bitcast3A_2633, %shift_right_arithmetic3A_2635 : vector<16xi32>
      %sub3A_2637 = arith.constant 1597463007 : i32
      %sub3A_2638 = vector.broadcast %sub3A_2637 : i32 to vector<16xi32>
      %sub3A_2639 = arith.subi %sub3A_2638, %shift_right_arithmetic3A_2636 : vector<16xi32>
      %bitcast3A_2640 = vector.bitcast %sub3A_2639 : vector<16xi32> to vector<16xf32>
      %mul3A_2641 = arith.constant 5.000000e-01 : f32
      %mul3A_2642 = vector.broadcast %mul3A_2641 : f32 to vector<16xf32>
      %mul3A_2643 = arith.mulf %mul3A_2642, %add3A_2632 : vector<16xf32>
      %mul3A_2644 = arith.mulf %mul3A_2643, %bitcast3A_2640 : vector<16xf32>
      %mul3A_2645 = arith.mulf %mul3A_2644, %bitcast3A_2640 : vector<16xf32>
      %sub3A_2646 = arith.constant 1.500000e+00 : f32
      %sub3A_2647 = vector.broadcast %sub3A_2646 : f32 to vector<16xf32>
      %sub3A_2648 = arith.subf %mul3A_2645, %sub3A_2647 : vector<16xf32>
      %mul3A_2649 = arith.mulf %bitcast3A_2640, %sub3A_2648 : vector<16xf32>
      %mul3A_2650 = arith.mulf %add3A_2632, %mul3A_2649 : vector<16xf32>
      %exp3A_2651 = math.exp %mul3A_2650 : vector<16xf32>
      %mul3A_2652 = arith.mulf %exp3A_2651, %gather3A_2531 : vector<16xf32>
      %add3A_2653 = arith.addf %while3A_2523, %mul3A_2652 : vector<16xf32>
      %mul3A_2654 = arith.mulf %mul3A_2652, %gather3A_2532 : vector<16xf32>
      %add3A_2655 = arith.addf %while3A_2524, %mul3A_2654 : vector<16xf32>
      %mul3A_2656 = arith.constant 2 : i32
      %mul3A_2657 = arith.muli %while3A_2516, %mul3A_2656 : i32
      %add3A_2658 = arith.constant 1 : i32
      %add3A_2659 = arith.addi %mul3A_2657, %add3A_2658 : i32
      %broadcast_in_dim3A_2660 = vector.broadcast %add3A_2659 : i32 to vector<16xi32>
      %gather3A_2661 = tpu.vector_load_idx %arg8[%broadcast_in_dim3A_2660] : memref<1024xf32, #tpu.memory_space<vmem>>[vector<16xi32>], vector<16xf32>,
      %gather3A_2662 = tpu.vector_load_idx %arg9[%broadcast_in_dim3A_2660] : memref<1024xf32, #tpu.memory_space<vmem>>[vector<16xi32>], vector<16xf32>,
      %gather3A_2663 = tpu.vector_load_idx %arg11[%broadcast_in_dim3A_2660] : memref<1024xf32, #tpu.memory_space<vmem>>[vector<16xi32>], vector<16xf32>,
      %gather3A_2664 = tpu.vector_load_idx %arg10[%broadcast_in_dim3A_2660] : memref<1024xf32, #tpu.memory_space<vmem>>[vector<16xi32>], vector<16xf32>,
      %sub3A_2665 = arith.subf %get3A_2345, %gather3A_2661 : vector<16xf32>
      %sub3A_2666 = arith.subf %get3A_2347, %gather3A_2662 : vector<16xf32>
      %mul3A_2667 = arith.mulf %sub3A_2665, %sub3A_2665 : vector<16xf32>
      %mul3A_2668 = arith.mulf %sub3A_2666, %sub3A_2666 : vector<16xf32>
      %add3A_2669 = arith.addf %mul3A_2667, %mul3A_2668 : vector<16xf32>
      %add3A_2670 = arith.constant 9.99999996E-13 : f32
      %add3A_2671 = vector.broadcast %add3A_2670 : f32 to vector<16xf32>
      %add3A_2672 = arith.addf %add3A_2669, %add3A_2671 : vector<16xf32>
      %bitcast3A_2673 = vector.bitcast %add3A_2672 : vector<16xf32> to vector<16xi32>
      %shift_right_arithmetic3A_2674 = arith.constant 1 : i32
      %shift_right_arithmetic3A_2675 = vector.broadcast %shift_right_arithmetic3A_2674 : i32 to vector<16xi32>
      %shift_right_arithmetic3A_2676 = arith.shrsi %bitcast3A_2673, %shift_right_arithmetic3A_2675 : vector<16xi32>
      %sub3A_2677 = arith.constant 1597463007 : i32
      %sub3A_2678 = vector.broadcast %sub3A_2677 : i32 to vector<16xi32>
      %sub3A_2679 = arith.subi %sub3A_2678, %shift_right_arithmetic3A_2676 : vector<16xi32>
      %bitcast3A_2680 = vector.bitcast %sub3A_2679 : vector<16xi32> to vector<16xf32>
      %mul3A_2681 = arith.constant 5.000000e-01 : f32
      %mul3A_2682 = vector.broadcast %mul3A_2681 : f32 to vector<16xf32>
      %mul3A_2683 = arith.mulf %mul3A_2682, %add3A_2672 : vector<16xf32>
      %mul3A_2684 = arith.mulf %mul3A_2683, %bitcast3A_2680 : vector<16xf32>
      %mul3A_2685 = arith.mulf %mul3A_2684, %bitcast3A_2680 : vector<16xf32>
      %sub3A_2686 = arith.constant 1.500000e+00 : f32
      %sub3A_2687 = vector.broadcast %sub3A_2686 : f32 to vector<16xf32>
      %sub3A_2688 = arith.subf %mul3A_2685, %sub3A_2687 : vector<16xf32>
      %mul3A_2689 = arith.mulf %bitcast3A_2680, %sub3A_2688 : vector<16xf32>
      %mul3A_2690 = arith.mulf %add3A_2672, %mul3A_2689 : vector<16xf32>
      %exp3A_2691 = math.exp %mul3A_2690 : vector<16xf32>
      %mul3A_2692 = arith.mulf %exp3A_2691, %gather3A_2663 : vector<16xf32>
      %add3A_2693 = arith.addf %add3A_2560, %mul3A_2692 : vector<16xf32>
      %mul3A_2694 = arith.mulf %mul3A_2692, %gather3A_2664 : vector<16xf32>
      %add3A_2695 = arith.addf %add3A_2562, %mul3A_2694 : vector<16xf32>
      %sub3A_2696 = arith.subf %get3A_2349, %gather3A_2661 : vector<16xf32>
      %sub3A_2697 = arith.subf %get3A_2351, %gather3A_2662 : vector<16xf32>
      %mul3A_2698 = arith.mulf %sub3A_2696, %sub3A_2696 : vector<16xf32>
      %mul3A_2699 = arith.mulf %sub3A_2697, %sub3A_2697 : vector<16xf32>
      %add3A_2700 = arith.addf %mul3A_2698, %mul3A_2699 : vector<16xf32>
      %add3A_2701 = arith.constant 9.99999996E-13 : f32
      %add3A_2702 = vector.broadcast %add3A_2701 : f32 to vector<16xf32>
      %add3A_2703 = arith.addf %add3A_2700, %add3A_2702 : vector<16xf32>
      %bitcast3A_2704 = vector.bitcast %add3A_2703 : vector<16xf32> to vector<16xi32>
      %shift_right_arithmetic3A_2705 = arith.constant 1 : i32
      %shift_right_arithmetic3A_2706 = vector.broadcast %shift_right_arithmetic3A_2705 : i32 to vector<16xi32>
      %shift_right_arithmetic3A_2707 = arith.shrsi %bitcast3A_2704, %shift_right_arithmetic3A_2706 : vector<16xi32>
      %sub3A_2708 = arith.constant 1597463007 : i32
      %sub3A_2709 = vector.broadcast %sub3A_2708 : i32 to vector<16xi32>
      %sub3A_2710 = arith.subi %sub3A_2709, %shift_right_arithmetic3A_2707 : vector<16xi32>
      %bitcast3A_2711 = vector.bitcast %sub3A_2710 : vector<16xi32> to vector<16xf32>
      %mul3A_2712 = arith.constant 5.000000e-01 : f32
      %mul3A_2713 = vector.broadcast %mul3A_2712 : f32 to vector<16xf32>
      %mul3A_2714 = arith.mulf %mul3A_2713, %add3A_2703 : vector<16xf32>
      %mul3A_2715 = arith.mulf %mul3A_2714, %bitcast3A_2711 : vector<16xf32>
      %mul3A_2716 = arith.mulf %mul3A_2715, %bitcast3A_2711 : vector<16xf32>
      %sub3A_2717 = arith.constant 1.500000e+00 : f32
      %sub3A_2718 = vector.broadcast %sub3A_2717 : f32 to vector<16xf32>
      %sub3A_2719 = arith.subf %mul3A_2716, %sub3A_2718 : vector<16xf32>
      %mul3A_2720 = arith.mulf %bitcast3A_2711, %sub3A_2719 : vector<16xf32>
      %mul3A_2721 = arith.mulf %add3A_2703, %mul3A_2720 : vector<16xf32>
      %exp3A_2722 = math.exp %mul3A_2721 : vector<16xf32>
      %mul3A_2723 = arith.mulf %exp3A_2722, %gather3A_2663 : vector<16xf32>
      %add3A_2724 = arith.addf %add3A_2591, %mul3A_2723 : vector<16xf32>
      %mul3A_2725 = arith.mulf %mul3A_2723, %gather3A_2664 : vector<16xf32>
      %add3A_2726 = arith.addf %add3A_2593, %mul3A_2725 : vector<16xf32>
      %sub3A_2727 = arith.subf %get3A_2353, %gather3A_2661 : vector<16xf32>
      %sub3A_2728 = arith.subf %get3A_2355, %gather3A_2662 : vector<16xf32>
      %mul3A_2729 = arith.mulf %sub3A_2727, %sub3A_2727 : vector<16xf32>
      %mul3A_2730 = arith.mulf %sub3A_2728, %sub3A_2728 : vector<16xf32>
      %add3A_2731 = arith.addf %mul3A_2729, %mul3A_2730 : vector<16xf32>
      %add3A_2732 = arith.constant 9.99999996E-13 : f32
      %add3A_2733 = vector.broadcast %add3A_2732 : f32 to vector<16xf32>
      %add3A_2734 = arith.addf %add3A_2731, %add3A_2733 : vector<16xf32>
      %bitcast3A_2735 = vector.bitcast %add3A_2734 : vector<16xf32> to vector<16xi32>
      %shift_right_arithmetic3A_2736 = arith.constant 1 : i32
      %shift_right_arithmetic3A_2737 = vector.broadcast %shift_right_arithmetic3A_2736 : i32 to vector<16xi32>
      %shift_right_arithmetic3A_2738 = arith.shrsi %bitcast3A_2735, %shift_right_arithmetic3A_2737 : vector<16xi32>
      %sub3A_2739 = arith.constant 1597463007 : i32
      %sub3A_2740 = vector.broadcast %sub3A_2739 : i32 to vector<16xi32>
      %sub3A_2741 = arith.subi %sub3A_2740, %shift_right_arithmetic3A_2738 : vector<16xi32>
      %bitcast3A_2742 = vector.bitcast %sub3A_2741 : vector<16xi32> to vector<16xf32>
      %mul3A_2743 = arith.constant 5.000000e-01 : f32
      %mul3A_2744 = vector.broadcast %mul3A_2743 : f32 to vector<16xf32>
      %mul3A_2745 = arith.mulf %mul3A_2744, %add3A_2734 : vector<16xf32>
      %mul3A_2746 = arith.mulf %mul3A_2745, %bitcast3A_2742 : vector<16xf32>
      %mul3A_2747 = arith.mulf %mul3A_2746, %bitcast3A_2742 : vector<16xf32>
      %sub3A_2748 = arith.constant 1.500000e+00 : f32
      %sub3A_2749 = vector.broadcast %sub3A_2748 : f32 to vector<16xf32>
      %sub3A_2750 = arith.subf %mul3A_2747, %sub3A_2749 : vector<16xf32>
      %mul3A_2751 = arith.mulf %bitcast3A_2742, %sub3A_2750 : vector<16xf32>
      %mul3A_2752 = arith.mulf %add3A_2734, %mul3A_2751 : vector<16xf32>
      %exp3A_2753 = math.exp %mul3A_2752 : vector<16xf32>
      %mul3A_2754 = arith.mulf %exp3A_2753, %gather3A_2663 : vector<16xf32>
      %add3A_2755 = arith.addf %add3A_2622, %mul3A_2754 : vector<16xf32>
      %mul3A_2756 = arith.mulf %mul3A_2754, %gather3A_2664 : vector<16xf32>
      %add3A_2757 = arith.addf %add3A_2624, %mul3A_2756 : vector<16xf32>
      %sub3A_2758 = arith.subf %get3A_2357, %gather3A_2661 : vector<16xf32>
      %sub3A_2759 = arith.subf %get3A_2359, %gather3A_2662 : vector<16xf32>
      %mul3A_2760 = arith.mulf %sub3A_2758, %sub3A_2758 : vector<16xf32>
      %mul3A_2761 = arith.mulf %sub3A_2759, %sub3A_2759 : vector<16xf32>
      %add3A_2762 = arith.addf %mul3A_2760, %mul3A_2761 : vector<16xf32>
      %add3A_2763 = arith.constant 9.99999996E-13 : f32
      %add3A_2764 = vector.broadcast %add3A_2763 : f32 to vector<16xf32>
      %add3A_2765 = arith.addf %add3A_2762, %add3A_2764 : vector<16xf32>
      %bitcast3A_2766 = vector.bitcast %add3A_2765 : vector<16xf32> to vector<16xi32>
      %shift_right_arithmetic3A_2767 = arith.constant 1 : i32
      %shift_right_arithmetic3A_2768 = vector.broadcast %shift_right_arithmetic3A_2767 : i32 to vector<16xi32>
      %shift_right_arithmetic3A_2769 = arith.shrsi %bitcast3A_2766, %shift_right_arithmetic3A_2768 : vector<16xi32>
      %sub3A_2770 = arith.constant 1597463007 : i32
      %sub3A_2771 = vector.broadcast %sub3A_2770 : i32 to vector<16xi32>
      %sub3A_2772 = arith.subi %sub3A_2771, %shift_right_arithmetic3A_2769 : vector<16xi32>
      %bitcast3A_2773 = vector.bitcast %sub3A_2772 : vector<16xi32> to vector<16xf32>
      %mul3A_2774 = arith.constant 5.000000e-01 : f32
      %mul3A_2775 = vector.broadcast %mul3A_2774 : f32 to vector<16xf32>
      %mul3A_2776 = arith.mulf %mul3A_2775, %add3A_2765 : vector<16xf32>
      %mul3A_2777 = arith.mulf %mul3A_2776, %bitcast3A_2773 : vector<16xf32>
      %mul3A_2778 = arith.mulf %mul3A_2777, %bitcast3A_2773 : vector<16xf32>
      %sub3A_2779 = arith.constant 1.500000e+00 : f32
      %sub3A_2780 = vector.broadcast %sub3A_2779 : f32 to vector<16xf32>
      %sub3A_2781 = arith.subf %mul3A_2778, %sub3A_2780 : vector<16xf32>
      %mul3A_2782 = arith.mulf %bitcast3A_2773, %sub3A_2781 : vector<16xf32>
      %mul3A_2783 = arith.mulf %add3A_2765, %mul3A_2782 : vector<16xf32>
      %exp3A_2784 = math.exp %mul3A_2783 : vector<16xf32>
      %mul3A_2785 = arith.mulf %exp3A_2784, %gather3A_2663 : vector<16xf32>
      %add3A_2786 = arith.addf %add3A_2653, %mul3A_2785 : vector<16xf32>
      %mul3A_2787 = arith.mulf %mul3A_2785, %gather3A_2664 : vector<16xf32>
      %add3A_2788 = arith.addf %add3A_2655, %mul3A_2787 : vector<16xf32>
      scf.yield %add3A_2693, %add3A_2695, %add3A_2724, %add3A_2726, %add3A_2755, %add3A_2757, %add3A_2786, %add3A_2788 : vector<16xf32>, vector<16xf32>, vector<16xf32>, vector<16xf32>, vector<16xf32>, vector<16xf32>, vector<16xf32>, vector<16xf32>
    }
    %get3A_2375 = arith.constant 320 : index
    %get3A_2376 = tpu.vector_load %arg12[%get3A_2375] {strides = array<i32>} : memref<512xf32, #tpu.memory_space<vmem>>, vector<16xf32>,
    %neg3A_2377 = arith.constant 0.000000e+00 : f32
    %neg3A_2378 = vector.broadcast %neg3A_2377 : f32 to vector<16xf32>
    %neg3A_2379 = arith.subf %neg3A_2378, %get3A_2376 : vector<16xf32>
    %exp3A_2380 = math.exp %neg3A_2379 : vector<16xf32>
    %add3A_2381 = arith.constant 1.000000e+00 : f32
    %add3A_2382 = vector.broadcast %add3A_2381 : f32 to vector<16xf32>
    %add3A_2383 = arith.addf %add3A_2382, %exp3A_2380 : vector<16xf32>
    %div3A_2384 = arith.constant 1.000000e+00 : f32
    %div3A_2385 = vector.broadcast %div3A_2384 : f32 to vector<16xf32>
    %div3A_2386 = arith.divf %div3A_2385, %add3A_2383 : vector<16xf32>
    %get3A_2387 = arith.constant 192 : index
    %get3A_2388 = tpu.vector_load %arg13[%get3A_2387] {strides = array<i32>} : memref<384xf32, #tpu.memory_space<vmem>>, vector<16xf32>,
    %get3A_2389 = arith.constant 64 : index
    %get3A_2390 = tpu.vector_load %arg13[%get3A_2389] {strides = array<i32>} : memref<384xf32, #tpu.memory_space<vmem>>, vector<16xf32>,
    %mul3A_2391 = arith.constant 0.999998986 : f32
    %mul3A_2392 = vector.broadcast %mul3A_2391 : f32 to vector<16xf32>
    %mul3A_2393 = arith.mulf %get3A_2388, %mul3A_2392 : vector<16xf32>
    %sub3A_2394 = arith.subf %while3A_2374#0, %mul3A_2393 : vector<16xf32>
    %mul3A_2395 = arith.constant 0.999998986 : f32
    %mul3A_2396 = vector.broadcast %mul3A_2395 : f32 to vector<16xf32>
    %mul3A_2397 = arith.mulf %get3A_2388, %mul3A_2396 : vector<16xf32>
    %mul3A_2398 = arith.mulf %mul3A_2397, %div3A_2386 : vector<16xf32>
    %sub3A_2399 = arith.subf %while3A_2374#1, %mul3A_2398 : vector<16xf32>
    %add3A_2400 = arith.constant 9.99999993E-9 : f32
    %add3A_2401 = vector.broadcast %add3A_2400 : f32 to vector<16xf32>
    %add3A_2402 = arith.addf %sub3A_2394, %add3A_2401 : vector<16xf32>
    %div3A_2403 = arith.divf %sub3A_2399, %add3A_2402 : vector<16xf32>
    %sub3A_2404 = arith.subf %div3A_2386, %div3A_2403 : vector<16xf32>
    %mul3A_2405 = arith.mulf %sub3A_2404, %sub3A_2404 : vector<16xf32>
    %mul3A_2406 = arith.mulf %mul3A_2405, %get3A_2390 : vector<16xf32>
    %add3A_2407 = arith.addf %add3A_2343, %mul3A_2406 : vector<16xf32>
    %get3A_2408 = arith.constant 336 : index
    %get3A_2409 = tpu.vector_load %arg12[%get3A_2408] {strides = array<i32>} : memref<512xf32, #tpu.memory_space<vmem>>, vector<16xf32>,
    %neg3A_2410 = arith.constant 0.000000e+00 : f32
    %neg3A_2411 = vector.broadcast %neg3A_2410 : f32 to vector<16xf32>
    %neg3A_2412 = arith.subf %neg3A_2411, %get3A_2409 : vector<16xf32>
    %exp3A_2413 = math.exp %neg3A_2412 : vector<16xf32>
    %add3A_2414 = arith.constant 1.000000e+00 : f32
    %add3A_2415 = vector.broadcast %add3A_2414 : f32 to vector<16xf32>
    %add3A_2416 = arith.addf %add3A_2415, %exp3A_2413 : vector<16xf32>
    %div3A_2417 = arith.constant 1.000000e+00 : f32
    %div3A_2418 = vector.broadcast %div3A_2417 : f32 to vector<16xf32>
    %div3A_2419 = arith.divf %div3A_2418, %add3A_2416 : vector<16xf32>
    %get3A_2420 = arith.constant 208 : index
    %get3A_2421 = tpu.vector_load %arg13[%get3A_2420] {strides = array<i32>} : memref<384xf32, #tpu.memory_space<vmem>>, vector<16xf32>,
    %get3A_2422 = arith.constant 80 : index
    %get3A_2423 = tpu.vector_load %arg13[%get3A_2422] {strides = array<i32>} : memref<384xf32, #tpu.memory_space<vmem>>, vector<16xf32>,
    %mul3A_2424 = arith.constant 0.999998986 : f32
    %mul3A_2425 = vector.broadcast %mul3A_2424 : f32 to vector<16xf32>
    %mul3A_2426 = arith.mulf %get3A_2421, %mul3A_2425 : vector<16xf32>
    %sub3A_2427 = arith.subf %while3A_2374#2, %mul3A_2426 : vector<16xf32>
    %mul3A_2428 = arith.constant 0.999998986 : f32
    %mul3A_2429 = vector.broadcast %mul3A_2428 : f32 to vector<16xf32>
    %mul3A_2430 = arith.mulf %get3A_2421, %mul3A_2429 : vector<16xf32>
    %mul3A_2431 = arith.mulf %mul3A_2430, %div3A_2419 : vector<16xf32>
    %sub3A_2432 = arith.subf %while3A_2374#3, %mul3A_2431 : vector<16xf32>
    %add3A_2433 = arith.constant 9.99999993E-9 : f32
    %add3A_2434 = vector.broadcast %add3A_2433 : f32 to vector<16xf32>
    %add3A_2435 = arith.addf %sub3A_2427, %add3A_2434 : vector<16xf32>
    %div3A_2436 = arith.divf %sub3A_2432, %add3A_2435 : vector<16xf32>
    %sub3A_2437 = arith.subf %div3A_2419, %div3A_2436 : vector<16xf32>
    %mul3A_2438 = arith.mulf %sub3A_2437, %sub3A_2437 : vector<16xf32>
    %mul3A_2439 = arith.mulf %mul3A_2438, %get3A_2423 : vector<16xf32>
    %add3A_2440 = arith.addf %add3A_2407, %mul3A_2439 : vector<16xf32>
    %get3A_2441 = arith.constant 352 : index
    %get3A_2442 = tpu.vector_load %arg12[%get3A_2441] {strides = array<i32>} : memref<512xf32, #tpu.memory_space<vmem>>, vector<16xf32>,
    %neg3A_2443 = arith.constant 0.000000e+00 : f32
    %neg3A_2444 = vector.broadcast %neg3A_2443 : f32 to vector<16xf32>
    %neg3A_2445 = arith.subf %neg3A_2444, %get3A_2442 : vector<16xf32>
    %exp3A_2446 = math.exp %neg3A_2445 : vector<16xf32>
    %add3A_2447 = arith.constant 1.000000e+00 : f32
    %add3A_2448 = vector.broadcast %add3A_2447 : f32 to vector<16xf32>
    %add3A_2449 = arith.addf %add3A_2448, %exp3A_2446 : vector<16xf32>
    %div3A_2450 = arith.constant 1.000000e+00 : f32
    %div3A_2451 = vector.broadcast %div3A_2450 : f32 to vector<16xf32>
    %div3A_2452 = arith.divf %div3A_2451, %add3A_2449 : vector<16xf32>
    %get3A_2453 = arith.constant 224 : index
    %get3A_2454 = tpu.vector_load %arg13[%get3A_2453] {strides = array<i32>} : memref<384xf32, #tpu.memory_space<vmem>>, vector<16xf32>,
    %get3A_2455 = arith.constant 96 : index
    %get3A_2456 = tpu.vector_load %arg13[%get3A_2455] {strides = array<i32>} : memref<384xf32, #tpu.memory_space<vmem>>, vector<16xf32>,
    %mul3A_2457 = arith.constant 0.999998986 : f32
    %mul3A_2458 = vector.broadcast %mul3A_2457 : f32 to vector<16xf32>
    %mul3A_2459 = arith.mulf %get3A_2454, %mul3A_2458 : vector<16xf32>
    %sub3A_2460 = arith.subf %while3A_2374#4, %mul3A_2459 : vector<16xf32>
    %mul3A_2461 = arith.constant 0.999998986 : f32
    %mul3A_2462 = vector.broadcast %mul3A_2461 : f32 to vector<16xf32>
    %mul3A_2463 = arith.mulf %get3A_2454, %mul3A_2462 : vector<16xf32>
    %mul3A_2464 = arith.mulf %mul3A_2463, %div3A_2452 : vector<16xf32>
    %sub3A_2465 = arith.subf %while3A_2374#5, %mul3A_2464 : vector<16xf32>
    %add3A_2466 = arith.constant 9.99999993E-9 : f32
    %add3A_2467 = vector.broadcast %add3A_2466 : f32 to vector<16xf32>
    %add3A_2468 = arith.addf %sub3A_2460, %add3A_2467 : vector<16xf32>
    %div3A_2469 = arith.divf %sub3A_2465, %add3A_2468 : vector<16xf32>
    %sub3A_2470 = arith.subf %div3A_2452, %div3A_2469 : vector<16xf32>
    %mul3A_2471 = arith.mulf %sub3A_2470, %sub3A_2470 : vector<16xf32>
    %mul3A_2472 = arith.mulf %mul3A_2471, %get3A_2456 : vector<16xf32>
    %add3A_2473 = arith.addf %add3A_2440, %mul3A_2472 : vector<16xf32>
    %get3A_2474 = arith.constant 368 : index
    %get3A_2475 = tpu.vector_load %arg12[%get3A_2474] {strides = array<i32>} : memref<512xf32, #tpu.memory_space<vmem>>, vector<16xf32>,
    %neg3A_2476 = arith.constant 0.000000e+00 : f32
    %neg3A_2477 = vector.broadcast %neg3A_2476 : f32 to vector<16xf32>
    %neg3A_2478 = arith.subf %neg3A_2477, %get3A_2475 : vector<16xf32>
    %exp3A_2479 = math.exp %neg3A_2478 : vector<16xf32>
    %add3A_2480 = arith.constant 1.000000e+00 : f32
    %add3A_2481 = vector.broadcast %add3A_2480 : f32 to vector<16xf32>
    %add3A_2482 = arith.addf %add3A_2481, %exp3A_2479 : vector<16xf32>
    %div3A_2483 = arith.constant 1.000000e+00 : f32
    %div3A_2484 = vector.broadcast %div3A_2483 : f32 to vector<16xf32>
    %div3A_2485 = arith.divf %div3A_2484, %add3A_2482 : vector<16xf32>
    %get3A_2486 = arith.constant 240 : index
    %get3A_2487 = tpu.vector_load %arg13[%get3A_2486] {strides = array<i32>} : memref<384xf32, #tpu.memory_space<vmem>>, vector<16xf32>,
    %get3A_2488 = arith.constant 112 : index
    %get3A_2489 = tpu.vector_load %arg13[%get3A_2488] {strides = array<i32>} : memref<384xf32, #tpu.memory_space<vmem>>, vector<16xf32>,
    %mul3A_2490 = arith.constant 0.999998986 : f32
    %mul3A_2491 = vector.broadcast %mul3A_2490 : f32 to vector<16xf32>
    %mul3A_2492 = arith.mulf %get3A_2487, %mul3A_2491 : vector<16xf32>
    %sub3A_2493 = arith.subf %while3A_2374#6, %mul3A_2492 : vector<16xf32>
    %mul3A_2494 = arith.constant 0.999998986 : f32
    %mul3A_2495 = vector.broadcast %mul3A_2494 : f32 to vector<16xf32>
    %mul3A_2496 = arith.mulf %get3A_2487, %mul3A_2495 : vector<16xf32>
    %mul3A_2497 = arith.mulf %mul3A_2496, %div3A_2485 : vector<16xf32>
    %sub3A_2498 = arith.subf %while3A_2374#7, %mul3A_2497 : vector<16xf32>
    %add3A_2499 = arith.constant 9.99999993E-9 : f32
    %add3A_2500 = vector.broadcast %add3A_2499 : f32 to vector<16xf32>
    %add3A_2501 = arith.addf %sub3A_2493, %add3A_2500 : vector<16xf32>
    %div3A_2502 = arith.divf %sub3A_2498, %add3A_2501 : vector<16xf32>
    %sub3A_2503 = arith.subf %div3A_2485, %div3A_2502 : vector<16xf32>
    %mul3A_2504 = arith.mulf %sub3A_2503, %sub3A_2503 : vector<16xf32>
    %mul3A_2505 = arith.mulf %mul3A_2504, %get3A_2489 : vector<16xf32>
    %add3A_2506 = arith.addf %add3A_2473, %mul3A_2505 : vector<16xf32>
    %reduce_sum3A = arith.constant true
    %reduce_sum3A_2507 = vector.broadcast %reduce_sum3A : i1 to vector<16xi1>
    %reduce_sum3A_2508 = tpu.scan <sum>, %add3A_2506 masked %reduce_sum3A_2507 : vector<16xf32>, vector<16xi1> -> vector<16xf32>
    %reduce_sum3A_2509 = vector.extract %reduce_sum3A_2508[15] : f32 from vector<16xf32>
    %eq3A = arith.constant 0 : i32
    %eq3A_2510 = vector.broadcast %eq3A : i32 to vector<16xi32>
    %eq3A_2511 = arith.cmpi eq, %iota3A, %eq3A_2510 : vector<16xi32>
    %jit3A = arith.constant 0.000000e+00 : f32
    %broadcast_in_dim3A_2512 = vector.broadcast %reduce_sum3A_2509 : f32 to vector<16xf32>
    %broadcast_in_dim3A_2513 = vector.broadcast %jit3A : f32 to vector<16xf32>
    %select_n3A = arith.select %eq3A_2511, %broadcast_in_dim3A_2512, %broadcast_in_dim3A_2513 : vector<16xi1>, vector<16xf32>
    %swap3A_2514 = arith.constant 0 : index
    %swap3A_2515 = tpu.vector_load %arg14[%swap3A_2514] {strides = array<i32>} : memref<16xf32, #tpu.memory_space<vmem>>, vector<16xf32>,
    tpu.vector_store %arg14[%swap3A_2514], %select_n3A {strides = array<i32>} : memref<16xf32, #tpu.memory_space<vmem>>, vector<16xf32>,
    "tpu.region"() ({
      %run_scoped3A = tpu.sem_alloc : memref<!tpu.dma_semaphore, #tpu.memory_space<semaphore_mem>>
      %dma_start3A_2516 = arith.constant 0 : i32
      %dma_start3A_2517 = tpu.memref_slice %arg5[%add3A, %dma_start3A_2516] : memref<32x16xf32, #tpu.memory_space<hbm>> -> memref<1x16xf32, #tpu.memory_space<hbm>>
      %dma_start3A_2518 = tpu.memref_squeeze %dma_start3A_2517 : memref<1x16xf32, #tpu.memory_space<hbm>> -> memref<16xf32, #tpu.memory_space<hbm>>
      %dma_start3A_2519 = arith.constant 0 : i32
      %dma_start3A_2520 = tpu.memref_slice %arg5[%add3A, %dma_start3A_2519] : memref<32x16xf32, #tpu.memory_space<hbm>> -> memref<1x16xf32, #tpu.memory_space<hbm>>
      %dma_start3A_2521 = tpu.memref_squeeze %dma_start3A_2520 : memref<1x16xf32, #tpu.memory_space<hbm>> -> memref<16xf32, #tpu.memory_space<hbm>>
      tpu.enqueue_dma source(%arg14 : memref<16xf32, #tpu.memory_space<vmem>>) target(%dma_start3A_2521 : memref<16xf32, #tpu.memory_space<hbm>>) target_semaphore(%run_scoped3A : memref<!tpu.dma_semaphore, #tpu.memory_space<semaphore_mem>>)
      %dma_wait3A_2522 = arith.constant 0 : i32
      %dma_wait3A_2523 = tpu.memref_slice %arg5[%add3A, %dma_wait3A_2522] : memref<32x16xf32, #tpu.memory_space<hbm>> -> memref<1x16xf32, #tpu.memory_space<hbm>>
      %dma_wait3A_2524 = tpu.memref_squeeze %dma_wait3A_2523 : memref<1x16xf32, #tpu.memory_space<hbm>> -> memref<16xf32, #tpu.memory_space<hbm>>
      %dma_wait3A_2525 = arith.constant 0 : i32
      %dma_wait3A_2526 = tpu.memref_slice %arg5[%add3A, %dma_wait3A_2525] : memref<32x16xf32, #tpu.memory_space<hbm>> -> memref<1x16xf32, #tpu.memory_space<hbm>>
      %dma_wait3A_2527 = tpu.memref_squeeze %dma_wait3A_2526 : memref<1x16xf32, #tpu.memory_space<hbm>> -> memref<16xf32, #tpu.memory_space<hbm>>
      tpu.wait_dma2 semaphore(%run_scoped3A : memref<!tpu.dma_semaphore, #tpu.memory_space<semaphore_mem>>) src(%arg14 : memref<16xf32, #tpu.memory_space<vmem>>) dst(%dma_wait3A_2527 : memref<16xf32, #tpu.memory_space<hbm>>)
      tpu.yield
    }) : () -> ()
    return
  }
}

module attributes {stable_mosaic.version = 14 : i64} {
  func.func @_tc_body(%arg0: i32, %arg1: memref<1x8192xf32, #tpu.memory_space<vmem>>, %arg2: memref<1x8192xf32, #tpu.memory_space<vmem>>, %arg3: memref<1x8192xf32, #tpu.memory_space<vmem>>, %arg4: memref<1x8192xf32, #tpu.memory_space<vmem>>, %arg5: memref<1x8192xf32, #tpu.memory_space<vmem>>, %arg6: memref<1x8192xf32, #tpu.memory_space<vmem>>, %arg7: memref<2x32x8xi32, #tpu.memory_space<smem>>, %arg8: memref<2x32xi32, #tpu.memory_space<smem>>, %arg9: memref<5xf32, #tpu.memory_space<smem>>, %arg10: memref<5xf32, #tpu.memory_space<smem>>) attributes {dimension_semantics = [#tpu.dimension_semantics<arbitrary>], iteration_bounds = array<i64: 32>, scalar_prefetch = 0 : i64, scratch_operands = 1 : i64, tpu.core_type = #tpu.core_type<tc>, window_params = [{pipeline_mode = #tpu.pipeline_mode<synchronous>, transform_indices = @transform_0, window_bounds = array<i64: 1, 8192>}, {pipeline_mode = #tpu.pipeline_mode<synchronous>, transform_indices = @transform_1, window_bounds = array<i64: 1, 8192>}, {pipeline_mode = #tpu.pipeline_mode<synchronous>, transform_indices = @transform_2, window_bounds = array<i64: 1, 8192>}, {pipeline_mode = #tpu.pipeline_mode<synchronous>, transform_indices = @transform_3, window_bounds = array<i64: 1, 8192>}, {pipeline_mode = #tpu.pipeline_mode<synchronous>, transform_indices = @transform_4, window_bounds = array<i64: 1, 8192>}, {pipeline_mode = #tpu.pipeline_mode<synchronous>, transform_indices = @transform_5, window_bounds = array<i64: 1, 8192>}, {transform_indices = @transform_6, window_bounds = array<i64: 2, 32, 8>}, {transform_indices = @transform_7, window_bounds = array<i64: 2, 32>}, {transform_indices = @transform_8, window_bounds = array<i64: 5>}]} {
    %eq3A = arith.constant 0 : i32
    %eq3A_0 = arith.cmpi eq, %arg0, %eq3A : i32
    %convert_element_type3A = arith.extui %eq3A_0 : i1 to i32
    %cond3A = arith.constant 0 : i32
    %cond3A_1 = arith.cmpi ne, %convert_element_type3A, %cond3A : i32
    scf.if %cond3A_1 {
      %get3A_604 = arith.constant 0 : index
      %get3A_605 = arith.constant 0 : index
      %get3A_606 = vector.load %arg1[%get3A_604, %get3A_605] : memref<1x8192xf32, #tpu.memory_space<vmem>>, vector<1x8192xf32>
      %get3A_607 = arith.constant 0 : index
      %get3A_608 = arith.constant 0 : index
      %get3A_609 = vector.load %arg2[%get3A_607, %get3A_608] : memref<1x8192xf32, #tpu.memory_space<vmem>>, vector<1x8192xf32>
      %get3A_610 = arith.constant 0 : index
      %get3A_611 = arith.constant 0 : index
      %get3A_612 = vector.load %arg3[%get3A_610, %get3A_611] : memref<1x8192xf32, #tpu.memory_space<vmem>>, vector<1x8192xf32>
      %get3A_613 = arith.constant 0 : index
      %get3A_614 = arith.constant 0 : index
      %get3A_615 = vector.load %arg4[%get3A_613, %get3A_614] : memref<1x8192xf32, #tpu.memory_space<vmem>>, vector<1x8192xf32>
      %max3A = arith.constant 0.000000e+00 : f32
      %max3A_616 = vector.broadcast %max3A : f32 to vector<1x8192xf32>
      %max3A_617 = arith.maximumf %get3A_606, %max3A_616 : vector<1x8192xf32>
      %mul3A_618 = arith.mulf %get3A_606, %get3A_609 : vector<1x8192xf32>
      %sub3A_619 = arith.subf %max3A_617, %mul3A_618 : vector<1x8192xf32>
      %abs3A = math.absf %get3A_606 : vector<1x8192xf32>
      %neg3A_620 = arith.constant 0.000000e+00 : f32
      %neg3A_621 = vector.broadcast %neg3A_620 : f32 to vector<1x8192xf32>
      %neg3A_622 = arith.subf %neg3A_621, %abs3A : vector<1x8192xf32>
      %exp3A_623 = math.exp %neg3A_622 : vector<1x8192xf32>
      %log1p3A = math.log1p %exp3A_623 : vector<1x8192xf32>
      %add3A_624 = arith.addf %sub3A_619, %log1p3A : vector<1x8192xf32>
      %mul3A_625 = arith.mulf %add3A_624, %get3A_612 : vector<1x8192xf32>
      %reduce_sum3A_626 = vector.shape_cast %mul3A_625 : vector<1x8192xf32> to vector<1x1x8192xf32>
      %reduce_sum3A_627 = arith.constant dense<0.000000e+00> : vector<1xf32>
      %reduce_sum3A_628 = vector.multi_reduction <add>, %reduce_sum3A_626, %reduce_sum3A_627 [1, 2] : vector<1x1x8192xf32> to vector<1xf32>
      %reduce_sum3A_629 = vector.shape_cast %reduce_sum3A_628 : vector<1xf32> to vector<1x1x1xf32>
      %reduce_sum3A_630 = vector.extract %reduce_sum3A_629[0, 0, 0] : f32 from vector<1x1x1xf32>
      %swap3A_631 = arith.constant 0 : index
      %swap3A_632 = memref.load %arg10[%swap3A_631] : memref<5xf32, #tpu.memory_space<smem>>
      memref.store %reduce_sum3A_630, %arg10[%swap3A_631] : memref<5xf32, #tpu.memory_space<smem>>
      %reduce_sum3A_633 = vector.shape_cast %get3A_612 : vector<1x8192xf32> to vector<1x1x8192xf32>
      %reduce_sum3A_634 = arith.constant dense<0.000000e+00> : vector<1xf32>
      %reduce_sum3A_635 = vector.multi_reduction <add>, %reduce_sum3A_633, %reduce_sum3A_634 [1, 2] : vector<1x1x8192xf32> to vector<1xf32>
      %reduce_sum3A_636 = vector.shape_cast %reduce_sum3A_635 : vector<1xf32> to vector<1x1x1xf32>
      %reduce_sum3A_637 = vector.extract %reduce_sum3A_636[0, 0, 0] : f32 from vector<1x1x1xf32>
      %swap3A_638 = arith.constant 1 : index
      %swap3A_639 = memref.load %arg10[%swap3A_638] : memref<5xf32, #tpu.memory_space<smem>>
      memref.store %reduce_sum3A_637, %arg10[%swap3A_638] : memref<5xf32, #tpu.memory_space<smem>>
      %sub3A_640 = arith.constant 1.000000e+00 : f32
      %sub3A_641 = vector.broadcast %sub3A_640 : f32 to vector<1x8192xf32>
      %sub3A_642 = arith.subf %sub3A_641, %get3A_612 : vector<1x8192xf32>
      %sub3A_643 = arith.constant 1.000000e+00 : f32
      %sub3A_644 = vector.broadcast %sub3A_643 : f32 to vector<1x8192xf32>
      %sub3A_645 = arith.subf %sub3A_644, %get3A_615 : vector<1x8192xf32>
      %mul3A_646 = arith.mulf %sub3A_642, %sub3A_645 : vector<1x8192xf32>
      %slice3A_647 = vector.extract_strided_slice %mul3A_646 {offsets = [0, 0], sizes = [1, 4096], strides = [1, 1]} : vector<1x8192xf32> to vector<1x4096xf32>
      %reduce_sum3A_648 = vector.shape_cast %slice3A_647 : vector<1x4096xf32> to vector<1x1x4096xf32>
      %reduce_sum3A_649 = arith.constant dense<0.000000e+00> : vector<1xf32>
      %reduce_sum3A_650 = vector.multi_reduction <add>, %reduce_sum3A_648, %reduce_sum3A_649 [1, 2] : vector<1x1x4096xf32> to vector<1xf32>
      %reduce_sum3A_651 = vector.shape_cast %reduce_sum3A_650 : vector<1xf32> to vector<1x1x1xf32>
      %reduce_sum3A_652 = vector.extract %reduce_sum3A_651[0, 0, 0] : f32 from vector<1x1x1xf32>
      %swap3A_653 = arith.constant 2 : index
      %swap3A_654 = memref.load %arg10[%swap3A_653] : memref<5xf32, #tpu.memory_space<smem>>
      memref.store %reduce_sum3A_652, %arg10[%swap3A_653] : memref<5xf32, #tpu.memory_space<smem>>
      %slice3A_655 = vector.extract_strided_slice %mul3A_646 {offsets = [0, 4096], sizes = [1, 4096], strides = [1, 1]} : vector<1x8192xf32> to vector<1x4096xf32>
      %reduce_sum3A_656 = vector.shape_cast %slice3A_655 : vector<1x4096xf32> to vector<1x1x4096xf32>
      %reduce_sum3A_657 = arith.constant dense<0.000000e+00> : vector<1xf32>
      %reduce_sum3A_658 = vector.multi_reduction <add>, %reduce_sum3A_656, %reduce_sum3A_657 [1, 2] : vector<1x1x4096xf32> to vector<1xf32>
      %reduce_sum3A_659 = vector.shape_cast %reduce_sum3A_658 : vector<1xf32> to vector<1x1x1xf32>
      %reduce_sum3A_660 = vector.extract %reduce_sum3A_659[0, 0, 0] : f32 from vector<1x1x1xf32>
      %swap3A_661 = arith.constant 3 : index
      %swap3A_662 = memref.load %arg10[%swap3A_661] : memref<5xf32, #tpu.memory_space<smem>>
      memref.store %reduce_sum3A_660, %arg10[%swap3A_661] : memref<5xf32, #tpu.memory_space<smem>>
      %swap3A_663 = arith.constant 0.000000e+00 : f32
      %swap3A_664 = arith.constant 4 : index
      %swap3A_665 = memref.load %arg10[%swap3A_664] : memref<5xf32, #tpu.memory_space<smem>>
      memref.store %swap3A_663, %arg10[%swap3A_664] : memref<5xf32, #tpu.memory_space<smem>>
    } else {
    }
    %mul3A = arith.constant 128 : i32
    %mul3A_2 = arith.muli %arg0, %mul3A : i32
    %get3A = arith.constant 0 : index
    %get3A_3 = arith.index_cast %mul3A_2 : i32 to index
    %get3A_4 = vector.load %arg1[%get3A, %get3A_3] : memref<1x8192xf32, #tpu.memory_space<vmem>>, vector<1x128xf32>
    %get3A_5 = arith.constant 0 : index
    %get3A_6 = arith.index_cast %mul3A_2 : i32 to index
    %get3A_7 = vector.load %arg3[%get3A_5, %get3A_6] : memref<1x8192xf32, #tpu.memory_space<vmem>>, vector<1x128xf32>
    %get3A_8 = arith.constant 0 : index
    %get3A_9 = arith.index_cast %mul3A_2 : i32 to index
    %get3A_10 = vector.load %arg4[%get3A_8, %get3A_9] : memref<1x8192xf32, #tpu.memory_space<vmem>>, vector<1x128xf32>
    %get3A_11 = arith.constant 0 : index
    %get3A_12 = arith.index_cast %mul3A_2 : i32 to index
    %get3A_13 = vector.load %arg5[%get3A_11, %get3A_12] : memref<1x8192xf32, #tpu.memory_space<vmem>>, vector<1x128xf32>
    %get3A_14 = arith.constant 0 : index
    %get3A_15 = arith.index_cast %mul3A_2 : i32 to index
    %get3A_16 = vector.load %arg6[%get3A_14, %get3A_15] : memref<1x8192xf32, #tpu.memory_space<vmem>>, vector<1x128xf32>
    %broadcast_in_dim3A = vector.shape_cast %get3A_13 : vector<1x128xf32> to vector<1x128xf32>
    %broadcast_in_dim3A_17 = vector.broadcast %broadcast_in_dim3A : vector<1x128xf32> to vector<128x128xf32>
    %transpose3A = tpu.transpose %broadcast_in_dim3A_17, [1, 0] : vector<128x128xf32> -> vector<128x128xf32>
    %slice3A = vector.extract_strided_slice %transpose3A {offsets = [0, 0], sizes = [128, 1], strides = [1, 1]} : vector<128x128xf32> to vector<128x1xf32>
    %broadcast_in_dim3A_18 = vector.shape_cast %get3A_16 : vector<1x128xf32> to vector<1x128xf32>
    %broadcast_in_dim3A_19 = vector.broadcast %broadcast_in_dim3A_18 : vector<1x128xf32> to vector<128x128xf32>
    %transpose3A_20 = tpu.transpose %broadcast_in_dim3A_19, [1, 0] : vector<128x128xf32> -> vector<128x128xf32>
    %slice3A_21 = vector.extract_strided_slice %transpose3A_20 {offsets = [0, 0], sizes = [128, 1], strides = [1, 1]} : vector<128x128xf32> to vector<128x1xf32>
    %broadcast_in_dim3A_22 = vector.shape_cast %get3A_4 : vector<1x128xf32> to vector<1x128xf32>
    %broadcast_in_dim3A_23 = vector.broadcast %broadcast_in_dim3A_22 : vector<1x128xf32> to vector<128x128xf32>
    %transpose3A_24 = tpu.transpose %broadcast_in_dim3A_23, [1, 0] : vector<128x128xf32> -> vector<128x128xf32>
    %slice3A_25 = vector.extract_strided_slice %transpose3A_24 {offsets = [0, 0], sizes = [128, 1], strides = [1, 1]} : vector<128x128xf32> to vector<128x1xf32>
    %logistic3A = arith.negf %slice3A_25 : vector<128x1xf32>
    %logistic3A_26 = math.exp %logistic3A : vector<128x1xf32>
    %logistic3A_27 = arith.constant 1.000000e+00 : f32
    %logistic3A_28 = vector.broadcast %logistic3A_27 : f32 to vector<128x1xf32>
    %logistic3A_29 = arith.addf %logistic3A_28, %logistic3A_26 : vector<128x1xf32>
    %logistic3A_30 = arith.divf %logistic3A_28, %logistic3A_29 : vector<128x1xf32>
    %sub3A = arith.constant 1.000000e+00 : f32
    %sub3A_31 = vector.broadcast %sub3A : f32 to vector<1x128xf32>
    %sub3A_32 = arith.subf %sub3A_31, %get3A_7 : vector<1x128xf32>
    %sub3A_33 = arith.constant 1.000000e+00 : f32
    %sub3A_34 = vector.broadcast %sub3A_33 : f32 to vector<1x128xf32>
    %sub3A_35 = arith.subf %sub3A_34, %get3A_10 : vector<1x128xf32>
    %mul3A_36 = arith.mulf %sub3A_32, %sub3A_35 : vector<1x128xf32>
    %broadcast_in_dim3A_37 = vector.shape_cast %mul3A_36 : vector<1x128xf32> to vector<1x128xf32>
    %broadcast_in_dim3A_38 = vector.broadcast %broadcast_in_dim3A_37 : vector<1x128xf32> to vector<128x128xf32>
    %transpose3A_39 = tpu.transpose %broadcast_in_dim3A_38, [1, 0] : vector<128x128xf32> -> vector<128x128xf32>
    %slice3A_40 = vector.extract_strided_slice %transpose3A_39 {offsets = [0, 0], sizes = [128, 1], strides = [1, 1]} : vector<128x128xf32> to vector<128x1xf32>
    %iota3A = tpu.iota {dimensions = array<i32: 0>} : vector<128x128xi32>
    %iota3A_41 = tpu.iota {dimensions = array<i32: 1>} : vector<128x128xi32>
    %eq3A_42 = arith.cmpi eq, %iota3A, %iota3A_41 : vector<128x128xi32>
    %get3A_43 = arith.constant 0 : index
    %get3A_44 = arith.index_cast %arg0 : i32 to index
    %get3A_45 = memref.load %arg8[%get3A_43, %get3A_44] : memref<2x32xi32, #tpu.memory_space<smem>>
    %broadcast_in_dim3A_46 = arith.constant 0.000000e+00 : f32
    %broadcast_in_dim3A_47 = vector.broadcast %broadcast_in_dim3A_46 : f32 to vector<128x1xf32>
    %broadcast_in_dim3A_48 = arith.constant 0.000000e+00 : f32
    %broadcast_in_dim3A_49 = vector.broadcast %broadcast_in_dim3A_48 : f32 to vector<128x1xf32>
    %get3A_50 = arith.constant 0 : index
    %get3A_51 = arith.index_cast %arg0 : i32 to index
    %get3A_52 = arith.constant 0 : index
    %get3A_53 = memref.load %arg7[%get3A_50, %get3A_51, %get3A_52] : memref<2x32x8xi32, #tpu.memory_space<smem>>
    %mul3A_54 = arith.constant 128 : i32
    %mul3A_55 = arith.muli %get3A_53, %mul3A_54 : i32
    %get3A_56 = arith.constant 0 : index
    %get3A_57 = arith.index_cast %mul3A_55 : i32 to index
    %get3A_58 = vector.load %arg5[%get3A_56, %get3A_57] : memref<1x8192xf32, #tpu.memory_space<vmem>>, vector<1x128xf32>
    %get3A_59 = arith.constant 0 : index
    %get3A_60 = arith.index_cast %mul3A_55 : i32 to index
    %get3A_61 = vector.load %arg6[%get3A_59, %get3A_60] : memref<1x8192xf32, #tpu.memory_space<vmem>>, vector<1x128xf32>
    %get3A_62 = arith.constant 0 : index
    %get3A_63 = arith.index_cast %mul3A_55 : i32 to index
    %get3A_64 = vector.load %arg1[%get3A_62, %get3A_63] : memref<1x8192xf32, #tpu.memory_space<vmem>>, vector<1x128xf32>
    %get3A_65 = arith.constant 0 : index
    %get3A_66 = arith.index_cast %mul3A_55 : i32 to index
    %get3A_67 = vector.load %arg4[%get3A_65, %get3A_66] : memref<1x8192xf32, #tpu.memory_space<vmem>>, vector<1x128xf32>
    %gt3A = arith.constant 0 : i32
    %gt3A_68 = arith.cmpi sgt, %get3A_45, %gt3A : i32
    %convert_element_type3A_69 = arith.extui %gt3A_68 : i1 to i32
    %convert_element_type3A_70 = arith.sitofp %convert_element_type3A_69 : i32 to f32
    %sub3A_71 = arith.constant 1.000000e+00 : f32
    %sub3A_72 = vector.broadcast %sub3A_71 : f32 to vector<1x128xf32>
    %sub3A_73 = arith.subf %sub3A_72, %get3A_67 : vector<1x128xf32>
    %mul3A_74 = vector.broadcast %convert_element_type3A_70 : f32 to vector<1x128xf32>
    %mul3A_75 = arith.mulf %mul3A_74, %sub3A_73 : vector<1x128xf32>
    %sub3A_76 = vector.broadcast %slice3A : vector<128x1xf32> to vector<128x128xf32>
    %sub3A_77 = vector.broadcast %get3A_58 : vector<1x128xf32> to vector<128x128xf32>
    %sub3A_78 = arith.subf %sub3A_76, %sub3A_77 : vector<128x128xf32>
    %sub3A_79 = vector.broadcast %slice3A_21 : vector<128x1xf32> to vector<128x128xf32>
    %sub3A_80 = vector.broadcast %get3A_61 : vector<1x128xf32> to vector<128x128xf32>
    %sub3A_81 = arith.subf %sub3A_79, %sub3A_80 : vector<128x128xf32>
    %mul3A_82 = arith.mulf %sub3A_78, %sub3A_78 : vector<128x128xf32>
    %mul3A_83 = arith.mulf %sub3A_81, %sub3A_81 : vector<128x128xf32>
    %add3A = arith.addf %mul3A_82, %mul3A_83 : vector<128x128xf32>
    %add3A_84 = arith.constant 9.99999996E-13 : f32
    %add3A_85 = vector.broadcast %add3A_84 : f32 to vector<128x128xf32>
    %add3A_86 = arith.addf %add3A, %add3A_85 : vector<128x128xf32>
    %sqrt3A = math.sqrt %add3A_86 : vector<128x128xf32>
    %neg3A = arith.constant 0.000000e+00 : f32
    %neg3A_87 = vector.broadcast %neg3A : f32 to vector<128x128xf32>
    %neg3A_88 = arith.subf %neg3A_87, %sqrt3A : vector<128x128xf32>
    %exp3A = math.exp %neg3A_88 : vector<128x128xf32>
    %eq3A_89 = arith.cmpi eq, %get3A_53, %arg0 : i32
    %and3A = vector.broadcast %eq3A_89 : i1 to vector<128x128xi1>
    %and3A_90 = arith.andi %eq3A_42, %and3A : vector<128x128xi1>
    %jit3A = arith.constant 0.000000e+00 : f32
    %broadcast_in_dim3A_91 = vector.broadcast %jit3A : f32 to vector<128x128xf32>
    %select_n3A = arith.select %and3A_90, %broadcast_in_dim3A_91, %exp3A : vector<128x128xi1>, vector<128x128xf32>
    %mul3A_92 = vector.broadcast %mul3A_75 : vector<1x128xf32> to vector<128x128xf32>
    %mul3A_93 = arith.mulf %select_n3A, %mul3A_92 : vector<128x128xf32>
    %reduce_sum3A = arith.constant dense<0.000000e+00> : vector<128xf32>
    %reduce_sum3A_94 = vector.multi_reduction <add>, %mul3A_93, %reduce_sum3A [1] : vector<128x128xf32> to vector<128xf32>
    %broadcast_in_dim3A_95 = vector.shape_cast %reduce_sum3A_94 : vector<128xf32> to vector<128x1xf32>
    %add3A_96 = arith.addf %broadcast_in_dim3A_47, %broadcast_in_dim3A_95 : vector<128x1xf32>
    %logistic3A_97 = arith.negf %get3A_64 : vector<1x128xf32>
    %logistic3A_98 = math.exp %logistic3A_97 : vector<1x128xf32>
    %logistic3A_99 = arith.constant 1.000000e+00 : f32
    %logistic3A_100 = vector.broadcast %logistic3A_99 : f32 to vector<1x128xf32>
    %logistic3A_101 = arith.addf %logistic3A_100, %logistic3A_98 : vector<1x128xf32>
    %logistic3A_102 = arith.divf %logistic3A_100, %logistic3A_101 : vector<1x128xf32>
    %mul3A_103 = vector.broadcast %logistic3A_102 : vector<1x128xf32> to vector<128x128xf32>
    %mul3A_104 = arith.mulf %mul3A_93, %mul3A_103 : vector<128x128xf32>
    %reduce_sum3A_105 = arith.constant dense<0.000000e+00> : vector<128xf32>
    %reduce_sum3A_106 = vector.multi_reduction <add>, %mul3A_104, %reduce_sum3A_105 [1] : vector<128x128xf32> to vector<128xf32>
    %broadcast_in_dim3A_107 = vector.shape_cast %reduce_sum3A_106 : vector<128xf32> to vector<128x1xf32>
    %add3A_108 = arith.addf %broadcast_in_dim3A_49, %broadcast_in_dim3A_107 : vector<128x1xf32>
    %get3A_109 = arith.constant 0 : index
    %get3A_110 = arith.index_cast %arg0 : i32 to index
    %get3A_111 = arith.constant 1 : index
    %get3A_112 = memref.load %arg7[%get3A_109, %get3A_110, %get3A_111] : memref<2x32x8xi32, #tpu.memory_space<smem>>
    %mul3A_113 = arith.constant 128 : i32
    %mul3A_114 = arith.muli %get3A_112, %mul3A_113 : i32
    %get3A_115 = arith.constant 0 : index
    %get3A_116 = arith.index_cast %mul3A_114 : i32 to index
    %get3A_117 = vector.load %arg5[%get3A_115, %get3A_116] : memref<1x8192xf32, #tpu.memory_space<vmem>>, vector<1x128xf32>
    %get3A_118 = arith.constant 0 : index
    %get3A_119 = arith.index_cast %mul3A_114 : i32 to index
    %get3A_120 = vector.load %arg6[%get3A_118, %get3A_119] : memref<1x8192xf32, #tpu.memory_space<vmem>>, vector<1x128xf32>
    %get3A_121 = arith.constant 0 : index
    %get3A_122 = arith.index_cast %mul3A_114 : i32 to index
    %get3A_123 = vector.load %arg1[%get3A_121, %get3A_122] : memref<1x8192xf32, #tpu.memory_space<vmem>>, vector<1x128xf32>
    %get3A_124 = arith.constant 0 : index
    %get3A_125 = arith.index_cast %mul3A_114 : i32 to index
    %get3A_126 = vector.load %arg4[%get3A_124, %get3A_125] : memref<1x8192xf32, #tpu.memory_space<vmem>>, vector<1x128xf32>
    %gt3A_127 = arith.constant 1 : i32
    %gt3A_128 = arith.cmpi sgt, %get3A_45, %gt3A_127 : i32
    %convert_element_type3A_129 = arith.extui %gt3A_128 : i1 to i32
    %convert_element_type3A_130 = arith.sitofp %convert_element_type3A_129 : i32 to f32
    %sub3A_131 = arith.constant 1.000000e+00 : f32
    %sub3A_132 = vector.broadcast %sub3A_131 : f32 to vector<1x128xf32>
    %sub3A_133 = arith.subf %sub3A_132, %get3A_126 : vector<1x128xf32>
    %mul3A_134 = vector.broadcast %convert_element_type3A_130 : f32 to vector<1x128xf32>
    %mul3A_135 = arith.mulf %mul3A_134, %sub3A_133 : vector<1x128xf32>
    %sub3A_136 = vector.broadcast %slice3A : vector<128x1xf32> to vector<128x128xf32>
    %sub3A_137 = vector.broadcast %get3A_117 : vector<1x128xf32> to vector<128x128xf32>
    %sub3A_138 = arith.subf %sub3A_136, %sub3A_137 : vector<128x128xf32>
    %sub3A_139 = vector.broadcast %slice3A_21 : vector<128x1xf32> to vector<128x128xf32>
    %sub3A_140 = vector.broadcast %get3A_120 : vector<1x128xf32> to vector<128x128xf32>
    %sub3A_141 = arith.subf %sub3A_139, %sub3A_140 : vector<128x128xf32>
    %mul3A_142 = arith.mulf %sub3A_138, %sub3A_138 : vector<128x128xf32>
    %mul3A_143 = arith.mulf %sub3A_141, %sub3A_141 : vector<128x128xf32>
    %add3A_144 = arith.addf %mul3A_142, %mul3A_143 : vector<128x128xf32>
    %add3A_145 = arith.constant 9.99999996E-13 : f32
    %add3A_146 = vector.broadcast %add3A_145 : f32 to vector<128x128xf32>
    %add3A_147 = arith.addf %add3A_144, %add3A_146 : vector<128x128xf32>
    %sqrt3A_148 = math.sqrt %add3A_147 : vector<128x128xf32>
    %neg3A_149 = arith.constant 0.000000e+00 : f32
    %neg3A_150 = vector.broadcast %neg3A_149 : f32 to vector<128x128xf32>
    %neg3A_151 = arith.subf %neg3A_150, %sqrt3A_148 : vector<128x128xf32>
    %exp3A_152 = math.exp %neg3A_151 : vector<128x128xf32>
    %eq3A_153 = arith.cmpi eq, %get3A_112, %arg0 : i32
    %and3A_154 = vector.broadcast %eq3A_153 : i1 to vector<128x128xi1>
    %and3A_155 = arith.andi %eq3A_42, %and3A_154 : vector<128x128xi1>
    %jit3A_156 = arith.constant 0.000000e+00 : f32
    %broadcast_in_dim3A_157 = vector.broadcast %jit3A_156 : f32 to vector<128x128xf32>
    %select_n3A_158 = arith.select %and3A_155, %broadcast_in_dim3A_157, %exp3A_152 : vector<128x128xi1>, vector<128x128xf32>
    %mul3A_159 = vector.broadcast %mul3A_135 : vector<1x128xf32> to vector<128x128xf32>
    %mul3A_160 = arith.mulf %select_n3A_158, %mul3A_159 : vector<128x128xf32>
    %reduce_sum3A_161 = arith.constant dense<0.000000e+00> : vector<128xf32>
    %reduce_sum3A_162 = vector.multi_reduction <add>, %mul3A_160, %reduce_sum3A_161 [1] : vector<128x128xf32> to vector<128xf32>
    %broadcast_in_dim3A_163 = vector.shape_cast %reduce_sum3A_162 : vector<128xf32> to vector<128x1xf32>
    %add3A_164 = arith.addf %add3A_96, %broadcast_in_dim3A_163 : vector<128x1xf32>
    %logistic3A_165 = arith.negf %get3A_123 : vector<1x128xf32>
    %logistic3A_166 = math.exp %logistic3A_165 : vector<1x128xf32>
    %logistic3A_167 = arith.constant 1.000000e+00 : f32
    %logistic3A_168 = vector.broadcast %logistic3A_167 : f32 to vector<1x128xf32>
    %logistic3A_169 = arith.addf %logistic3A_168, %logistic3A_166 : vector<1x128xf32>
    %logistic3A_170 = arith.divf %logistic3A_168, %logistic3A_169 : vector<1x128xf32>
    %mul3A_171 = vector.broadcast %logistic3A_170 : vector<1x128xf32> to vector<128x128xf32>
    %mul3A_172 = arith.mulf %mul3A_160, %mul3A_171 : vector<128x128xf32>
    %reduce_sum3A_173 = arith.constant dense<0.000000e+00> : vector<128xf32>
    %reduce_sum3A_174 = vector.multi_reduction <add>, %mul3A_172, %reduce_sum3A_173 [1] : vector<128x128xf32> to vector<128xf32>
    %broadcast_in_dim3A_175 = vector.shape_cast %reduce_sum3A_174 : vector<128xf32> to vector<128x1xf32>
    %add3A_176 = arith.addf %add3A_108, %broadcast_in_dim3A_175 : vector<128x1xf32>
    %get3A_177 = arith.constant 0 : index
    %get3A_178 = arith.index_cast %arg0 : i32 to index
    %get3A_179 = arith.constant 2 : index
    %get3A_180 = memref.load %arg7[%get3A_177, %get3A_178, %get3A_179] : memref<2x32x8xi32, #tpu.memory_space<smem>>
    %mul3A_181 = arith.constant 128 : i32
    %mul3A_182 = arith.muli %get3A_180, %mul3A_181 : i32
    %get3A_183 = arith.constant 0 : index
    %get3A_184 = arith.index_cast %mul3A_182 : i32 to index
    %get3A_185 = vector.load %arg5[%get3A_183, %get3A_184] : memref<1x8192xf32, #tpu.memory_space<vmem>>, vector<1x128xf32>
    %get3A_186 = arith.constant 0 : index
    %get3A_187 = arith.index_cast %mul3A_182 : i32 to index
    %get3A_188 = vector.load %arg6[%get3A_186, %get3A_187] : memref<1x8192xf32, #tpu.memory_space<vmem>>, vector<1x128xf32>
    %get3A_189 = arith.constant 0 : index
    %get3A_190 = arith.index_cast %mul3A_182 : i32 to index
    %get3A_191 = vector.load %arg1[%get3A_189, %get3A_190] : memref<1x8192xf32, #tpu.memory_space<vmem>>, vector<1x128xf32>
    %get3A_192 = arith.constant 0 : index
    %get3A_193 = arith.index_cast %mul3A_182 : i32 to index
    %get3A_194 = vector.load %arg4[%get3A_192, %get3A_193] : memref<1x8192xf32, #tpu.memory_space<vmem>>, vector<1x128xf32>
    %gt3A_195 = arith.constant 2 : i32
    %gt3A_196 = arith.cmpi sgt, %get3A_45, %gt3A_195 : i32
    %convert_element_type3A_197 = arith.extui %gt3A_196 : i1 to i32
    %convert_element_type3A_198 = arith.sitofp %convert_element_type3A_197 : i32 to f32
    %sub3A_199 = arith.constant 1.000000e+00 : f32
    %sub3A_200 = vector.broadcast %sub3A_199 : f32 to vector<1x128xf32>
    %sub3A_201 = arith.subf %sub3A_200, %get3A_194 : vector<1x128xf32>
    %mul3A_202 = vector.broadcast %convert_element_type3A_198 : f32 to vector<1x128xf32>
    %mul3A_203 = arith.mulf %mul3A_202, %sub3A_201 : vector<1x128xf32>
    %sub3A_204 = vector.broadcast %slice3A : vector<128x1xf32> to vector<128x128xf32>
    %sub3A_205 = vector.broadcast %get3A_185 : vector<1x128xf32> to vector<128x128xf32>
    %sub3A_206 = arith.subf %sub3A_204, %sub3A_205 : vector<128x128xf32>
    %sub3A_207 = vector.broadcast %slice3A_21 : vector<128x1xf32> to vector<128x128xf32>
    %sub3A_208 = vector.broadcast %get3A_188 : vector<1x128xf32> to vector<128x128xf32>
    %sub3A_209 = arith.subf %sub3A_207, %sub3A_208 : vector<128x128xf32>
    %mul3A_210 = arith.mulf %sub3A_206, %sub3A_206 : vector<128x128xf32>
    %mul3A_211 = arith.mulf %sub3A_209, %sub3A_209 : vector<128x128xf32>
    %add3A_212 = arith.addf %mul3A_210, %mul3A_211 : vector<128x128xf32>
    %add3A_213 = arith.constant 9.99999996E-13 : f32
    %add3A_214 = vector.broadcast %add3A_213 : f32 to vector<128x128xf32>
    %add3A_215 = arith.addf %add3A_212, %add3A_214 : vector<128x128xf32>
    %sqrt3A_216 = math.sqrt %add3A_215 : vector<128x128xf32>
    %neg3A_217 = arith.constant 0.000000e+00 : f32
    %neg3A_218 = vector.broadcast %neg3A_217 : f32 to vector<128x128xf32>
    %neg3A_219 = arith.subf %neg3A_218, %sqrt3A_216 : vector<128x128xf32>
    %exp3A_220 = math.exp %neg3A_219 : vector<128x128xf32>
    %eq3A_221 = arith.cmpi eq, %get3A_180, %arg0 : i32
    %and3A_222 = vector.broadcast %eq3A_221 : i1 to vector<128x128xi1>
    %and3A_223 = arith.andi %eq3A_42, %and3A_222 : vector<128x128xi1>
    %jit3A_224 = arith.constant 0.000000e+00 : f32
    %broadcast_in_dim3A_225 = vector.broadcast %jit3A_224 : f32 to vector<128x128xf32>
    %select_n3A_226 = arith.select %and3A_223, %broadcast_in_dim3A_225, %exp3A_220 : vector<128x128xi1>, vector<128x128xf32>
    %mul3A_227 = vector.broadcast %mul3A_203 : vector<1x128xf32> to vector<128x128xf32>
    %mul3A_228 = arith.mulf %select_n3A_226, %mul3A_227 : vector<128x128xf32>
    %reduce_sum3A_229 = arith.constant dense<0.000000e+00> : vector<128xf32>
    %reduce_sum3A_230 = vector.multi_reduction <add>, %mul3A_228, %reduce_sum3A_229 [1] : vector<128x128xf32> to vector<128xf32>
    %broadcast_in_dim3A_231 = vector.shape_cast %reduce_sum3A_230 : vector<128xf32> to vector<128x1xf32>
    %add3A_232 = arith.addf %add3A_164, %broadcast_in_dim3A_231 : vector<128x1xf32>
    %logistic3A_233 = arith.negf %get3A_191 : vector<1x128xf32>
    %logistic3A_234 = math.exp %logistic3A_233 : vector<1x128xf32>
    %logistic3A_235 = arith.constant 1.000000e+00 : f32
    %logistic3A_236 = vector.broadcast %logistic3A_235 : f32 to vector<1x128xf32>
    %logistic3A_237 = arith.addf %logistic3A_236, %logistic3A_234 : vector<1x128xf32>
    %logistic3A_238 = arith.divf %logistic3A_236, %logistic3A_237 : vector<1x128xf32>
    %mul3A_239 = vector.broadcast %logistic3A_238 : vector<1x128xf32> to vector<128x128xf32>
    %mul3A_240 = arith.mulf %mul3A_228, %mul3A_239 : vector<128x128xf32>
    %reduce_sum3A_241 = arith.constant dense<0.000000e+00> : vector<128xf32>
    %reduce_sum3A_242 = vector.multi_reduction <add>, %mul3A_240, %reduce_sum3A_241 [1] : vector<128x128xf32> to vector<128xf32>
    %broadcast_in_dim3A_243 = vector.shape_cast %reduce_sum3A_242 : vector<128xf32> to vector<128x1xf32>
    %add3A_244 = arith.addf %add3A_176, %broadcast_in_dim3A_243 : vector<128x1xf32>
    %get3A_245 = arith.constant 0 : index
    %get3A_246 = arith.index_cast %arg0 : i32 to index
    %get3A_247 = arith.constant 3 : index
    %get3A_248 = memref.load %arg7[%get3A_245, %get3A_246, %get3A_247] : memref<2x32x8xi32, #tpu.memory_space<smem>>
    %mul3A_249 = arith.constant 128 : i32
    %mul3A_250 = arith.muli %get3A_248, %mul3A_249 : i32
    %get3A_251 = arith.constant 0 : index
    %get3A_252 = arith.index_cast %mul3A_250 : i32 to index
    %get3A_253 = vector.load %arg5[%get3A_251, %get3A_252] : memref<1x8192xf32, #tpu.memory_space<vmem>>, vector<1x128xf32>
    %get3A_254 = arith.constant 0 : index
    %get3A_255 = arith.index_cast %mul3A_250 : i32 to index
    %get3A_256 = vector.load %arg6[%get3A_254, %get3A_255] : memref<1x8192xf32, #tpu.memory_space<vmem>>, vector<1x128xf32>
    %get3A_257 = arith.constant 0 : index
    %get3A_258 = arith.index_cast %mul3A_250 : i32 to index
    %get3A_259 = vector.load %arg1[%get3A_257, %get3A_258] : memref<1x8192xf32, #tpu.memory_space<vmem>>, vector<1x128xf32>
    %get3A_260 = arith.constant 0 : index
    %get3A_261 = arith.index_cast %mul3A_250 : i32 to index
    %get3A_262 = vector.load %arg4[%get3A_260, %get3A_261] : memref<1x8192xf32, #tpu.memory_space<vmem>>, vector<1x128xf32>
    %gt3A_263 = arith.constant 3 : i32
    %gt3A_264 = arith.cmpi sgt, %get3A_45, %gt3A_263 : i32
    %convert_element_type3A_265 = arith.extui %gt3A_264 : i1 to i32
    %convert_element_type3A_266 = arith.sitofp %convert_element_type3A_265 : i32 to f32
    %sub3A_267 = arith.constant 1.000000e+00 : f32
    %sub3A_268 = vector.broadcast %sub3A_267 : f32 to vector<1x128xf32>
    %sub3A_269 = arith.subf %sub3A_268, %get3A_262 : vector<1x128xf32>
    %mul3A_270 = vector.broadcast %convert_element_type3A_266 : f32 to vector<1x128xf32>
    %mul3A_271 = arith.mulf %mul3A_270, %sub3A_269 : vector<1x128xf32>
    %sub3A_272 = vector.broadcast %slice3A : vector<128x1xf32> to vector<128x128xf32>
    %sub3A_273 = vector.broadcast %get3A_253 : vector<1x128xf32> to vector<128x128xf32>
    %sub3A_274 = arith.subf %sub3A_272, %sub3A_273 : vector<128x128xf32>
    %sub3A_275 = vector.broadcast %slice3A_21 : vector<128x1xf32> to vector<128x128xf32>
    %sub3A_276 = vector.broadcast %get3A_256 : vector<1x128xf32> to vector<128x128xf32>
    %sub3A_277 = arith.subf %sub3A_275, %sub3A_276 : vector<128x128xf32>
    %mul3A_278 = arith.mulf %sub3A_274, %sub3A_274 : vector<128x128xf32>
    %mul3A_279 = arith.mulf %sub3A_277, %sub3A_277 : vector<128x128xf32>
    %add3A_280 = arith.addf %mul3A_278, %mul3A_279 : vector<128x128xf32>
    %add3A_281 = arith.constant 9.99999996E-13 : f32
    %add3A_282 = vector.broadcast %add3A_281 : f32 to vector<128x128xf32>
    %add3A_283 = arith.addf %add3A_280, %add3A_282 : vector<128x128xf32>
    %sqrt3A_284 = math.sqrt %add3A_283 : vector<128x128xf32>
    %neg3A_285 = arith.constant 0.000000e+00 : f32
    %neg3A_286 = vector.broadcast %neg3A_285 : f32 to vector<128x128xf32>
    %neg3A_287 = arith.subf %neg3A_286, %sqrt3A_284 : vector<128x128xf32>
    %exp3A_288 = math.exp %neg3A_287 : vector<128x128xf32>
    %eq3A_289 = arith.cmpi eq, %get3A_248, %arg0 : i32
    %and3A_290 = vector.broadcast %eq3A_289 : i1 to vector<128x128xi1>
    %and3A_291 = arith.andi %eq3A_42, %and3A_290 : vector<128x128xi1>
    %jit3A_292 = arith.constant 0.000000e+00 : f32
    %broadcast_in_dim3A_293 = vector.broadcast %jit3A_292 : f32 to vector<128x128xf32>
    %select_n3A_294 = arith.select %and3A_291, %broadcast_in_dim3A_293, %exp3A_288 : vector<128x128xi1>, vector<128x128xf32>
    %mul3A_295 = vector.broadcast %mul3A_271 : vector<1x128xf32> to vector<128x128xf32>
    %mul3A_296 = arith.mulf %select_n3A_294, %mul3A_295 : vector<128x128xf32>
    %reduce_sum3A_297 = arith.constant dense<0.000000e+00> : vector<128xf32>
    %reduce_sum3A_298 = vector.multi_reduction <add>, %mul3A_296, %reduce_sum3A_297 [1] : vector<128x128xf32> to vector<128xf32>
    %broadcast_in_dim3A_299 = vector.shape_cast %reduce_sum3A_298 : vector<128xf32> to vector<128x1xf32>
    %add3A_300 = arith.addf %add3A_232, %broadcast_in_dim3A_299 : vector<128x1xf32>
    %logistic3A_301 = arith.negf %get3A_259 : vector<1x128xf32>
    %logistic3A_302 = math.exp %logistic3A_301 : vector<1x128xf32>
    %logistic3A_303 = arith.constant 1.000000e+00 : f32
    %logistic3A_304 = vector.broadcast %logistic3A_303 : f32 to vector<1x128xf32>
    %logistic3A_305 = arith.addf %logistic3A_304, %logistic3A_302 : vector<1x128xf32>
    %logistic3A_306 = arith.divf %logistic3A_304, %logistic3A_305 : vector<1x128xf32>
    %mul3A_307 = vector.broadcast %logistic3A_306 : vector<1x128xf32> to vector<128x128xf32>
    %mul3A_308 = arith.mulf %mul3A_296, %mul3A_307 : vector<128x128xf32>
    %reduce_sum3A_309 = arith.constant dense<0.000000e+00> : vector<128xf32>
    %reduce_sum3A_310 = vector.multi_reduction <add>, %mul3A_308, %reduce_sum3A_309 [1] : vector<128x128xf32> to vector<128xf32>
    %broadcast_in_dim3A_311 = vector.shape_cast %reduce_sum3A_310 : vector<128xf32> to vector<128x1xf32>
    %add3A_312 = arith.addf %add3A_244, %broadcast_in_dim3A_311 : vector<128x1xf32>
    %get3A_313 = arith.constant 0 : index
    %get3A_314 = arith.index_cast %arg0 : i32 to index
    %get3A_315 = arith.constant 4 : index
    %get3A_316 = memref.load %arg7[%get3A_313, %get3A_314, %get3A_315] : memref<2x32x8xi32, #tpu.memory_space<smem>>
    %mul3A_317 = arith.constant 128 : i32
    %mul3A_318 = arith.muli %get3A_316, %mul3A_317 : i32
    %get3A_319 = arith.constant 0 : index
    %get3A_320 = arith.index_cast %mul3A_318 : i32 to index
    %get3A_321 = vector.load %arg5[%get3A_319, %get3A_320] : memref<1x8192xf32, #tpu.memory_space<vmem>>, vector<1x128xf32>
    %get3A_322 = arith.constant 0 : index
    %get3A_323 = arith.index_cast %mul3A_318 : i32 to index
    %get3A_324 = vector.load %arg6[%get3A_322, %get3A_323] : memref<1x8192xf32, #tpu.memory_space<vmem>>, vector<1x128xf32>
    %get3A_325 = arith.constant 0 : index
    %get3A_326 = arith.index_cast %mul3A_318 : i32 to index
    %get3A_327 = vector.load %arg1[%get3A_325, %get3A_326] : memref<1x8192xf32, #tpu.memory_space<vmem>>, vector<1x128xf32>
    %get3A_328 = arith.constant 0 : index
    %get3A_329 = arith.index_cast %mul3A_318 : i32 to index
    %get3A_330 = vector.load %arg4[%get3A_328, %get3A_329] : memref<1x8192xf32, #tpu.memory_space<vmem>>, vector<1x128xf32>
    %gt3A_331 = arith.constant 4 : i32
    %gt3A_332 = arith.cmpi sgt, %get3A_45, %gt3A_331 : i32
    %convert_element_type3A_333 = arith.extui %gt3A_332 : i1 to i32
    %convert_element_type3A_334 = arith.sitofp %convert_element_type3A_333 : i32 to f32
    %sub3A_335 = arith.constant 1.000000e+00 : f32
    %sub3A_336 = vector.broadcast %sub3A_335 : f32 to vector<1x128xf32>
    %sub3A_337 = arith.subf %sub3A_336, %get3A_330 : vector<1x128xf32>
    %mul3A_338 = vector.broadcast %convert_element_type3A_334 : f32 to vector<1x128xf32>
    %mul3A_339 = arith.mulf %mul3A_338, %sub3A_337 : vector<1x128xf32>
    %sub3A_340 = vector.broadcast %slice3A : vector<128x1xf32> to vector<128x128xf32>
    %sub3A_341 = vector.broadcast %get3A_321 : vector<1x128xf32> to vector<128x128xf32>
    %sub3A_342 = arith.subf %sub3A_340, %sub3A_341 : vector<128x128xf32>
    %sub3A_343 = vector.broadcast %slice3A_21 : vector<128x1xf32> to vector<128x128xf32>
    %sub3A_344 = vector.broadcast %get3A_324 : vector<1x128xf32> to vector<128x128xf32>
    %sub3A_345 = arith.subf %sub3A_343, %sub3A_344 : vector<128x128xf32>
    %mul3A_346 = arith.mulf %sub3A_342, %sub3A_342 : vector<128x128xf32>
    %mul3A_347 = arith.mulf %sub3A_345, %sub3A_345 : vector<128x128xf32>
    %add3A_348 = arith.addf %mul3A_346, %mul3A_347 : vector<128x128xf32>
    %add3A_349 = arith.constant 9.99999996E-13 : f32
    %add3A_350 = vector.broadcast %add3A_349 : f32 to vector<128x128xf32>
    %add3A_351 = arith.addf %add3A_348, %add3A_350 : vector<128x128xf32>
    %sqrt3A_352 = math.sqrt %add3A_351 : vector<128x128xf32>
    %neg3A_353 = arith.constant 0.000000e+00 : f32
    %neg3A_354 = vector.broadcast %neg3A_353 : f32 to vector<128x128xf32>
    %neg3A_355 = arith.subf %neg3A_354, %sqrt3A_352 : vector<128x128xf32>
    %exp3A_356 = math.exp %neg3A_355 : vector<128x128xf32>
    %eq3A_357 = arith.cmpi eq, %get3A_316, %arg0 : i32
    %and3A_358 = vector.broadcast %eq3A_357 : i1 to vector<128x128xi1>
    %and3A_359 = arith.andi %eq3A_42, %and3A_358 : vector<128x128xi1>
    %jit3A_360 = arith.constant 0.000000e+00 : f32
    %broadcast_in_dim3A_361 = vector.broadcast %jit3A_360 : f32 to vector<128x128xf32>
    %select_n3A_362 = arith.select %and3A_359, %broadcast_in_dim3A_361, %exp3A_356 : vector<128x128xi1>, vector<128x128xf32>
    %mul3A_363 = vector.broadcast %mul3A_339 : vector<1x128xf32> to vector<128x128xf32>
    %mul3A_364 = arith.mulf %select_n3A_362, %mul3A_363 : vector<128x128xf32>
    %reduce_sum3A_365 = arith.constant dense<0.000000e+00> : vector<128xf32>
    %reduce_sum3A_366 = vector.multi_reduction <add>, %mul3A_364, %reduce_sum3A_365 [1] : vector<128x128xf32> to vector<128xf32>
    %broadcast_in_dim3A_367 = vector.shape_cast %reduce_sum3A_366 : vector<128xf32> to vector<128x1xf32>
    %add3A_368 = arith.addf %add3A_300, %broadcast_in_dim3A_367 : vector<128x1xf32>
    %logistic3A_369 = arith.negf %get3A_327 : vector<1x128xf32>
    %logistic3A_370 = math.exp %logistic3A_369 : vector<1x128xf32>
    %logistic3A_371 = arith.constant 1.000000e+00 : f32
    %logistic3A_372 = vector.broadcast %logistic3A_371 : f32 to vector<1x128xf32>
    %logistic3A_373 = arith.addf %logistic3A_372, %logistic3A_370 : vector<1x128xf32>
    %logistic3A_374 = arith.divf %logistic3A_372, %logistic3A_373 : vector<1x128xf32>
    %mul3A_375 = vector.broadcast %logistic3A_374 : vector<1x128xf32> to vector<128x128xf32>
    %mul3A_376 = arith.mulf %mul3A_364, %mul3A_375 : vector<128x128xf32>
    %reduce_sum3A_377 = arith.constant dense<0.000000e+00> : vector<128xf32>
    %reduce_sum3A_378 = vector.multi_reduction <add>, %mul3A_376, %reduce_sum3A_377 [1] : vector<128x128xf32> to vector<128xf32>
    %broadcast_in_dim3A_379 = vector.shape_cast %reduce_sum3A_378 : vector<128xf32> to vector<128x1xf32>
    %add3A_380 = arith.addf %add3A_312, %broadcast_in_dim3A_379 : vector<128x1xf32>
    %get3A_381 = arith.constant 0 : index
    %get3A_382 = arith.index_cast %arg0 : i32 to index
    %get3A_383 = arith.constant 5 : index
    %get3A_384 = memref.load %arg7[%get3A_381, %get3A_382, %get3A_383] : memref<2x32x8xi32, #tpu.memory_space<smem>>
    %mul3A_385 = arith.constant 128 : i32
    %mul3A_386 = arith.muli %get3A_384, %mul3A_385 : i32
    %get3A_387 = arith.constant 0 : index
    %get3A_388 = arith.index_cast %mul3A_386 : i32 to index
    %get3A_389 = vector.load %arg5[%get3A_387, %get3A_388] : memref<1x8192xf32, #tpu.memory_space<vmem>>, vector<1x128xf32>
    %get3A_390 = arith.constant 0 : index
    %get3A_391 = arith.index_cast %mul3A_386 : i32 to index
    %get3A_392 = vector.load %arg6[%get3A_390, %get3A_391] : memref<1x8192xf32, #tpu.memory_space<vmem>>, vector<1x128xf32>
    %get3A_393 = arith.constant 0 : index
    %get3A_394 = arith.index_cast %mul3A_386 : i32 to index
    %get3A_395 = vector.load %arg1[%get3A_393, %get3A_394] : memref<1x8192xf32, #tpu.memory_space<vmem>>, vector<1x128xf32>
    %get3A_396 = arith.constant 0 : index
    %get3A_397 = arith.index_cast %mul3A_386 : i32 to index
    %get3A_398 = vector.load %arg4[%get3A_396, %get3A_397] : memref<1x8192xf32, #tpu.memory_space<vmem>>, vector<1x128xf32>
    %gt3A_399 = arith.constant 5 : i32
    %gt3A_400 = arith.cmpi sgt, %get3A_45, %gt3A_399 : i32
    %convert_element_type3A_401 = arith.extui %gt3A_400 : i1 to i32
    %convert_element_type3A_402 = arith.sitofp %convert_element_type3A_401 : i32 to f32
    %sub3A_403 = arith.constant 1.000000e+00 : f32
    %sub3A_404 = vector.broadcast %sub3A_403 : f32 to vector<1x128xf32>
    %sub3A_405 = arith.subf %sub3A_404, %get3A_398 : vector<1x128xf32>
    %mul3A_406 = vector.broadcast %convert_element_type3A_402 : f32 to vector<1x128xf32>
    %mul3A_407 = arith.mulf %mul3A_406, %sub3A_405 : vector<1x128xf32>
    %sub3A_408 = vector.broadcast %slice3A : vector<128x1xf32> to vector<128x128xf32>
    %sub3A_409 = vector.broadcast %get3A_389 : vector<1x128xf32> to vector<128x128xf32>
    %sub3A_410 = arith.subf %sub3A_408, %sub3A_409 : vector<128x128xf32>
    %sub3A_411 = vector.broadcast %slice3A_21 : vector<128x1xf32> to vector<128x128xf32>
    %sub3A_412 = vector.broadcast %get3A_392 : vector<1x128xf32> to vector<128x128xf32>
    %sub3A_413 = arith.subf %sub3A_411, %sub3A_412 : vector<128x128xf32>
    %mul3A_414 = arith.mulf %sub3A_410, %sub3A_410 : vector<128x128xf32>
    %mul3A_415 = arith.mulf %sub3A_413, %sub3A_413 : vector<128x128xf32>
    %add3A_416 = arith.addf %mul3A_414, %mul3A_415 : vector<128x128xf32>
    %add3A_417 = arith.constant 9.99999996E-13 : f32
    %add3A_418 = vector.broadcast %add3A_417 : f32 to vector<128x128xf32>
    %add3A_419 = arith.addf %add3A_416, %add3A_418 : vector<128x128xf32>
    %sqrt3A_420 = math.sqrt %add3A_419 : vector<128x128xf32>
    %neg3A_421 = arith.constant 0.000000e+00 : f32
    %neg3A_422 = vector.broadcast %neg3A_421 : f32 to vector<128x128xf32>
    %neg3A_423 = arith.subf %neg3A_422, %sqrt3A_420 : vector<128x128xf32>
    %exp3A_424 = math.exp %neg3A_423 : vector<128x128xf32>
    %eq3A_425 = arith.cmpi eq, %get3A_384, %arg0 : i32
    %and3A_426 = vector.broadcast %eq3A_425 : i1 to vector<128x128xi1>
    %and3A_427 = arith.andi %eq3A_42, %and3A_426 : vector<128x128xi1>
    %jit3A_428 = arith.constant 0.000000e+00 : f32
    %broadcast_in_dim3A_429 = vector.broadcast %jit3A_428 : f32 to vector<128x128xf32>
    %select_n3A_430 = arith.select %and3A_427, %broadcast_in_dim3A_429, %exp3A_424 : vector<128x128xi1>, vector<128x128xf32>
    %mul3A_431 = vector.broadcast %mul3A_407 : vector<1x128xf32> to vector<128x128xf32>
    %mul3A_432 = arith.mulf %select_n3A_430, %mul3A_431 : vector<128x128xf32>
    %reduce_sum3A_433 = arith.constant dense<0.000000e+00> : vector<128xf32>
    %reduce_sum3A_434 = vector.multi_reduction <add>, %mul3A_432, %reduce_sum3A_433 [1] : vector<128x128xf32> to vector<128xf32>
    %broadcast_in_dim3A_435 = vector.shape_cast %reduce_sum3A_434 : vector<128xf32> to vector<128x1xf32>
    %add3A_436 = arith.addf %add3A_368, %broadcast_in_dim3A_435 : vector<128x1xf32>
    %logistic3A_437 = arith.negf %get3A_395 : vector<1x128xf32>
    %logistic3A_438 = math.exp %logistic3A_437 : vector<1x128xf32>
    %logistic3A_439 = arith.constant 1.000000e+00 : f32
    %logistic3A_440 = vector.broadcast %logistic3A_439 : f32 to vector<1x128xf32>
    %logistic3A_441 = arith.addf %logistic3A_440, %logistic3A_438 : vector<1x128xf32>
    %logistic3A_442 = arith.divf %logistic3A_440, %logistic3A_441 : vector<1x128xf32>
    %mul3A_443 = vector.broadcast %logistic3A_442 : vector<1x128xf32> to vector<128x128xf32>
    %mul3A_444 = arith.mulf %mul3A_432, %mul3A_443 : vector<128x128xf32>
    %reduce_sum3A_445 = arith.constant dense<0.000000e+00> : vector<128xf32>
    %reduce_sum3A_446 = vector.multi_reduction <add>, %mul3A_444, %reduce_sum3A_445 [1] : vector<128x128xf32> to vector<128xf32>
    %broadcast_in_dim3A_447 = vector.shape_cast %reduce_sum3A_446 : vector<128xf32> to vector<128x1xf32>
    %add3A_448 = arith.addf %add3A_380, %broadcast_in_dim3A_447 : vector<128x1xf32>
    %get3A_449 = arith.constant 0 : index
    %get3A_450 = arith.index_cast %arg0 : i32 to index
    %get3A_451 = arith.constant 6 : index
    %get3A_452 = memref.load %arg7[%get3A_449, %get3A_450, %get3A_451] : memref<2x32x8xi32, #tpu.memory_space<smem>>
    %mul3A_453 = arith.constant 128 : i32
    %mul3A_454 = arith.muli %get3A_452, %mul3A_453 : i32
    %get3A_455 = arith.constant 0 : index
    %get3A_456 = arith.index_cast %mul3A_454 : i32 to index
    %get3A_457 = vector.load %arg5[%get3A_455, %get3A_456] : memref<1x8192xf32, #tpu.memory_space<vmem>>, vector<1x128xf32>
    %get3A_458 = arith.constant 0 : index
    %get3A_459 = arith.index_cast %mul3A_454 : i32 to index
    %get3A_460 = vector.load %arg6[%get3A_458, %get3A_459] : memref<1x8192xf32, #tpu.memory_space<vmem>>, vector<1x128xf32>
    %get3A_461 = arith.constant 0 : index
    %get3A_462 = arith.index_cast %mul3A_454 : i32 to index
    %get3A_463 = vector.load %arg1[%get3A_461, %get3A_462] : memref<1x8192xf32, #tpu.memory_space<vmem>>, vector<1x128xf32>
    %get3A_464 = arith.constant 0 : index
    %get3A_465 = arith.index_cast %mul3A_454 : i32 to index
    %get3A_466 = vector.load %arg4[%get3A_464, %get3A_465] : memref<1x8192xf32, #tpu.memory_space<vmem>>, vector<1x128xf32>
    %gt3A_467 = arith.constant 6 : i32
    %gt3A_468 = arith.cmpi sgt, %get3A_45, %gt3A_467 : i32
    %convert_element_type3A_469 = arith.extui %gt3A_468 : i1 to i32
    %convert_element_type3A_470 = arith.sitofp %convert_element_type3A_469 : i32 to f32
    %sub3A_471 = arith.constant 1.000000e+00 : f32
    %sub3A_472 = vector.broadcast %sub3A_471 : f32 to vector<1x128xf32>
    %sub3A_473 = arith.subf %sub3A_472, %get3A_466 : vector<1x128xf32>
    %mul3A_474 = vector.broadcast %convert_element_type3A_470 : f32 to vector<1x128xf32>
    %mul3A_475 = arith.mulf %mul3A_474, %sub3A_473 : vector<1x128xf32>
    %sub3A_476 = vector.broadcast %slice3A : vector<128x1xf32> to vector<128x128xf32>
    %sub3A_477 = vector.broadcast %get3A_457 : vector<1x128xf32> to vector<128x128xf32>
    %sub3A_478 = arith.subf %sub3A_476, %sub3A_477 : vector<128x128xf32>
    %sub3A_479 = vector.broadcast %slice3A_21 : vector<128x1xf32> to vector<128x128xf32>
    %sub3A_480 = vector.broadcast %get3A_460 : vector<1x128xf32> to vector<128x128xf32>
    %sub3A_481 = arith.subf %sub3A_479, %sub3A_480 : vector<128x128xf32>
    %mul3A_482 = arith.mulf %sub3A_478, %sub3A_478 : vector<128x128xf32>
    %mul3A_483 = arith.mulf %sub3A_481, %sub3A_481 : vector<128x128xf32>
    %add3A_484 = arith.addf %mul3A_482, %mul3A_483 : vector<128x128xf32>
    %add3A_485 = arith.constant 9.99999996E-13 : f32
    %add3A_486 = vector.broadcast %add3A_485 : f32 to vector<128x128xf32>
    %add3A_487 = arith.addf %add3A_484, %add3A_486 : vector<128x128xf32>
    %sqrt3A_488 = math.sqrt %add3A_487 : vector<128x128xf32>
    %neg3A_489 = arith.constant 0.000000e+00 : f32
    %neg3A_490 = vector.broadcast %neg3A_489 : f32 to vector<128x128xf32>
    %neg3A_491 = arith.subf %neg3A_490, %sqrt3A_488 : vector<128x128xf32>
    %exp3A_492 = math.exp %neg3A_491 : vector<128x128xf32>
    %eq3A_493 = arith.cmpi eq, %get3A_452, %arg0 : i32
    %and3A_494 = vector.broadcast %eq3A_493 : i1 to vector<128x128xi1>
    %and3A_495 = arith.andi %eq3A_42, %and3A_494 : vector<128x128xi1>
    %jit3A_496 = arith.constant 0.000000e+00 : f32
    %broadcast_in_dim3A_497 = vector.broadcast %jit3A_496 : f32 to vector<128x128xf32>
    %select_n3A_498 = arith.select %and3A_495, %broadcast_in_dim3A_497, %exp3A_492 : vector<128x128xi1>, vector<128x128xf32>
    %mul3A_499 = vector.broadcast %mul3A_475 : vector<1x128xf32> to vector<128x128xf32>
    %mul3A_500 = arith.mulf %select_n3A_498, %mul3A_499 : vector<128x128xf32>
    %reduce_sum3A_501 = arith.constant dense<0.000000e+00> : vector<128xf32>
    %reduce_sum3A_502 = vector.multi_reduction <add>, %mul3A_500, %reduce_sum3A_501 [1] : vector<128x128xf32> to vector<128xf32>
    %broadcast_in_dim3A_503 = vector.shape_cast %reduce_sum3A_502 : vector<128xf32> to vector<128x1xf32>
    %add3A_504 = arith.addf %add3A_436, %broadcast_in_dim3A_503 : vector<128x1xf32>
    %logistic3A_505 = arith.negf %get3A_463 : vector<1x128xf32>
    %logistic3A_506 = math.exp %logistic3A_505 : vector<1x128xf32>
    %logistic3A_507 = arith.constant 1.000000e+00 : f32
    %logistic3A_508 = vector.broadcast %logistic3A_507 : f32 to vector<1x128xf32>
    %logistic3A_509 = arith.addf %logistic3A_508, %logistic3A_506 : vector<1x128xf32>
    %logistic3A_510 = arith.divf %logistic3A_508, %logistic3A_509 : vector<1x128xf32>
    %mul3A_511 = vector.broadcast %logistic3A_510 : vector<1x128xf32> to vector<128x128xf32>
    %mul3A_512 = arith.mulf %mul3A_500, %mul3A_511 : vector<128x128xf32>
    %reduce_sum3A_513 = arith.constant dense<0.000000e+00> : vector<128xf32>
    %reduce_sum3A_514 = vector.multi_reduction <add>, %mul3A_512, %reduce_sum3A_513 [1] : vector<128x128xf32> to vector<128xf32>
    %broadcast_in_dim3A_515 = vector.shape_cast %reduce_sum3A_514 : vector<128xf32> to vector<128x1xf32>
    %add3A_516 = arith.addf %add3A_448, %broadcast_in_dim3A_515 : vector<128x1xf32>
    %get3A_517 = arith.constant 0 : index
    %get3A_518 = arith.index_cast %arg0 : i32 to index
    %get3A_519 = arith.constant 7 : index
    %get3A_520 = memref.load %arg7[%get3A_517, %get3A_518, %get3A_519] : memref<2x32x8xi32, #tpu.memory_space<smem>>
    %mul3A_521 = arith.constant 128 : i32
    %mul3A_522 = arith.muli %get3A_520, %mul3A_521 : i32
    %get3A_523 = arith.constant 0 : index
    %get3A_524 = arith.index_cast %mul3A_522 : i32 to index
    %get3A_525 = vector.load %arg5[%get3A_523, %get3A_524] : memref<1x8192xf32, #tpu.memory_space<vmem>>, vector<1x128xf32>
    %get3A_526 = arith.constant 0 : index
    %get3A_527 = arith.index_cast %mul3A_522 : i32 to index
    %get3A_528 = vector.load %arg6[%get3A_526, %get3A_527] : memref<1x8192xf32, #tpu.memory_space<vmem>>, vector<1x128xf32>
    %get3A_529 = arith.constant 0 : index
    %get3A_530 = arith.index_cast %mul3A_522 : i32 to index
    %get3A_531 = vector.load %arg1[%get3A_529, %get3A_530] : memref<1x8192xf32, #tpu.memory_space<vmem>>, vector<1x128xf32>
    %get3A_532 = arith.constant 0 : index
    %get3A_533 = arith.index_cast %mul3A_522 : i32 to index
    %get3A_534 = vector.load %arg4[%get3A_532, %get3A_533] : memref<1x8192xf32, #tpu.memory_space<vmem>>, vector<1x128xf32>
    %gt3A_535 = arith.constant 7 : i32
    %gt3A_536 = arith.cmpi sgt, %get3A_45, %gt3A_535 : i32
    %convert_element_type3A_537 = arith.extui %gt3A_536 : i1 to i32
    %convert_element_type3A_538 = arith.sitofp %convert_element_type3A_537 : i32 to f32
    %sub3A_539 = arith.constant 1.000000e+00 : f32
    %sub3A_540 = vector.broadcast %sub3A_539 : f32 to vector<1x128xf32>
    %sub3A_541 = arith.subf %sub3A_540, %get3A_534 : vector<1x128xf32>
    %mul3A_542 = vector.broadcast %convert_element_type3A_538 : f32 to vector<1x128xf32>
    %mul3A_543 = arith.mulf %mul3A_542, %sub3A_541 : vector<1x128xf32>
    %sub3A_544 = vector.broadcast %slice3A : vector<128x1xf32> to vector<128x128xf32>
    %sub3A_545 = vector.broadcast %get3A_525 : vector<1x128xf32> to vector<128x128xf32>
    %sub3A_546 = arith.subf %sub3A_544, %sub3A_545 : vector<128x128xf32>
    %sub3A_547 = vector.broadcast %slice3A_21 : vector<128x1xf32> to vector<128x128xf32>
    %sub3A_548 = vector.broadcast %get3A_528 : vector<1x128xf32> to vector<128x128xf32>
    %sub3A_549 = arith.subf %sub3A_547, %sub3A_548 : vector<128x128xf32>
    %mul3A_550 = arith.mulf %sub3A_546, %sub3A_546 : vector<128x128xf32>
    %mul3A_551 = arith.mulf %sub3A_549, %sub3A_549 : vector<128x128xf32>
    %add3A_552 = arith.addf %mul3A_550, %mul3A_551 : vector<128x128xf32>
    %add3A_553 = arith.constant 9.99999996E-13 : f32
    %add3A_554 = vector.broadcast %add3A_553 : f32 to vector<128x128xf32>
    %add3A_555 = arith.addf %add3A_552, %add3A_554 : vector<128x128xf32>
    %sqrt3A_556 = math.sqrt %add3A_555 : vector<128x128xf32>
    %neg3A_557 = arith.constant 0.000000e+00 : f32
    %neg3A_558 = vector.broadcast %neg3A_557 : f32 to vector<128x128xf32>
    %neg3A_559 = arith.subf %neg3A_558, %sqrt3A_556 : vector<128x128xf32>
    %exp3A_560 = math.exp %neg3A_559 : vector<128x128xf32>
    %eq3A_561 = arith.cmpi eq, %get3A_520, %arg0 : i32
    %and3A_562 = vector.broadcast %eq3A_561 : i1 to vector<128x128xi1>
    %and3A_563 = arith.andi %eq3A_42, %and3A_562 : vector<128x128xi1>
    %jit3A_564 = arith.constant 0.000000e+00 : f32
    %broadcast_in_dim3A_565 = vector.broadcast %jit3A_564 : f32 to vector<128x128xf32>
    %select_n3A_566 = arith.select %and3A_563, %broadcast_in_dim3A_565, %exp3A_560 : vector<128x128xi1>, vector<128x128xf32>
    %mul3A_567 = vector.broadcast %mul3A_543 : vector<1x128xf32> to vector<128x128xf32>
    %mul3A_568 = arith.mulf %select_n3A_566, %mul3A_567 : vector<128x128xf32>
    %reduce_sum3A_569 = arith.constant dense<0.000000e+00> : vector<128xf32>
    %reduce_sum3A_570 = vector.multi_reduction <add>, %mul3A_568, %reduce_sum3A_569 [1] : vector<128x128xf32> to vector<128xf32>
    %broadcast_in_dim3A_571 = vector.shape_cast %reduce_sum3A_570 : vector<128xf32> to vector<128x1xf32>
    %add3A_572 = arith.addf %add3A_504, %broadcast_in_dim3A_571 : vector<128x1xf32>
    %logistic3A_573 = arith.negf %get3A_531 : vector<1x128xf32>
    %logistic3A_574 = math.exp %logistic3A_573 : vector<1x128xf32>
    %logistic3A_575 = arith.constant 1.000000e+00 : f32
    %logistic3A_576 = vector.broadcast %logistic3A_575 : f32 to vector<1x128xf32>
    %logistic3A_577 = arith.addf %logistic3A_576, %logistic3A_574 : vector<1x128xf32>
    %logistic3A_578 = arith.divf %logistic3A_576, %logistic3A_577 : vector<1x128xf32>
    %mul3A_579 = vector.broadcast %logistic3A_578 : vector<1x128xf32> to vector<128x128xf32>
    %mul3A_580 = arith.mulf %mul3A_568, %mul3A_579 : vector<128x128xf32>
    %reduce_sum3A_581 = arith.constant dense<0.000000e+00> : vector<128xf32>
    %reduce_sum3A_582 = vector.multi_reduction <add>, %mul3A_580, %reduce_sum3A_581 [1] : vector<128x128xf32> to vector<128xf32>
    %broadcast_in_dim3A_583 = vector.shape_cast %reduce_sum3A_582 : vector<128xf32> to vector<128x1xf32>
    %add3A_584 = arith.addf %add3A_516, %broadcast_in_dim3A_583 : vector<128x1xf32>
    %add3A_585 = arith.constant 9.99999993E-9 : f32
    %add3A_586 = vector.broadcast %add3A_585 : f32 to vector<128x1xf32>
    %add3A_587 = arith.addf %add3A_572, %add3A_586 : vector<128x1xf32>
    %div3A = arith.divf %add3A_584, %add3A_587 : vector<128x1xf32>
    %get3A_588 = arith.constant 4 : index
    %get3A_589 = memref.load %arg10[%get3A_588] : memref<5xf32, #tpu.memory_space<smem>>
    %sub3A_590 = arith.subf %logistic3A_30, %div3A : vector<128x1xf32>
    %integer_pow3A = arith.mulf %sub3A_590, %sub3A_590 : vector<128x1xf32>
    %mul3A_591 = arith.mulf %integer_pow3A, %slice3A_40 : vector<128x1xf32>
    %reduce_sum3A_592 = vector.shape_cast %mul3A_591 : vector<128x1xf32> to vector<1x128x1xf32>
    %reduce_sum3A_593 = arith.constant dense<0.000000e+00> : vector<1xf32>
    %reduce_sum3A_594 = vector.multi_reduction <add>, %reduce_sum3A_592, %reduce_sum3A_593 [1, 2] : vector<1x128x1xf32> to vector<1xf32>
    %reduce_sum3A_595 = vector.shape_cast %reduce_sum3A_594 : vector<1xf32> to vector<1x1x1xf32>
    %reduce_sum3A_596 = vector.extract %reduce_sum3A_595[0, 0, 0] : f32 from vector<1x1x1xf32>
    %add3A_597 = arith.addf %get3A_589, %reduce_sum3A_596 : f32
    %swap3A = arith.constant 4 : index
    %swap3A_598 = memref.load %arg10[%swap3A] : memref<5xf32, #tpu.memory_space<smem>>
    memref.store %add3A_597, %arg10[%swap3A] : memref<5xf32, #tpu.memory_space<smem>>
    %eq3A_599 = arith.constant 31 : i32
    %eq3A_600 = arith.cmpi eq, %arg0, %eq3A_599 : i32
    %convert_element_type3A_601 = arith.extui %eq3A_600 : i1 to i32
    %cond3A_602 = arith.constant 0 : i32
    %cond3A_603 = arith.cmpi ne, %convert_element_type3A_601, %cond3A_602 : i32
    scf.if %cond3A_603 {
      %get3A_604 = arith.constant 0 : index
      %get3A_605 = memref.load %arg10[%get3A_604] : memref<5xf32, #tpu.memory_space<smem>>
      %swap3A_606 = arith.constant 0 : index
      %swap3A_607 = memref.load %arg9[%swap3A_606] : memref<5xf32, #tpu.memory_space<smem>>
      memref.store %get3A_605, %arg9[%swap3A_606] : memref<5xf32, #tpu.memory_space<smem>>
      %get3A_608 = arith.constant 1 : index
      %get3A_609 = memref.load %arg10[%get3A_608] : memref<5xf32, #tpu.memory_space<smem>>
      %swap3A_610 = arith.constant 1 : index
      %swap3A_611 = memref.load %arg9[%swap3A_610] : memref<5xf32, #tpu.memory_space<smem>>
      memref.store %get3A_609, %arg9[%swap3A_610] : memref<5xf32, #tpu.memory_space<smem>>
      %get3A_612 = arith.constant 2 : index
      %get3A_613 = memref.load %arg10[%get3A_612] : memref<5xf32, #tpu.memory_space<smem>>
      %swap3A_614 = arith.constant 2 : index
      %swap3A_615 = memref.load %arg9[%swap3A_614] : memref<5xf32, #tpu.memory_space<smem>>
      memref.store %get3A_613, %arg9[%swap3A_614] : memref<5xf32, #tpu.memory_space<smem>>
      %get3A_616 = arith.constant 3 : index
      %get3A_617 = memref.load %arg10[%get3A_616] : memref<5xf32, #tpu.memory_space<smem>>
      %swap3A_618 = arith.constant 3 : index
      %swap3A_619 = memref.load %arg9[%swap3A_618] : memref<5xf32, #tpu.memory_space<smem>>
      memref.store %get3A_617, %arg9[%swap3A_618] : memref<5xf32, #tpu.memory_space<smem>>
      %get3A_620 = arith.constant 4 : index
      %get3A_621 = memref.load %arg10[%get3A_620] : memref<5xf32, #tpu.memory_space<smem>>
      %swap3A_622 = arith.constant 4 : index
      %swap3A_623 = memref.load %arg9[%swap3A_622] : memref<5xf32, #tpu.memory_space<smem>>
      memref.store %get3A_621, %arg9[%swap3A_622] : memref<5xf32, #tpu.memory_space<smem>>
    } else {
    }
    return
  }
  func.func @transform_0(%arg0: i32) -> (i32, i32) {
    %c0_i32 = arith.constant 0 : i32
    %c0_i32_0 = arith.constant 0 : i32
    %c0_i32_1 = arith.constant 0 : i32
    return %c0_i32, %c0_i32_0 : i32, i32
  }
  func.func @transform_1(%arg0: i32) -> (i32, i32) {
    %c0_i32 = arith.constant 0 : i32
    %c0_i32_0 = arith.constant 0 : i32
    %c0_i32_1 = arith.constant 0 : i32
    return %c0_i32, %c0_i32_0 : i32, i32
  }
  func.func @transform_2(%arg0: i32) -> (i32, i32) {
    %c0_i32 = arith.constant 0 : i32
    %c0_i32_0 = arith.constant 0 : i32
    %c0_i32_1 = arith.constant 0 : i32
    return %c0_i32, %c0_i32_0 : i32, i32
  }
  func.func @transform_3(%arg0: i32) -> (i32, i32) {
    %c0_i32 = arith.constant 0 : i32
    %c0_i32_0 = arith.constant 0 : i32
    %c0_i32_1 = arith.constant 0 : i32
    return %c0_i32, %c0_i32_0 : i32, i32
  }
  func.func @transform_4(%arg0: i32) -> (i32, i32) {
    %c0_i32 = arith.constant 0 : i32
    %c0_i32_0 = arith.constant 0 : i32
    %c0_i32_1 = arith.constant 0 : i32
    return %c0_i32, %c0_i32_0 : i32, i32
  }
  func.func @transform_5(%arg0: i32) -> (i32, i32) {
    %c0_i32 = arith.constant 0 : i32
    %c0_i32_0 = arith.constant 0 : i32
    %c0_i32_1 = arith.constant 0 : i32
    return %c0_i32, %c0_i32_0 : i32, i32
  }
  func.func @transform_6(%arg0: i32) -> (i32, i32, i32) {
    %c0_i32 = arith.constant 0 : i32
    %c0_i32_0 = arith.constant 0 : i32
    %c0_i32_1 = arith.constant 0 : i32
    %c0_i32_2 = arith.constant 0 : i32
    return %c0_i32, %c0_i32_0, %c0_i32_1 : i32, i32, i32
  }
  func.func @transform_7(%arg0: i32) -> (i32, i32) {
    %c0_i32 = arith.constant 0 : i32
    %c0_i32_0 = arith.constant 0 : i32
    %c0_i32_1 = arith.constant 0 : i32
    return %c0_i32, %c0_i32_0 : i32, i32
  }
  func.func @transform_8(%arg0: i32) -> i32 {
    %c0_i32 = arith.constant 0 : i32
    %c0_i32_0 = arith.constant 0 : i32
    return %c0_i32 : i32
  }
}

</mosaic_0001>

<sc_bundles>
// kernel: kernel.4.cloned.1.call-start
scs
__scs_entry_jumppad:
0x0: {  	(pc) =	sbr.rel $0x88, $3  }
0x1: {  	(tag) =	ssettag $0x0;
	lr =	simm.s32 $0x1  }
0x2: {  	[smem:$0x3F9A] =	sst lr;
	_ =	strace $0xD0000000  }
0x3: {  	_ = 	snop  }
0x4: {  	_ = 	snop  }
0x5: {  	_ = 	snop  }
0x6: {  	_ = 	snop  }
0x7: {  	_ = 	snop  }
__scs_overlays_trampoline_lowered:
0x8: {  	[smem:$0x3FA9] =	sst s0  }
0x9: {  	[smem:$0x3FAA] =	sst s1  }
0xa: {  	[smem:$0x3FAB] =	sst s2  }
0xb: {  	[smem:$0x3FAC] =	sst s3  }
0xc: {  	[smem:$0x3FAD] =	sst s4  }
0xd: {  	[smem:$0x3FAE] =	sst s5  }
0xe: {  	[smem:$0x3FAF] =	sst s6  }
0xf: {  	[smem:$0x3FB0] =	sst s7  }
0x10: {  	[smem:$0x3FB1] =	sst s8  }
0x11: {  	[smem:$0x3FB2] =	sst s9;
	s0 =	simm.s32 @!p0 $0x0  }
0x12: {  	s1 =	sld [smem:$0x3F98];
	s0 =	simm.s32 @p0 $0x1  }
0x13: {  	[smem:$0x3FB3] =	sst s0;
	s0 =	simm.s32 @!p1 $0x0  }
0x14: {  	s2 =	sld [smem:$0x3F97];
	s0 =	simm.s32 @p1 $0x1  }
0x15: {  	[smem:$0x3FB4] =	sst s0;
	s0 =	simm.s32 @!p2 $0x0  }
0x16: {  	s3 =	sld [smem:$0x3FDB];
	s0 =	simm.s32 @p2 $0x1  }
0x17: {  	s4 =	simm.s32 $0x1BF5;
	[smem:$0x3FB6] =	sst s0  }
0x18: {  	s0 =	sld [smem:$0x3F99];
	_ =	swait.ge [sflag:s4], $0x0  }
0x19: {  	s7 =	sld [smem:$0x3F9A]  }
0x1a: {  	s8 =	sadd.s32 $0xFFFFE003, lr  }
0x1b: {  	s9 =	sadd.s32 $0xFFFFFEF7, lr;
	s5 =	simm.s32 $0xFFFFFFFF;
	p2 =	slt.u32 s8, $0xFFFFF086  }
0x1c: {  	p1 =	slt.u32 s9, $0xF7A;
	s5 =	simm.s32 @!p2 $0x0  }
0x1d: {  	s5 =	simm.s32 @p1 $0x1;
	p0 =	seq.s32 s7, s2  }
0x1e: {  	s7 =	smul.u32 @!p0 $0xF7A, s2;
	p2 =	seq.s32 @!p0 s5, $0x0  }
0x1f: {  	s9 =	smul.u32 $0xF7A, s1;
	s8 =	simm.s32 @!p0 $0x1BF5;
	p2 =	por !p2, p0  }
0x20: {  	[sflag:s8] =	ssyncset.s32 @!p0 $0xFFFFF086;
	s6 =	sadd.s32 @!p0 s3, s7;
	s7 =	simm.s32 @!p0 $0x108  }
0x21: {  	s3 =	sadd.s32 s3, s9;
	s6 =	sadd.s32 @!p0 $0x88, s6;
	s7 =	simm.s32 @p2 $0x1082  }
0x22: {  	[simem:s7], [sflag:s8] =	dma.local @!p0 [hbm:s6], $0xF7A  }
0x23: {  	s9 =	sor.u32 $0xD0000000, s2;
	s6 =	simm.s32 $0x108;
	_ =	swait.ge @!p0 [sflag:s8], $0x0  }
0x24: {  	s3 =	sadd.s32 $0x88, s3;
	s6 =	simm.s32 @!p1 $0x1082;
	[sflag:s4] =	ssyncset.s32 $0xFFFFF086  }
0x25: {  	[simem:s6], [sflag:s4] =	dma.local [hbm:s3], $0xF7A  }
0x26: {  	[smem:$0x3F9A] =	sst s1;
	(tag) =	ssettag s2;
	_ =	strace s9  }
0x27: {  	s1 =	sld [smem:$0x3FAA]  }
0x28: {  	s2 =	sld [smem:$0x3FAB]  }
0x29: {  	s4 =	sld [smem:$0x3FAD]  }
0x2a: {  	p0 =	seq.s32 s5, $0x0;
	s5 =	sld [smem:$0x3FAE]  }
0x2b: {  	s6 =	sld [smem:$0x3FAF]  }
0x2c: {  	s7 =	sld [smem:$0x3FB0]  }
0x2d: {  	s3 =	simm.s32 $0x108;
	s8 =	sld [smem:$0x3FB1]  }
0x2e: {  	s3 =	simm.s32 @!p0 $0x1082;
	s9 =	sld [smem:$0x3FB2]  }
0x2f: {  	lr =	sadd.s32 s0, s3;
	s0 =	sld [smem:$0x3FA9]  }
0x30: {  	s3 =	sld [smem:$0x3FAC]  }
0x31: {  	[smem:$0x3FB5] =	sst s10  }
0x32: {  	s10 =	sld [smem:$0x3FB3];
	_ =	sdelay $0x3  }
0x33: {  	p0 =	seq.s32 s10, $0x1;
	s10 =	sld [smem:$0x3FB5];
	_ =	sdelay $0x3  }
0x34: {  	[smem:$0x3FB5] =	sst s10  }
0x35: {  	s10 =	sld [smem:$0x3FB4];
	_ =	sdelay $0x3  }
0x36: {  	p1 =	seq.s32 s10, $0x1;
	s10 =	sld [smem:$0x3FB5];
	_ =	sdelay $0x3  }
0x37: {  	[smem:$0x3FB5] =	sst s10  }
0x38: {  	s10 =	sld [smem:$0x3FB6]  }
0x39: {  	_ = 	snop;
	(pc) =	sbr.ind lr, $3  }
0x3a: {  	_ = 	snop  }
0x3b: {  	_ = 	snop  }
0x3c: {  	p2 =	seq.s32 s10, $0x1;
	s10 =	sld [smem:$0x3FB5]  }
0x3d: {  	_ =	shalt  }
0x3e: {  	_ =	shalt  }
0x3f: {  	_ =	shalt  }
0x40: {  	_ =	shalt  }
0x41: {  	_ =	shalt  }
0x42: {  	_ =	shalt  }
0x43: {  	_ =	shalt  }
0x44: {  	_ =	shalt  }
0x45: {  	_ =	shalt  }
0x46: {  	_ =	shalt  }
0x47: {  	_ =	shalt  }
0x48: {  	_ =	shalt  }
0x49: {  	_ =	shalt  }
0x4a: {  	_ =	shalt  }
0x4b: {  	_ =	shalt  }
0x4c: {  	_ =	shalt  }
0x4d: {  	_ =	shalt  }
0x4e: {  	_ =	shalt  }
0x4f: {  	_ =	shalt  }
0x50: {  	_ =	shalt  }
0x51: {  	_ =	shalt  }
0x52: {  	_ =	shalt  }
0x53: {  	_ =	shalt  }
0x54: {  	_ =	shalt  }
0x55: {  	_ =	shalt  }
0x56: {  	_ =	shalt  }
0x57: {  	_ =	shalt  }
0x58: {  	_ =	shalt  }
0x59: {  	_ =	shalt  }
0x5a: {  	_ =	shalt  }
0x5b: {  	_ =	shalt  }
0x5c: {  	_ =	shalt  }
0x5d: {  	_ =	shalt  }
0x5e: {  	_ =	shalt  }
0x5f: {  	_ =	shalt  }
0x60: {  	_ =	shalt  }
0x61: {  	_ =	shalt  }
0x62: {  	_ =	shalt  }
0x63: {  	_ =	shalt  }
0x64: {  	_ =	shalt  }
0x65: {  	_ =	shalt  }
0x66: {  	_ =	shalt  }
0x67: {  	_ =	shalt  }
0x68: {  	_ =	shalt  }
0x69: {  	_ =	shalt  }
0x6a: {  	_ =	shalt  }
0x6b: {  	_ =	shalt  }
0x6c: {  	_ =	shalt  }
0x6d: {  	_ =	shalt  }
0x6e: {  	_ =	shalt  }
0x6f: {  	_ =	shalt  }
0x70: {  	_ =	shalt  }
0x71: {  	_ =	shalt  }
0x72: {  	_ =	shalt  }
0x73: {  	_ =	shalt  }
0x74: {  	_ =	shalt  }
0x75: {  	_ =	shalt  }
0x76: {  	_ =	shalt  }
0x77: {  	_ =	shalt  }
0x78: {  	_ =	shalt  }
0x79: {  	_ =	shalt  }
0x7a: {  	_ =	shalt  }
0x7b: {  	_ =	shalt  }
0x7c: {  	_ =	shalt  }
0x7d: {  	_ =	shalt  }
0x7e: {  	_ =	shalt  }
0x7f: {  	_ =	shalt  }
0x80: {  	_ =	shalt  }
0x81: {  	_ =	shalt  }
0x82: {  	_ =	shalt  }
0x83: {  	_ =	shalt  }
0x84: {  	_ =	shalt  }
0x85: {  	_ =	shalt  }
0x86: {  	_ =	shalt  }
0x87: {  	_ =	shalt  }
.Lfunc_end0:
.L_simem_size_0:
called_computation_lowered:
.L_overlay_start_0:
0x88: {  	s2 =	sld [smem:$0x3FD9]  }
0x89: {  	s3 =	sld [smem:$0x3FFE];
	_ =	sdelay $0x1  }
0x8a: {  	s1 =	srdreg.scid  }
0x8b: {  	s0 =	sand.u32 $0x1, s1  }
0x8c: {  	s16 =	sshll.u32 s0, $0xA;
	s2 =	sadd.s32 s3, s2  }
0x8d: {  	s2 =	sadd.s32 s2, s16  }
0x8e: {  	[smem:$0x3FC1] =	sst s2  }
0x8f: {  	_ = 	snop  }
0x90: {  	(tm) =	ssettm $0x1  }
0x91: {  	s17 =	sld [smem:$0x3FFB];
	_ =	sdelay $0x3  }
0x92: {  	_ =	strace s17  }
0x93: {  	s2 =	sld [smem:$0x3FFC];
	_ =	sdelay $0x3  }
0x94: {  	_ =	strace s2  }
0x95: {  	s2 =	sld [smem:$0x3FFD];
	_ =	sdelay $0x3  }
0x96: {  	_ =	strace s2  }
0x97: {  	_ =	strace $0x8FFFFFFF  }
0x98: {  	s18 =	sld [smem:$0x3FDB];
	_ =	sdelay $0x1  }
0x99: {  	s19 =	simm.s32 $_scs_section_size  }
0x9a: {  	s4 =	simm.s32 $_size__tile_overlayer_lowered;
	s5 =	simm.s32 $_tile_overlayer_lowered  }
0x9b: {  	s22 =	simm.s32 $0x1BFF;
	s21 =	sshll.u32 s5, $0x1;
	s2 =	sadd.s32 s19, s18  }
0x9c: {  	s6 =	simm.s32 $0x0;
	s20 =	sshll.u32 s4, $0x1;
	s4 =	sadd.s32 s21, s2  }
0x9d: {  	[timem:s6], [sflag:s22] =	dma.local [hbm:s4], s20  }
0x9e: {  	_ =	swait.ge [sflag:s22], s20  }
0x9f: {  	s3 =	ssub.s32 $0x0, s20;
	[sflag:s22] =	ssyncset.done $0x0  }
0xa0: {  	[sflag:s22] =	ssyncadd.s32 s3;
	_ =	sdelay $0x1  }
0xa1: {  	s23 =	simm.s32 $0x1B8B  }
0xa2: {  	_ =	swait.ge [sflag:s23], $0x1  }
0xa3: {  	[sflag:s23] =	ssyncset.done $0x0  }
0xa4: {  	s25 =	simm.s32 $0x1B8E;
	s24 =	sld [smem:$0x3FFE];
	[sflag:s23] =	ssyncadd.s32 $0xFFFFFFFF  }
0xa5: {  	s26 =	simm.s32 $execute0_lowered;
	[smem:$0x3FD2] =	sst s25  }
0xa6: {  	s4 =	sshll.u32 s26, $0x1;
	_ =	strace $0x80000046;
	[dreg:$0x1] =	wrdreg $0xFFFFFFFF  }
0xa7: {  	s28 =	simm.s32 $_size_execute0_lowered;
	s2 =	sadd.s32 s2, s4;
	[dreg:$0x0] =	wrdreg $0x0  }
0xa8: {  	s4 =	sshll.u32 s28, $0x1;
	[dreg:$0x2] =	wrdreg s2  }
0xa9: {  	[dreg:$0x3] =	wrdreg s4  }
0xaa: {  	[dreg:$0x4] =	wrdreg $0xC0  }
0xab: {  	_ =	task [dreg:s6], $0x5FFFF  }
0xac: {  	[dreg:$0x1] =	wrdreg $0xFFFFFFFF  }
0xad: {  	[dreg:$0x0] =	wrdreg $0x60  }
0xae: {  	[dreg:$0x2] =	wrdreg s24  }
0xaf: {  	[dreg:$0x3] =	wrdreg $0x9  }
0xb0: {  	_ =	task.clear_ibuf [dreg:s6], $0x4FFFF;
	_ =	strace $0x90000046  }
0xb1: {  	s29 =	simm.s32 $0x9;
	_ =	strace $0x80000048  }
0xb2: {  	_ =	swait.ge [sflag:s29], $0x1  }
0xb3: {  	[sflag:s29] =	ssyncadd.s32 $0xFFFFFFFF  }
0xb4: {  	_ =	strace $0x90000048  }
0xb5: {  	_ =	sfence  }
0xb6: {  	s30 =	sld [smem:$0x0];
	_ =	sdelay $0x2  }
0xb7: {  	s31 =	sshll.u32 s1, $0xD;
	s1 =	sshrl.u32 s1, $0x2  }
0xb8: {  	s3 =	sand.u32 $0x4000, s31;
	s1 =	sadd.s32 s1, s30  }
0xb9: {  	s0 =	sor.u32 s3, s0;
	s1 =	sshll.u32 s1, $0x11  }
0xba: {  	s0 =	sor.u32 s1, s0  }
0xbb: {  	s0 =	sadd.s32 $0x8F2B, s0  }
0xbc: {  	[sflag:s0] =	ssyncadd.remote.s32 $0x1  }
0xbd: {  	_ =	sfence.sel $0xFFFF  }
0xbe: {  	[dreg:$0x0] =	wrdreg $0xFFFFFFFF;
	(pc) =	sbr.abs _section_cstart, $3  }
0xbf: {  	[dreg:$0x1] =	wrdreg $0xFFFFFFFF  }
0xc0: {  	_ =	task.clear_ibuf [dreg:s6], $0x2FFFF;
	_ =	strace $0x9FFFFFFF  }
0xc1: {  	(tm) =	ssettm $0x7FFFFFFF  }
tec
execute0_lowered:
.L_overlay_start_1:
0x0: {  	(tag) =	ssettag $0x1  }
0x1: {  	s7 =	rddreg [dreg:$0x0]  }
0x2: {  	s0 =	rddreg [dreg:$0x1];
	s1 =	stileid.u32;
	s2 =	simm.s32 $0x0  }
0x3: {  	s3 =	srdreg.scid;
	s12 =	simm.s32 $0x400;
	s13 =	simm.s32 $0x2280  }
0x4: {  	s14 =	simm.s32 $0x2080;
	s15 =	simm.s32 $0x880;
	s16 =	simm.s32 $0x1080  }
0x5: {  	s17 =	simm.s32 $0x1480;
	s18 =	simm.s32 $0x1C80;
	s19 =	simm.s32 $0x1880  }
0x6: {  	s20 =	simm.s32 $0x2400;
	s21 =	simm.s32 $0x0;
	s4 =	sshrl.u32 s1, $0x2  }
0x7: {  	s5 =	sand.u32 $0x1, s3;
	s6 =	sshll.u32 s1, $0x8;
	[smem:$0x7FF] =	sst s2  }
0x8: {  	s4 =	sor.u32 $0x4, s4;
	s3 =	sshll.u32 s5, $0x7;
	s8 =	sand.u32 $0x300, s6  }
0x9: {  	_ =	strace $0x80000047;
	s6 =	sand.u32 $0xC00, s6;
	s5 =	ssub.s32 $0x2, s5  }
0xa: {  	s9 =	smul.u32 $0xC00, s4;
	s8 =	sor.u32 s3, s8;
	s29 =	sshll.u32 s4, $0xA  }
0xb: {  	s3 =	sadd.s32 $0x1000, s7;
	s4 =	sshll.u32 s4, $0xC;
	s11 =	sshrl.u32 s5, $0x1  }
0xc: {  	s10 =	sor.u32 s8, s29;
	s6 =	sor.u32 s6, s8;
	s4 =	sor.u32 s8, s4  }
0xd: {  	s11 =	ssub.s32 s5, s11;
	s9 =	sor.u32 s8, s9;
	s10 =	sshrl.u32 s10, $0x3  }
.Ltmp0:
0xe: {  	v0 =	vlaneseq.u32;
	s6 =	sshrl.u32 s6, $0x3;
	s31 =	sshrl.u32 s4, $0x3;
	(pc) =	sbr.rel .LBB2_1-.Ltmp0, $4  }
0xf: {  	v1 =	vshrl.u32 v0, $0x3;
	s9 =	sshrl.u32 s9, $0x3;
	s10 =	sadd.s32 s10, s7;
	s30 =	sadd.s32 s6, s7  }
0x10: {  	v0 =	vand.u32 $0x7, v0;
	v63 =	vmul.u32 $0x8, v1;
	s6 =	sadd.s32 s3, s31;
	s9 =	sadd.s32 s9, s7;
	s4 =	sadd.s32 $0xC00, s10  }
0x11: {  	[tilespmem:$0x1FFE0] =	vst v0;
	s7 =	sadd.s32 $0x1100, s7;
	s8 =	sadd.s32 $0x2E00, s30;
	s10 =	simm.s32 $0x2  }
0x12: {  	vm0 =	vmmov $0xffff;
	vm1 =	vmmov $0x1;
	[tilespmem:$0x1FFF0] =	vst v63;
	s5 =	sadd.s32 $0x2200, s9;
	s9 =	smax.u32 s11, $0x1;
	s11 =	simm.s32 $0x80  }
.LBB2_10:
0x13: {  	v9 =	vimm.f32 $0.0e+00  }
0x14: {  	v24 =	vimm.f32 $0.0e+00;
	v11 =	vimm.f32 $0.0e+00;
	v23 =	vimm.f32 $0.0e+00  }
0x15: {  	v1 =	vimm.f32 $0.0e+00;
	v13 =	vimm.f32 $0.0e+00;
	v0 =	vimm.f32 $0.0e+00  }
.LBB2_18:
0x16: {  	v3 =	vld [tilespmem:$0x21C0];
	_ =	sdelay $0x4  }
0x17: {  	v3 =	vsub.f32 $0.0e+00, v3;
	_ =	sdelay $0x1  }
0x18: {  	v3 =	vmul.f32 $1.442695020e+00, v3;
	_ =	sdelay $0x1  }
0x19: {  	(erf) = vpow2.f32 v3;
	_ =	sdelay $0x1  }
0x1a: {  	v38 =	vld [tilespmem:$0x2340];
	_ =	sdelay $0x2  }
0x1b: {  	v16 =	vld [tilespmem:$0x21D0];
	_ =	sdelay $0x1  }
0x1c: {  	v3 =	vmul.f32 $9.999989860e-01, v38;
	_ =	sdelay $0x1  }
0x1d: {  	v2 =	vsub.f32 v2, v3;
	v18 =	vpop (erf)  }
0x1e: {  	v16 =	vsub.f32 $0.0e+00, v16;
	v18 =	vadd.f32 $1.000000000e+00, v18  }
0x1f: {  	v2 =	vadd.f32 $9.999999930e-09, v2  }
0x20: {  	v16 =	vmul.f32 $1.442695020e+00, v16;
	(erf) = vrcp.f32 v18  }
0x21: {  	(erf) = vrcp.f32 v2  }
0x22: {  	(erf) = vpow2.f32 v16;
	_ =	sdelay $0x1  }
0x23: {  	v39 =	vld [tilespmem:$0x2350];
	_ =	sdelay $0x2  }
0x24: {  	v40 =	vld [tilespmem:$0x21E0];
	_ =	sdelay $0x1  }
0x25: {  	v2 =	vmul.f32 $9.999989860e-01, v39;
	v18 =	vpop (erf)  }
0x26: {  	v19 =	vpop (erf)  }
0x27: {  	v22 =	vsub.f32 v24, v2;
	v21 =	vpop (erf)  }
0x28: {  	v16 =	vsub.f32 $0.0e+00, v40;
	v21 =	vadd.f32 $1.000000000e+00, v21  }
0x29: {  	v22 =	vadd.f32 $9.999999930e-09, v22  }
0x2a: {  	v16 =	vmul.f32 $1.442695020e+00, v16;
	(erf) = vrcp.f32 v21  }
0x2b: {  	(erf) = vrcp.f32 v22  }
0x2c: {  	(erf) = vpow2.f32 v16;
	_ =	sdelay $0x1  }
0x2d: {  	v41 =	vld [tilespmem:$0x2360];
	_ =	sdelay $0x2  }
0x2e: {  	v42 =	vld [tilespmem:$0x21F0];
	_ =	sdelay $0x1  }
0x2f: {  	v16 =	vmul.f32 $9.999989860e-01, v41;
	v43 =	vpop (erf)  }
0x30: {  	v44 =	vpop (erf)  }
0x31: {  	v23 =	vsub.f32 v23, v16;
	v25 =	vpop (erf)  }
0x32: {  	v21 =	vsub.f32 $0.0e+00, v42;
	v25 =	vadd.f32 $1.000000000e+00, v25  }
0x33: {  	v23 =	vadd.f32 $9.999999930e-09, v23  }
0x34: {  	v21 =	vmul.f32 $1.442695020e+00, v21;
	(erf) = vrcp.f32 v25  }
0x35: {  	(erf) = vrcp.f32 v23  }
0x36: {  	(erf) = vpow2.f32 v21;
	_ =	sdelay $0x4  }
0x37: {  	v46 =	vld [tilespmem:$0x2370];
	_ =	sdelay $0x1  }
0x38: {  	v7 =	vmul.f32 v8, v7;
	v47 =	vpop (erf)  }
0x39: {  	v12 =	vmul.f32 v10, v12;
	v23 =	vpop (erf)  }
0x3a: {  	v15 =	vmul.f32 v14, v15;
	v52 =	vmul.f32 v17, v20;
	v4 =	vsub.f32 v4, v7;
	v48 =	vpop (erf)  }
0x3b: {  	v6 =	vsub.f32 v6, v12;
	v50 =	vmul.f32 $9.999989860e-01, v46;
	v49 =	vadd.f32 $1.000000000e+00, v48  }
0x3c: {  	v5 =	vsub.f32 v5, v15;
	v53 =	vsub.f32 v45, v52;
	v4 =	vmul.f32 v4, v27  }
0x3d: {  	v6 =	vmul.f32 v6, v29;
	v51 =	vsub.f32 v13, v50;
	(erf) = vrcp.f32 v49  }
0x3e: {  	v5 =	vmul.f32 v5, v31;
	v4 =	vsub.f32 v8, v4  }
0x3f: {  	v54 =	vmul.f32 v53, v32;
	v6 =	vsub.f32 v10, v6;
	v8 =	vadd.f32 $9.999999930e-09, v51  }
0x40: {  	v4 =	vmul.f32 v4, v4;
	v3 =	vmul.f32 v18, v3  }
0x41: {  	v5 =	vsub.f32 v14, v5;
	v6 =	vmul.f32 v6, v6;
	(erf) = vrcp.f32 v8  }
0x42: {  	v4 =	vmul.f32 v4, v33;
	v3 =	vsub.f32 v9, v3;
	v2 =	vmul.f32 v43, v2  }
0x43: {  	v5 =	vmul.f32 v5, v5;
	v6 =	vmul.f32 v6, v30  }
0x44: {  	v4 =	vadd.f32 $0.0e+00, v4;
	v3 =	vmul.f32 v3, v19;
	v2 =	vsub.f32 v11, v2  }
0x45: {  	v55 =	vld [tilespmem:$0x22C0];
	v5 =	vmul.f32 v5, v28;
	v56 =	vmul.f32 v47, v16;
	v8 =	vsub.f32 v17, v54  }
0x46: {  	v4 =	vadd.f32 v6, v4;
	v3 =	vsub.f32 v18, v3;
	v2 =	vmul.f32 v2, v44;
	v57 =	vpop (erf)  }
0x47: {  	v60 =	vld [tilespmem:$0x22D0];
	v1 =	vsub.f32 v1, v56;
	v8 =	vmul.f32 v8, v8;
	v58 =	vmul.f32 v57, v50  }
0x48: {  	v4 =	vadd.f32 v5, v4;
	v3 =	vmul.f32 v3, v3;
	v2 =	vsub.f32 v43, v2  }
0x49: {  	v1 =	vmul.f32 v1, v23;
	v59 =	vmul.f32 v8, v26;
	v0 =	vsub.f32 v0, v58  }
0x4a: {  	v61 =	vld [tilespmem:$0x22E0];
	v3 =	vmul.f32 v3, v55;
	v2 =	vmul.f32 v2, v2;
	v62 =	vpop (erf)  }
0x4b: {  	v1 =	vsub.f32 v47, v1;
	v4 =	vadd.f32 v59, v4;
	v0 =	vmul.f32 v0, v62  }
0x4c: {  	v63 =	vld [tilespmem:$0x22F0];
	v2 =	vmul.f32 v2, v60  }
0x4d: {  	v1 =	vmul.f32 v1, v1;
	v3 =	vadd.f32 v3, v4;
	v0 =	vsub.f32 v57, v0;
	_ =	sdelay $0x1  }
0x4e: {  	v1 =	vmul.f32 v1, v61;
	v2 =	vadd.f32 v2, v3;
	v0 =	vmul.f32 v0, v0;
	_ =	sdelay $0x1  }
0x4f: {  	v1 =	vadd.f32 v1, v2;
	v0 =	vmul.f32 v0, v63;
	_ =	sdelay $0x1  }
0x50: {  	v0 =	vadd.f32 v0, v1;
	_ =	sdelay $0x1  }
0x51: {  	(xrf2) =	vadd.scan.msk.f32 $0xffff, v0;
	_ =	sdelay $0x9  }
0x52: {  	v0, _, _ =	vpop (xrf2)  }
0x53: {  	v0 =	vbroadcast v0, $0xF  }
0x54: {  	s21 =	sadd.s32 $0x1, s21  }
0x55: {  	p0 =	sne.s32 s21, s9;
	v0 =	vnsel vm1, $0x0, v0  }
.Ltmp1:
0x56: {  	[tilespmem:$0x2400] =	vst v0;
	(pc) =	sbr.rel @!p0 .LBB2_19-.Ltmp1, $4  }
0x57: {  	[hbm4b:s8+s2] =	stream.linear.scatter [tilespmem:s20], [sflag:$0x2], $0x80, $0x38;
	[tilespmem:$0x2480] =	vst v63  }
0x58: {  	_ =	swait.ge [sflag:s10], $0x80  }
0x59: {  	[sflag:s10] =	ssyncset.done $0x0  }
0x5a: {  	[sflag:s10] =	ssyncadd.s32 $0xFFFFFF80  }
.LBB2_1:
0x5b: {  	[tilespmem:s2], [sflag:$0x2] =	stream.linear.gather [hbm4b:s4+s2], $0x80, $0x38;
	[tilespmem:$0x2480] =	vst v63  }
0x5c: {  	_ =	swait.ge [sflag:s10], $0x80  }
0x5d: {  	[sflag:s10] =	ssyncset.done $0x0  }
0x5e: {  	[sflag:s10] =	ssyncadd.s32 $0xFFFFFF80  }
0x5f: {  	[tilespmem:s13], [sflag:$0x2] =	stream.strided.gather [hbm4b:s5+s11], $0x180, s12, s11, $0x38;
	[tilespmem:$0x2480] =	vst v63  }
0x60: {  	_ =	swait.ge [sflag:s10], $0x180  }
0x61: {  	[sflag:s10] =	ssyncset.done $0x0  }
0x62: {  	[sflag:s10] =	ssyncadd.s32 $0xFFFFFE80  }
0x63: {  	[tilespmem:s14], [sflag:$0x2] =	stream.strided.gather [hbm4b:s6+s11], $0x200, s12, s11, $0x38;
	[tilespmem:$0x2480] =	vst v63  }
0x64: {  	_ =	swait.ge [sflag:s10], $0x200  }
0x65: {  	[sflag:s10] =	ssyncset.done $0x0  }
0x66: {  	[sflag:s10] =	ssyncadd.s32 $0xFFFFFE00  }
0x67: {  	v0 =	vld.msk [tilespmem:$0x0], $0xff;
	_ =	sdelay $0x4  }
0x68: {  	v1 =	vshll.u32 v0, $0x2  }
0x69: {  	v0 =	vand.u32 $0x7, v0;
	v1 =	vand.u32 $0xFFFFFFE0, v1  }
0x6a: {  	v0 =	vor.u32 v0, v1;
	v1 =	vld [tilespmem:$0x1FFE0];
	_ =	sdelay $0x4  }
0x6b: {  	v0 =	vperm.xlane v0, v1;
	v1 =	vld [tilespmem:$0x1FFF0];
	_ =	sdelay $0x4  }
0x6c: {  	v0 =	vadd.s32 v1, v0;
	_ =	sdelay $0x4  }
0x6d: {  	[tilespmem:s11], [sflag:$0x1] =	stream.indirect_vreg.gather [hbm4b:s3+s2], $0x80, v0, vm0, $0xb8;
	[tilespmem:$0x2480] =	vst v63  }
0x6e: {  	s22 =	simm.s32 $0x1  }
0x6f: {  	[tilespmem:s15], [sflag:$0x1] =	stream.indirect_vreg.gather [hbm4b:s7+s2], $0x80, v0, vm0, $0xb8;
	[tilespmem:$0x2480] =	vst v63  }
0x70: {  	_ =	swait.ge [sflag:s22], $0x1000  }
0x71: {  	[sflag:s22] =	ssyncset.done $0x0  }
0x72: {  	[sflag:s22] =	ssyncadd.s32 $0xFFFFF000  }
0x73: {  	v0 =	vld [tilespmem:$0x880];
	_ =	sdelay $0x4  }
0x74: {  	v0 =	vsub.f32 $0.0e+00, v0;
	_ =	sdelay $0x1  }
0x75: {  	v0 =	vmul.f32 $1.442695020e+00, v0;
	_ =	sdelay $0x1  }
0x76: {  	(erf) = vpow2.f32 v0;
	_ =	sdelay $0x3  }
0x77: {  	v0 =	vld [tilespmem:$0x890];
	_ =	sdelay $0x4  }
0x78: {  	v0 =	vsub.f32 $0.0e+00, v0;
	v1 =	vpop (erf)  }
0x79: {  	v1 =	vadd.f32 $1.000000000e+00, v1  }
0x7a: {  	v0 =	vmul.f32 $1.442695020e+00, v0  }
0x7b: {  	(erf) = vrcp.f32 v1  }
0x7c: {  	(erf) = vpow2.f32 v0;
	_ =	sdelay $0x3  }
0x7d: {  	v0 =	vld [tilespmem:$0x8A0];
	_ =	sdelay $0x3  }
0x7e: {  	v17 =	vpop (erf)  }
0x7f: {  	v0 =	vsub.f32 $0.0e+00, v0;
	v1 =	vpop (erf)  }
0x80: {  	v1 =	vadd.f32 $1.000000000e+00, v1  }
0x81: {  	v0 =	vmul.f32 $1.442695020e+00, v0  }
0x82: {  	(erf) = vrcp.f32 v1  }
0x83: {  	(erf) = vpow2.f32 v0;
	_ =	sdelay $0x3  }
0x84: {  	v0 =	vld [tilespmem:$0x8B0];
	_ =	sdelay $0x3  }
0x85: {  	v15 =	vpop (erf)  }
0x86: {  	v0 =	vsub.f32 $0.0e+00, v0;
	v1 =	vpop (erf)  }
0x87: {  	v1 =	vadd.f32 $1.000000000e+00, v1  }
0x88: {  	v0 =	vmul.f32 $1.442695020e+00, v0  }
0x89: {  	(erf) = vrcp.f32 v1  }
0x8a: {  	(erf) = vpow2.f32 v0;
	_ =	sdelay $0x3  }
0x8b: {  	v0 =	vld [tilespmem:$0x8C0];
	_ =	sdelay $0x3  }
0x8c: {  	v16 =	vpop (erf)  }
0x8d: {  	v0 =	vsub.f32 $0.0e+00, v0;
	v1 =	vpop (erf)  }
0x8e: {  	v1 =	vadd.f32 $1.000000000e+00, v1  }
0x8f: {  	v0 =	vmul.f32 $1.442695020e+00, v0  }
0x90: {  	(erf) = vrcp.f32 v1  }
0x91: {  	(erf) = vpow2.f32 v0;
	_ =	sdelay $0x3  }
0x92: {  	v0 =	vld [tilespmem:$0x8D0];
	_ =	sdelay $0x3  }
0x93: {  	v14 =	vpop (erf)  }
0x94: {  	v0 =	vsub.f32 $0.0e+00, v0;
	v1 =	vpop (erf)  }
0x95: {  	v1 =	vadd.f32 $1.000000000e+00, v1  }
0x96: {  	v0 =	vmul.f32 $1.442695020e+00, v0  }
0x97: {  	(erf) = vrcp.f32 v1  }
0x98: {  	(erf) = vpow2.f32 v0;
	_ =	sdelay $0x3  }
0x99: {  	v0 =	vld [tilespmem:$0x8E0];
	_ =	sdelay $0x3  }
0x9a: {  	v12 =	vpop (erf)  }
0x9b: {  	v0 =	vsub.f32 $0.0e+00, v0;
	v1 =	vpop (erf)  }
0x9c: {  	v1 =	vadd.f32 $1.000000000e+00, v1  }
0x9d: {  	v0 =	vmul.f32 $1.442695020e+00, v0  }
0x9e: {  	(erf) = vrcp.f32 v1  }
0x9f: {  	(erf) = vpow2.f32 v0;
	_ =	sdelay $0x3  }
0xa0: {  	v0 =	vld [tilespmem:$0x8F0];
	_ =	sdelay $0x3  }
0xa1: {  	v13 =	vpop (erf)  }
0xa2: {  	v0 =	vsub.f32 $0.0e+00, v0;
	v1 =	vpop (erf)  }
0xa3: {  	v1 =	vadd.f32 $1.000000000e+00, v1  }
0xa4: {  	v0 =	vmul.f32 $1.442695020e+00, v0  }
0xa5: {  	(erf) = vrcp.f32 v1  }
0xa6: {  	(erf) = vpow2.f32 v0;
	_ =	sdelay $0x3  }
0xa7: {  	v0 =	vld [tilespmem:$0x900];
	_ =	sdelay $0x3  }
0xa8: {  	v11 =	vpop (erf)  }
0xa9: {  	v0 =	vsub.f32 $0.0e+00, v0;
	v1 =	vpop (erf)  }
0xaa: {  	v1 =	vadd.f32 $1.000000000e+00, v1  }
0xab: {  	v0 =	vmul.f32 $1.442695020e+00, v0  }
0xac: {  	(erf) = vrcp.f32 v1  }
0xad: {  	(erf) = vpow2.f32 v0;
	_ =	sdelay $0x3  }
0xae: {  	v0 =	vld [tilespmem:$0x910];
	_ =	sdelay $0x3  }
0xaf: {  	v8 =	vpop (erf)  }
0xb0: {  	v0 =	vsub.f32 $0.0e+00, v0;
	v1 =	vpop (erf)  }
0xb1: {  	v1 =	vadd.f32 $1.000000000e+00, v1  }
0xb2: {  	v0 =	vmul.f32 $1.442695020e+00, v0  }
0xb3: {  	(erf) = vrcp.f32 v1  }
0xb4: {  	(erf) = vpow2.f32 v0;
	_ =	sdelay $0x3  }
0xb5: {  	v0 =	vld [tilespmem:$0x920];
	_ =	sdelay $0x3  }
0xb6: {  	v9 =	vpop (erf)  }
0xb7: {  	v0 =	vsub.f32 $0.0e+00, v0;
	v1 =	vpop (erf)  }
0xb8: {  	v1 =	vadd.f32 $1.000000000e+00, v1  }
0xb9: {  	v0 =	vmul.f32 $1.442695020e+00, v0  }
0xba: {  	(erf) = vrcp.f32 v1  }
0xbb: {  	(erf) = vpow2.f32 v0;
	_ =	sdelay $0x3  }
0xbc: {  	v0 =	vld [tilespmem:$0x930];
	_ =	sdelay $0x3  }
0xbd: {  	v10 =	vpop (erf)  }
0xbe: {  	v0 =	vsub.f32 $0.0e+00, v0;
	v1 =	vpop (erf)  }
0xbf: {  	v1 =	vadd.f32 $1.000000000e+00, v1  }
0xc0: {  	v0 =	vmul.f32 $1.442695020e+00, v0  }
0xc1: {  	(erf) = vrcp.f32 v1  }
0xc2: {  	(erf) = vpow2.f32 v0;
	_ =	sdelay $0x3  }
0xc3: {  	v0 =	vld [tilespmem:$0x940];
	_ =	sdelay $0x3  }
0xc4: {  	v6 =	vpop (erf)  }
0xc5: {  	v0 =	vsub.f32 $0.0e+00, v0;
	v1 =	vpop (erf)  }
0xc6: {  	v1 =	vadd.f32 $1.000000000e+00, v1  }
0xc7: {  	v0 =	vmul.f32 $1.442695020e+00, v0  }
0xc8: {  	(erf) = vrcp.f32 v1  }
0xc9: {  	(erf) = vpow2.f32 v0;
	_ =	sdelay $0x3  }
0xca: {  	v0 =	vld [tilespmem:$0x950];
	_ =	sdelay $0x3  }
0xcb: {  	v5 =	vpop (erf)  }
0xcc: {  	v0 =	vsub.f32 $0.0e+00, v0;
	v1 =	vpop (erf)  }
0xcd: {  	v1 =	vadd.f32 $1.000000000e+00, v1  }
0xce: {  	v0 =	vmul.f32 $1.442695020e+00, v0  }
0xcf: {  	(erf) = vrcp.f32 v1  }
0xd0: {  	(erf) = vpow2.f32 v0;
	_ =	sdelay $0x3  }
0xd1: {  	v0 =	vld [tilespmem:$0x960];
	_ =	sdelay $0x3  }
0xd2: {  	v7 =	vpop (erf)  }
0xd3: {  	v0 =	vsub.f32 $0.0e+00, v0;
	v1 =	vpop (erf)  }
0xd4: {  	v1 =	vadd.f32 $1.000000000e+00, v1  }
0xd5: {  	v0 =	vmul.f32 $1.442695020e+00, v0  }
0xd6: {  	(erf) = vrcp.f32 v1  }
0xd7: {  	(erf) = vpow2.f32 v0;
	_ =	sdelay $0x3  }
0xd8: {  	v0 =	vld [tilespmem:$0x970];
	_ =	sdelay $0x3  }
0xd9: {  	v3 =	vpop (erf)  }
0xda: {  	v0 =	vsub.f32 $0.0e+00, v0;
	v1 =	vpop (erf)  }
0xdb: {  	v1 =	vadd.f32 $1.000000000e+00, v1  }
0xdc: {  	v0 =	vmul.f32 $1.442695020e+00, v0  }
0xdd: {  	(erf) = vrcp.f32 v1  }
0xde: {  	(erf) = vpow2.f32 v0;
	_ =	sdelay $0x3  }
0xdf: {  	v0 =	vld [tilespmem:$0x980];
	_ =	sdelay $0x3  }
0xe0: {  	v2 =	vpop (erf)  }
0xe1: {  	v0 =	vsub.f32 $0.0e+00, v0;
	v1 =	vpop (erf)  }
0xe2: {  	v1 =	vadd.f32 $1.000000000e+00, v1  }
0xe3: {  	v0 =	vmul.f32 $1.442695020e+00, v0  }
0xe4: {  	(erf) = vrcp.f32 v1  }
0xe5: {  	(erf) = vpow2.f32 v0;
	_ =	sdelay $0x3  }
0xe6: {  	v0 =	vld [tilespmem:$0x990]  }
0xe7: {  	v18 =	vld [tilespmem:$0x480]  }
0xe8: {  	v1 =	vld [tilespmem:$0x80]  }
0xe9: {  	v19 =	vld [tilespmem:$0xC80]  }
0xea: {  	v20 =	vld [tilespmem:$0x90];
	v4 =	vpop (erf)  }
0xeb: {  	v22 =	vld [tilespmem:$0xC90];
	v0 =	vsub.f32 $0.0e+00, v0;
	v21 =	vpop (erf)  }
0xec: {  	v23 =	vld [tilespmem:$0xA0];
	[tilespmem:$0x1480] =	vst v18;
	v21 =	vadd.f32 $1.000000000e+00, v21  }
0xed: {  	[tilespmem:$0x1080] =	vst v1;
	v1 =	vld [tilespmem:$0x490];
	v0 =	vmul.f32 $1.442695020e+00, v0  }
0xee: {  	v24 =	vld [tilespmem:$0xB0];
	[tilespmem:$0x1C80] =	vst v19;
	(erf) = vrcp.f32 v21  }
0xef: {  	v26 =	vld [tilespmem:$0x4B0];
	[tilespmem:$0x1090] =	vst v20;
	(erf) = vpow2.f32 v0  }
0xf0: {  	v28 =	vld [tilespmem:$0x4C0];
	[tilespmem:$0x1C90] =	vst v22  }
0xf1: {  	[tilespmem:$0x10A0] =	vst v23;
	v0 =	vld [tilespmem:$0x4A0]  }
0xf2: {  	[tilespmem:$0x1490] =	vst v1;
	v1 =	vld [tilespmem:$0xCA0]  }
0xf3: {  	v25 =	vld [tilespmem:$0x9A0];
	[tilespmem:$0x10B0] =	vst v24  }
0xf4: {  	v31 =	vld [tilespmem:$0xCC0];
	[tilespmem:$0x14B0] =	vst v26  }
0xf5: {  	v32 =	vld [tilespmem:$0xCD0];
	[tilespmem:$0x14C0] =	vst v28  }
0xf6: {  	[tilespmem:$0x14A0] =	vst v0;
	v0 =	vld [tilespmem:$0xCB0]  }
0xf7: {  	[tilespmem:$0x1CA0] =	vst v1;
	v1 =	vld [tilespmem:$0xC0];
	v27 =	vpop (erf)  }
0xf8: {  	v33 =	vld [tilespmem:$0xE0];
	[tilespmem:$0x1880] =	vst v17;
	v17 =	vsub.f32 $0.0e+00, v25;
	v29 =	vpop (erf)  }
0xf9: {  	v34 =	vld [tilespmem:$0x4E0];
	[tilespmem:$0x1CC0] =	vst v31;
	v30 =	vadd.f32 $1.000000000e+00, v29  }
0xfa: {  	v35 =	vld [tilespmem:$0xF0];
	[tilespmem:$0x1CD0] =	vst v32;
	v17 =	vmul.f32 $1.442695020e+00, v17  }
0xfb: {  	[tilespmem:$0x1CB0] =	vst v0;
	v0 =	vld [tilespmem:$0xD0];
	(erf) = vrcp.f32 v30  }
0xfc: {  	[tilespmem:$0x10C0] =	vst v1;
	v1 =	vld [tilespmem:$0x4D0];
	(erf) = vpow2.f32 v17  }
0xfd: {  	v36 =	vld [tilespmem:$0x4F0];
	[tilespmem:$0x10E0] =	vst v33  }
0xfe: {  	v39 =	vld [tilespmem:$0x500];
	[tilespmem:$0x14E0] =	vst v34  }
0xff: {  	[tilespmem:$0x10F0] =	vst v35  }
0x100: {  	[tilespmem:$0x10D0] =	vst v0;
	v0 =	vld [tilespmem:$0x9B0]  }
0x101: {  	[tilespmem:$0x14D0] =	vst v1;
	v1 =	vld [tilespmem:$0xCE0]  }
0x102: {  	[tilespmem:$0x14F0] =	vst v36  }
0x103: {  	[tilespmem:$0x1500] =	vst v39  }
0x104: {  	[tilespmem:$0x1890] =	vst v15;
	v37 =	vpop (erf)  }
0x105: {  	[tilespmem:$0x18B0] =	vst v14;
	v0 =	vsub.f32 $0.0e+00, v0;
	v38 =	vpop (erf)  }
0x106: {  	[tilespmem:$0x1CE0] =	vst v1;
	v1 =	vld [tilespmem:$0x100];
	v14 =	vadd.f32 $1.000000000e+00, v38  }
0x107: {  	[tilespmem:$0x18A0] =	vst v16;
	v0 =	vmul.f32 $1.442695020e+00, v0  }
0x108: {  	[tilespmem:$0x18E0] =	vst v11;
	v11 =	vld [tilespmem:$0xCF0];
	(erf) = vrcp.f32 v14  }
0x109: {  	[tilespmem:$0x18F0] =	vst v8;
	v8 =	vld [tilespmem:$0x110];
	(erf) = vpow2.f32 v0  }
0x10a: {  	[tilespmem:$0x1900] =	vst v9;
	v9 =	vld [tilespmem:$0xD10]  }
0x10b: {  	[tilespmem:$0x1100] =	vst v1;
	v1 =	vld [tilespmem:$0x510]  }
0x10c: {  	[tilespmem:$0x18C0] =	vst v12;
	v0 =	vld [tilespmem:$0xD00]  }
0x10d: {  	[tilespmem:$0x1CF0] =	vst v11;
	v11 =	vld [tilespmem:$0x9C0]  }
0x10e: {  	[tilespmem:$0x1110] =	vst v8  }
0x10f: {  	[tilespmem:$0x1D10] =	vst v9;
	v9 =	vld [tilespmem:$0x130]  }
0x110: {  	v8 =	vld [tilespmem:$0x520];
	[tilespmem:$0x1510] =	vst v1  }
0x111: {  	[tilespmem:$0x1D00] =	vst v0;
	v0 =	vld [tilespmem:$0x120];
	v1 =	vpop (erf)  }
0x112: {  	v11 =	vsub.f32 $0.0e+00, v11;
	[tilespmem:$0x1920] =	vst v6;
	v6 =	vld [tilespmem:$0xD30];
	v40 =	vpop (erf)  }
0x113: {  	[tilespmem:$0x18D0] =	vst v13;
	v12 =	vadd.f32 $1.000000000e+00, v40  }
0x114: {  	v11 =	vmul.f32 $1.442695020e+00, v11;
	[tilespmem:$0x1130] =	vst v9;
	v9 =	vld [tilespmem:$0x540]  }
0x115: {  	[tilespmem:$0x1520] =	vst v8;
	(erf) = vrcp.f32 v12  }
0x116: {  	[tilespmem:$0x1120] =	vst v0;
	v0 =	vld [tilespmem:$0x530];
	(erf) = vpow2.f32 v11  }
0x117: {  	[tilespmem:$0x1D30] =	vst v6;
	v6 =	vld [tilespmem:$0x150]  }
0x118: {  	[tilespmem:$0x1910] =	vst v10;
	v10 =	vld [tilespmem:$0xD20]  }
0x119: {  	[tilespmem:$0x1540] =	vst v9  }
0x11a: {  	[tilespmem:$0x1930] =	vst v5;
	v5 =	vld [tilespmem:$0x9D0]  }
0x11b: {  	[tilespmem:$0x1530] =	vst v0;
	v0 =	vld [tilespmem:$0xD40]  }
0x11c: {  	[tilespmem:$0x1150] =	vst v6;
	v6 =	vld [tilespmem:$0x560]  }
0x11d: {  	[tilespmem:$0x1D20] =	vst v10  }
0x11e: {  	[tilespmem:$0x1960] =	vst v2;
	v2 =	vld [tilespmem:$0x180];
	v9 =	vpop (erf)  }
0x11f: {  	v5 =	vsub.f32 $0.0e+00, v5;
	[tilespmem:$0x1940] =	vst v7;
	v7 =	vld [tilespmem:$0xD50];
	v10 =	vpop (erf)  }
0x120: {  	[tilespmem:$0x1D40] =	vst v0;
	v0 =	vld [tilespmem:$0x160];
	v10 =	vadd.f32 $1.000000000e+00, v10  }
0x121: {  	[tilespmem:$0x1560] =	vst v6;
	v6 =	vld [tilespmem:$0x580];
	v5 =	vmul.f32 $1.442695020e+00, v5  }
0x122: {  	[tilespmem:$0x1950] =	vst v3;
	v3 =	vld [tilespmem:$0xD60];
	(erf) = vrcp.f32 v10  }
0x123: {  	[tilespmem:$0x1180] =	vst v2;
	v2 =	vld [tilespmem:$0x590];
	(erf) = vpow2.f32 v5  }
0x124: {  	[tilespmem:$0x1D50] =	vst v7;
	v7 =	vld [tilespmem:$0x170]  }
0x125: {  	[tilespmem:$0x1160] =	vst v0;
	v0 =	vld [tilespmem:$0x570]  }
0x126: {  	[tilespmem:$0x1580] =	vst v6;
	v5 =	vld [tilespmem:$0xD70]  }
0x127: {  	[tilespmem:$0x1D60] =	vst v3;
	v3 =	vld [tilespmem:$0x9E0]  }
0x128: {  	[tilespmem:$0x1590] =	vst v2;
	v2 =	vld [tilespmem:$0xDA0]  }
0x129: {  	[tilespmem:$0x1170] =	vst v7  }
0x12a: {  	[tilespmem:$0x1570] =	vst v0;
	v0 =	vld [tilespmem:$0xD80]  }
0x12b: {  	v8 =	vld [tilespmem:$0x140];
	[tilespmem:$0x1D70] =	vst v5;
	v5 =	vpop (erf)  }
0x12c: {  	v3 =	vsub.f32 $0.0e+00, v3;
	[tilespmem:$0x1970] =	vst v4;
	v4 =	vld [tilespmem:$0x190];
	v7 =	vpop (erf)  }
0x12d: {  	[tilespmem:$0x1DA0] =	vst v2;
	v2 =	vld [tilespmem:$0x1C0];
	v6 =	vadd.f32 $1.000000000e+00, v7  }
0x12e: {  	v3 =	vmul.f32 $1.442695020e+00, v3;
	[tilespmem:$0x19A0] =	vst v1;
	v1 =	vld [tilespmem:$0xDB0]  }
0x12f: {  	[tilespmem:$0x1D80] =	vst v0;
	v0 =	vld [tilespmem:$0x1A0];
	(erf) = vrcp.f32 v6  }
0x130: {  	[tilespmem:$0x1140] =	vst v8;
	v8 =	vld [tilespmem:$0x550];
	(erf) = vpow2.f32 v3  }
0x131: {  	[tilespmem:$0x1190] =	vst v4;
	v4 =	vld [tilespmem:$0x5A0]  }
0x132: {  	[tilespmem:$0x11C0] =	vst v2;
	v2 =	vld [tilespmem:$0x5D0]  }
0x133: {  	[tilespmem:$0x1DB0] =	vst v1;
	v1 =	vld [tilespmem:$0x1D0]  }
0x134: {  	[tilespmem:$0x11A0] =	vst v0;
	v0 =	vld [tilespmem:$0x5B0]  }
0x135: {  	[tilespmem:$0x1550] =	vst v8;
	v3 =	vld [tilespmem:$0x1B0]  }
0x136: {  	[tilespmem:$0x15A0] =	vst v4  }
0x137: {  	[tilespmem:$0x15D0] =	vst v2  }
0x138: {  	[tilespmem:$0x11D0] =	vst v1;
	v4 =	vpop (erf)  }
0x139: {  	v1 =	vld [tilespmem:$0x5E0];
	[tilespmem:$0x15B0] =	vst v0;
	v0 =	vpop (erf)  }
0x13a: {  	[tilespmem:$0x11B0] =	vst v3;
	v3 =	vld [tilespmem:$0x5C0];
	v0 =	vadd.f32 $1.000000000e+00, v0  }
0x13b: {  	[tilespmem:$0x1980] =	vst v27  }
0x13c: {  	[tilespmem:$0x1990] =	vst v37;
	v7 =	vld [tilespmem:$0xD90];
	(erf) = vrcp.f32 v0  }
0x13d: {  	[tilespmem:$0x19B0] =	vst v9;
	v6 =	vld [tilespmem:$0xDC0]  }
0x13e: {  	[tilespmem:$0x15E0] =	vst v1  }
0x13f: {  	[tilespmem:$0x15C0] =	vst v3;
	v3 =	vld [tilespmem:$0x1E0]  }
0x140: {  	[tilespmem:$0x19C0] =	vst v5;
	v0 =	vld [tilespmem:$0xDD0]  }
0x141: {  	[tilespmem:$0x1D90] =	vst v7  }
0x142: {  	[tilespmem:$0x1DC0] =	vst v6  }
0x143: {  	[tilespmem:$0x19D0] =	vst v4  }
0x144: {  	[tilespmem:$0x11E0] =	vst v3  }
0x145: {  	[tilespmem:$0x1DD0] =	vst v0;
	v0 =	vpop (erf)  }
0x146: {  	[tilespmem:$0x19E0] =	vst v0  }
0x147: {  	v0 =	vld [tilespmem:$0x9F0];
	_ =	sdelay $0x4  }
0x148: {  	v0 =	vsub.f32 $0.0e+00, v0;
	_ =	sdelay $0x1  }
0x149: {  	v0 =	vmul.f32 $1.442695020e+00, v0;
	_ =	sdelay $0x1  }
0x14a: {  	(erf) = vpow2.f32 v0;
	_ =	sdelay $0x3  }
0x14b: {  	v0 =	vld [tilespmem:$0xA00];
	_ =	sdelay $0x4  }
0x14c: {  	v0 =	vsub.f32 $0.0e+00, v0;
	v1 =	vpop (erf)  }
0x14d: {  	v1 =	vadd.f32 $1.000000000e+00, v1  }
0x14e: {  	v0 =	vmul.f32 $1.442695020e+00, v0  }
0x14f: {  	(erf) = vrcp.f32 v1  }
0x150: {  	(erf) = vpow2.f32 v0;
	_ =	sdelay $0x3  }
0x151: {  	v0 =	vld [tilespmem:$0xA10];
	_ =	sdelay $0x3  }
0x152: {  	v41 =	vpop (erf)  }
0x153: {  	v0 =	vsub.f32 $0.0e+00, v0;
	v1 =	vpop (erf)  }
0x154: {  	v1 =	vadd.f32 $1.000000000e+00, v1  }
0x155: {  	v0 =	vmul.f32 $1.442695020e+00, v0  }
0x156: {  	(erf) = vrcp.f32 v1  }
0x157: {  	(erf) = vpow2.f32 v0;
	_ =	sdelay $0x3  }
0x158: {  	v0 =	vld [tilespmem:$0xA20];
	_ =	sdelay $0x3  }
0x159: {  	v29 =	vpop (erf)  }
0x15a: {  	v0 =	vsub.f32 $0.0e+00, v0;
	v1 =	vpop (erf)  }
0x15b: {  	v1 =	vadd.f32 $1.000000000e+00, v1  }
0x15c: {  	v0 =	vmul.f32 $1.442695020e+00, v0  }
0x15d: {  	(erf) = vrcp.f32 v1  }
0x15e: {  	(erf) = vpow2.f32 v0;
	_ =	sdelay $0x3  }
0x15f: {  	v0 =	vld [tilespmem:$0xA30];
	_ =	sdelay $0x3  }
0x160: {  	v27 =	vpop (erf)  }
0x161: {  	v0 =	vsub.f32 $0.0e+00, v0;
	v1 =	vpop (erf)  }
0x162: {  	v1 =	vadd.f32 $1.000000000e+00, v1  }
0x163: {  	v0 =	vmul.f32 $1.442695020e+00, v0  }
0x164: {  	(erf) = vrcp.f32 v1  }
0x165: {  	(erf) = vpow2.f32 v0;
	_ =	sdelay $0x3  }
0x166: {  	v0 =	vld [tilespmem:$0xA40];
	_ =	sdelay $0x3  }
0x167: {  	v26 =	vpop (erf)  }
0x168: {  	v0 =	vsub.f32 $0.0e+00, v0;
	v1 =	vpop (erf)  }
0x169: {  	v1 =	vadd.f32 $1.000000000e+00, v1  }
0x16a: {  	v0 =	vmul.f32 $1.442695020e+00, v0  }
0x16b: {  	(erf) = vrcp.f32 v1  }
0x16c: {  	(erf) = vpow2.f32 v0;
	_ =	sdelay $0x3  }
0x16d: {  	v0 =	vld [tilespmem:$0xA50];
	_ =	sdelay $0x3  }
0x16e: {  	v28 =	vpop (erf)  }
0x16f: {  	v0 =	vsub.f32 $0.0e+00, v0;
	v1 =	vpop (erf)  }
0x170: {  	v1 =	vadd.f32 $1.000000000e+00, v1  }
0x171: {  	v0 =	vmul.f32 $1.442695020e+00, v0  }
0x172: {  	(erf) = vrcp.f32 v1  }
0x173: {  	(erf) = vpow2.f32 v0;
	_ =	sdelay $0x3  }
0x174: {  	v0 =	vld [tilespmem:$0xA60];
	_ =	sdelay $0x3  }
0x175: {  	v25 =	vpop (erf)  }
0x176: {  	v0 =	vsub.f32 $0.0e+00, v0;
	v1 =	vpop (erf)  }
0x177: {  	v1 =	vadd.f32 $1.000000000e+00, v1  }
0x178: {  	v0 =	vmul.f32 $1.442695020e+00, v0  }
0x179: {  	(erf) = vrcp.f32 v1  }
0x17a: {  	(erf) = vpow2.f32 v0;
	_ =	sdelay $0x3  }
0x17b: {  	v0 =	vld [tilespmem:$0xA70];
	_ =	sdelay $0x3  }
0x17c: {  	v23 =	vpop (erf)  }
0x17d: {  	v0 =	vsub.f32 $0.0e+00, v0;
	v1 =	vpop (erf)  }
0x17e: {  	v1 =	vadd.f32 $1.000000000e+00, v1  }
0x17f: {  	v0 =	vmul.f32 $1.442695020e+00, v0  }
0x180: {  	(erf) = vrcp.f32 v1  }
0x181: {  	(erf) = vpow2.f32 v0;
	_ =	sdelay $0x3  }
0x182: {  	v0 =	vld [tilespmem:$0xA80];
	_ =	sdelay $0x3  }
0x183: {  	v24 =	vpop (erf)  }
0x184: {  	v0 =	vsub.f32 $0.0e+00, v0;
	v1 =	vpop (erf)  }
0x185: {  	v1 =	vadd.f32 $1.000000000e+00, v1  }
0x186: {  	v0 =	vmul.f32 $1.442695020e+00, v0  }
0x187: {  	(erf) = vrcp.f32 v1  }
0x188: {  	(erf) = vpow2.f32 v0;
	_ =	sdelay $0x3  }
0x189: {  	v0 =	vld [tilespmem:$0xA90];
	_ =	sdelay $0x3  }
0x18a: {  	v22 =	vpop (erf)  }
0x18b: {  	v0 =	vsub.f32 $0.0e+00, v0;
	v1 =	vpop (erf)  }
0x18c: {  	v1 =	vadd.f32 $1.000000000e+00, v1  }
0x18d: {  	v0 =	vmul.f32 $1.442695020e+00, v0  }
0x18e: {  	(erf) = vrcp.f32 v1  }
0x18f: {  	(erf) = vpow2.f32 v0;
	_ =	sdelay $0x3  }
0x190: {  	v0 =	vld [tilespmem:$0xAA0];
	_ =	sdelay $0x3  }
0x191: {  	v42 =	vpop (erf)  }
0x192: {  	v0 =	vsub.f32 $0.0e+00, v0;
	v1 =	vpop (erf)  }
0x193: {  	v1 =	vadd.f32 $1.000000000e+00, v1  }
0x194: {  	v0 =	vmul.f32 $1.442695020e+00, v0  }
0x195: {  	(erf) = vrcp.f32 v1  }
0x196: {  	(erf) = vpow2.f32 v0;
	_ =	sdelay $0x3  }
0x197: {  	v0 =	vld [tilespmem:$0xAB0];
	_ =	sdelay $0x3  }
0x198: {  	v43 =	vpop (erf)  }
0x199: {  	v0 =	vsub.f32 $0.0e+00, v0;
	v1 =	vpop (erf)  }
0x19a: {  	v1 =	vadd.f32 $1.000000000e+00, v1  }
0x19b: {  	v0 =	vmul.f32 $1.442695020e+00, v0  }
0x19c: {  	(erf) = vrcp.f32 v1  }
0x19d: {  	(erf) = vpow2.f32 v0;
	_ =	sdelay $0x3  }
0x19e: {  	v0 =	vld [tilespmem:$0xAC0];
	_ =	sdelay $0x3  }
0x19f: {  	v44 =	vpop (erf)  }
0x1a0: {  	v0 =	vsub.f32 $0.0e+00, v0;
	v1 =	vpop (erf)  }
0x1a1: {  	v1 =	vadd.f32 $1.000000000e+00, v1  }
0x1a2: {  	v0 =	vmul.f32 $1.442695020e+00, v0  }
0x1a3: {  	(erf) = vrcp.f32 v1  }
0x1a4: {  	(erf) = vpow2.f32 v0;
	_ =	sdelay $0x3  }
0x1a5: {  	v0 =	vld [tilespmem:$0xAD0];
	_ =	sdelay $0x3  }
0x1a6: {  	v45 =	vpop (erf)  }
0x1a7: {  	v0 =	vsub.f32 $0.0e+00, v0;
	v1 =	vpop (erf)  }
0x1a8: {  	v1 =	vadd.f32 $1.000000000e+00, v1  }
0x1a9: {  	v0 =	vmul.f32 $1.442695020e+00, v0  }
0x1aa: {  	(erf) = vrcp.f32 v1  }
0x1ab: {  	(erf) = vpow2.f32 v0;
	_ =	sdelay $0x3  }
0x1ac: {  	v0 =	vld [tilespmem:$0xAE0];
	_ =	sdelay $0x3  }
0x1ad: {  	v17 =	vpop (erf)  }
0x1ae: {  	v0 =	vsub.f32 $0.0e+00, v0;
	v1 =	vpop (erf)  }
0x1af: {  	v1 =	vadd.f32 $1.000000000e+00, v1  }
0x1b0: {  	v0 =	vmul.f32 $1.442695020e+00, v0  }
0x1b1: {  	(erf) = vrcp.f32 v1  }
0x1b2: {  	(erf) = vpow2.f32 v0;
	_ =	sdelay $0x3  }
0x1b3: {  	v0 =	vld [tilespmem:$0xAF0];
	_ =	sdelay $0x3  }
0x1b4: {  	v18 =	vpop (erf)  }
0x1b5: {  	v0 =	vsub.f32 $0.0e+00, v0;
	v1 =	vpop (erf)  }
0x1b6: {  	v1 =	vadd.f32 $1.000000000e+00, v1  }
0x1b7: {  	v0 =	vmul.f32 $1.442695020e+00, v0  }
0x1b8: {  	(erf) = vrcp.f32 v1  }
0x1b9: {  	(erf) = vpow2.f32 v0;
	_ =	sdelay $0x3  }
0x1ba: {  	v0 =	vld [tilespmem:$0xB00];
	_ =	sdelay $0x3  }
0x1bb: {  	v14 =	vpop (erf)  }
0x1bc: {  	v0 =	vsub.f32 $0.0e+00, v0;
	v1 =	vpop (erf)  }
0x1bd: {  	v1 =	vadd.f32 $1.000000000e+00, v1  }
0x1be: {  	v0 =	vmul.f32 $1.442695020e+00, v0  }
0x1bf: {  	(erf) = vrcp.f32 v1  }
0x1c0: {  	(erf) = vpow2.f32 v0;
	_ =	sdelay $0x3  }
0x1c1: {  	v0 =	vld [tilespmem:$0xB10];
	_ =	sdelay $0x3  }
0x1c2: {  	v13 =	vpop (erf)  }
0x1c3: {  	v0 =	vsub.f32 $0.0e+00, v0;
	v1 =	vpop (erf)  }
0x1c4: {  	v1 =	vadd.f32 $1.000000000e+00, v1  }
0x1c5: {  	v0 =	vmul.f32 $1.442695020e+00, v0  }
0x1c6: {  	(erf) = vrcp.f32 v1  }
0x1c7: {  	(erf) = vpow2.f32 v0;
	_ =	sdelay $0x3  }
0x1c8: {  	v0 =	vld [tilespmem:$0xB20];
	_ =	sdelay $0x3  }
0x1c9: {  	v15 =	vpop (erf)  }
0x1ca: {  	v0 =	vsub.f32 $0.0e+00, v0;
	v1 =	vpop (erf)  }
0x1cb: {  	v1 =	vadd.f32 $1.000000000e+00, v1  }
0x1cc: {  	v0 =	vmul.f32 $1.442695020e+00, v0  }
0x1cd: {  	(erf) = vrcp.f32 v1  }
0x1ce: {  	(erf) = vpow2.f32 v0;
	_ =	sdelay $0x3  }
0x1cf: {  	v0 =	vld [tilespmem:$0xB30];
	_ =	sdelay $0x3  }
0x1d0: {  	v11 =	vpop (erf)  }
0x1d1: {  	v0 =	vsub.f32 $0.0e+00, v0;
	v1 =	vpop (erf)  }
0x1d2: {  	v1 =	vadd.f32 $1.000000000e+00, v1  }
0x1d3: {  	v0 =	vmul.f32 $1.442695020e+00, v0  }
0x1d4: {  	(erf) = vrcp.f32 v1  }
0x1d5: {  	(erf) = vpow2.f32 v0;
	_ =	sdelay $0x3  }
0x1d6: {  	v0 =	vld [tilespmem:$0xB40];
	_ =	sdelay $0x3  }
0x1d7: {  	v9 =	vpop (erf)  }
0x1d8: {  	v0 =	vsub.f32 $0.0e+00, v0;
	v1 =	vpop (erf)  }
0x1d9: {  	v1 =	vadd.f32 $1.000000000e+00, v1  }
0x1da: {  	v0 =	vmul.f32 $1.442695020e+00, v0  }
0x1db: {  	(erf) = vrcp.f32 v1  }
0x1dc: {  	(erf) = vpow2.f32 v0;
	_ =	sdelay $0x3  }
0x1dd: {  	v0 =	vld [tilespmem:$0xB50];
	_ =	sdelay $0x3  }
0x1de: {  	v10 =	vpop (erf)  }
0x1df: {  	v0 =	vsub.f32 $0.0e+00, v0;
	v1 =	vpop (erf)  }
0x1e0: {  	v1 =	vadd.f32 $1.000000000e+00, v1  }
0x1e1: {  	v0 =	vmul.f32 $1.442695020e+00, v0  }
0x1e2: {  	(erf) = vrcp.f32 v1  }
0x1e3: {  	(erf) = vpow2.f32 v0;
	_ =	sdelay $0x3  }
0x1e4: {  	v0 =	vld [tilespmem:$0xB60];
	_ =	sdelay $0x3  }
0x1e5: {  	v8 =	vpop (erf)  }
0x1e6: {  	v0 =	vsub.f32 $0.0e+00, v0;
	v1 =	vpop (erf)  }
0x1e7: {  	v1 =	vadd.f32 $1.000000000e+00, v1  }
0x1e8: {  	v0 =	vmul.f32 $1.442695020e+00, v0  }
0x1e9: {  	(erf) = vrcp.f32 v1  }
0x1ea: {  	(erf) = vpow2.f32 v0;
	_ =	sdelay $0x3  }
0x1eb: {  	v0 =	vld [tilespmem:$0xB70];
	_ =	sdelay $0x3  }
0x1ec: {  	v6 =	vpop (erf)  }
0x1ed: {  	v0 =	vsub.f32 $0.0e+00, v0;
	v1 =	vpop (erf)  }
0x1ee: {  	v1 =	vadd.f32 $1.000000000e+00, v1  }
0x1ef: {  	v0 =	vmul.f32 $1.442695020e+00, v0  }
0x1f0: {  	(erf) = vrcp.f32 v1  }
0x1f1: {  	(erf) = vpow2.f32 v0;
	_ =	sdelay $0x3  }
0x1f2: {  	v0 =	vld [tilespmem:$0xB80];
	_ =	sdelay $0x3  }
0x1f3: {  	v7 =	vpop (erf)  }
0x1f4: {  	v0 =	vsub.f32 $0.0e+00, v0;
	v1 =	vpop (erf)  }
0x1f5: {  	v1 =	vadd.f32 $1.000000000e+00, v1  }
0x1f6: {  	v0 =	vmul.f32 $1.442695020e+00, v0  }
0x1f7: {  	(erf) = vrcp.f32 v1  }
0x1f8: {  	(erf) = vpow2.f32 v0;
	_ =	sdelay $0x3  }
0x1f9: {  	v0 =	vld [tilespmem:$0xB90];
	_ =	sdelay $0x3  }
0x1fa: {  	v5 =	vpop (erf)  }
0x1fb: {  	v0 =	vsub.f32 $0.0e+00, v0;
	v1 =	vpop (erf)  }
0x1fc: {  	v1 =	vadd.f32 $1.000000000e+00, v1  }
0x1fd: {  	v0 =	vmul.f32 $1.442695020e+00, v0  }
0x1fe: {  	(erf) = vrcp.f32 v1  }
0x1ff: {  	(erf) = vpow2.f32 v0;
	_ =	sdelay $0x3  }
0x200: {  	v0 =	vld [tilespmem:$0xBA0];
	_ =	sdelay $0x3  }
0x201: {  	v2 =	vpop (erf)  }
0x202: {  	v0 =	vsub.f32 $0.0e+00, v0;
	v1 =	vpop (erf)  }
0x203: {  	v1 =	vadd.f32 $1.000000000e+00, v1  }
0x204: {  	v0 =	vmul.f32 $1.442695020e+00, v0  }
0x205: {  	(erf) = vrcp.f32 v1  }
0x206: {  	(erf) = vpow2.f32 v0;
	_ =	sdelay $0x3  }
0x207: {  	v0 =	vld [tilespmem:$0xBB0];
	_ =	sdelay $0x3  }
0x208: {  	v3 =	vpop (erf)  }
0x209: {  	v0 =	vsub.f32 $0.0e+00, v0;
	v1 =	vpop (erf)  }
0x20a: {  	v1 =	vadd.f32 $1.000000000e+00, v1  }
0x20b: {  	v0 =	vmul.f32 $1.442695020e+00, v0  }
0x20c: {  	(erf) = vrcp.f32 v1  }
0x20d: {  	(erf) = vpow2.f32 v0;
	_ =	sdelay $0x3  }
0x20e: {  	v0 =	vld [tilespmem:$0xBC0];
	_ =	sdelay $0x3  }
0x20f: {  	v4 =	vpop (erf)  }
0x210: {  	v0 =	vsub.f32 $0.0e+00, v0;
	v1 =	vpop (erf)  }
0x211: {  	v1 =	vadd.f32 $1.000000000e+00, v1  }
0x212: {  	v0 =	vmul.f32 $1.442695020e+00, v0  }
0x213: {  	v30 =	vld [tilespmem:$0xDE0];
	(erf) = vrcp.f32 v1  }
0x214: {  	v31 =	vld [tilespmem:$0x1F0];
	(erf) = vpow2.f32 v0  }
0x215: {  	v32 =	vld [tilespmem:$0x5F0]  }
0x216: {  	v46 =	vld [tilespmem:$0x600]  }
0x217: {  	v0 =	vld [tilespmem:$0xDF0]  }
0x218: {  	v47 =	vld [tilespmem:$0xBD0]  }
0x219: {  	v48 =	vld [tilespmem:$0xE00];
	[tilespmem:$0x1DE0] =	vst v30  }
0x21a: {  	[tilespmem:$0x11F0] =	vst v31;
	v1 =	vld [tilespmem:$0x200]  }
0x21b: {  	v49 =	vld [tilespmem:$0xE10];
	[tilespmem:$0x15F0] =	vst v32  }
0x21c: {  	[tilespmem:$0x1DF0] =	vst v0;
	v0 =	vld [tilespmem:$0x210];
	v12 =	vpop (erf)  }
0x21d: {  	v51 =	vld [tilespmem:$0x220];
	[tilespmem:$0x1600] =	vst v46;
	v31 =	vsub.f32 $0.0e+00, v47;
	v50 =	vpop (erf)  }
0x21e: {  	v52 =	vld [tilespmem:$0x230];
	[tilespmem:$0x1E00] =	vst v48;
	v30 =	vadd.f32 $1.000000000e+00, v50  }
0x21f: {  	v31 =	vmul.f32 $1.442695020e+00, v31;
	[tilespmem:$0x1200] =	vst v1;
	v1 =	vld [tilespmem:$0x610]  }
0x220: {  	v53 =	vld [tilespmem:$0x630];
	[tilespmem:$0x1E10] =	vst v49;
	(erf) = vrcp.f32 v30  }
0x221: {  	[tilespmem:$0x1210] =	vst v0;
	v0 =	vld [tilespmem:$0x620];
	(erf) = vpow2.f32 v31  }
0x222: {  	v55 =	vld [tilespmem:$0x640];
	[tilespmem:$0x1220] =	vst v51  }
0x223: {  	[tilespmem:$0x1230] =	vst v52  }
0x224: {  	[tilespmem:$0x1610] =	vst v1;
	v1 =	vld [tilespmem:$0xE20]  }
0x225: {  	v54 =	vld [tilespmem:$0xBE0];
	[tilespmem:$0x1630] =	vst v53  }
0x226: {  	[tilespmem:$0x1620] =	vst v0;
	v0 =	vld [tilespmem:$0xE30]  }
0x227: {  	v56 =	vld [tilespmem:$0xE40];
	[tilespmem:$0x1640] =	vst v55  }
0x228: {  	v59 =	vld [tilespmem:$0xE50];
	[tilespmem:$0x1A20] =	vst v26  }
0x229: {  	[tilespmem:$0x1E20] =	vst v1;
	v1 =	vld [tilespmem:$0x240];
	v26 =	vpop (erf)  }
0x22a: {  	v60 =	vld [tilespmem:$0x260];
	[tilespmem:$0x1A00] =	vst v29;
	v30 =	vsub.f32 $0.0e+00, v54;
	v57 =	vpop (erf)  }
0x22b: {  	[tilespmem:$0x1E30] =	vst v0;
	v0 =	vld [tilespmem:$0x250];
	v29 =	vadd.f32 $1.000000000e+00, v57  }
0x22c: {  	v61 =	vld [tilespmem:$0x270];
	[tilespmem:$0x1E40] =	vst v56;
	v58 =	vmul.f32 $1.442695020e+00, v30  }
0x22d: {  	v63 =	vld [tilespmem:$0x670];
	[tilespmem:$0x1E50] =	vst v59;
	(erf) = vrcp.f32 v29  }
0x22e: {  	[tilespmem:$0x1240] =	vst v1;
	v1 =	vld [tilespmem:$0x650];
	(erf) = vpow2.f32 v58  }
0x22f: {  	v33 =	vld [tilespmem:$0x680];
	[tilespmem:$0x1260] =	vst v60  }
0x230: {  	[tilespmem:$0x1250] =	vst v0;
	v0 =	vld [tilespmem:$0x660]  }
0x231: {  	[tilespmem:$0x1270] =	vst v61  }
0x232: {  	v62 =	vld [tilespmem:$0xBF0];
	[tilespmem:$0x1670] =	vst v63  }
0x233: {  	[tilespmem:$0x1650] =	vst v1;
	v1 =	vld [tilespmem:$0xE60]  }
0x234: {  	v35 =	vld [tilespmem:$0xE80];
	[tilespmem:$0x1680] =	vst v33  }
0x235: {  	[tilespmem:$0x1660] =	vst v0;
	v0 =	vld [tilespmem:$0xE70]  }
0x236: {  	v36 =	vld [tilespmem:$0xE90];
	[tilespmem:$0x1A10] =	vst v27;
	v32 =	vpop (erf)  }
0x237: {  	v37 =	vld [tilespmem:$0x2A0];
	[tilespmem:$0x1A40] =	vst v25;
	v25 =	vsub.f32 $0.0e+00, v62;
	v34 =	vpop (erf)  }
0x238: {  	[tilespmem:$0x1E60] =	vst v1;
	v1 =	vld [tilespmem:$0x280];
	v27 =	vadd.f32 $1.000000000e+00, v34  }
0x239: {  	v38 =	vld [tilespmem:$0x6A0];
	[tilespmem:$0x1E80] =	vst v35;
	v25 =	vmul.f32 $1.442695020e+00, v25  }
0x23a: {  	[tilespmem:$0x1E70] =	vst v0;
	v0 =	vld [tilespmem:$0x290];
	(erf) = vrcp.f32 v27  }
0x23b: {  	v39 =	vld [tilespmem:$0x2B0];
	[tilespmem:$0x1E90] =	vst v36;
	(erf) = vpow2.f32 v25  }
0x23c: {  	v40 =	vld [tilespmem:$0x6B0];
	[tilespmem:$0x12A0] =	vst v37  }
0x23d: {  	[tilespmem:$0x1280] =	vst v1;
	v1 =	vld [tilespmem:$0x690]  }
0x23e: {  	[tilespmem:$0x16A0] =	vst v38  }
0x23f: {  	[tilespmem:$0x1290] =	vst v0;
	v0 =	vld [tilespmem:$0xC00]  }
0x240: {  	[tilespmem:$0x12B0] =	vst v39;
	v46 =	vld [tilespmem:$0xC10]  }
0x241: {  	[tilespmem:$0x16B0] =	vst v40;
	v47 =	vld [tilespmem:$0xED0]  }
0x242: {  	[tilespmem:$0x1690] =	vst v1;
	v1 =	vld [tilespmem:$0xEA0]  }
0x243: {  	v48 =	vld [tilespmem:$0x6E0];
	[tilespmem:$0x19F0] =	vst v41;
	v41 =	vpop (erf)  }
0x244: {  	v51 =	vld [tilespmem:$0x2F0];
	[tilespmem:$0x1A80] =	vst v42;
	v0 =	vsub.f32 $0.0e+00, v0;
	v42 =	vpop (erf)  }
0x245: {  	v52 =	vld [tilespmem:$0xEF0];
	[tilespmem:$0x1A70] =	vst v22;
	v22 =	vadd.f32 $1.000000000e+00, v42  }
0x246: {  	v53 =	vld [tilespmem:$0x700];
	[tilespmem:$0x1ED0] =	vst v47;
	v0 =	vmul.f32 $1.442695020e+00, v0  }
0x247: {  	[tilespmem:$0x1EA0] =	vst v1;
	v1 =	vld [tilespmem:$0x2C0];
	(erf) = vrcp.f32 v22  }
0x248: {  	v55 =	vld [tilespmem:$0x310];
	[tilespmem:$0x16E0] =	vst v48;
	(erf) = vpow2.f32 v0  }
0x249: {  	v56 =	vld [tilespmem:$0xF10];
	[tilespmem:$0x12F0] =	vst v51  }
0x24a: {  	v59 =	vld [tilespmem:$0x720];
	[tilespmem:$0x1EF0] =	vst v52  }
0x24b: {  	[tilespmem:$0x1700] =	vst v53;
	v0 =	vld [tilespmem:$0xEC0]  }
0x24c: {  	[tilespmem:$0x12C0] =	vst v1;
	v1 =	vld [tilespmem:$0x6D0]  }
0x24d: {  	[tilespmem:$0x1310] =	vst v55  }
0x24e: {  	v60 =	vld [tilespmem:$0x330];
	[tilespmem:$0x1F10] =	vst v56  }
0x24f: {  	v61 =	vld [tilespmem:$0x340];
	[tilespmem:$0x1720] =	vst v59  }
0x250: {  	[tilespmem:$0x1EC0] =	vst v0;
	v0 =	vld [tilespmem:$0x2E0];
	v49 =	vpop (erf)  }
0x251: {  	v19 =	vsub.f32 $0.0e+00, v46;
	[tilespmem:$0x16D0] =	vst v1;
	v1 =	vld [tilespmem:$0xEE0];
	v50 =	vpop (erf)  }
0x252: {  	[tilespmem:$0x1AD0] =	vst v18;
	v18 =	vadd.f32 $1.000000000e+00, v50  }
0x253: {  	[tilespmem:$0x1330] =	vst v60;
	v19 =	vmul.f32 $1.442695020e+00, v19;
	v62 =	vld [tilespmem:$0x740]  }
0x254: {  	[tilespmem:$0x1340] =	vst v61;
	(erf) = vrcp.f32 v18  }
0x255: {  	[tilespmem:$0x12E0] =	vst v0;
	v0 =	vld [tilespmem:$0x6F0];
	(erf) = vpow2.f32 v19  }
0x256: {  	[tilespmem:$0x1EE0] =	vst v1;
	v1 =	vld [tilespmem:$0x300]  }
0x257: {  	[tilespmem:$0x1A30] =	vst v28  }
0x258: {  	[tilespmem:$0x1740] =	vst v62  }
0x259: {  	[tilespmem:$0x1A50] =	vst v23;
	v54 =	vld [tilespmem:$0xC20]  }
0x25a: {  	[tilespmem:$0x16F0] =	vst v0;
	v0 =	vld [tilespmem:$0xF00]  }
0x25b: {  	[tilespmem:$0x1300] =	vst v1;
	v1 =	vld [tilespmem:$0x710]  }
0x25c: {  	[tilespmem:$0x1A90] =	vst v43  }
0x25d: {  	[tilespmem:$0x1AC0] =	vst v17;
	v57 =	vpop (erf)  }
0x25e: {  	v43 =	vld [tilespmem:$0xEB0];
	[tilespmem:$0x1B10] =	vst v11;
	v18 =	vsub.f32 $0.0e+00, v54;
	v58 =	vpop (erf)  }
0x25f: {  	[tilespmem:$0x1F00] =	vst v0;
	v0 =	vld [tilespmem:$0x320];
	v17 =	vadd.f32 $1.000000000e+00, v58  }
0x260: {  	v11 =	vld [tilespmem:$0xF20];
	[tilespmem:$0x1710] =	vst v1;
	v1 =	vmul.f32 $1.442695020e+00, v18  }
0x261: {  	[tilespmem:$0x1AA0] =	vst v44;
	v44 =	vld [tilespmem:$0x6C0];
	(erf) = vrcp.f32 v17  }
0x262: {  	[tilespmem:$0x1A60] =	vst v24;
	(erf) = vpow2.f32 v1  }
0x263: {  	[tilespmem:$0x1EB0] =	vst v43  }
0x264: {  	[tilespmem:$0x1320] =	vst v0;
	v0 =	vld [tilespmem:$0x730]  }
0x265: {  	[tilespmem:$0x1F20] =	vst v11;
	v11 =	vld [tilespmem:$0xC30]  }
0x266: {  	[tilespmem:$0x16C0] =	vst v44;
	v1 =	vld [tilespmem:$0xF30]  }
0x267: {  	[tilespmem:$0x1AE0] =	vst v14  }
0x268: {  	[tilespmem:$0x1B30] =	vst v10;
	v10 =	vld [tilespmem:$0x750]  }
0x269: {  	[tilespmem:$0x1730] =	vst v0;
	v0 =	vld [tilespmem:$0xF40]  }
0x26a: {  	[tilespmem:$0x1B20] =	vst v9;
	v9 =	vpop (erf)  }
0x26b: {  	v11 =	vsub.f32 $0.0e+00, v11;
	[tilespmem:$0x1F30] =	vst v1;
	v1 =	vld [tilespmem:$0x350];
	v63 =	vpop (erf)  }
0x26c: {  	[tilespmem:$0x1B40] =	vst v8;
	v8 =	vld [tilespmem:$0xF50];
	v14 =	vadd.f32 $1.000000000e+00, v63  }
0x26d: {  	v11 =	vmul.f32 $1.442695020e+00, v11;
	[tilespmem:$0x1750] =	vst v10;
	v10 =	vld [tilespmem:$0xF60]  }
0x26e: {  	[tilespmem:$0x1F40] =	vst v0;
	v0 =	vld [tilespmem:$0x360];
	(erf) = vrcp.f32 v14  }
0x26f: {  	[tilespmem:$0x1AB0] =	vst v45;
	(erf) = vpow2.f32 v11  }
0x270: {  	[tilespmem:$0x1350] =	vst v1;
	v1 =	vld [tilespmem:$0x760]  }
0x271: {  	[tilespmem:$0x1F50] =	vst v8;
	v8 =	vld [tilespmem:$0x770]  }
0x272: {  	[tilespmem:$0x1F60] =	vst v10  }
0x273: {  	[tilespmem:$0x1360] =	vst v0;
	v0 =	vld [tilespmem:$0xC40]  }
0x274: {  	[tilespmem:$0x1B50] =	vst v6;
	v6 =	vld [tilespmem:$0x370]  }
0x275: {  	[tilespmem:$0x1760] =	vst v1;
	v1 =	vld [tilespmem:$0xF70]  }
0x276: {  	[tilespmem:$0x1770] =	vst v8  }
0x277: {  	[tilespmem:$0x1B80] =	vst v2;
	v2 =	vld [tilespmem:$0x3A0];
	v10 =	vpop (erf)  }
0x278: {  	[tilespmem:$0x1B90] =	vst v3;
	v3 =	vld [tilespmem:$0xFA0];
	v0 =	vsub.f32 $0.0e+00, v0;
	v8 =	vpop (erf)  }
0x279: {  	[tilespmem:$0x1370] =	vst v6;
	v6 =	vld [tilespmem:$0x780];
	v8 =	vadd.f32 $1.000000000e+00, v8  }
0x27a: {  	[tilespmem:$0x1F70] =	vst v1;
	v1 =	vld [tilespmem:$0x390];
	v0 =	vmul.f32 $1.442695020e+00, v0  }
0x27b: {  	[tilespmem:$0x1B70] =	vst v5;
	v5 =	vld [tilespmem:$0xF80];
	(erf) = vrcp.f32 v8  }
0x27c: {  	[tilespmem:$0x13A0] =	vst v2;
	v2 =	vld [tilespmem:$0x7B0];
	(erf) = vpow2.f32 v0  }
0x27d: {  	[tilespmem:$0x1FA0] =	vst v3;
	v3 =	vld [tilespmem:$0x3C0]  }
0x27e: {  	v45 =	vld [tilespmem:$0x2D0];
	[tilespmem:$0x1780] =	vst v6  }
0x27f: {  	[tilespmem:$0x1390] =	vst v1;
	v1 =	vld [tilespmem:$0x7A0]  }
0x280: {  	[tilespmem:$0x1F80] =	vst v5;
	v5 =	vld [tilespmem:$0xC50]  }
0x281: {  	[tilespmem:$0x17B0] =	vst v2;
	v2 =	vld [tilespmem:$0xFC0]  }
0x282: {  	[tilespmem:$0x13C0] =	vst v3;
	v3 =	vld [tilespmem:$0x7D0]  }
0x283: {  	[tilespmem:$0x1B60] =	vst v7;
	v7 =	vld [tilespmem:$0x380]  }
0x284: {  	v0 =	vld [tilespmem:$0xF90];
	[tilespmem:$0x17A0] =	vst v1;
	v1 =	vpop (erf)  }
0x285: {  	v5 =	vsub.f32 $0.0e+00, v5;
	[tilespmem:$0x1BA0] =	vst v4;
	v4 =	vld [tilespmem:$0xFB0];
	v6 =	vpop (erf)  }
0x286: {  	[tilespmem:$0x1FC0] =	vst v2;
	v2 =	vld [tilespmem:$0x3E0];
	v6 =	vadd.f32 $1.000000000e+00, v6  }
0x287: {  	v5 =	vmul.f32 $1.442695020e+00, v5;
	[tilespmem:$0x17D0] =	vst v3;
	v3 =	vld [tilespmem:$0xFE0]  }
0x288: {  	[tilespmem:$0x1380] =	vst v7;
	v7 =	vld [tilespmem:$0x790];
	(erf) = vrcp.f32 v6  }
0x289: {  	[tilespmem:$0x1F90] =	vst v0;
	v0 =	vld [tilespmem:$0x3B0];
	(erf) = vpow2.f32 v5  }
0x28a: {  	[tilespmem:$0x1FB0] =	vst v4;
	v4 =	vld [tilespmem:$0x3D0]  }
0x28b: {  	[tilespmem:$0x13E0] =	vst v2;
	v2 =	vld [tilespmem:$0x7F0]  }
0x28c: {  	[tilespmem:$0x1FE0] =	vst v3;
	v3 =	vld [tilespmem:$0x800]  }
0x28d: {  	[tilespmem:$0x12D0] =	vst v45;
	v5 =	vld [tilespmem:$0xC60]  }
0x28e: {  	[tilespmem:$0x13B0] =	vst v0;
	v0 =	vld [tilespmem:$0x7C0]  }
0x28f: {  	[tilespmem:$0x13D0] =	vst v4;
	v4 =	vld [tilespmem:$0x7E0]  }
0x290: {  	[tilespmem:$0x17F0] =	vst v2;
	v2 =	vld [tilespmem:$0x410]  }
0x291: {  	[tilespmem:$0x1790] =	vst v7;
	v6 =	vpop (erf)  }
0x292: {  	[tilespmem:$0x1800] =	vst v3;
	v3 =	vld [tilespmem:$0x1010];
	v5 =	vsub.f32 $0.0e+00, v5;
	v7 =	vpop (erf)  }
0x293: {  	[tilespmem:$0x17C0] =	vst v0;
	v0 =	vld [tilespmem:$0xFD0];
	v7 =	vadd.f32 $1.000000000e+00, v7  }
0x294: {  	[tilespmem:$0x17E0] =	vst v4;
	v4 =	vld [tilespmem:$0xFF0];
	v5 =	vmul.f32 $1.442695020e+00, v5  }
0x295: {  	[tilespmem:$0x1410] =	vst v2;
	v2 =	vld [tilespmem:$0x820];
	(erf) = vrcp.f32 v7  }
0x296: {  	[tilespmem:$0x1AF0] =	vst v13;
	(erf) = vpow2.f32 v5  }
0x297: {  	[tilespmem:$0x2010] =	vst v3;
	v3 =	vld [tilespmem:$0x430]  }
0x298: {  	[tilespmem:$0x1FD0] =	vst v0;
	v0 =	vld [tilespmem:$0x3F0]  }
0x299: {  	[tilespmem:$0x1FF0] =	vst v4;
	v4 =	vld [tilespmem:$0x2380]  }
0x29a: {  	[tilespmem:$0x1820] =	vst v2;
	v2 =	vld [tilespmem:$0x1030]  }
0x29b: {  	[tilespmem:$0x1B00] =	vst v15  }
0x29c: {  	[tilespmem:$0x1430] =	vst v3;
	v3 =	vld [tilespmem:$0x840]  }
0x29d: {  	[tilespmem:$0x13F0] =	vst v0;
	v0 =	vld [tilespmem:$0x1000]  }
0x29e: {  	[tilespmem:$0x1BB0] =	vst v12;
	(xrf0) =	vmax.scan.msk.f32 $0xffff, v4;
	v5 =	vld [tilespmem:$0xC70];
	v8 =	vpop (erf)  }
0x29f: {  	[tilespmem:$0x2030] =	vst v2;
	v4 =	vpop (erf)  }
0x2a0: {  	[tilespmem:$0x1BC0] =	vst v26;
	v4 =	vadd.f32 $1.000000000e+00, v4  }
0x2a1: {  	[tilespmem:$0x1840] =	vst v3  }
0x2a2: {  	[tilespmem:$0x2000] =	vst v0;
	v0 =	vld [tilespmem:$0x420]  }
0x2a3: {  	[tilespmem:$0x1BD0] =	vst v32;
	v5 =	vsub.f32 $0.0e+00, v5  }
0x2a4: {  	[tilespmem:$0x1C30] =	vst v1;
	v1 =	vld [tilespmem:$0x450];
	(erf) = vrcp.f32 v4;
	v4, _, _ =	vpop (xrf0)  }
0x2a5: {  	[tilespmem:$0x1BE0] =	vst v41;
	v5 =	vmul.f32 $1.442695020e+00, v5;
	(v2sf) =	vpush v4, $0xF  }
0x2a6: {  	[tilespmem:$0x1BF0] =	vst v49  }
0x2a7: {  	[tilespmem:$0x1420] =	vst v0;
	v0 =	vld [tilespmem:$0x830];
	(erf) = vpow2.f32 v5  }
0x2a8: {  	[tilespmem:$0x1C00] =	vst v57;
	v7 =	vld [tilespmem:$0x400]  }
0x2a9: {  	[tilespmem:$0x1450] =	vst v1;
	v1 =	vld [tilespmem:$0x860]  }
0x2aa: {  	[tilespmem:$0x1C10] =	vst v9  }
0x2ab: {  	[tilespmem:$0x1C20] =	vst v10;
	v5 =	vld [tilespmem:$0x440]  }
0x2ac: {  	[tilespmem:$0x1830] =	vst v0;
	v0 =	vld [tilespmem:$0x1040]  }
0x2ad: {  	[tilespmem:$0x1400] =	vst v7;
	v7 =	vld [tilespmem:$0x810]  }
0x2ae: {  	[tilespmem:$0x1860] =	vst v1  }
0x2af: {  	[tilespmem:$0x1C40] =	vst v6;
	v4 =	vld [tilespmem:$0x850];
	v2 =	vpop (erf)  }
0x2b0: {  	[tilespmem:$0x1440] =	vst v5;
	v5 =	vld [tilespmem:$0x1050];
	v3 =	vpop (erf)  }
0x2b1: {  	[tilespmem:$0x2040] =	vst v0;
	v0 =	vld [tilespmem:$0x460];
	v3 =	vadd.f32 $1.000000000e+00, v3  }
0x2b2: {  	[tilespmem:$0x1810] =	vst v7;
	v7 =	vld [tilespmem:$0x1020]  }
0x2b3: {  	[tilespmem:$0x1C50] =	vst v8;
	(erf) = vrcp.f32 v3  }
0x2b4: {  	[tilespmem:$0x1850] =	vst v4;
	v4 =	vld [tilespmem:$0x470];
	s23 =	spop (v2sf)  }
0x2b5: {  	[tilespmem:$0x2050] =	vst v5;
	v5 =	vld [tilespmem:$0x1070];
	s23 =	scvt.f32.s32 s23  }
0x2b6: {  	[tilespmem:$0x1460] =	vst v0;
	v0 =	vld [tilespmem:$0x870]  }
0x2b7: {  	[tilespmem:$0x2020] =	vst v7;
	v3 =	vld [tilespmem:$0x1060];
	s23 =	sshra.s32 s23, $0x1  }
0x2b8: {  	[tilespmem:$0x1C60] =	vst v2;
	p0 =	slt.s32 s23, $0x1  }
.Ltmp2:
0x2b9: {  	[tilespmem:$0x1470] =	vst v4;
	(pc) =	sbr.rel @p0 .LBB2_9-.Ltmp2, $4  }
0x2ba: {  	[tilespmem:$0x2070] =	vst v5  }
0x2bb: {  	v45 =	vimm.f32 $0.0e+00;
	v9 =	vimm.f32 $0.0e+00;
	v10 =	vimm.f32 $0.0e+00;
	[tilespmem:$0x1870] =	vst v0  }
0x2bc: {  	v1 =	vimm.f32 $0.0e+00;
	v6 =	vimm.f32 $0.0e+00;
	v2 =	vimm.f32 $0.0e+00;
	[tilespmem:$0x2060] =	vst v3;
	v0 =	vpop (erf)  }
0x2bd: {  	v4 =	vimm.f32 $0.0e+00;
	v5 =	vimm.f32 $0.0e+00;
	[tilespmem:$0x1C70] =	vst v0;
	v0 =	vimm.f32 $0.0e+00  }
0x2be: {  	s24 =	simm.s32 $0x0  }
0x2bf: {  	v0 =	vmov s24  }
0x2c0: {  	v3 =	vld [tilespmem:$0x2080];
	v32 =	vmov s22;
	v0 =	vand.u32 $0xFFFFFFFE, v0  }
0x2c1: {  	v4 =	vld [tilespmem:$0x2100];
	v35 =	vbroadcast v0, $0x0  }
0x2c2: {  	v5 =	vld [tilespmem:$0x2090]  }
0x2c3: {  	v8 =	vld [tilespmem:$0x2120]  }
0x2c4: {  	v10 =	vld [tilespmem:$0x2110]  }
0x2c5: {  	v6 =	vld.idx.msk [tilespmem:v32+s16+$0x0], $0xffff  }
0x2c6: {  	v13 =	vld.idx.msk [tilespmem:v32+s17+$0x0], $0xffff  }
0x2c7: {  	v0 =	vld.idx.msk [tilespmem:v35+s16+$0x0], $0xffff  }
0x2c8: {  	v1 =	vld.idx.msk [tilespmem:v35+s17+$0x0], $0xffff  }
0x2c9: {  	v7 =	vld [tilespmem:$0x20A0]  }
0x2ca: {  	v9 =	vld [tilespmem:$0x20B0];
	v18 =	vsub.f32 v3, v6;
	v19 =	vsub.f32 v5, v6  }
0x2cb: {  	v20 =	vsub.f32 v8, v13;
	v21 =	vsub.f32 v10, v13  }
0x2cc: {  	v23 =	vsub.f32 v4, v13;
	v18 =	vmul.f32 v18, v18;
	v19 =	vmul.f32 v19, v19  }
0x2cd: {  	v21 =	vmul.f32 v21, v21;
	v11 =	vsub.f32 v3, v0;
	v12 =	vsub.f32 v4, v1  }
0x2ce: {  	v20 =	vmul.f32 v20, v20;
	v14 =	vsub.f32 v5, v0;
	v17 =	vsub.f32 v7, v0  }
0x2cf: {  	v16 =	vsub.f32 v8, v1;
	v0 =	vsub.f32 v9, v0;
	v15 =	vmul.f32 v11, v11  }
0x2d0: {  	v25 =	vsub.f32 v10, v1;
	v12 =	vmul.f32 v12, v12;
	v59 =	vmul.f32 v17, v17  }
0x2d1: {  	v11 =	vld [tilespmem:$0x2130];
	v17 =	vsub.f32 v9, v6;
	v16 =	vmul.f32 v16, v16;
	v6 =	vsub.f32 v7, v6  }
0x2d2: {  	v60 =	vmul.f32 v23, v23;
	v19 =	vadd.f32 v21, v19;
	v12 =	vadd.f32 v12, v15  }
0x2d3: {  	v14 =	vmul.f32 v14, v14;
	v6 =	vmul.f32 v6, v6;
	v15 =	vadd.f32 v16, v59  }
0x2d4: {  	v0 =	vmul.f32 v0, v0;
	v17 =	vmul.f32 v17, v17;
	v12 =	vadd.f32 $9.999999960e-13, v12  }
0x2d5: {  	v16 =	vmul.f32 v25, v25;
	v6 =	vadd.f32 v20, v6;
	v31 =	vadd.f32 $9.999999960e-13, v15  }
0x2d6: {  	v13 =	vsub.f32 v11, v13;
	v22 =	vshra.s32 v12, $0x1;
	v24 =	vmul.f32 $5.000000000e-01, v12  }
0x2d7: {  	v1 =	vsub.f32 v11, v1;
	v25 =	vadd.f32 $9.999999960e-13, v6;
	v22 =	vsub.s32 $0x5F3759DF, v22  }
0x2d8: {  	v6 =	vadd.f32 v16, v14;
	v37 =	vmul.f32 $5.000000000e-01, v31;
	v20 =	vmul.f32 v22, v24  }
0x2d9: {  	v24 =	vadd.f32 $9.999999960e-13, v19;
	v16 =	vshra.s32 v25, $0x1;
	v19 =	vmul.f32 $5.000000000e-01, v25  }
0x2da: {  	v13 =	vmul.f32 v13, v13;
	v1 =	vmul.f32 v1, v1;
	v61 =	vsub.s32 $0x5F3759DF, v16  }
0x2db: {  	v14 =	vadd.f32 v60, v18;
	v28 =	vadd.f32 $9.999999960e-13, v6;
	v19 =	vmul.f32 v61, v19  }
0x2dc: {  	v0 =	vadd.f32 v1, v0;
	v13 =	vadd.f32 v13, v17;
	v20 =	vmul.f32 v22, v20  }
0x2dd: {  	v21 =	vmul.f32 $5.000000000e-01, v24;
	v16 =	vshra.s32 v24, $0x1;
	v19 =	vmul.f32 v61, v19  }
0x2de: {  	v62 =	vshra.s32 v28, $0x1;
	v16 =	vsub.s32 $0x5F3759DF, v16;
	v1 =	vadd.f32 $-1.500000000e+00, v20  }
0x2df: {  	v43 =	vmul.f32 $5.000000000e-01, v28;
	v20 =	vmul.f32 v16, v21;
	v19 =	vadd.f32 $-1.500000000e+00, v19  }
0x2e0: {  	p2 =	sne.s32 s23, $0x1;
	v30 =	vadd.f32 $9.999999960e-13, v0;
	v39 =	vsub.s32 $0x5F3759DF, v62;
	v1 =	vmul.f32 v22, v1  }
.Ltmp3:
0x2e1: {  	v21 =	vshra.s32 v31, $0x1;
	v18 =	vmul.f32 v16, v20;
	v15 =	vmul.f32 v61, v19;
	(pc) =	sbr.rel @!p2 .LBB2_3-.Ltmp3, $4  }
0x2e2: {  	v6 =	vsub.s32 $0x5F3759DF, v21;
	v21 =	vadd.f32 $9.999999960e-13, v14;
	v1 =	vmul.f32 v1, v12  }
0x2e3: {  	v45 =	vshra.s32 v30, $0x1;
	v20 =	vadd.f32 $-1.500000000e+00, v18;
	v0 =	vmul.f32 v15, v25  }
0x2e4: {  	v63 =	vshra.s32 v21, $0x1;
	v18 =	vadd.f32 $9.999999960e-13, v13;
	v46 =	vmul.f32 $1.442695020e+00, v1  }
0x2e5: {  	s22 =	sadd.s32 $0xFFFFFFFF, s23;
	p1 =	por $0x0, $0x0;
	s24 =	simm.s32 $0x3;
	v38 =	vsub.s32 $0x5F3759DF, v63;
	v1 =	vmul.f32 $1.442695020e+00, v0;
	v0 =	vmul.f32 v16, v20  }
0x2e6: {  	(erf) = vpow2.f32 v46;
	v14 =	vshra.s32 v18, $0x1  }
0x2e7: {  	s25 =	simm.s32 $0x2;
	v16 =	vmul.f32 $5.000000000e-01, v18;
	v17 =	vmul.f32 v39, v43;
	v19 =	vsub.s32 $0x5F3759DF, v45  }
0x2e8: {  	v23 =	vmul.f32 $5.000000000e-01, v30;
	v12 =	vmov s25;
	(erf) = vpow2.f32 v1  }
0x2e9: {  	v1 =	vmul.f32 v6, v37;
	v0 =	vmul.f32 v0, v24;
	v24 =	vsub.s32 $0x5F3759DF, v14  }
0x2ea: {  	v12 =	vand.u32 $0xFFFFFFFE, v12;
	v25 =	vmul.f32 v39, v17;
	v14 =	vmul.f32 v19, v23  }
0x2eb: {  	v16 =	vmul.f32 v24, v16;
	v15 =	vbroadcast v12, $0x0  }
0x2ec: {  	v17 =	vmov s24;
	v12 =	vmul.f32 $5.000000000e-01, v21;
	v1 =	vmul.f32 v6, v1  }
0x2ed: {  	v25 =	vadd.f32 $-1.500000000e+00, v25;
	v14 =	vmul.f32 v19, v14  }
0x2ee: {  	v13 =	vld.idx.msk [tilespmem:v35+s18+$0x0], $0xffff;
	v16 =	vmul.f32 v24, v16;
	v22 =	vmul.f32 v38, v12;
	v1 =	vadd.f32 $-1.500000000e+00, v1  }
0x2ef: {  	v0 =	vmul.f32 $1.442695020e+00, v0;
	v25 =	vmul.f32 v39, v25;
	v33 =	vadd.f32 $-1.500000000e+00, v14  }
0x2f0: {  	v20 =	vld.idx.msk [tilespmem:v32+s18+$0x0], $0xffff;
	v47 =	vadd.f32 $-1.500000000e+00, v16;
	v22 =	vmul.f32 v38, v22;
	v1 =	vmul.f32 v6, v1  }
0x2f1: {  	v29 =	vld.idx.msk [tilespmem:v17+s16+$0x0], $0xffff;
	v25 =	vmul.f32 v25, v28;
	v19 =	vmul.f32 v19, v33  }
0x2f2: {  	v12 =	vld.idx.msk [tilespmem:v35+s19+$0x0], $0xffff;
	v24 =	vmul.f32 v24, v47;
	v23 =	vpop (erf);
	(erf) = vpow2.f32 v0  }
0x2f3: {  	v45 =	vld.idx.msk [tilespmem:v17+s17+$0x0], $0xffff;
	v22 =	vadd.f32 $-1.500000000e+00, v22;
	v1 =	vmul.f32 v1, v31;
	v23 =	vmul.f32 v23, v13  }
0x2f4: {  	v14 =	vpop (erf);
	v19 =	vmul.f32 v19, v30;
	v18 =	vmul.f32 v24, v18  }
0x2f5: {  	v32 =	vld.idx.msk [tilespmem:v32+s19+$0x0], $0xffff;
	v22 =	vmul.f32 v38, v22;
	v14 =	vmul.f32 v14, v20  }
0x2f6: {  	v26 =	vld.idx.msk [tilespmem:v15+s16+$0x0], $0xffff;
	v1 =	vmul.f32 $1.442695020e+00, v1;
	v34 =	vadd.f32 v23, v2;
	v48 =	vsub.f32 v9, v29  }
0x2f7: {  	v23 =	vmul.f32 v23, v12;
	v49 =	vsub.f32 v3, v29;
	v50 =	vsub.f32 v5, v29  }
0x2f8: {  	v27 =	vld.idx.msk [tilespmem:v15+s17+$0x0], $0xffff;
	v51 =	vmul.f32 $1.442695020e+00, v19;
	v40 =	vsub.f32 v8, v45;
	v52 =	vsub.f32 v10, v45  }
0x2f9: {  	v53 =	vsub.f32 v4, v45;
	v33 =	vsub.f32 v11, v45;
	v18 =	vmul.f32 $1.442695020e+00, v18  }
0x2fa: {  	v29 =	vsub.f32 v7, v29;
	v21 =	vmul.f32 v22, v21;
	v16 =	vmul.f32 v14, v32  }
0x2fb: {  	v43 =	vsub.f32 v3, v26;
	v19 =	vadd.f32 v23, v2;
	v23 =	vmul.f32 $1.442695020e+00, v25  }
0x2fc: {  	v28 =	vsub.f32 v5, v26;
	v25 =	vmul.f32 v50, v50;
	(erf) = vpow2.f32 v51  }
0x2fd: {  	v36 =	vsub.f32 v8, v27;
	v39 =	vmul.f32 v48, v48;
	v41 =	vmul.f32 v33, v33  }
0x2fe: {  	v44 =	vsub.f32 v7, v26;
	v40 =	vmul.f32 v40, v40;
	v56 =	vmul.f32 v29, v29  }
0x2ff: {  	v46 =	vsub.f32 v4, v27;
	v58 =	vmul.f32 v53, v53;
	v21 =	vmul.f32 $1.442695020e+00, v21  }
0x300: {  	v26 =	vsub.f32 v9, v26;
	v0 =	vmul.f32 v43, v43;
	v28 =	vmul.f32 v28, v28  }
0x301: {  	v55 =	vsub.f32 v10, v27;
	v35 =	vmul.f32 v44, v44;
	v30 =	vmul.f32 v46, v46  }
0x302: {  	v27 =	vsub.f32 v11, v27;
	v22 =	vmul.f32 v36, v36;
	v36 =	vmul.f32 v52, v52  }
0x303: {  	v33 =	vmul.f32 v55, v55;
	v26 =	vmul.f32 v26, v26  }
0x304: {  	v57 =	vmul.f32 v27, v27;
	v0 =	vadd.f32 v30, v0;
	v25 =	vadd.f32 v36, v25  }
0x305: {  	(erf) = vpow2.f32 v23;
	v22 =	vadd.f32 v22, v35;
	v28 =	vadd.f32 v33, v28  }
0x306: {  	v30 =	vmul.f32 v49, v49;
	v24 =	vpop (erf);
	v26 =	vadd.f32 v57, v26;
	v0 =	vadd.f32 $9.999999960e-13, v0  }
0x307: {  	v29 =	vmul.f32 v24, v20;
	v24 =	vadd.f32 $9.999999960e-13, v25;
	v25 =	vadd.f32 v40, v56  }
0x308: {  	(erf) = vpow2.f32 v21;
	v30 =	vadd.f32 v58, v30;
	v28 =	vadd.f32 $9.999999960e-13, v28  }
0x309: {  	v23 =	vshra.s32 v0, $0x1;
	v54 =	vmul.f32 $5.000000000e-01, v0;
	v60 =	vmul.f32 $5.000000000e-01, v24  }
0x30a: {  	v36 =	vadd.f32 $9.999999960e-13, v25;
	v43 =	vmul.f32 $5.000000000e-01, v28;
	v23 =	vsub.s32 $0x5F3759DF, v23  }
0x30b: {  	v25 =	vadd.f32 $9.999999960e-13, v22;
	v27 =	vpop (erf);
	(erf) = vpow2.f32 v18;
	v21 =	vmul.f32 v23, v54  }
0x30c: {  	v18 =	vshra.s32 v24, $0x1;
	v59 =	vmul.f32 v27, v13;
	v27 =	vmul.f32 v29, v32  }
0x30d: {  	v22 =	vshra.s32 v36, $0x1;
	v42 =	vmul.f32 $5.000000000e-01, v36;
	v47 =	vsub.s32 $0x5F3759DF, v18  }
0x30e: {  	v37 =	vmul.f32 $5.000000000e-01, v25;
	(erf) = vpow2.f32 v1;
	v18 =	vsub.s32 $0x5F3759DF, v22  }
0x30f: {  	v63 =	vshra.s32 v28, $0x1;
	v35 =	vmul.f32 v47, v60;
	v42 =	vmul.f32 v18, v42  }
0x310: {  	v62 =	vshra.s32 v25, $0x1;
	v44 =	vpop (erf);
	v21 =	vmul.f32 v23, v21;
	v61 =	vmul.f32 v59, v12  }
0x311: {  	v6 =	vsub.s32 $0x5F3759DF, v62;
	v22 =	vpop (erf);
	v35 =	vmul.f32 v47, v35;
	v42 =	vmul.f32 v18, v42  }
0x312: {  	v33 =	vadd.f32 v59, v2;
	v21 =	vadd.f32 $-1.500000000e+00, v21;
	v22 =	vmul.f32 v22, v20  }
0x313: {  	v44 =	vmul.f32 v44, v13;
	v35 =	vadd.f32 $-1.500000000e+00, v35;
	v31 =	vadd.f32 $-1.500000000e+00, v42  }
0x314: {  	v23 =	vmul.f32 v23, v21;
	v21 =	vadd.f32 $9.999999960e-13, v30;
	v34 =	vadd.f32 v22, v34  }
0x315: {  	v30 =	vadd.f32 $9.999999960e-13, v26;
	v26 =	vimm.f32 $0.0e+00;
	v31 =	vmul.f32 v18, v31  }
0x316: {  	p2 =	sne.s32 s22, $0x1;
	v18 =	vadd.f32 v41, v39;
	v0 =	vmul.f32 v23, v0;
	v23 =	vshra.s32 v21, $0x1  }
.Ltmp4:
0x317: {  	v41 =	vmul.f32 v22, v32;
	v1 =	vpop (erf);
	v39 =	vsub.s32 $0x5F3759DF, v63;
	v45 =	vshra.s32 v30, $0x1;
	(pc) =	sbr.rel @!p2 .LBB2_5-.Ltmp4, $4  }
0x318: {  	v42 =	vmul.f32 v1, v20;
	v38 =	vsub.s32 $0x5F3759DF, v23;
	v20 =	vimm.f32 $0.0e+00  }
0x319: {  	v23 =	vimm.f32 $0.0e+00;
	v18 =	vadd.f32 $9.999999960e-13, v18;
	v22 =	vmul.f32 v31, v36  }
0x31a: {  	v36 =	vadd.f32 v61, v2;
	v46 =	vmul.f32 $1.442695020e+00, v0;
	v0 =	vmul.f32 v47, v35  }
0x31b: {  	s22 =	sadd.s32 $0xFFFFFFFF, s22;
	p1 =	por $0x1, $0x1;
	s24 =	simm.s32 $0x5;
	v40 =	vmul.f32 v42, v32;
	v1 =	vmul.f32 $1.442695020e+00, v22;
	v22 =	vimm.f32 $0.0e+00  }
.LBB2_6:
0x31c: {  	s25 =	sadd.s32 $0xFFFFFFFF, s24;
	p2 =	sne.s32 s22, $0x1;
	s22 =	sadd.s32 $0xFFFFFFFF, s22;
	v32 =	vmul.f32 v6, v37;
	v31 =	vshra.s32 v18, $0x1;
	v35 =	vmul.f32 $5.000000000e-01, v18  }
0x31d: {  	v43 =	vmul.f32 v39, v43;
	v37 =	vmov s25;
	(erf) = vpow2.f32 v46  }
0x31e: {  	v46 =	vmul.f32 $5.000000000e-01, v21;
	v47 =	vsub.s32 $0x5F3759DF, v31;
	v37 =	vand.u32 $0xFFFFFFFE, v37  }
0x31f: {  	v45 =	vsub.s32 $0x5F3759DF, v45;
	v35 =	vmul.f32 v47, v35;
	v37 =	vbroadcast v37, $0x0;
	v31 =	vpop (erf)  }
0x320: {  	v22 =	vadd.f32 v44, v22;
	v44 =	vmul.f32 v44, v12;
	v43 =	vmul.f32 v39, v43  }
0x321: {  	v33 =	vadd.f32 v42, v33;
	(erf) = vpow2.f32 v1;
	v1 =	vmul.f32 v31, v13;
	v13 =	vld.idx.msk [tilespmem:v15+s18+$0x0], $0xffff  }
0x322: {  	v19 =	vadd.f32 v41, v19;
	v22 =	vadd.f32 v29, v22;
	v42 =	vmul.f32 v38, v46  }
0x323: {  	v0 =	vmul.f32 v0, v24;
	v20 =	vadd.f32 v1, v20;
	v1 =	vmul.f32 v1, v12;
	v12 =	vld.idx.msk [tilespmem:v15+s19+$0x0], $0xffff  }
0x324: {  	v24 =	vmov s24;
	v29 =	vmul.f32 $5.000000000e-01, v30;
	v26 =	vadd.f32 v44, v26;
	v15 =	vmovc v37;
	v31 =	vld.idx.msk [tilespmem:v17+s18+$0x0], $0xffff  }
0x325: {  	v0 =	vmul.f32 $1.442695020e+00, v0;
	v43 =	vadd.f32 $-1.500000000e+00, v43;
	v41 =	vld.idx.msk [tilespmem:v37+s16+$0x0], $0xffff;
	v20 =	vadd.f32 v14, v20  }
0x326: {  	v14 =	vmul.f32 v45, v29;
	v29 =	vmul.f32 v38, v42;
	v1 =	vadd.f32 v1, v23;
	v37 =	vld.idx.msk [tilespmem:v37+s17+$0x0], $0xffff;
	v42 =	vpop (erf)  }
0x327: {  	v26 =	vadd.f32 v27, v26;
	v39 =	vmul.f32 v39, v43;
	v42 =	vmul.f32 v42, v13  }
0x328: {  	v43 =	vmul.f32 v45, v14;
	v27 =	vadd.f32 $-1.500000000e+00, v29;
	v23 =	vadd.f32 v16, v1  }
0x329: {  	v36 =	vadd.f32 v40, v36;
	v1 =	vld.idx.msk [tilespmem:v24+s16+$0x0], $0xffff;
	v34 =	vadd.f32 v42, v34;
	v29 =	vmul.f32 v42, v12  }
0x32a: {  	v16 =	vadd.f32 $-1.500000000e+00, v43;
	v27 =	vmul.f32 v38, v27;
	v38 =	vmul.f32 v47, v35;
	v40 =	vld.idx.msk [tilespmem:v24+s17+$0x0], $0xffff;
	v14 =	vpop (erf)  }
0x32b: {  	v28 =	vmul.f32 v39, v28;
	v42 =	vsub.f32 v3, v41;
	v35 =	vld.idx.msk [tilespmem:v17+s19+$0x0], $0xffff;
	v14 =	vmul.f32 v14, v31  }
0x32c: {  	v39 =	vsub.f32 v5, v41;
	v43 =	vsub.f32 v8, v37;
	v17 =	vmovc v24;
	(erf) = vpow2.f32 v0  }
0x32d: {  	v24 =	vsub.f32 v7, v41;
	v16 =	vmul.f32 v45, v16;
	v0 =	vmul.f32 v42, v42  }
0x32e: {  	v38 =	vadd.f32 $-1.500000000e+00, v38;
	v42 =	vsub.f32 v4, v37;
	v39 =	vmul.f32 v39, v39  }
0x32f: {  	v24 =	vmul.f32 v24, v24;
	v30 =	vmul.f32 v16, v30;
	v44 =	vsub.f32 v9, v1  }
0x330: {  	v21 =	vmul.f32 v27, v21;
	v42 =	vmul.f32 v42, v42;
	v45 =	vsub.f32 v3, v1  }
0x331: {  	v27 =	vmul.f32 v43, v43;
	v43 =	vsub.f32 v5, v1;
	v16 =	vmul.f32 v14, v35  }
0x332: {  	v30 =	vmul.f32 $1.442695020e+00, v30;
	v0 =	vadd.f32 v42, v0;
	v42 =	vmul.f32 v45, v45  }
0x333: {  	v46 =	vmul.f32 $1.442695020e+00, v28;
	v19 =	vadd.f32 v29, v19;
	v45 =	vsub.f32 v8, v40  }
0x334: {  	v29 =	vmul.f32 v43, v43;
	v0 =	vadd.f32 $9.999999960e-13, v0;
	(erf) = vpow2.f32 v30  }
0x335: {  	v21 =	vmul.f32 $1.442695020e+00, v21;
	v30 =	vsub.f32 v10, v40;
	(erf) = vpow2.f32 v46;
	v28 =	vpop (erf)  }
0x336: {  	v41 =	vsub.f32 v9, v41;
	v43 =	vshra.s32 v0, $0x1;
	v46 =	vsub.f32 v4, v40  }
0x337: {  	v1 =	vsub.f32 v7, v1;
	v40 =	vsub.f32 v11, v40;
	v30 =	vmul.f32 v30, v30  }
0x338: {  	v38 =	vmul.f32 v47, v38;
	v44 =	vmul.f32 v44, v44;
	v43 =	vsub.s32 $0x5F3759DF, v43  }
0x339: {  	v48 =	vadd.f32 v27, v24;
	v47 =	vmul.f32 $5.000000000e-01, v0;
	v40 =	vmul.f32 v40, v40  }
0x33a: {  	v24 =	vsub.f32 v10, v37;
	v27 =	vmul.f32 v45, v45;
	(erf) = vpow2.f32 v21  }
0x33b: {  	v37 =	vsub.f32 v11, v37;
	v18 =	vmul.f32 v38, v18;
	v21 =	vmul.f32 v43, v47  }
0x33c: {  	v41 =	vmul.f32 v41, v41;
	v38 =	vmul.f32 v24, v24;
	v24 =	vadd.f32 v30, v29  }
0x33d: {  	v1 =	vmul.f32 v1, v1;
	v29 =	vmul.f32 v28, v31;
	v28 =	vpop (erf)  }
0x33e: {  	v18 =	vmul.f32 $1.442695020e+00, v18;
	v30 =	vmul.f32 v37, v37;
	v24 =	vadd.f32 $9.999999960e-13, v24;
	v47 =	vpop (erf)  }
0x33f: {  	v38 =	vadd.f32 v38, v39;
	v39 =	vmul.f32 v46, v46;
	v28 =	vmul.f32 v28, v13  }
0x340: {  	v1 =	vadd.f32 v27, v1;
	v27 =	vmul.f32 v29, v35;
	(erf) = vpow2.f32 v18  }
0x341: {  	v30 =	vadd.f32 v30, v41;
	v41 =	vmul.f32 $5.000000000e-01, v24;
	v18 =	vshra.s32 v24, $0x1  }
0x342: {  	v1 =	vadd.f32 $9.999999960e-13, v1;
	v21 =	vmul.f32 v43, v21;
	v45 =	vmul.f32 v28, v12  }
0x343: {  	v46 =	vadd.f32 $9.999999960e-13, v48;
	v48 =	vsub.s32 $0x5F3759DF, v18;
	v18 =	vmul.f32 v6, v32;
	v32 =	vpop (erf)  }
0x344: {  	v49 =	vshra.s32 v1, $0x1;
	v50 =	vmul.f32 $5.000000000e-01, v1;
	v33 =	vadd.f32 v28, v33  }
0x345: {  	v37 =	vmul.f32 $5.000000000e-01, v46;
	v49 =	vsub.s32 $0x5F3759DF, v49;
	v18 =	vadd.f32 $-1.500000000e+00, v18  }
0x346: {  	v21 =	vadd.f32 $-1.500000000e+00, v21;
	v28 =	vmul.f32 v49, v50;
	v32 =	vmul.f32 v32, v31  }
0x347: {  	v51 =	vshra.s32 v46, $0x1;
	v41 =	vmul.f32 v48, v41;
	v18 =	vmul.f32 v6, v18  }
0x348: {  	v39 =	vadd.f32 v39, v42;
	v42 =	vmul.f32 v49, v28;
	v6 =	vsub.s32 $0x5F3759DF, v51  }
0x349: {  	v28 =	vadd.f32 $9.999999960e-13, v38;
	v38 =	vmul.f32 v48, v41;
	v18 =	vmul.f32 v18, v25;
	v50 =	vpop (erf)  }
0x34a: {  	v41 =	vmul.f32 v43, v21;
	v21 =	vadd.f32 $9.999999960e-13, v39;
	v39 =	vadd.f32 $-1.500000000e+00, v42;
	v25 =	vmovc v46  }
0x34b: {  	v42 =	vshra.s32 v28, $0x1;
	v51 =	vadd.f32 $-1.500000000e+00, v38;
	v18 =	vmul.f32 $1.442695020e+00, v18  }
0x34c: {  	v38 =	vmul.f32 v49, v39;
	v39 =	vadd.f32 v40, v44;
	v34 =	vadd.f32 v32, v34  }
0x34d: {  	v0 =	vmul.f32 v41, v0;
	v40 =	vshra.s32 v21, $0x1;
	(erf) = vpow2.f32 v18  }
.Ltmp5:
0x34e: {  	v43 =	vmul.f32 $5.000000000e-01, v28;
	v41 =	vmul.f32 v32, v35;
	v18 =	vadd.f32 $9.999999960e-13, v39;
	(pc) =	sbr.rel @p2 .LBB2_6-.Ltmp5, $4  }
0x34f: {  	v30 =	vadd.f32 $9.999999960e-13, v30;
	v36 =	vadd.f32 v45, v36;
	v1 =	vmul.f32 v38, v1  }
0x350: {  	v46 =	vmul.f32 $1.442695020e+00, v0;
	v39 =	vsub.s32 $0x5F3759DF, v42;
	v42 =	vmul.f32 v50, v31  }
0x351: {  	v45 =	vshra.s32 v30, $0x1;
	v44 =	vmul.f32 v47, v13;
	v1 =	vmul.f32 $1.442695020e+00, v1  }
0x352: {  	s24 =	sadd.s32 $0x2, s24;
	v38 =	vsub.s32 $0x5F3759DF, v40;
	v0 =	vmul.f32 v48, v51;
	v40 =	vmul.f32 v42, v35  }
0x353: {  	v35 =	vmov v15;
	v32 =	vmov v17;
	v31 =	vmov v25  }
.LBB2_8:
0x354: {  	v3 =	vmul.f32 $5.000000000e-01, v30;
	v4 =	vmul.f32 v6, v37  }
0x355: {  	v5 =	vmul.f32 $5.000000000e-01, v21;
	v8 =	vmul.f32 $5.000000000e-01, v18  }
0x356: {  	v7 =	vsub.s32 $0x5F3759DF, v45;
	v9 =	vmul.f32 v39, v43;
	(erf) = vpow2.f32 v46  }
0x357: {  	v0 =	vmul.f32 v0, v24;
	v3 =	vmul.f32 v7, v3  }
0x358: {  	(erf) = vpow2.f32 v1;
	v5 =	vmul.f32 v38, v5  }
0x359: {  	v10 =	vshra.s32 v18, $0x1;
	v9 =	vmul.f32 v39, v9;
	v3 =	vmul.f32 v7, v3  }
0x35a: {  	v10 =	vsub.s32 $0x5F3759DF, v10;
	v0 =	vmul.f32 $1.442695020e+00, v0;
	v5 =	vmul.f32 v38, v5  }
0x35b: {  	v8 =	vmul.f32 v10, v8;
	v1 =	vadd.f32 $-1.500000000e+00, v9;
	v3 =	vadd.f32 $-1.500000000e+00, v3  }
0x35c: {  	v4 =	vmul.f32 v6, v4;
	(erf) = vpow2.f32 v0;
	v5 =	vadd.f32 $-1.500000000e+00, v5  }
0x35d: {  	v1 =	vmul.f32 v39, v1;
	v3 =	vmul.f32 v7, v3  }
0x35e: {  	v4 =	vadd.f32 $-1.500000000e+00, v4;
	v5 =	vmul.f32 v38, v5;
	v7 =	vmul.f32 v10, v8  }
0x35f: {  	v1 =	vmul.f32 v1, v28;
	v3 =	vmul.f32 v3, v30  }
0x360: {  	v4 =	vmul.f32 v6, v4;
	v0 =	vadd.f32 $-1.500000000e+00, v7;
	v5 =	vmul.f32 v5, v21  }
0x361: {  	v1 =	vmul.f32 $1.442695020e+00, v1;
	v3 =	vmul.f32 $1.442695020e+00, v3  }
0x362: {  	v7 =	vmul.f32 @p1 v44, v12;
	v0 =	vmul.f32 v10, v0  }
0x363: {  	(erf) = vpow2.f32 v3;
	v3 =	vmul.f32 $1.442695020e+00, v5  }
0x364: {  	v0 =	vmul.f32 v0, v18;
	(erf) = vpow2.f32 v1  }
0x365: {  	v1 =	vpop @p1 (erf);
	(erf) = vpow2.f32 v3;
	v3 =	vmul.f32 v4, v31  }
0x366: {  	v5 =	vld.idx.msk [tilespmem:v35+s18+$0x0], $0xffff;
	v1 =	vmul.f32 @p1 v1, v13;
	v0 =	vmul.f32 $1.442695020e+00, v0  }
0x367: {  	v17 =	vadd.f32 @p1 v40, v36;
	v8 =	vadd.f32 @p1 v42, v33;
	v3 =	vmul.f32 $1.442695020e+00, v3  }
0x368: {  	v9 =	vld.idx.msk [tilespmem:v35+s19+$0x0], $0xffff;
	v4 =	vadd.f32 @p1 v44, v22;
	v11 =	vmul.f32 @p1 v1, v12;
	(erf) = vpow2.f32 v0  }
0x369: {  	v6 =	vld.idx.msk [tilespmem:v32+s18+$0x0], $0xffff;
	v0 =	vadd.f32 @p1 v1, v20;
	v1 =	vadd.f32 @p1 v7, v26;
	v7 =	vpop (erf);
	(erf) = vpow2.f32 v3  }
0x36a: {  	v60 =	vpsel p1, v17, v2;
	v10 =	vadd.f32 @p1 v41, v19  }
0x36b: {  	v52 =	vld.idx.msk [tilespmem:v32+s19+$0x0], $0xffff;
	v8 =	vpsel p1, v8, v2;
	v4 =	vadd.f32 @p1 v29, v4;
	v7 =	vmul.f32 v7, v5  }
0x36c: {  	v10 =	vpsel p1, v10, v2;
	v11 =	vadd.f32 @p1 v11, v23;
	v0 =	vadd.f32 @p1 v14, v0;
	v3 =	vpop (erf)  }
0x36d: {  	v14 =	vadd.f32 @p1 v27, v1;
	v4 =	vpsel p1, v4, v2;
	v15 =	vadd.f32 v7, v34;
	v53 =	vpop (erf)  }
0x36e: {  	v7 =	vmul.f32 v7, v9;
	v11 =	vadd.f32 @p1 v16, v11;
	v1 =	vpop (erf);
	v13 =	vmul.f32 v53, v6  }
0x36f: {  	v62 =	vpsel p1, v0, v2;
	v3 =	vmul.f32 v3, v6;
	v54 =	vpop (erf);
	v1 =	vmul.f32 v1, v5  }
0x370: {  	v14 =	vpsel p1, v14, v2;
	v56 =	vpop (erf);
	v57 =	vmul.f32 v13, v52;
	v16 =	vmul.f32 v54, v5  }
0x371: {  	v7 =	vadd.f32 v7, v10;
	v10 =	vmul.f32 v56, v6;
	v58 =	vmul.f32 v1, v9;
	v59 =	vpop (erf)  }
0x372: {  	v8 =	vadd.f32 v1, v8;
	v6 =	vmul.f32 v59, v6;
	v63 =	vadd.f32 v16, v4;
	v61 =	vpop (erf)  }
0x373: {  	v1 =	vadd.f32 v10, v15;
	v10 =	vmul.f32 v10, v52;
	v5 =	vmul.f32 v61, v5  }
0x374: {  	v16 =	vmul.f32 v16, v9;
	v15 =	vadd.f32 v58, v60;
	v0 =	vadd.f32 v6, v8  }
0x375: {  	v8 =	vpsel p1, v11, v2;
	v4 =	vadd.f32 v10, v7;
	v7 =	vmul.f32 v5, v9  }
0x376: {  	v11 =	vadd.f32 v16, v14;
	v12 =	vmul.f32 v6, v52;
	v10 =	vadd.f32 v13, v63  }
0x377: {  	v55 =	vmul.f32 v3, v52;
	v5 =	vadd.f32 v5, v62;
	v7 =	vadd.f32 v7, v8  }
0x378: {  	v6 =	vadd.f32 v57, v11;
	v45 =	vadd.f32 v12, v15  }
0x379: {  	v9 =	vadd.f32 v3, v5;
	v5 =	vadd.f32 v55, v7  }
.LBB2_9:
0x37a: {  	v7 =	vld [tilespmem:$0x2180];
	_ =	sdelay $0x4  }
0x37b: {  	v7 =	vsub.f32 $0.0e+00, v7;
	_ =	sdelay $0x1  }
0x37c: {  	v7 =	vmul.f32 $1.442695020e+00, v7;
	_ =	sdelay $0x1  }
0x37d: {  	(erf) = vpow2.f32 v7;
	_ =	sdelay $0x1  }
0x37e: {  	v7 =	vld [tilespmem:$0x2300];
	_ =	sdelay $0x2  }
0x37f: {  	v8 =	vld [tilespmem:$0x2190];
	_ =	sdelay $0x1  }
0x380: {  	v7 =	vmul.f32 $9.999989860e-01, v7;
	_ =	sdelay $0x1  }
0x381: {  	v1 =	vsub.f32 v1, v7;
	v11 =	vpop (erf)  }
0x382: {  	v8 =	vsub.f32 $0.0e+00, v8;
	v11 =	vadd.f32 $1.000000000e+00, v11  }
0x383: {  	v1 =	vadd.f32 $9.999999930e-09, v1  }
0x384: {  	v8 =	vmul.f32 $1.442695020e+00, v8;
	(erf) = vrcp.f32 v11  }
0x385: {  	(erf) = vrcp.f32 v1  }
0x386: {  	(erf) = vpow2.f32 v8;
	_ =	sdelay $0x1  }
0x387: {  	v1 =	vld [tilespmem:$0x2310];
	_ =	sdelay $0x2  }
0x388: {  	v11 =	vld [tilespmem:$0x21A0];
	_ =	sdelay $0x1  }
0x389: {  	v12 =	vmul.f32 $9.999989860e-01, v1;
	v8 =	vpop (erf)  }
0x38a: {  	v27 =	vpop (erf)  }
0x38b: {  	v10 =	vsub.f32 v10, v12;
	v1 =	vpop (erf)  }
0x38c: {  	v11 =	vsub.f32 $0.0e+00, v11;
	v1 =	vadd.f32 $1.000000000e+00, v1  }
0x38d: {  	v10 =	vadd.f32 $9.999999930e-09, v10  }
0x38e: {  	(erf) = vrcp.f32 v1;
	v1 =	vmul.f32 $1.442695020e+00, v11  }
0x38f: {  	(erf) = vrcp.f32 v10  }
0x390: {  	(erf) = vpow2.f32 v1;
	_ =	sdelay $0x1  }
0x391: {  	v1 =	vld [tilespmem:$0x2320];
	_ =	sdelay $0x2  }
0x392: {  	v11 =	vld [tilespmem:$0x21B0];
	_ =	sdelay $0x1  }
0x393: {  	v15 =	vmul.f32 $9.999989860e-01, v1;
	v10 =	vpop (erf)  }
0x394: {  	v29 =	vpop (erf)  }
0x395: {  	v9 =	vsub.f32 v9, v15;
	v1 =	vpop (erf)  }
0x396: {  	v11 =	vsub.f32 $0.0e+00, v11;
	v1 =	vadd.f32 $1.000000000e+00, v1  }
0x397: {  	v9 =	vadd.f32 $9.999999930e-09, v9  }
0x398: {  	(erf) = vrcp.f32 v1;
	v1 =	vmul.f32 $1.442695020e+00, v11  }
0x399: {  	(erf) = vrcp.f32 v9  }
0x39a: {  	(erf) = vpow2.f32 v1;
	_ =	sdelay $0x1  }
0x39b: {  	v1 =	vld [tilespmem:$0x2330];
	_ =	sdelay $0x4  }
0x39c: {  	v20 =	vmul.f32 $9.999989860e-01, v1;
	v14 =	vpop (erf)  }
0x39d: {  	v31 =	vpop (erf)  }
0x39e: {  	v0 =	vsub.f32 v0, v20;
	v1 =	vpop (erf)  }
0x39f: {  	v1 =	vadd.f32 $1.000000000e+00, v1  }
0x3a0: {  	v0 =	vadd.f32 $9.999999930e-09, v0  }
0x3a1: {  	(erf) = vrcp.f32 v1  }
0x3a2: {  	(erf) = vrcp.f32 v0;
	_ =	sdelay $0x4  }
.Ltmp6:
0x3a3: {  	_ = 	snop;
	(pc) =	sbr.rel @p0 .LBB2_10-.Ltmp6, $4  }
0x3a4: {  	v33 =	vld [tilespmem:$0x2280]  }
0x3a5: {  	v30 =	vld [tilespmem:$0x2290]  }
0x3a6: {  	v28 =	vld [tilespmem:$0x22A0];
	v17 =	vpop (erf)  }
0x3a7: {  	v26 =	vld [tilespmem:$0x22B0];
	v32 =	vpop (erf)  }
0x3a8: {  	v23 =	vld [tilespmem:$0x20C0];
	s31 =	simm.s32 $0x1  }
0x3a9: {  	s22 =	simm.s32 $0x0;
	v24 =	vld [tilespmem:$0x2140];
	v52 =	vmov s31  }
0x3aa: {  	v25 =	vld [tilespmem:$0x20D0];
	v0 =	vmov s22  }
0x3ab: {  	[tilespmem:$0x1FFC0] =	vst v27;
	v27 =	vld [tilespmem:$0x20E0];
	v0 =	vand.u32 $0xFFFFFFFE, v0  }
0x3ac: {  	[tilespmem:$0x1FFA0] =	vst v29;
	v29 =	vld [tilespmem:$0x20F0];
	v55 =	vbroadcast v0, $0x0  }
0x3ad: {  	[tilespmem:$0x1FF90] =	vst v30;
	v30 =	vld [tilespmem:$0x2150]  }
0x3ae: {  	v9 =	vld.idx.msk [tilespmem:v52+s16+$0x0], $0xffff  }
0x3af: {  	[tilespmem:$0x1FFB0] =	vst v28;
	v28 =	vld [tilespmem:$0x2160]  }
0x3b0: {  	[tilespmem:$0x1FFD0] =	vst v26;
	v26 =	vld.idx.msk [tilespmem:v52+s17+$0x0], $0xffff  }
0x3b1: {  	[tilespmem:$0x1FF80] =	vst v31;
	v31 =	vld [tilespmem:$0x2170]  }
0x3b2: {  	v0 =	vld.idx.msk [tilespmem:v55+s16+$0x0], $0xffff  }
0x3b3: {  	v1 =	vld.idx.msk [tilespmem:v55+s17+$0x0], $0xffff;
	v35 =	vsub.f32 v23, v9  }
0x3b4: {  	v62 =	vsub.f32 v29, v9;
	v36 =	vsub.f32 v25, v9  }
0x3b5: {  	v37 =	vsub.f32 v28, v26;
	v38 =	vsub.f32 v30, v26  }
0x3b6: {  	v9 =	vsub.f32 v27, v9;
	v40 =	vsub.f32 v24, v26  }
0x3b7: {  	v26 =	vsub.f32 v31, v26;
	v35 =	vmul.f32 v35, v35;
	v36 =	vmul.f32 v36, v36  }
0x3b8: {  	v38 =	vmul.f32 v38, v38;
	v11 =	vsub.f32 v23, v0;
	v13 =	vsub.f32 v24, v1  }
0x3b9: {  	v37 =	vmul.f32 v37, v37;
	v60 =	vsub.f32 v25, v0;
	v61 =	vsub.f32 v28, v1  }
0x3ba: {  	v9 =	vmul.f32 v9, v9;
	v34 =	vsub.f32 v27, v0;
	v0 =	vsub.f32 v29, v0  }
0x3bb: {  	v54 =	vmul.f32 v40, v40;
	v42 =	vsub.f32 v30, v1;
	v1 =	vsub.f32 v31, v1  }
0x3bc: {  	[tilespmem:$0x1FF70] =	vst v32;
	v9 =	vadd.f32 v37, v9;
	v11 =	vmul.f32 v11, v11;
	v13 =	vmul.f32 v13, v13  }
0x3bd: {  	[tilespmem:$0x1FF60] =	vst v33;
	v36 =	vadd.f32 v38, v36;
	v32 =	vmul.f32 v60, v60;
	v33 =	vmul.f32 v61, v61  }
0x3be: {  	v0 =	vmul.f32 v0, v0;
	v1 =	vmul.f32 v1, v1;
	v9 =	vadd.f32 $9.999999960e-13, v9  }
0x3bf: {  	v44 =	vadd.f32 $9.999999960e-13, v36;
	v11 =	vadd.f32 v13, v11;
	v13 =	vmul.f32 v34, v34  }
0x3c0: {  	v34 =	vmul.f32 v62, v62;
	v0 =	vadd.f32 v1, v0;
	v59 =	vshra.s32 v9, $0x1  }
0x3c1: {  	v60 =	vmul.f32 $5.000000000e-01, v9;
	v61 =	vmul.f32 $5.000000000e-01, v44;
	v11 =	vadd.f32 $9.999999960e-13, v11  }
0x3c2: {  	v62 =	vshra.s32 v44, $0x1;
	v13 =	vadd.f32 v33, v13;
	v33 =	vmul.f32 v26, v26  }
0x3c3: {  	v26 =	vmul.f32 v42, v42;
	v39 =	vshra.s32 v11, $0x1;
	v41 =	vmul.f32 $5.000000000e-01, v11  }
0x3c4: {  	v51 =	vadd.f32 $9.999999960e-13, v13;
	v13 =	vsub.s32 $0x5F3759DF, v59;
	v39 =	vsub.s32 $0x5F3759DF, v39  }
0x3c5: {  	v1 =	vsub.s32 $0x5F3759DF, v62;
	v38 =	vmul.f32 v13, v60;
	v63 =	vmul.f32 v39, v41  }
0x3c6: {  	v46 =	vmul.f32 v1, v61;
	v26 =	vadd.f32 v26, v32;
	v32 =	vadd.f32 v54, v35  }
0x3c7: {  	v33 =	vadd.f32 v33, v34;
	v38 =	vmul.f32 v13, v38;
	v37 =	vmul.f32 v39, v63  }
0x3c8: {  	v49 =	vmul.f32 v1, v46;
	v57 =	vmul.f32 $5.000000000e-01, v51;
	v48 =	vadd.f32 $9.999999960e-13, v26  }
0x3c9: {  	v47 =	vshra.s32 v51, $0x1;
	v50 =	vadd.f32 $-1.500000000e+00, v38;
	v63 =	vadd.f32 $-1.500000000e+00, v37  }
0x3ca: {  	p1 =	sne.s32 s23, $0x1;
	v41 =	vadd.f32 $9.999999960e-13, v32;
	v26 =	vsub.s32 $0x5F3759DF, v47;
	v35 =	vadd.f32 $-1.500000000e+00, v49  }
.Ltmp7:
0x3cb: {  	v53 =	vshra.s32 v48, $0x1;
	v13 =	vmul.f32 v13, v50;
	v36 =	vmul.f32 v39, v63;
	(pc) =	sbr.rel @!p1 .LBB2_12-.Ltmp7, $4  }
0x3cc: {  	v54 =	vshra.s32 v41, $0x1;
	v38 =	vadd.f32 $9.999999960e-13, v33;
	v59 =	vsub.s32 $0x5F3759DF, v53  }
0x3cd: {  	v50 =	vadd.f32 $9.999999960e-13, v0;
	v0 =	vmul.f32 v13, v9;
	v11 =	vmul.f32 v36, v11  }
0x3ce: {  	v58 =	vsub.s32 $0x5F3759DF, v54;
	v1 =	vmul.f32 v1, v35;
	v63 =	vmul.f32 $5.000000000e-01, v48  }
0x3cf: {  	p0 =	por $0x0, $0x0;
	s22 =	sadd.s32 $0xFFFFFFFF, s23;
	s23 =	simm.s32 $0x3;
	v9 =	vmul.f32 $1.442695020e+00, v0;
	v13 =	vmul.f32 $1.442695020e+00, v11;
	v11 =	vshra.s32 v50, $0x1  }
0x3d0: {  	v34 =	vmul.f32 $5.000000000e-01, v38  }
0x3d1: {  	v36 =	vmul.f32 v59, v63;
	v11 =	vsub.s32 $0x5F3759DF, v11;
	v39 =	vmul.f32 $5.000000000e-01, v50  }
0x3d2: {  	s24 =	simm.s32 $0x2;
	v1 =	vmul.f32 v1, v44;
	v37 =	vmov s23;
	(erf) = vpow2.f32 v13  }
0x3d3: {  	v0 =	vmov s24;
	v13 =	vshra.s32 v38, $0x1;
	(erf) = vpow2.f32 v9  }
0x3d4: {  	v0 =	vand.u32 $0xFFFFFFFE, v0;
	v9 =	vmul.f32 $5.000000000e-01, v41;
	v36 =	vmul.f32 v59, v36  }
0x3d5: {  	v13 =	vsub.s32 $0x5F3759DF, v13;
	v39 =	vmul.f32 v11, v39;
	v35 =	vbroadcast v0, $0x0  }
0x3d6: {  	v0 =	vmul.f32 v26, v57;
	v34 =	vmul.f32 v13, v34  }
0x3d7: {  	v9 =	vmul.f32 v58, v9;
	v36 =	vadd.f32 $-1.500000000e+00, v36;
	v39 =	vmul.f32 v11, v39  }
0x3d8: {  	v33 =	vld.idx.msk [tilespmem:v55+s18+$0x0], $0xffff;
	v47 =	vmul.f32 v13, v34;
	v0 =	vmul.f32 v26, v0  }
0x3d9: {  	[tilespmem:$0x1FF50] =	vst v45;
	v45 =	vld.idx.msk [tilespmem:v37+s16+$0x0], $0xffff;
	v9 =	vmul.f32 v58, v9;
	v36 =	vmul.f32 v59, v36;
	v39 =	vadd.f32 $-1.500000000e+00, v39  }
0x3da: {  	v40 =	vld.idx.msk [tilespmem:v52+s18+$0x0], $0xffff;
	v1 =	vmul.f32 $1.442695020e+00, v1;
	v47 =	vadd.f32 $-1.500000000e+00, v47;
	v0 =	vadd.f32 $-1.500000000e+00, v0  }
0x3db: {  	v54 =	vld.idx.msk [tilespmem:v37+s17+$0x0], $0xffff;
	v9 =	vadd.f32 $-1.500000000e+00, v9;
	v48 =	vmul.f32 v36, v48;
	v11 =	vmul.f32 v11, v39  }
0x3dc: {  	v13 =	vmul.f32 v13, v47;
	v0 =	vmul.f32 v26, v0  }
0x3dd: {  	v43 =	vpop (erf);
	v9 =	vmul.f32 v58, v9;
	(erf) = vpow2.f32 v1  }
0x3de: {  	v32 =	vld.idx.msk [tilespmem:v55+s19+$0x0], $0xffff;
	v56 =	vsub.f32 v29, v45;
	v11 =	vmul.f32 v11, v50;
	v62 =	vsub.f32 v23, v45  }
0x3df: {  	v42 =	vld.idx.msk [tilespmem:v35+s16+$0x0], $0xffff;
	v63 =	vsub.f32 v25, v45;
	v43 =	vmul.f32 v43, v33;
	v58 =	vpop (erf);
	v13 =	vmul.f32 v13, v38  }
0x3e0: {  	v44 =	vld.idx.msk [tilespmem:v35+s17+$0x0], $0xffff;
	v57 =	vsub.f32 v28, v54;
	v0 =	vmul.f32 v0, v51;
	v34 =	vmul.f32 v58, v40  }
0x3e1: {  	v52 =	vld.idx.msk [tilespmem:v52+s19+$0x0], $0xffff;
	v45 =	vsub.f32 v27, v45;
	v9 =	vmul.f32 v9, v41;
	v50 =	vmul.f32 v62, v62  }
0x3e2: {  	v11 =	vmul.f32 $1.442695020e+00, v11;
	v56 =	vmul.f32 v56, v56  }
0x3e3: {  	v57 =	vmul.f32 v57, v57;
	v45 =	vmul.f32 v45, v45  }
0x3e4: {  	v46 =	vadd.f32 v43, v2;
	v43 =	vmul.f32 v43, v32;
	v49 =	vsub.f32 v23, v42  }
0x3e5: {  	v0 =	vmul.f32 $1.442695020e+00, v0;
	v59 =	vsub.f32 v25, v42;
	v53 =	vsub.f32 v28, v44  }
0x3e6: {  	v60 =	vsub.f32 v27, v42;
	v36 =	vmul.f32 v34, v52;
	(erf) = vpow2.f32 v11  }
0x3e7: {  	v61 =	vsub.f32 v24, v44;
	v9 =	vmul.f32 $1.442695020e+00, v9;
	v1 =	vmul.f32 v49, v49  }
0x3e8: {  	v11 =	vsub.f32 v30, v54;
	v55 =	vmul.f32 v59, v59;
	v49 =	vmul.f32 v60, v60  }
0x3e9: {  	v42 =	vsub.f32 v29, v42;
	v39 =	vmul.f32 v61, v61;
	v41 =	vmul.f32 v53, v53  }
0x3ea: {  	v45 =	vadd.f32 v57, v45;
	v59 =	vmul.f32 $1.442695020e+00, v48;
	v60 =	vmul.f32 v63, v63  }
0x3eb: {  	v53 =	vsub.f32 v24, v54;
	v11 =	vmul.f32 v11, v11;
	v54 =	vsub.f32 v31, v54  }
0x3ec: {  	v63 =	vsub.f32 v30, v44;
	v44 =	vsub.f32 v31, v44;
	v42 =	vmul.f32 v42, v42  }
0x3ed: {  	v1 =	vadd.f32 v39, v1;
	v39 =	vadd.f32 v43, v2;
	(erf) = vpow2.f32 v59  }
0x3ee: {  	v54 =	vmul.f32 v54, v54;
	v58 =	vmul.f32 v63, v63;
	v11 =	vadd.f32 v11, v60  }
0x3ef: {  	v41 =	vadd.f32 v41, v49;
	v60 =	vmul.f32 v44, v44;
	v38 =	vmul.f32 v53, v53  }
0x3f0: {  	(erf) = vpow2.f32 v9;
	v1 =	vadd.f32 $9.999999960e-13, v1;
	v44 =	vadd.f32 $9.999999960e-13, v11  }
0x3f1: {  	v59 =	vpop (erf);
	v11 =	vmul.f32 $1.442695020e+00, v13;
	v13 =	vadd.f32 v58, v55;
	v55 =	vadd.f32 $9.999999960e-13, v45  }
0x3f2: {  	v45 =	vadd.f32 $9.999999960e-13, v41;
	v38 =	vadd.f32 v38, v50;
	v49 =	vmul.f32 v59, v40  }
0x3f3: {  	v61 =	vshra.s32 v1, $0x1;
	v62 =	vmul.f32 $5.000000000e-01, v1;
	v48 =	vmul.f32 $5.000000000e-01, v44  }
0x3f4: {  	v41 =	vshra.s32 v55, $0x1;
	v59 =	vmul.f32 $5.000000000e-01, v55;
	v43 =	vsub.s32 $0x5F3759DF, v61  }
0x3f5: {  	v57 =	vmul.f32 $5.000000000e-01, v45;
	v63 =	vshra.s32 v45, $0x1;
	v9 =	vmul.f32 v43, v62  }
0x3f6: {  	v47 =	vmul.f32 v49, v52;
	v61 =	vpop (erf);
	(erf) = vpow2.f32 v11;
	v11 =	vadd.f32 v60, v42  }
0x3f7: {  	v42 =	vshra.s32 v44, $0x1;
	v53 =	vmul.f32 v61, v33;
	v9 =	vmul.f32 v43, v9  }
0x3f8: {  	v42 =	vsub.s32 $0x5F3759DF, v42;
	v61 =	vsub.s32 $0x5F3759DF, v41;
	(erf) = vpow2.f32 v0  }
0x3f9: {  	v26 =	vsub.s32 $0x5F3759DF, v63;
	v59 =	vmul.f32 v61, v59;
	v41 =	vmul.f32 v42, v48  }
0x3fa: {  	v60 =	vpop (erf);
	v48 =	vadd.f32 $9.999999960e-13, v13;
	v50 =	vadd.f32 $9.999999960e-13, v11;
	v58 =	vmul.f32 v53, v32  }
0x3fb: {  	v53 =	vadd.f32 v53, v2;
	v62 =	vpop (erf);
	v9 =	vadd.f32 $-1.500000000e+00, v9;
	v59 =	vmul.f32 v61, v59  }
0x3fc: {  	v62 =	vmul.f32 v62, v40;
	v13 =	vmul.f32 v42, v41;
	v41 =	vadd.f32 $9.999999960e-13, v38  }
0x3fd: {  	v11 =	vshra.s32 v50, $0x1;
	v9 =	vmul.f32 v43, v9;
	v63 =	vadd.f32 $-1.500000000e+00, v59  }
0x3fe: {  	v43 =	vshra.s32 v48, $0x1;
	v51 =	vadd.f32 $-1.500000000e+00, v13;
	v59 =	vadd.f32 v54, v56  }
0x3ff: {  	v54 =	vadd.f32 v62, v46;
	v46 =	vshra.s32 v41, $0x1;
	v56 =	vadd.f32 v58, v2  }
0x400: {  	p1 =	sne.s32 s22, $0x1;
	v1 =	vmul.f32 v9, v1;
	v58 =	vsub.s32 $0x5F3759DF, v46;
	v13 =	vmul.f32 v61, v63  }
.Ltmp8:
0x401: {  	v46 =	vimm.f32 $0.0e+00;
	v63 =	vmul.f32 $5.000000000e-01, v48;
	v38 =	vadd.f32 $9.999999960e-13, v59;
	(pc) =	sbr.rel @!p1 .LBB2_14-.Ltmp8, $4  }
0x402: {  	v61 =	vmul.f32 v62, v52;
	v59 =	vsub.s32 $0x5F3759DF, v43;
	v0 =	vpop (erf);
	v9 =	vmul.f32 v13, v55  }
0x403: {  	v43 =	vimm.f32 $0.0e+00;
	v13 =	vmul.f32 $1.442695020e+00, v1;
	v62 =	vmul.f32 v0, v40  }
0x404: {  	v0 =	vmul.f32 v60, v33;
	v1 =	vmul.f32 v42, v51;
	v42 =	vimm.f32 $0.0e+00  }
0x405: {  	s22 =	sadd.s32 $0xFFFFFFFF, s22;
	s23 =	simm.s32 $0x5;
	p0 =	por $0x1, $0x1;
	v40 =	vimm.f32 $0.0e+00;
	v9 =	vmul.f32 $1.442695020e+00, v9;
	v60 =	vmul.f32 v62, v52  }
.LBB2_15:
0x406: {  	s24 =	sadd.s32 $0xFFFFFFFF, s23;
	p1 =	sne.s32 s22, $0x1;
	s22 =	sadd.s32 $0xFFFFFFFF, s22;
	v52 =	vmul.f32 v26, v57;
	v51 =	vshra.s32 v38, $0x1;
	v55 =	vmul.f32 $5.000000000e-01, v38  }
0x407: {  	v63 =	vmul.f32 v59, v63;
	v57 =	vmov s24;
	(erf) = vpow2.f32 v13  }
0x408: {  	v16 =	vsub.s32 $0x5F3759DF, v51;
	v13 =	vand.u32 $0xFFFFFFFE, v57;
	v57 =	vmul.f32 $5.000000000e-01, v41  }
0x409: {  	v11 =	vsub.s32 $0x5F3759DF, v11;
	v55 =	vmul.f32 v16, v55;
	v13 =	vbroadcast v13, $0x0;
	v51 =	vpop (erf)  }
0x40a: {  	v42 =	vadd.f32 v0, v42;
	v0 =	vmul.f32 v0, v32;
	v63 =	vmul.f32 v59, v63  }
0x40b: {  	v53 =	vadd.f32 v62, v53;
	(erf) = vpow2.f32 v9;
	v9 =	vmul.f32 v51, v33;
	v33 =	vld.idx.msk [tilespmem:v35+s18+$0x0], $0xffff  }
0x40c: {  	v39 =	vadd.f32 v61, v39;
	v42 =	vadd.f32 v49, v42;
	v57 =	vmul.f32 v58, v57  }
0x40d: {  	v1 =	vmul.f32 v1, v44;
	v40 =	vadd.f32 v9, v40;
	v9 =	vmul.f32 v9, v32;
	v32 =	vld.idx.msk [tilespmem:v35+s19+$0x0], $0xffff  }
0x40e: {  	v44 =	vmov s23;
	v49 =	vmul.f32 $5.000000000e-01, v50;
	v0 =	vadd.f32 v0, v46;
	v35 =	vmovc v13;
	v51 =	vld.idx.msk [tilespmem:v37+s18+$0x0], $0xffff  }
0x40f: {  	v1 =	vmul.f32 $1.442695020e+00, v1;
	v46 =	vadd.f32 $-1.500000000e+00, v63;
	v61 =	vld.idx.msk [tilespmem:v13+s16+$0x0], $0xffff;
	v40 =	vadd.f32 v34, v40  }
0x410: {  	v34 =	vmul.f32 v11, v49;
	v49 =	vmul.f32 v58, v57;
	v9 =	vadd.f32 v9, v43;
	v13 =	vld.idx.msk [tilespmem:v13+s17+$0x0], $0xffff;
	v57 =	vpop (erf)  }
0x411: {  	v59 =	vmul.f32 v59, v46;
	v46 =	vadd.f32 v47, v0;
	v57 =	vmul.f32 v57, v33  }
0x412: {  	v0 =	vmul.f32 v11, v34;
	v3 =	vadd.f32 $-1.500000000e+00, v49;
	v43 =	vadd.f32 v36, v9  }
0x413: {  	v56 =	vadd.f32 v60, v56;
	v9 =	vld.idx.msk [tilespmem:v44+s16+$0x0], $0xffff;
	v54 =	vadd.f32 v57, v54;
	v47 =	vmul.f32 v57, v32  }
0x414: {  	v0 =	vadd.f32 $-1.500000000e+00, v0;
	v36 =	vmul.f32 v58, v3;
	v57 =	vmul.f32 v16, v55;
	v49 =	vld.idx.msk [tilespmem:v44+s17+$0x0], $0xffff;
	v34 =	vpop (erf)  }
0x415: {  	v48 =	vmul.f32 v59, v48;
	v58 =	vsub.f32 v23, v61;
	v55 =	vld.idx.msk [tilespmem:v37+s19+$0x0], $0xffff;
	v34 =	vmul.f32 v34, v51  }
0x416: {  	v59 =	vsub.f32 v25, v61;
	v60 =	vsub.f32 v28, v13;
	v37 =	vmovc v44;
	(erf) = vpow2.f32 v1  }
0x417: {  	v44 =	vsub.f32 v27, v61;
	v0 =	vmul.f32 v11, v0;
	v1 =	vmul.f32 v58, v58  }
0x418: {  	v11 =	vsub.f32 v24, v13;
	v57 =	vadd.f32 $-1.500000000e+00, v57;
	v58 =	vmul.f32 v59, v59  }
0x419: {  	v44 =	vmul.f32 v44, v44;
	v0 =	vmul.f32 v0, v50;
	v59 =	vsub.f32 v29, v9  }
0x41a: {  	v41 =	vmul.f32 v36, v41;
	v11 =	vmul.f32 v11, v11;
	v50 =	vsub.f32 v23, v9  }
0x41b: {  	v60 =	vmul.f32 v60, v60;
	v62 =	vsub.f32 v25, v9;
	v36 =	vmul.f32 v34, v55  }
0x41c: {  	v1 =	vadd.f32 v11, v1;
	v0 =	vmul.f32 $1.442695020e+00, v0;
	v11 =	vmul.f32 v50, v50  }
0x41d: {  	v3 =	vmul.f32 $1.442695020e+00, v48;
	v39 =	vadd.f32 v47, v39;
	v50 =	vsub.f32 v28, v49  }
0x41e: {  	v48 =	vmul.f32 v62, v62;
	v1 =	vadd.f32 $9.999999960e-13, v1;
	(erf) = vpow2.f32 v0  }
0x41f: {  	v41 =	vmul.f32 $1.442695020e+00, v41;
	v0 =	vsub.f32 v30, v49;
	(erf) = vpow2.f32 v3;
	v47 =	vpop (erf)  }
0x420: {  	v61 =	vsub.f32 v29, v61;
	v63 =	vsub.f32 v24, v49;
	v62 =	vshra.s32 v1, $0x1  }
0x421: {  	v9 =	vsub.f32 v27, v9;
	v49 =	vsub.f32 v31, v49;
	v0 =	vmul.f32 v0, v0  }
0x422: {  	v16 =	vmul.f32 v16, v57;
	v59 =	vmul.f32 v59, v59;
	v62 =	vsub.s32 $0x5F3759DF, v62  }
0x423: {  	v60 =	vadd.f32 v60, v44;
	v57 =	vmul.f32 $5.000000000e-01, v1;
	v18 =	vmul.f32 v49, v49  }
0x424: {  	v44 =	vsub.f32 v30, v13;
	v50 =	vmul.f32 v50, v50;
	(erf) = vpow2.f32 v41  }
0x425: {  	v13 =	vsub.f32 v31, v13;
	v3 =	vmul.f32 v16, v38;
	v41 =	vmul.f32 v62, v57  }
0x426: {  	v38 =	vmul.f32 v44, v44;
	v0 =	vadd.f32 v0, v48;
	v57 =	vmul.f32 v61, v61  }
0x427: {  	v9 =	vmul.f32 v9, v9;
	v49 =	vmul.f32 v47, v51;
	v47 =	vpop (erf)  }
0x428: {  	v13 =	vmul.f32 v13, v13;
	v44 =	vadd.f32 $9.999999960e-13, v0;
	v0 =	vmul.f32 $1.442695020e+00, v3;
	v16 =	vpop (erf)  }
0x429: {  	v38 =	vadd.f32 v38, v58;
	v48 =	vmul.f32 v63, v63;
	v58 =	vmul.f32 v47, v33  }
0x42a: {  	v9 =	vadd.f32 v50, v9;
	v47 =	vmul.f32 v49, v55;
	(erf) = vpow2.f32 v0  }
0x42b: {  	v50 =	vmul.f32 $5.000000000e-01, v44;
	v0 =	vadd.f32 v13, v57;
	v13 =	vshra.s32 v44, $0x1  }
0x42c: {  	v9 =	vadd.f32 $9.999999960e-13, v9;
	v41 =	vmul.f32 v62, v41;
	v19 =	vmul.f32 v58, v32  }
0x42d: {  	v60 =	vadd.f32 $9.999999960e-13, v60;
	v21 =	vsub.s32 $0x5F3759DF, v13;
	v13 =	vmul.f32 v26, v52;
	v52 =	vpop (erf)  }
0x42e: {  	v63 =	vmul.f32 $5.000000000e-01, v9;
	v61 =	vshra.s32 v9, $0x1;
	v53 =	vadd.f32 v58, v53  }
0x42f: {  	v57 =	vmul.f32 $5.000000000e-01, v60;
	v58 =	vsub.s32 $0x5F3759DF, v61;
	v13 =	vadd.f32 $-1.500000000e+00, v13  }
0x430: {  	v41 =	vadd.f32 $-1.500000000e+00, v41;
	v61 =	vmul.f32 v58, v63;
	v52 =	vmul.f32 v52, v51  }
0x431: {  	v63 =	vshra.s32 v60, $0x1;
	v50 =	vmul.f32 v21, v50;
	v13 =	vmul.f32 v26, v13  }
0x432: {  	v11 =	vadd.f32 v48, v11;
	v61 =	vmul.f32 v58, v61;
	v26 =	vsub.s32 $0x5F3759DF, v63  }
0x433: {  	v48 =	vadd.f32 $9.999999960e-13, v38;
	v38 =	vmul.f32 v21, v50;
	v13 =	vmul.f32 v13, v45;
	v22 =	vpop (erf)  }
0x434: {  	v50 =	vmul.f32 v62, v41;
	v41 =	vadd.f32 $9.999999960e-13, v11;
	v11 =	vadd.f32 $-1.500000000e+00, v61;
	v45 =	vmovc v60  }
0x435: {  	v3 =	vadd.f32 $-1.500000000e+00, v38;
	v60 =	vshra.s32 v48, $0x1;
	v13 =	vmul.f32 $1.442695020e+00, v13  }
0x436: {  	v18 =	vadd.f32 v18, v59;
	v54 =	vadd.f32 v52, v54;
	v11 =	vmul.f32 v58, v11  }
0x437: {  	v1 =	vmul.f32 v50, v1;
	v58 =	vshra.s32 v41, $0x1;
	(erf) = vpow2.f32 v13  }
.Ltmp9:
0x438: {  	v63 =	vmul.f32 $5.000000000e-01, v48;
	v38 =	vadd.f32 $9.999999960e-13, v18;
	v61 =	vmul.f32 v52, v55;
	(pc) =	sbr.rel @p1 .LBB2_15-.Ltmp9, $4  }
0x439: {  	v56 =	vadd.f32 v19, v56;
	v50 =	vadd.f32 $9.999999960e-13, v0;
	v0 =	vmul.f32 v11, v9  }
0x43a: {  	v59 =	vsub.s32 $0x5F3759DF, v60;
	v62 =	vmul.f32 v22, v51;
	v13 =	vmul.f32 $1.442695020e+00, v1  }
0x43b: {  	v11 =	vshra.s32 v50, $0x1;
	v9 =	vmul.f32 $1.442695020e+00, v0;
	v0 =	vmul.f32 v16, v33  }
0x43c: {  	s23 =	sadd.s32 $0x2, s23;
	v58 =	vsub.s32 $0x5F3759DF, v58;
	v60 =	vmul.f32 v62, v55;
	v1 =	vmul.f32 v21, v3  }
0x43d: {  	v55 =	vmov v35;
	v52 =	vmov v37;
	v51 =	vmov v45;
	v45 =	vld [tilespmem:$0x1FF50]  }
.LBB2_17:
0x43e: {  	v3 =	vmul.f32 $5.000000000e-01, v50;
	v16 =	vmul.f32 v26, v57  }
0x43f: {  	v18 =	vmul.f32 $5.000000000e-01, v41;
	v11 =	vsub.s32 $0x5F3759DF, v11;
	v19 =	vmul.f32 $5.000000000e-01, v38  }
0x440: {  	v21 =	vmul.f32 v59, v63;
	v3 =	vmul.f32 v11, v3  }
0x441: {  	(erf) = vpow2.f32 v13;
	v18 =	vmul.f32 v58, v18  }
0x442: {  	v1 =	vmul.f32 v1, v44;
	v3 =	vmul.f32 v11, v3  }
0x443: {  	v22 =	vshra.s32 v38, $0x1;
	v21 =	vmul.f32 v59, v21;
	v18 =	vmul.f32 v58, v18  }
0x444: {  	v13 =	vsub.s32 $0x5F3759DF, v22;
	(erf) = vpow2.f32 v9;
	v3 =	vadd.f32 $-1.500000000e+00, v3  }
0x445: {  	v19 =	vmul.f32 v13, v19;
	v9 =	vadd.f32 $-1.500000000e+00, v21;
	v18 =	vadd.f32 $-1.500000000e+00, v18  }
0x446: {  	v1 =	vmul.f32 $1.442695020e+00, v1;
	v3 =	vmul.f32 v11, v3  }
0x447: {  	v9 =	vmul.f32 v59, v9;
	v11 =	vmul.f32 v58, v18  }
0x448: {  	v18 =	vmul.f32 v13, v19;
	v3 =	vmul.f32 v3, v50  }
0x449: {  	v16 =	vmul.f32 v26, v16;
	v9 =	vmul.f32 v9, v48  }
0x44a: {  	(erf) = vpow2.f32 v1;
	v1 =	vadd.f32 $-1.500000000e+00, v18;
	v3 =	vmul.f32 $1.442695020e+00, v3  }
0x44b: {  	v16 =	vadd.f32 $-1.500000000e+00, v16;
	v11 =	vmul.f32 v11, v41;
	v9 =	vmul.f32 $1.442695020e+00, v9  }
0x44c: {  	v1 =	vmul.f32 v13, v1;
	(erf) = vpow2.f32 v3  }
0x44d: {  	v3 =	vmul.f32 $1.442695020e+00, v11;
	v11 =	vmul.f32 v26, v16  }
0x44e: {  	v1 =	vmul.f32 v1, v38;
	(erf) = vpow2.f32 v9  }
0x44f: {  	v9 =	vpop @p0 (erf);
	(erf) = vpow2.f32 v3;
	v3 =	vmul.f32 v11, v51  }
0x450: {  	v9 =	vmul.f32 @p0 v9, v33  }
0x451: {  	v1 =	vmul.f32 $1.442695020e+00, v1;
	v3 =	vmul.f32 $1.442695020e+00, v3  }
0x452: {  	v13 =	vld.idx.msk [tilespmem:v55+s18+$0x0], $0xffff  }
0x453: {  	v28 =	vadd.f32 @p0 v60, v56;
	v21 =	vadd.f32 @p0 v61, v39;
	(erf) = vpow2.f32 v1  }
0x454: {  	v19 =	vld.idx.msk [tilespmem:v55+s19+$0x0], $0xffff;
	v22 =	vmul.f32 @p0 v9, v32;
	v1 =	vadd.f32 @p0 v9, v40;
	v9 =	vpop (erf);
	(erf) = vpow2.f32 v3  }
0x455: {  	v18 =	vadd.f32 @p0 v62, v53;
	v11 =	vadd.f32 @p0 v0, v42;
	v0 =	vmul.f32 @p0 v0, v32;
	v3 =	vpop (erf)  }
0x456: {  	v28 =	vpsel p0, v28, v2;
	v21 =	vpsel p0, v21, v2;
	v16 =	vld.idx.msk [tilespmem:v52+s18+$0x0], $0xffff;
	v24 =	vpop (erf)  }
0x457: {  	v18 =	vpsel p0, v18, v2;
	v0 =	vadd.f32 @p0 v0, v46;
	v9 =	vmul.f32 v9, v13;
	v25 =	vpop (erf)  }
0x458: {  	v11 =	vadd.f32 @p0 v49, v11;
	v22 =	vadd.f32 @p0 v22, v43;
	v25 =	vmul.f32 v25, v13  }
0x459: {  	v1 =	vadd.f32 @p0 v34, v1;
	v26 =	vadd.f32 v9, v54;
	v9 =	vmul.f32 v9, v19  }
0x45a: {  	v23 =	vld.idx.msk [tilespmem:v52+s19+$0x0], $0xffff;
	v0 =	vadd.f32 @p0 v47, v0;
	v11 =	vpsel p0, v11, v2;
	v22 =	vadd.f32 @p0 v36, v22;
	v27 =	vpop (erf)  }
0x45b: {  	v3 =	vmul.f32 v3, v16;
	v24 =	vmul.f32 v24, v16;
	v9 =	vadd.f32 v9, v21;
	v30 =	vpop (erf)  }
0x45c: {  	v21 =	vmul.f32 v30, v16;
	v31 =	vmul.f32 v25, v19;
	v18 =	vadd.f32 v25, v18;
	v25 =	vpop (erf)  }
0x45d: {  	v1 =	vpsel p0, v1, v2;
	v16 =	vmul.f32 v25, v16;
	v25 =	vmul.f32 v27, v13;
	v27 =	vpop (erf)  }
0x45e: {  	v0 =	vpsel p0, v0, v2;
	v2 =	vpsel p0, v22, v2;
	v27 =	vmul.f32 v27, v13  }
0x45f: {  	v33 =	vld [tilespmem:$0x1FF60];
	v30 =	vmul.f32 v24, v23;
	v11 =	vadd.f32 v25, v11;
	v25 =	vmul.f32 v25, v19  }
0x460: {  	v32 =	vld [tilespmem:$0x1FF70];
	v28 =	vadd.f32 v31, v28;
	v13 =	vadd.f32 v16, v18;
	v18 =	vmul.f32 v27, v19  }
0x461: {  	v31 =	vld [tilespmem:$0x1FF80];
	v16 =	vmul.f32 v16, v23;
	v1 =	vadd.f32 v27, v1;
	v0 =	vadd.f32 v25, v0  }
.Ltmp10:
0x462: {  	v27 =	vld [tilespmem:$0x1FFC0];
	v24 =	vadd.f32 v24, v11;
	v2 =	vadd.f32 v18, v2;
	(pc) =	sbr.rel .LBB2_18-.Ltmp10, $4  }
0x463: {  	v29 =	vmul.f32 v3, v23;
	v11 =	vadd.f32 v30, v0;
	v0 =	vadd.f32 v16, v28;
	v28 =	vld [tilespmem:$0x1FFB0]  }
0x464: {  	v26 =	vadd.f32 v21, v26;
	v21 =	vmul.f32 v21, v23;
	v30 =	vld [tilespmem:$0x1FF90]  }
0x465: {  	v23 =	vadd.f32 v3, v1;
	v1 =	vadd.f32 v29, v2;
	v29 =	vld [tilespmem:$0x1FFA0]  }
0x466: {  	v9 =	vadd.f32 v21, v9;
	v2 =	vmov v26;
	v26 =	vld [tilespmem:$0x1FFD0]  }
.LBB2_3:
.Ltmp11:
0x467: {  	(pc) =	sbr.rel .LBB2_8-.Ltmp11, $3  }
0x468: {  	_ =	sdelay $0x1  }
0x469: {  	v22 =	vimm.f32 $0.0e+00;
	v20 =	vimm.f32 $0.0e+00  }
0x46a: {  	v26 =	vimm.f32 $0.0e+00;
	v23 =	vimm.f32 $0.0e+00;
	v34 =	vimm.f32 $0.0e+00  }
.LBB2_12:
.Ltmp12:
0x46b: {  	(pc) =	sbr.rel .LBB2_17-.Ltmp12, $3  }
0x46c: {  	_ =	sdelay $0x1  }
0x46d: {  	v42 =	vimm.f32 $0.0e+00;
	v40 =	vimm.f32 $0.0e+00  }
0x46e: {  	v46 =	vimm.f32 $0.0e+00;
	v43 =	vimm.f32 $0.0e+00;
	v54 =	vimm.f32 $0.0e+00  }
.LBB2_5:
.Ltmp13:
0x46f: {  	(pc) =	sbr.rel .LBB2_8-.Ltmp13, $3  }
0x470: {  	_ =	sdelay $0x1  }
0x471: {  	v22 =	vimm.f32 $0.0e+00;
	v35 =	vmov v15  }
0x472: {  	v20 =	vimm.f32 $0.0e+00;
	v32 =	vmovc v17;
	v26 =	vimm.f32 $0.0e+00;
	v23 =	vimm.f32 $0.0e+00;
	v31 =	vmovc v25  }
.LBB2_14:
.Ltmp14:
0x473: {  	(pc) =	sbr.rel .LBB2_17-.Ltmp14, $3  }
0x474: {  	_ =	sdelay $0x1  }
0x475: {  	v42 =	vimm.f32 $0.0e+00;
	v55 =	vmov v35  }
0x476: {  	v40 =	vimm.f32 $0.0e+00;
	v52 =	vmovc v37;
	v46 =	vimm.f32 $0.0e+00;
	v43 =	vimm.f32 $0.0e+00;
	v51 =	vmovc v45;
	v45 =	vld [tilespmem:$0x1FF50]  }
.LBB2_19:
0x477: {  	_ =	sfence.sel $0x180000  }
0x478: {  	[bflag:$0x0] =	sbarrier.arrive $0xFFFF  }
0x479: {  	p0 =	sne.s32 s1, $0x0;
	_ =	strace $0x90000047  }
0x47a: {  	s0 =	sadd.s32 @!p0 $0x100000, s0;
	[bflag:$0x2] =	sbarrier.arrive $0xFFFF  }
0x47b: {  	[sflag:s0] =	ssyncadd.tile.s32 @!p0 $0x1;
	_ =	shalt  }
.Lfunc_end2:
_tile_overlayer_lowered:
.L_overlay_start_2:
0x47c: {  	(tag) =	ssettag $0x2  }
0x47d: {  	s0 =	rddreg [dreg:$0x0];
	s2 =	stileid.u32  }
0x47e: {  	s1 =	rddreg [dreg:$0x1];
	p0 =	sne.s32 s2, $0x0  }
0x47f: {  	s3 =	rddreg [dreg:$0x2];
	[bflag:$0x3] =	sbarrier.arrive $0xFFFF;
	s2 =	simm.s32 @!p0 $0x1C02  }
0x480: {  	[timem:s3], [sflag:s2] =	dma.local @!p0 [hbm:s0], s1  }
0x481: {  	s0 =	simm.s32 @!p0 $0x2  }
0x482: {  	_ =	swait.ge @!p0 [sflag:s0], s1  }
0x483: {  	s1 =	ssub.s32 @!p0 $0x0, s1;
	[sflag:s0] =	ssyncset.done @!p0 $0x0  }
0x484: {  	[sflag:s0] =	ssyncadd.s32 @!p0 s1  }
0x485: {  	[bflag:$0x3] =	sbarrier.arrive $0xFFFF  }
0x486: {  	_ =	shalt  }

</sc_bundles>
